<compile_context>
chip_gen: v7x
topology: tpu7x:2x2x1
jax: 0.10.2.dev20260603
libtpu: 0.0.44.dev20260713+nightly
codegen_flags: <defaults>
</compile_context>

<pallas_src>
import functools

import jax
import jax.numpy as jnp
from jax import lax
from jax.experimental import pallas as pl
from jax.experimental.pallas import tpu as pltpu
from jax.experimental.pallas import tpu_sc as plsc

N = 10000
E = 320000
D = 128
NC = 2
NS = 16
NW = NC * NS
EPT = E // NW
GRP = 128
NG = 80
EPTP = NG * GRP
CHG = 8
NCH = NG // CHG
NT = 10240
ROW_T = NT // NS
ACC_R = 10112
ROW_A = ACC_R // NS

_f32 = jnp.float32
_i32 = jnp.int32


def _lane_bcast(v, lane):
    idx = jnp.full((16, 1), lane, dtype=_i32)
    dn = lax.GatherDimensionNumbers(offset_dims=(), collapsed_slice_dims=(0,),
                                    start_index_map=(0,))
    return lax.gather(v, idx, dn, slice_sizes=(1,),
                      mode=lax.GatherScatterMode.PROMISE_IN_BOUNDS)



def _mm_body(nf_ref, w_ref, a1_ref, a2_ref, h_ref, sdt_ref):
    x = nf_ref[...]
    hb = jnp.dot(x, w_ref[...], preferred_element_type=_f32)
    h_ref[...] = hb
    sdt_ref[...] = (jnp.dot(hb, a1_ref[...], preferred_element_type=_f32)
                    + jnp.dot(x, a2_ref[...], preferred_element_type=_f32))


def _tc_matmul(nf, W, A1, A2):
    blk = 1000
    grid = N // blk
    return pl.pallas_call(
        _mm_body,
        grid=(grid,),
        in_specs=[
            pl.BlockSpec((blk, D), lambda i: (i, 0)),
            pl.BlockSpec((D, D), lambda i: (0, 0)),
            pl.BlockSpec((D, 8), lambda i: (0, 0)),
            pl.BlockSpec((D, 8), lambda i: (0, 0)),
        ],
        out_specs=[
            pl.BlockSpec((blk, D), lambda i: (i, 0)),
            pl.BlockSpec((blk, 8), lambda i: (i, 0)),
        ],
        out_shape=[
            jax.ShapeDtypeStruct((N, D), _f32),
            jax.ShapeDtypeStruct((N, 8), _f32),
        ],
    )(nf, W, A1, A2)


def _add_body(a_ref, b_ref, o_ref):
    o_ref[...] = a_ref[...] + b_ref[...]


def _tc_add(a, b):
    blk = 1000
    return pl.pallas_call(
        _add_body,
        grid=(N // blk,),
        in_specs=[pl.BlockSpec((blk, D), lambda i: (i, 0)),
                  pl.BlockSpec((blk, D), lambda i: (i, 0))],
        out_specs=pl.BlockSpec((blk, D), lambda i: (i, 0)),
        out_shape=jax.ShapeDtypeStruct((N, D), _f32),
    )(a, b)



_MESH = plsc.VectorSubcoreMesh(core_axis_name="c", subcore_axis_name="s",
                               num_cores=NC, num_subcores=NS)


def _wid():
    return lax.axis_index("s") * NC + lax.axis_index("c")


@functools.partial(
    pl.kernel, mesh=_MESH,
    compiler_params=pltpu.CompilerParams(needs_layout_passes=False),
    out_type=[jax.ShapeDtypeStruct((NW, NG, GRP), _f32),
              jax.ShapeDtypeStruct((NW, 16), _f32)],
    scratch_types=[
        pltpu.VMEM((NG, GRP), _i32),
        pltpu.VMEM((NG, GRP), _i32),
        pltpu.VMEM((NG, GRP), _i32),
        pltpu.VMEM((NT,), _f32),
        pltpu.VMEM((NT,), _f32),
        pltpu.VMEM((NT,), _f32),
        pltpu.VMEM((NG, GRP), _f32),
        pltpu.VMEM((16,), _f32),
    ],
)
def _sc_scores(src_h, dst_h, mp_h, s_h, d_h, t_h, e_h, tmax_h,
               src_v, dst_v, mp_v, s_v, d_v, t_v, e_v, m_v):
    w = _wid()
    pltpu.sync_copy(src_h.at[w], src_v)
    pltpu.sync_copy(dst_h.at[w], dst_v)
    pltpu.sync_copy(mp_h.at[w], mp_v)
    pltpu.sync_copy(s_h, s_v)
    pltpu.sync_copy(d_h, d_v)
    pltpu.sync_copy(t_h, t_v)

    def jbody(j, m):
        for k in range(GRP // 16):
            sl = pl.ds(k * 16, 16)
            x = (plsc.load_gather(s_v, [src_v[j, sl]])
                 + plsc.load_gather(d_v, [dst_v[j, sl]])
                 + plsc.load_gather(t_v, [mp_v[j, sl]]))
            ek = jnp.where(x >= 0.0, x, _f32(0.2) * x)
            e_v[j, sl] = ek
            m = jnp.maximum(m, ek)
        return m

    m = lax.fori_loop(0, NG, jbody, jnp.full((16,), -3.0e38, _f32))
    m_v[...] = m
    pltpu.sync_copy(e_v, e_h.at[w])
    pltpu.sync_copy(m_v, tmax_h.at[w])


@functools.partial(
    pl.kernel, mesh=_MESH,
    compiler_params=pltpu.CompilerParams(needs_layout_passes=False),
    out_type=[jax.ShapeDtypeStruct((NW, NG, GRP), _f32),
              jax.ShapeDtypeStruct((NC, NT), _f32)],
    scratch_types=[
        pltpu.VMEM((NG, GRP), _f32),
        pltpu.VMEM((NG, GRP), _i32),
        pltpu.VMEM((NW, 16), _f32),
        pltpu.VMEM((NG, GRP), _f32),
        pltpu.VMEM((ROW_T,), _f32),
        pltpu.VMEM_SHARED((NT,), _f32),
    ],
)
def _sc_denom(e_h, tmax_h, dst_h, p_h, dn_h,
              e_v, dst_v, tm_v, p_v, z_v, dn_sh):
    c = lax.axis_index("c")
    s = lax.axis_index("s")
    w = s * NC + c
    pltpu.sync_copy(e_h.at[w], e_v)
    pltpu.sync_copy(dst_h.at[w], dst_v)
    pltpu.sync_copy(tmax_h, tm_v)

    def zbody(i, _):
        z_v[pl.ds(i * 16, 16)] = jnp.zeros((16,), _f32)
        return 0
    lax.fori_loop(0, ROW_T // 16, zbody, 0)
    pltpu.sync_copy(z_v, dn_sh.at[pl.ds(s * ROW_T, ROW_T)])
    plsc.subcore_barrier()

    def mbody(i, m):
        return jnp.maximum(m, tm_v[i, :])
    mv = lax.fori_loop(0, NW, mbody, jnp.full((16,), -3.0e38, _f32))
    M = jnp.max(mv)

    def jbody(j, _):
        for k in range(GRP // 16):
            sl = pl.ds(k * 16, 16)
            p_v[j, sl] = jnp.exp(e_v[j, sl] - M)
        return 0
    lax.fori_loop(0, NG, jbody, 0)

    def sbody(j, _):
        pltpu.sync_copy(p_v.at[j], dn_sh.at[dst_v.at[j]], add=True)
        return 0
    lax.fori_loop(0, NG, sbody, 0)
    plsc.subcore_barrier()

    pltpu.sync_copy(p_v, p_h.at[w])
    pltpu.sync_copy(dn_sh.at[pl.ds(s * ROW_T, ROW_T)],
                    dn_h.at[c, pl.ds(s * ROW_T, ROW_T)])


@functools.partial(
    pl.kernel, mesh=_MESH,
    compiler_params=pltpu.CompilerParams(needs_layout_passes=False),
    out_type=jax.ShapeDtypeStruct((NC, ACC_R, D), _f32),
    scratch_types=[
        pltpu.VMEM((CHG, GRP), _i32),
        pltpu.VMEM((CHG, GRP), _i32),
        pltpu.VMEM((CHG, GRP), _i32),
        pltpu.VMEM((CHG, GRP), _f32),
        pltpu.VMEM((NT,), _f32),
        pltpu.VMEM((1024,), _f32),
        pltpu.VMEM((GRP, D), _f32),
        pltpu.VMEM((GRP, D), _f32),
        pltpu.SemaphoreType.DMA,
        pltpu.SemaphoreType.DMA,
        pltpu.VMEM_SHARED((ACC_R, D), _f32),
    ],
)
def _sc_aggregate(src_h, dst_h, mp_h, p_h, dn_h, hmat_h, nf_h, out_h,
                  src_c, dst_c, mp_c, p_c, dn_v, st_v, hbuf, nbuf,
                  sem1, sem2, acc_sh):
    c = lax.axis_index("c")
    s = lax.axis_index("s")
    w = s * NC + c

    pltpu.sync_copy(dn_h.at[0], dn_v)
    for cch in range(NT // 1024):
        pltpu.sync_copy(dn_h.at[1, pl.ds(cch * 1024, 1024)], st_v)

        def abody(i, _, base=cch * 1024):
            asl = pl.ds(base + i * 16, 16)
            dn_v[asl] = dn_v[asl] + st_v[pl.ds(i * 16, 16)]
            return 0
        lax.fori_loop(0, 64, abody, 0)

    def zrow(r, _):
        for q in range(D // 16):
            hbuf[r, pl.ds(q * 16, 16)] = jnp.zeros((16,), _f32)
        return 0
    lax.fori_loop(0, GRP, zrow, 0)
    for b, rows in ((0, GRP), (1, GRP), (2, GRP), (3, GRP), (4, ROW_A - 4 * GRP)):
        pltpu.sync_copy(hbuf.at[pl.ds(0, rows)],
                        acc_sh.at[pl.ds(s * ROW_A + b * GRP, rows)])
    plsc.subcore_barrier()

    def cbody(cc, _):
        csl = pl.ds(cc * CHG, CHG)
        pltpu.sync_copy(src_h.at[w, csl], src_c)
        pltpu.sync_copy(dst_h.at[w, csl], dst_c)
        pltpu.sync_copy(mp_h.at[w, csl], mp_c)
        pltpu.sync_copy(p_h.at[w, csl], p_c)

        def jbody(j, _):
            cp1 = pltpu.async_copy(hmat_h.at[src_c.at[j]], hbuf, sem1)
            cp2 = pltpu.async_copy(nf_h.at[mp_c.at[j]], nbuf, sem2)
            cp1.wait()
            cp2.wait()

            def kbody(k, _):
                sl = pl.ds(k * 16, 16)
                dn16 = plsc.load_gather(dn_v, [dst_c[j, sl]])
                al16 = p_c[j, sl] / (dn16 + _f32(1e-16))
                for e in range(16):
                    ab = _lane_bcast(al16, e)
                    r = k * 16 + e
                    for q in range(D // 16):
                        ql = pl.ds(q * 16, 16)
                        hbuf[r, ql] = (hbuf[r, ql] + nbuf[r, ql]) * ab
                return 0
            lax.fori_loop(0, GRP // 16, kbody, 0)
            pltpu.sync_copy(hbuf, acc_sh.at[dst_c.at[j]], add=True)
            return 0
        lax.fori_loop(0, CHG, jbody, 0)
        return 0
    lax.fori_loop(0, NCH, cbody, 0)
    plsc.subcore_barrier()

    pltpu.sync_copy(acc_sh.at[pl.ds(s * ROW_A, ROW_A)],
                    out_h.at[c, pl.ds(s * ROW_A, ROW_A)])



def kernel(node_features, edge_index, metapath_idx, W, a_src, a_dst, a_edge):
    nf = node_features.astype(_f32)
    src = edge_index[0]
    dst = edge_index[1]
    mp = metapath_idx.reshape(E)

    pad = EPTP - EPT
    src_p = jnp.pad(src.reshape(NW, EPT), ((0, 0), (0, pad))).reshape(NW, NG, GRP)
    mp_p = jnp.pad(mp.reshape(NW, EPT), ((0, 0), (0, pad))).reshape(NW, NG, GRP)
    dst_p = jnp.pad(dst.reshape(NW, EPT), ((0, 0), (0, pad)),
                    constant_values=N).reshape(NW, NG, GRP)

    A1 = jnp.zeros((D, 8), _f32).at[:, 0].set(a_src[0]).at[:, 1].set(a_dst[0])
    A2 = jnp.zeros((D, 8), _f32).at[:, 2].set(a_edge[0])
    h, sdt = _tc_matmul(nf, W.astype(_f32), A1, A2)
    s_t = jnp.pad(sdt[:, 0], (0, NT - N))
    d_t = jnp.pad(sdt[:, 1], (0, NT - N))
    t_t = jnp.pad(sdt[:, 2], (0, NT - N))

    e_all, tmax = _sc_scores(src_p, dst_p, mp_p, s_t, d_t, t_t)
    p_all, dn_part = _sc_denom(e_all, tmax, dst_p)
    out_part = _sc_aggregate(src_p, dst_p, mp_p, p_all, dn_part, h, nf)
    return _tc_add(out_part[0, :N], out_part[1, :N])

# --- scband reference (transcript-rebuilt; emitter-appended) ---
"""Pipeline reference for scband-intra-meta-path-aggregation-79594333929734 (READ-ONLY COPY).

The authoritative reference and input builder live on the scoring server;
editing this copy changes nothing except your own understanding.
"""

import jax, jax.numpy as jnp
import numpy as np

N = 10000
E = 320000
D = 128
H = 1


def setup_inputs(seed: int = 0) -> dict:
    key = jax.random.key(seed)
    k1, k2, k3, k4, k5, k6, k7 = jax.random.split(key, 7)
    node_features = jax.random.normal(k1, (N, D), dtype=jnp.float32)
    edge_index = jax.random.randint(k2, (2, E), 0, N, dtype=jnp.int32)
    metapath_idx = jax.random.randint(k3, (E, 1), 0, N, dtype=jnp.int32)
    W = jax.random.normal(k4, (D, H * D), dtype=jnp.float32) * 0.05
    a_src = jax.random.normal(k5, (H, D), dtype=jnp.float32) * 0.05
    a_dst = jax.random.normal(k6, (H, D), dtype=jnp.float32) * 0.05
    a_edge = jax.random.normal(k7, (H, D), dtype=jnp.float32) * 0.05
    return {"node_features": node_features, "edge_index": edge_index,
            "metapath_idx": metapath_idx, "W": W, "a_src": a_src,
            "a_dst": a_dst, "a_edge": a_edge}


def reference(node_features, edge_index, metapath_idx, W, a_src, a_dst, a_edge):
    # --- IntraMetaPathAggregation.forward (aggregator_type='mean') ---
    # F.embedding(metapath_idx, node_features) -> gather
    metapath_feat = jnp.take(node_features, metapath_idx, axis=0)  # [E, L=1, D]
    agg_feat = jnp.mean(metapath_feat, axis=1)  # [E, D] (overwritten next, as in torch code)
    agg_feat = jnp.concatenate([metapath_feat] * H, axis=-1)  # [E, 1, H*D]
    agg_feat = agg_feat.reshape(-1, H, D)  # [E, H, D] edge_attr

    # --- MultiHeadEdgeAttention (GAT-style with edge features) ---
    src = edge_index[0]
    dst = edge_index[1]
    h = (node_features @ W).reshape(-1, H, D)  # [N, H, D]
    q_src = h[src]  # [E, H, D] gather
    q_dst = h[dst]  # [E, H, D] gather
    e = (jnp.sum(q_src * a_src, axis=-1)
         + jnp.sum(q_dst * a_dst, axis=-1)
         + jnp.sum(agg_feat * a_edge, axis=-1))  # [E, H]
    e = jax.nn.leaky_relu(e, negative_slope=0.2)
    # segment softmax over incoming edges of each dst node
    m = jax.ops.segment_max(e, dst, num_segments=N)  # [N, H]
    e_exp = jnp.exp(e - m[dst])
    denom = jax.ops.segment_sum(e_exp, dst, num_segments=N) + 1e-16  # [N, H]
    alpha = e_exp / denom[dst]  # [E, H]
    msg = (q_src + agg_feat) * alpha[..., None]  # [E, H, D]
    out = jax.ops.segment_sum(msg, dst, num_segments=N)  # [N, H, D] scatter-add
    return out.reshape(N, H * D)

if __name__ == "__main__":
    import jax
    _d = setup_inputs()
    print(jax.jit(kernel)(*tuple(_d.values())))

</pallas_src>

<mosaic_0001>
#map = affine_map<(d0, d1) -> (0, 0, 0)>
#map1 = affine_map<(d0, d1) -> (0)>
#map2 = affine_map<(d0, d1) -> (0, 0)>
module attributes {stable_mosaic.version = 14 : i64} {
  func.func @_sc_scores(%arg0: i32, %arg1: i32, %arg2: memref<32x80x128xi32, #tpu.memory_space<hbm>>, %arg3: memref<32x80x128xi32, #tpu.memory_space<hbm>>, %arg4: memref<32x80x128xi32, #tpu.memory_space<hbm>>, %arg5: memref<10240xf32, #tpu.memory_space<hbm>>, %arg6: memref<10240xf32, #tpu.memory_space<hbm>>, %arg7: memref<10240xf32, #tpu.memory_space<hbm>>, %arg8: memref<32x80x128xf32, #tpu.memory_space<hbm>>, %arg9: memref<32x16xf32, #tpu.memory_space<hbm>>, %arg10: memref<80x128xi32, #tpu.memory_space<vmem>>, %arg11: memref<80x128xi32, #tpu.memory_space<vmem>>, %arg12: memref<80x128xi32, #tpu.memory_space<vmem>>, %arg13: memref<10240xf32, #tpu.memory_space<vmem>>, %arg14: memref<10240xf32, #tpu.memory_space<vmem>>, %arg15: memref<10240xf32, #tpu.memory_space<vmem>>, %arg16: memref<80x128xf32, #tpu.memory_space<vmem>>, %arg17: memref<16xf32, #tpu.memory_space<vmem>>) attributes {dimension_semantics = [#tpu.dimension_semantics<core_parallel>, #tpu.dimension_semantics<subcore_parallel>], iteration_bounds = array<i64: 2, 16>, scalar_prefetch = 0 : i64, scratch_operands = 8 : i64, tpu.core_type = #tpu.core_type<sc_vector_subcore>, window_params = [{transform_indices = #map}, {transform_indices = #map}, {transform_indices = #map}, {transform_indices = #map1}, {transform_indices = #map1}, {transform_indices = #map1}, {transform_indices = #map}, {transform_indices = #map2}]} {
    %mul3A = arith.constant 2 : i32
    %mul3A_0 = arith.muli %arg1, %mul3A : i32
    %add3A = arith.addi %mul3A_0, %arg0 : i32
    "tpu.region"() ({
      %run_scoped3A = tpu.sem_alloc : memref<!tpu.dma_semaphore, #tpu.memory_space<semaphore_mem>>
      %dma_start3A = arith.constant 0 : i32
      %dma_start3A_8 = arith.constant 0 : i32
      %dma_start3A_9 = tpu.memref_slice %arg2[%add3A, %dma_start3A, %dma_start3A_8] : memref<32x80x128xi32, #tpu.memory_space<hbm>> -> memref<1x80x128xi32, #tpu.memory_space<hbm>>
      %dma_start3A_10 = tpu.memref_squeeze %dma_start3A_9 : memref<1x80x128xi32, #tpu.memory_space<hbm>> -> memref<80x128xi32, #tpu.memory_space<hbm>>
      %dma_start3A_11 = arith.constant 0 : i32
      %dma_start3A_12 = arith.constant 0 : i32
      %dma_start3A_13 = tpu.memref_slice %arg2[%add3A, %dma_start3A_11, %dma_start3A_12] : memref<32x80x128xi32, #tpu.memory_space<hbm>> -> memref<1x80x128xi32, #tpu.memory_space<hbm>>
      %dma_start3A_14 = tpu.memref_squeeze %dma_start3A_13 : memref<1x80x128xi32, #tpu.memory_space<hbm>> -> memref<80x128xi32, #tpu.memory_space<hbm>>
      tpu.enqueue_dma source(%dma_start3A_14 : memref<80x128xi32, #tpu.memory_space<hbm>>) target(%arg10 : memref<80x128xi32, #tpu.memory_space<vmem>>) target_semaphore(%run_scoped3A : memref<!tpu.dma_semaphore, #tpu.memory_space<semaphore_mem>>)
      %dma_wait3A = arith.constant 0 : i32
      %dma_wait3A_15 = arith.constant 0 : i32
      %dma_wait3A_16 = tpu.memref_slice %arg2[%add3A, %dma_wait3A, %dma_wait3A_15] : memref<32x80x128xi32, #tpu.memory_space<hbm>> -> memref<1x80x128xi32, #tpu.memory_space<hbm>>
      %dma_wait3A_17 = tpu.memref_squeeze %dma_wait3A_16 : memref<1x80x128xi32, #tpu.memory_space<hbm>> -> memref<80x128xi32, #tpu.memory_space<hbm>>
      %dma_wait3A_18 = arith.constant 0 : i32
      %dma_wait3A_19 = arith.constant 0 : i32
      %dma_wait3A_20 = tpu.memref_slice %arg2[%add3A, %dma_wait3A_18, %dma_wait3A_19] : memref<32x80x128xi32, #tpu.memory_space<hbm>> -> memref<1x80x128xi32, #tpu.memory_space<hbm>>
      %dma_wait3A_21 = tpu.memref_squeeze %dma_wait3A_20 : memref<1x80x128xi32, #tpu.memory_space<hbm>> -> memref<80x128xi32, #tpu.memory_space<hbm>>
      tpu.wait_dma2 semaphore(%run_scoped3A : memref<!tpu.dma_semaphore, #tpu.memory_space<semaphore_mem>>) src(%dma_wait3A_21 : memref<80x128xi32, #tpu.memory_space<hbm>>) dst(%arg10 : memref<80x128xi32, #tpu.memory_space<vmem>>)
      tpu.yield
    }) : () -> ()
    "tpu.region"() ({
      %run_scoped3A = tpu.sem_alloc : memref<!tpu.dma_semaphore, #tpu.memory_space<semaphore_mem>>
      %dma_start3A = arith.constant 0 : i32
      %dma_start3A_8 = arith.constant 0 : i32
      %dma_start3A_9 = tpu.memref_slice %arg3[%add3A, %dma_start3A, %dma_start3A_8] : memref<32x80x128xi32, #tpu.memory_space<hbm>> -> memref<1x80x128xi32, #tpu.memory_space<hbm>>
      %dma_start3A_10 = tpu.memref_squeeze %dma_start3A_9 : memref<1x80x128xi32, #tpu.memory_space<hbm>> -> memref<80x128xi32, #tpu.memory_space<hbm>>
      %dma_start3A_11 = arith.constant 0 : i32
      %dma_start3A_12 = arith.constant 0 : i32
      %dma_start3A_13 = tpu.memref_slice %arg3[%add3A, %dma_start3A_11, %dma_start3A_12] : memref<32x80x128xi32, #tpu.memory_space<hbm>> -> memref<1x80x128xi32, #tpu.memory_space<hbm>>
      %dma_start3A_14 = tpu.memref_squeeze %dma_start3A_13 : memref<1x80x128xi32, #tpu.memory_space<hbm>> -> memref<80x128xi32, #tpu.memory_space<hbm>>
      tpu.enqueue_dma source(%dma_start3A_14 : memref<80x128xi32, #tpu.memory_space<hbm>>) target(%arg11 : memref<80x128xi32, #tpu.memory_space<vmem>>) target_semaphore(%run_scoped3A : memref<!tpu.dma_semaphore, #tpu.memory_space<semaphore_mem>>)
      %dma_wait3A = arith.constant 0 : i32
      %dma_wait3A_15 = arith.constant 0 : i32
      %dma_wait3A_16 = tpu.memref_slice %arg3[%add3A, %dma_wait3A, %dma_wait3A_15] : memref<32x80x128xi32, #tpu.memory_space<hbm>> -> memref<1x80x128xi32, #tpu.memory_space<hbm>>
      %dma_wait3A_17 = tpu.memref_squeeze %dma_wait3A_16 : memref<1x80x128xi32, #tpu.memory_space<hbm>> -> memref<80x128xi32, #tpu.memory_space<hbm>>
      %dma_wait3A_18 = arith.constant 0 : i32
      %dma_wait3A_19 = arith.constant 0 : i32
      %dma_wait3A_20 = tpu.memref_slice %arg3[%add3A, %dma_wait3A_18, %dma_wait3A_19] : memref<32x80x128xi32, #tpu.memory_space<hbm>> -> memref<1x80x128xi32, #tpu.memory_space<hbm>>
      %dma_wait3A_21 = tpu.memref_squeeze %dma_wait3A_20 : memref<1x80x128xi32, #tpu.memory_space<hbm>> -> memref<80x128xi32, #tpu.memory_space<hbm>>
      tpu.wait_dma2 semaphore(%run_scoped3A : memref<!tpu.dma_semaphore, #tpu.memory_space<semaphore_mem>>) src(%dma_wait3A_21 : memref<80x128xi32, #tpu.memory_space<hbm>>) dst(%arg11 : memref<80x128xi32, #tpu.memory_space<vmem>>)
      tpu.yield
    }) : () -> ()
    "tpu.region"() ({
      %run_scoped3A = tpu.sem_alloc : memref<!tpu.dma_semaphore, #tpu.memory_space<semaphore_mem>>
      %dma_start3A = arith.constant 0 : i32
      %dma_start3A_8 = arith.constant 0 : i32
      %dma_start3A_9 = tpu.memref_slice %arg4[%add3A, %dma_start3A, %dma_start3A_8] : memref<32x80x128xi32, #tpu.memory_space<hbm>> -> memref<1x80x128xi32, #tpu.memory_space<hbm>>
      %dma_start3A_10 = tpu.memref_squeeze %dma_start3A_9 : memref<1x80x128xi32, #tpu.memory_space<hbm>> -> memref<80x128xi32, #tpu.memory_space<hbm>>
      %dma_start3A_11 = arith.constant 0 : i32
      %dma_start3A_12 = arith.constant 0 : i32
      %dma_start3A_13 = tpu.memref_slice %arg4[%add3A, %dma_start3A_11, %dma_start3A_12] : memref<32x80x128xi32, #tpu.memory_space<hbm>> -> memref<1x80x128xi32, #tpu.memory_space<hbm>>
      %dma_start3A_14 = tpu.memref_squeeze %dma_start3A_13 : memref<1x80x128xi32, #tpu.memory_space<hbm>> -> memref<80x128xi32, #tpu.memory_space<hbm>>
      tpu.enqueue_dma source(%dma_start3A_14 : memref<80x128xi32, #tpu.memory_space<hbm>>) target(%arg12 : memref<80x128xi32, #tpu.memory_space<vmem>>) target_semaphore(%run_scoped3A : memref<!tpu.dma_semaphore, #tpu.memory_space<semaphore_mem>>)
      %dma_wait3A = arith.constant 0 : i32
      %dma_wait3A_15 = arith.constant 0 : i32
      %dma_wait3A_16 = tpu.memref_slice %arg4[%add3A, %dma_wait3A, %dma_wait3A_15] : memref<32x80x128xi32, #tpu.memory_space<hbm>> -> memref<1x80x128xi32, #tpu.memory_space<hbm>>
      %dma_wait3A_17 = tpu.memref_squeeze %dma_wait3A_16 : memref<1x80x128xi32, #tpu.memory_space<hbm>> -> memref<80x128xi32, #tpu.memory_space<hbm>>
      %dma_wait3A_18 = arith.constant 0 : i32
      %dma_wait3A_19 = arith.constant 0 : i32
      %dma_wait3A_20 = tpu.memref_slice %arg4[%add3A, %dma_wait3A_18, %dma_wait3A_19] : memref<32x80x128xi32, #tpu.memory_space<hbm>> -> memref<1x80x128xi32, #tpu.memory_space<hbm>>
      %dma_wait3A_21 = tpu.memref_squeeze %dma_wait3A_20 : memref<1x80x128xi32, #tpu.memory_space<hbm>> -> memref<80x128xi32, #tpu.memory_space<hbm>>
      tpu.wait_dma2 semaphore(%run_scoped3A : memref<!tpu.dma_semaphore, #tpu.memory_space<semaphore_mem>>) src(%dma_wait3A_21 : memref<80x128xi32, #tpu.memory_space<hbm>>) dst(%arg12 : memref<80x128xi32, #tpu.memory_space<vmem>>)
      tpu.yield
    }) : () -> ()
    "tpu.region"() ({
      %run_scoped3A = tpu.sem_alloc : memref<!tpu.dma_semaphore, #tpu.memory_space<semaphore_mem>>
      tpu.enqueue_dma source(%arg5 : memref<10240xf32, #tpu.memory_space<hbm>>) target(%arg13 : memref<10240xf32, #tpu.memory_space<vmem>>) target_semaphore(%run_scoped3A : memref<!tpu.dma_semaphore, #tpu.memory_space<semaphore_mem>>)
      tpu.wait_dma2 semaphore(%run_scoped3A : memref<!tpu.dma_semaphore, #tpu.memory_space<semaphore_mem>>) src(%arg5 : memref<10240xf32, #tpu.memory_space<hbm>>) dst(%arg13 : memref<10240xf32, #tpu.memory_space<vmem>>)
      tpu.yield
    }) : () -> ()
    "tpu.region"() ({
      %run_scoped3A = tpu.sem_alloc : memref<!tpu.dma_semaphore, #tpu.memory_space<semaphore_mem>>
      tpu.enqueue_dma source(%arg6 : memref<10240xf32, #tpu.memory_space<hbm>>) target(%arg14 : memref<10240xf32, #tpu.memory_space<vmem>>) target_semaphore(%run_scoped3A : memref<!tpu.dma_semaphore, #tpu.memory_space<semaphore_mem>>)
      tpu.wait_dma2 semaphore(%run_scoped3A : memref<!tpu.dma_semaphore, #tpu.memory_space<semaphore_mem>>) src(%arg6 : memref<10240xf32, #tpu.memory_space<hbm>>) dst(%arg14 : memref<10240xf32, #tpu.memory_space<vmem>>)
      tpu.yield
    }) : () -> ()
    "tpu.region"() ({
      %run_scoped3A = tpu.sem_alloc : memref<!tpu.dma_semaphore, #tpu.memory_space<semaphore_mem>>
      tpu.enqueue_dma source(%arg7 : memref<10240xf32, #tpu.memory_space<hbm>>) target(%arg15 : memref<10240xf32, #tpu.memory_space<vmem>>) target_semaphore(%run_scoped3A : memref<!tpu.dma_semaphore, #tpu.memory_space<semaphore_mem>>)
      tpu.wait_dma2 semaphore(%run_scoped3A : memref<!tpu.dma_semaphore, #tpu.memory_space<semaphore_mem>>) src(%arg7 : memref<10240xf32, #tpu.memory_space<hbm>>) dst(%arg15 : memref<10240xf32, #tpu.memory_space<vmem>>)
      tpu.yield
    }) : () -> ()
    %broadcast_in_dim3A = arith.constant -3.000000e+38 : f32
    %broadcast_in_dim3A_1 = vector.broadcast %broadcast_in_dim3A : f32 to vector<16xf32>
    %scan3A = arith.constant 0 : i32
    %scan3A_2 = arith.constant 80 : i32
    %scan3A_3 = arith.addi %scan3A, %scan3A_2 : i32
    %scan3A_4 = arith.constant 1 : i32
    %scan3A_5 = scf.for %scan3A_8 = %scan3A to %scan3A_3 step %scan3A_4 iter_args(%scan3A_9 = %broadcast_in_dim3A_1) -> (vector<16xf32>)  : i32 {
      %get3A = arith.index_cast %scan3A_8 : i32 to index
      %get3A_10 = arith.constant 0 : index
      %get3A_11 = tpu.vector_load %arg10[%get3A, %get3A_10] {strides = array<i32>} : memref<80x128xi32, #tpu.memory_space<vmem>>, vector<16xi32>,
      %gather3A = tpu.vector_load_idx %arg13[%get3A_11] : memref<10240xf32, #tpu.memory_space<vmem>>[vector<16xi32>], vector<16xf32>,
      %get3A_12 = arith.index_cast %scan3A_8 : i32 to index
      %get3A_13 = arith.constant 0 : index
      %get3A_14 = tpu.vector_load %arg11[%get3A_12, %get3A_13] {strides = array<i32>} : memref<80x128xi32, #tpu.memory_space<vmem>>, vector<16xi32>,
      %gather3A_15 = tpu.vector_load_idx %arg14[%get3A_14] : memref<10240xf32, #tpu.memory_space<vmem>>[vector<16xi32>], vector<16xf32>,
      %add3A_16 = arith.addf %gather3A, %gather3A_15 : vector<16xf32>
      %get3A_17 = arith.index_cast %scan3A_8 : i32 to index
      %get3A_18 = arith.constant 0 : index
      %get3A_19 = tpu.vector_load %arg12[%get3A_17, %get3A_18] {strides = array<i32>} : memref<80x128xi32, #tpu.memory_space<vmem>>, vector<16xi32>,
      %gather3A_20 = tpu.vector_load_idx %arg15[%get3A_19] : memref<10240xf32, #tpu.memory_space<vmem>>[vector<16xi32>], vector<16xf32>,
      %add3A_21 = arith.addf %add3A_16, %gather3A_20 : vector<16xf32>
      %ge3A = arith.constant 0.000000e+00 : f32
      %ge3A_22 = vector.broadcast %ge3A : f32 to vector<16xf32>
      %ge3A_23 = arith.cmpf oge, %add3A_21, %ge3A_22 : vector<16xf32>
      %mul3A_24 = arith.constant 2.000000e-01 : f32
      %mul3A_25 = vector.broadcast %mul3A_24 : f32 to vector<16xf32>
      %mul3A_26 = arith.mulf %mul3A_25, %add3A_21 : vector<16xf32>
      %select_n3A = arith.select %ge3A_23, %add3A_21, %mul3A_26 : vector<16xi1>, vector<16xf32>
      %swap3A_27 = arith.index_cast %scan3A_8 : i32 to index
      %swap3A_28 = arith.constant 0 : index
      %swap3A_29 = tpu.vector_load %arg16[%swap3A_27, %swap3A_28] {strides = array<i32>} : memref<80x128xf32, #tpu.memory_space<vmem>>, vector<16xf32>,
      tpu.vector_store %arg16[%swap3A_27, %swap3A_28], %select_n3A {strides = array<i32>} : memref<80x128xf32, #tpu.memory_space<vmem>>, vector<16xf32>,
      %max3A = arith.maximumf %scan3A_9, %select_n3A : vector<16xf32>
      %get3A_30 = arith.index_cast %scan3A_8 : i32 to index
      %get3A_31 = arith.constant 16 : index
      %get3A_32 = tpu.vector_load %arg10[%get3A_30, %get3A_31] {strides = array<i32>} : memref<80x128xi32, #tpu.memory_space<vmem>>, vector<16xi32>,
      %gather3A_33 = tpu.vector_load_idx %arg13[%get3A_32] : memref<10240xf32, #tpu.memory_space<vmem>>[vector<16xi32>], vector<16xf32>,
      %get3A_34 = arith.index_cast %scan3A_8 : i32 to index
      %get3A_35 = arith.constant 16 : index
      %get3A_36 = tpu.vector_load %arg11[%get3A_34, %get3A_35] {strides = array<i32>} : memref<80x128xi32, #tpu.memory_space<vmem>>, vector<16xi32>,
      %gather3A_37 = tpu.vector_load_idx %arg14[%get3A_36] : memref<10240xf32, #tpu.memory_space<vmem>>[vector<16xi32>], vector<16xf32>,
      %add3A_38 = arith.addf %gather3A_33, %gather3A_37 : vector<16xf32>
      %get3A_39 = arith.index_cast %scan3A_8 : i32 to index
      %get3A_40 = arith.constant 16 : index
      %get3A_41 = tpu.vector_load %arg12[%get3A_39, %get3A_40] {strides = array<i32>} : memref<80x128xi32, #tpu.memory_space<vmem>>, vector<16xi32>,
      %gather3A_42 = tpu.vector_load_idx %arg15[%get3A_41] : memref<10240xf32, #tpu.memory_space<vmem>>[vector<16xi32>], vector<16xf32>,
      %add3A_43 = arith.addf %add3A_38, %gather3A_42 : vector<16xf32>
      %ge3A_44 = arith.constant 0.000000e+00 : f32
      %ge3A_45 = vector.broadcast %ge3A_44 : f32 to vector<16xf32>
      %ge3A_46 = arith.cmpf oge, %add3A_43, %ge3A_45 : vector<16xf32>
      %mul3A_47 = arith.constant 2.000000e-01 : f32
      %mul3A_48 = vector.broadcast %mul3A_47 : f32 to vector<16xf32>
      %mul3A_49 = arith.mulf %mul3A_48, %add3A_43 : vector<16xf32>
      %select_n3A_50 = arith.select %ge3A_46, %add3A_43, %mul3A_49 : vector<16xi1>, vector<16xf32>
      %swap3A_51 = arith.index_cast %scan3A_8 : i32 to index
      %swap3A_52 = arith.constant 16 : index
      %swap3A_53 = tpu.vector_load %arg16[%swap3A_51, %swap3A_52] {strides = array<i32>} : memref<80x128xf32, #tpu.memory_space<vmem>>, vector<16xf32>,
      tpu.vector_store %arg16[%swap3A_51, %swap3A_52], %select_n3A_50 {strides = array<i32>} : memref<80x128xf32, #tpu.memory_space<vmem>>, vector<16xf32>,
      %max3A_54 = arith.maximumf %max3A, %select_n3A_50 : vector<16xf32>
      %get3A_55 = arith.index_cast %scan3A_8 : i32 to index
      %get3A_56 = arith.constant 32 : index
      %get3A_57 = tpu.vector_load %arg10[%get3A_55, %get3A_56] {strides = array<i32>} : memref<80x128xi32, #tpu.memory_space<vmem>>, vector<16xi32>,
      %gather3A_58 = tpu.vector_load_idx %arg13[%get3A_57] : memref<10240xf32, #tpu.memory_space<vmem>>[vector<16xi32>], vector<16xf32>,
      %get3A_59 = arith.index_cast %scan3A_8 : i32 to index
      %get3A_60 = arith.constant 32 : index
      %get3A_61 = tpu.vector_load %arg11[%get3A_59, %get3A_60] {strides = array<i32>} : memref<80x128xi32, #tpu.memory_space<vmem>>, vector<16xi32>,
      %gather3A_62 = tpu.vector_load_idx %arg14[%get3A_61] : memref<10240xf32, #tpu.memory_space<vmem>>[vector<16xi32>], vector<16xf32>,
      %add3A_63 = arith.addf %gather3A_58, %gather3A_62 : vector<16xf32>
      %get3A_64 = arith.index_cast %scan3A_8 : i32 to index
      %get3A_65 = arith.constant 32 : index
      %get3A_66 = tpu.vector_load %arg12[%get3A_64, %get3A_65] {strides = array<i32>} : memref<80x128xi32, #tpu.memory_space<vmem>>, vector<16xi32>,
      %gather3A_67 = tpu.vector_load_idx %arg15[%get3A_66] : memref<10240xf32, #tpu.memory_space<vmem>>[vector<16xi32>], vector<16xf32>,
      %add3A_68 = arith.addf %add3A_63, %gather3A_67 : vector<16xf32>
      %ge3A_69 = arith.constant 0.000000e+00 : f32
      %ge3A_70 = vector.broadcast %ge3A_69 : f32 to vector<16xf32>
      %ge3A_71 = arith.cmpf oge, %add3A_68, %ge3A_70 : vector<16xf32>
      %mul3A_72 = arith.constant 2.000000e-01 : f32
      %mul3A_73 = vector.broadcast %mul3A_72 : f32 to vector<16xf32>
      %mul3A_74 = arith.mulf %mul3A_73, %add3A_68 : vector<16xf32>
      %select_n3A_75 = arith.select %ge3A_71, %add3A_68, %mul3A_74 : vector<16xi1>, vector<16xf32>
      %swap3A_76 = arith.index_cast %scan3A_8 : i32 to index
      %swap3A_77 = arith.constant 32 : index
      %swap3A_78 = tpu.vector_load %arg16[%swap3A_76, %swap3A_77] {strides = array<i32>} : memref<80x128xf32, #tpu.memory_space<vmem>>, vector<16xf32>,
      tpu.vector_store %arg16[%swap3A_76, %swap3A_77], %select_n3A_75 {strides = array<i32>} : memref<80x128xf32, #tpu.memory_space<vmem>>, vector<16xf32>,
      %max3A_79 = arith.maximumf %max3A_54, %select_n3A_75 : vector<16xf32>
      %get3A_80 = arith.index_cast %scan3A_8 : i32 to index
      %get3A_81 = arith.constant 48 : index
      %get3A_82 = tpu.vector_load %arg10[%get3A_80, %get3A_81] {strides = array<i32>} : memref<80x128xi32, #tpu.memory_space<vmem>>, vector<16xi32>,
      %gather3A_83 = tpu.vector_load_idx %arg13[%get3A_82] : memref<10240xf32, #tpu.memory_space<vmem>>[vector<16xi32>], vector<16xf32>,
      %get3A_84 = arith.index_cast %scan3A_8 : i32 to index
      %get3A_85 = arith.constant 48 : index
      %get3A_86 = tpu.vector_load %arg11[%get3A_84, %get3A_85] {strides = array<i32>} : memref<80x128xi32, #tpu.memory_space<vmem>>, vector<16xi32>,
      %gather3A_87 = tpu.vector_load_idx %arg14[%get3A_86] : memref<10240xf32, #tpu.memory_space<vmem>>[vector<16xi32>], vector<16xf32>,
      %add3A_88 = arith.addf %gather3A_83, %gather3A_87 : vector<16xf32>
      %get3A_89 = arith.index_cast %scan3A_8 : i32 to index
      %get3A_90 = arith.constant 48 : index
      %get3A_91 = tpu.vector_load %arg12[%get3A_89, %get3A_90] {strides = array<i32>} : memref<80x128xi32, #tpu.memory_space<vmem>>, vector<16xi32>,
      %gather3A_92 = tpu.vector_load_idx %arg15[%get3A_91] : memref<10240xf32, #tpu.memory_space<vmem>>[vector<16xi32>], vector<16xf32>,
      %add3A_93 = arith.addf %add3A_88, %gather3A_92 : vector<16xf32>
      %ge3A_94 = arith.constant 0.000000e+00 : f32
      %ge3A_95 = vector.broadcast %ge3A_94 : f32 to vector<16xf32>
      %ge3A_96 = arith.cmpf oge, %add3A_93, %ge3A_95 : vector<16xf32>
      %mul3A_97 = arith.constant 2.000000e-01 : f32
      %mul3A_98 = vector.broadcast %mul3A_97 : f32 to vector<16xf32>
      %mul3A_99 = arith.mulf %mul3A_98, %add3A_93 : vector<16xf32>
      %select_n3A_100 = arith.select %ge3A_96, %add3A_93, %mul3A_99 : vector<16xi1>, vector<16xf32>
      %swap3A_101 = arith.index_cast %scan3A_8 : i32 to index
      %swap3A_102 = arith.constant 48 : index
      %swap3A_103 = tpu.vector_load %arg16[%swap3A_101, %swap3A_102] {strides = array<i32>} : memref<80x128xf32, #tpu.memory_space<vmem>>, vector<16xf32>,
      tpu.vector_store %arg16[%swap3A_101, %swap3A_102], %select_n3A_100 {strides = array<i32>} : memref<80x128xf32, #tpu.memory_space<vmem>>, vector<16xf32>,
      %max3A_104 = arith.maximumf %max3A_79, %select_n3A_100 : vector<16xf32>
      %get3A_105 = arith.index_cast %scan3A_8 : i32 to index
      %get3A_106 = arith.constant 64 : index
      %get3A_107 = tpu.vector_load %arg10[%get3A_105, %get3A_106] {strides = array<i32>} : memref<80x128xi32, #tpu.memory_space<vmem>>, vector<16xi32>,
      %gather3A_108 = tpu.vector_load_idx %arg13[%get3A_107] : memref<10240xf32, #tpu.memory_space<vmem>>[vector<16xi32>], vector<16xf32>,
      %get3A_109 = arith.index_cast %scan3A_8 : i32 to index
      %get3A_110 = arith.constant 64 : index
      %get3A_111 = tpu.vector_load %arg11[%get3A_109, %get3A_110] {strides = array<i32>} : memref<80x128xi32, #tpu.memory_space<vmem>>, vector<16xi32>,
      %gather3A_112 = tpu.vector_load_idx %arg14[%get3A_111] : memref<10240xf32, #tpu.memory_space<vmem>>[vector<16xi32>], vector<16xf32>,
      %add3A_113 = arith.addf %gather3A_108, %gather3A_112 : vector<16xf32>
      %get3A_114 = arith.index_cast %scan3A_8 : i32 to index
      %get3A_115 = arith.constant 64 : index
      %get3A_116 = tpu.vector_load %arg12[%get3A_114, %get3A_115] {strides = array<i32>} : memref<80x128xi32, #tpu.memory_space<vmem>>, vector<16xi32>,
      %gather3A_117 = tpu.vector_load_idx %arg15[%get3A_116] : memref<10240xf32, #tpu.memory_space<vmem>>[vector<16xi32>], vector<16xf32>,
      %add3A_118 = arith.addf %add3A_113, %gather3A_117 : vector<16xf32>
      %ge3A_119 = arith.constant 0.000000e+00 : f32
      %ge3A_120 = vector.broadcast %ge3A_119 : f32 to vector<16xf32>
      %ge3A_121 = arith.cmpf oge, %add3A_118, %ge3A_120 : vector<16xf32>
      %mul3A_122 = arith.constant 2.000000e-01 : f32
      %mul3A_123 = vector.broadcast %mul3A_122 : f32 to vector<16xf32>
      %mul3A_124 = arith.mulf %mul3A_123, %add3A_118 : vector<16xf32>
      %select_n3A_125 = arith.select %ge3A_121, %add3A_118, %mul3A_124 : vector<16xi1>, vector<16xf32>
      %swap3A_126 = arith.index_cast %scan3A_8 : i32 to index
      %swap3A_127 = arith.constant 64 : index
      %swap3A_128 = tpu.vector_load %arg16[%swap3A_126, %swap3A_127] {strides = array<i32>} : memref<80x128xf32, #tpu.memory_space<vmem>>, vector<16xf32>,
      tpu.vector_store %arg16[%swap3A_126, %swap3A_127], %select_n3A_125 {strides = array<i32>} : memref<80x128xf32, #tpu.memory_space<vmem>>, vector<16xf32>,
      %max3A_129 = arith.maximumf %max3A_104, %select_n3A_125 : vector<16xf32>
      %get3A_130 = arith.index_cast %scan3A_8 : i32 to index
      %get3A_131 = arith.constant 80 : index
      %get3A_132 = tpu.vector_load %arg10[%get3A_130, %get3A_131] {strides = array<i32>} : memref<80x128xi32, #tpu.memory_space<vmem>>, vector<16xi32>,
      %gather3A_133 = tpu.vector_load_idx %arg13[%get3A_132] : memref<10240xf32, #tpu.memory_space<vmem>>[vector<16xi32>], vector<16xf32>,
      %get3A_134 = arith.index_cast %scan3A_8 : i32 to index
      %get3A_135 = arith.constant 80 : index
      %get3A_136 = tpu.vector_load %arg11[%get3A_134, %get3A_135] {strides = array<i32>} : memref<80x128xi32, #tpu.memory_space<vmem>>, vector<16xi32>,
      %gather3A_137 = tpu.vector_load_idx %arg14[%get3A_136] : memref<10240xf32, #tpu.memory_space<vmem>>[vector<16xi32>], vector<16xf32>,
      %add3A_138 = arith.addf %gather3A_133, %gather3A_137 : vector<16xf32>
      %get3A_139 = arith.index_cast %scan3A_8 : i32 to index
      %get3A_140 = arith.constant 80 : index
      %get3A_141 = tpu.vector_load %arg12[%get3A_139, %get3A_140] {strides = array<i32>} : memref<80x128xi32, #tpu.memory_space<vmem>>, vector<16xi32>,
      %gather3A_142 = tpu.vector_load_idx %arg15[%get3A_141] : memref<10240xf32, #tpu.memory_space<vmem>>[vector<16xi32>], vector<16xf32>,
      %add3A_143 = arith.addf %add3A_138, %gather3A_142 : vector<16xf32>
      %ge3A_144 = arith.constant 0.000000e+00 : f32
      %ge3A_145 = vector.broadcast %ge3A_144 : f32 to vector<16xf32>
      %ge3A_146 = arith.cmpf oge, %add3A_143, %ge3A_145 : vector<16xf32>
      %mul3A_147 = arith.constant 2.000000e-01 : f32
      %mul3A_148 = vector.broadcast %mul3A_147 : f32 to vector<16xf32>
      %mul3A_149 = arith.mulf %mul3A_148, %add3A_143 : vector<16xf32>
      %select_n3A_150 = arith.select %ge3A_146, %add3A_143, %mul3A_149 : vector<16xi1>, vector<16xf32>
      %swap3A_151 = arith.index_cast %scan3A_8 : i32 to index
      %swap3A_152 = arith.constant 80 : index
      %swap3A_153 = tpu.vector_load %arg16[%swap3A_151, %swap3A_152] {strides = array<i32>} : memref<80x128xf32, #tpu.memory_space<vmem>>, vector<16xf32>,
      tpu.vector_store %arg16[%swap3A_151, %swap3A_152], %select_n3A_150 {strides = array<i32>} : memref<80x128xf32, #tpu.memory_space<vmem>>, vector<16xf32>,
      %max3A_154 = arith.maximumf %max3A_129, %select_n3A_150 : vector<16xf32>
      %get3A_155 = arith.index_cast %scan3A_8 : i32 to index
      %get3A_156 = arith.constant 96 : index
      %get3A_157 = tpu.vector_load %arg10[%get3A_155, %get3A_156] {strides = array<i32>} : memref<80x128xi32, #tpu.memory_space<vmem>>, vector<16xi32>,
      %gather3A_158 = tpu.vector_load_idx %arg13[%get3A_157] : memref<10240xf32, #tpu.memory_space<vmem>>[vector<16xi32>], vector<16xf32>,
      %get3A_159 = arith.index_cast %scan3A_8 : i32 to index
      %get3A_160 = arith.constant 96 : index
      %get3A_161 = tpu.vector_load %arg11[%get3A_159, %get3A_160] {strides = array<i32>} : memref<80x128xi32, #tpu.memory_space<vmem>>, vector<16xi32>,
      %gather3A_162 = tpu.vector_load_idx %arg14[%get3A_161] : memref<10240xf32, #tpu.memory_space<vmem>>[vector<16xi32>], vector<16xf32>,
      %add3A_163 = arith.addf %gather3A_158, %gather3A_162 : vector<16xf32>
      %get3A_164 = arith.index_cast %scan3A_8 : i32 to index
      %get3A_165 = arith.constant 96 : index
      %get3A_166 = tpu.vector_load %arg12[%get3A_164, %get3A_165] {strides = array<i32>} : memref<80x128xi32, #tpu.memory_space<vmem>>, vector<16xi32>,
      %gather3A_167 = tpu.vector_load_idx %arg15[%get3A_166] : memref<10240xf32, #tpu.memory_space<vmem>>[vector<16xi32>], vector<16xf32>,
      %add3A_168 = arith.addf %add3A_163, %gather3A_167 : vector<16xf32>
      %ge3A_169 = arith.constant 0.000000e+00 : f32
      %ge3A_170 = vector.broadcast %ge3A_169 : f32 to vector<16xf32>
      %ge3A_171 = arith.cmpf oge, %add3A_168, %ge3A_170 : vector<16xf32>
      %mul3A_172 = arith.constant 2.000000e-01 : f32
      %mul3A_173 = vector.broadcast %mul3A_172 : f32 to vector<16xf32>
      %mul3A_174 = arith.mulf %mul3A_173, %add3A_168 : vector<16xf32>
      %select_n3A_175 = arith.select %ge3A_171, %add3A_168, %mul3A_174 : vector<16xi1>, vector<16xf32>
      %swap3A_176 = arith.index_cast %scan3A_8 : i32 to index
      %swap3A_177 = arith.constant 96 : index
      %swap3A_178 = tpu.vector_load %arg16[%swap3A_176, %swap3A_177] {strides = array<i32>} : memref<80x128xf32, #tpu.memory_space<vmem>>, vector<16xf32>,
      tpu.vector_store %arg16[%swap3A_176, %swap3A_177], %select_n3A_175 {strides = array<i32>} : memref<80x128xf32, #tpu.memory_space<vmem>>, vector<16xf32>,
      %max3A_179 = arith.maximumf %max3A_154, %select_n3A_175 : vector<16xf32>
      %get3A_180 = arith.index_cast %scan3A_8 : i32 to index
      %get3A_181 = arith.constant 112 : index
      %get3A_182 = tpu.vector_load %arg10[%get3A_180, %get3A_181] {strides = array<i32>} : memref<80x128xi32, #tpu.memory_space<vmem>>, vector<16xi32>,
      %gather3A_183 = tpu.vector_load_idx %arg13[%get3A_182] : memref<10240xf32, #tpu.memory_space<vmem>>[vector<16xi32>], vector<16xf32>,
      %get3A_184 = arith.index_cast %scan3A_8 : i32 to index
      %get3A_185 = arith.constant 112 : index
      %get3A_186 = tpu.vector_load %arg11[%get3A_184, %get3A_185] {strides = array<i32>} : memref<80x128xi32, #tpu.memory_space<vmem>>, vector<16xi32>,
      %gather3A_187 = tpu.vector_load_idx %arg14[%get3A_186] : memref<10240xf32, #tpu.memory_space<vmem>>[vector<16xi32>], vector<16xf32>,
      %add3A_188 = arith.addf %gather3A_183, %gather3A_187 : vector<16xf32>
      %get3A_189 = arith.index_cast %scan3A_8 : i32 to index
      %get3A_190 = arith.constant 112 : index
      %get3A_191 = tpu.vector_load %arg12[%get3A_189, %get3A_190] {strides = array<i32>} : memref<80x128xi32, #tpu.memory_space<vmem>>, vector<16xi32>,
      %gather3A_192 = tpu.vector_load_idx %arg15[%get3A_191] : memref<10240xf32, #tpu.memory_space<vmem>>[vector<16xi32>], vector<16xf32>,
      %add3A_193 = arith.addf %add3A_188, %gather3A_192 : vector<16xf32>
      %ge3A_194 = arith.constant 0.000000e+00 : f32
      %ge3A_195 = vector.broadcast %ge3A_194 : f32 to vector<16xf32>
      %ge3A_196 = arith.cmpf oge, %add3A_193, %ge3A_195 : vector<16xf32>
      %mul3A_197 = arith.constant 2.000000e-01 : f32
      %mul3A_198 = vector.broadcast %mul3A_197 : f32 to vector<16xf32>
      %mul3A_199 = arith.mulf %mul3A_198, %add3A_193 : vector<16xf32>
      %select_n3A_200 = arith.select %ge3A_196, %add3A_193, %mul3A_199 : vector<16xi1>, vector<16xf32>
      %swap3A_201 = arith.index_cast %scan3A_8 : i32 to index
      %swap3A_202 = arith.constant 112 : index
      %swap3A_203 = tpu.vector_load %arg16[%swap3A_201, %swap3A_202] {strides = array<i32>} : memref<80x128xf32, #tpu.memory_space<vmem>>, vector<16xf32>,
      tpu.vector_store %arg16[%swap3A_201, %swap3A_202], %select_n3A_200 {strides = array<i32>} : memref<80x128xf32, #tpu.memory_space<vmem>>, vector<16xf32>,
      %max3A_204 = arith.maximumf %max3A_179, %select_n3A_200 : vector<16xf32>
      scf.yield %max3A_204 : vector<16xf32>
    }
    %scan3A_6 = arith.constant 80 : i32
    %swap3A = arith.constant 0 : index
    %swap3A_7 = tpu.vector_load %arg17[%swap3A] {strides = array<i32>} : memref<16xf32, #tpu.memory_space<vmem>>, vector<16xf32>,
    tpu.vector_store %arg17[%swap3A], %scan3A_5 {strides = array<i32>} : memref<16xf32, #tpu.memory_space<vmem>>, vector<16xf32>,
    "tpu.region"() ({
      %run_scoped3A = tpu.sem_alloc : memref<!tpu.dma_semaphore, #tpu.memory_space<semaphore_mem>>
      %dma_start3A = arith.constant 0 : i32
      %dma_start3A_8 = arith.constant 0 : i32
      %dma_start3A_9 = tpu.memref_slice %arg8[%add3A, %dma_start3A, %dma_start3A_8] : memref<32x80x128xf32, #tpu.memory_space<hbm>> -> memref<1x80x128xf32, #tpu.memory_space<hbm>>
      %dma_start3A_10 = tpu.memref_squeeze %dma_start3A_9 : memref<1x80x128xf32, #tpu.memory_space<hbm>> -> memref<80x128xf32, #tpu.memory_space<hbm>>
      %dma_start3A_11 = arith.constant 0 : i32
      %dma_start3A_12 = arith.constant 0 : i32
      %dma_start3A_13 = tpu.memref_slice %arg8[%add3A, %dma_start3A_11, %dma_start3A_12] : memref<32x80x128xf32, #tpu.memory_space<hbm>> -> memref<1x80x128xf32, #tpu.memory_space<hbm>>
      %dma_start3A_14 = tpu.memref_squeeze %dma_start3A_13 : memref<1x80x128xf32, #tpu.memory_space<hbm>> -> memref<80x128xf32, #tpu.memory_space<hbm>>
      tpu.enqueue_dma source(%arg16 : memref<80x128xf32, #tpu.memory_space<vmem>>) target(%dma_start3A_14 : memref<80x128xf32, #tpu.memory_space<hbm>>) target_semaphore(%run_scoped3A : memref<!tpu.dma_semaphore, #tpu.memory_space<semaphore_mem>>)
      %dma_wait3A = arith.constant 0 : i32
      %dma_wait3A_15 = arith.constant 0 : i32
      %dma_wait3A_16 = tpu.memref_slice %arg8[%add3A, %dma_wait3A, %dma_wait3A_15] : memref<32x80x128xf32, #tpu.memory_space<hbm>> -> memref<1x80x128xf32, #tpu.memory_space<hbm>>
      %dma_wait3A_17 = tpu.memref_squeeze %dma_wait3A_16 : memref<1x80x128xf32, #tpu.memory_space<hbm>> -> memref<80x128xf32, #tpu.memory_space<hbm>>
      %dma_wait3A_18 = arith.constant 0 : i32
      %dma_wait3A_19 = arith.constant 0 : i32
      %dma_wait3A_20 = tpu.memref_slice %arg8[%add3A, %dma_wait3A_18, %dma_wait3A_19] : memref<32x80x128xf32, #tpu.memory_space<hbm>> -> memref<1x80x128xf32, #tpu.memory_space<hbm>>
      %dma_wait3A_21 = tpu.memref_squeeze %dma_wait3A_20 : memref<1x80x128xf32, #tpu.memory_space<hbm>> -> memref<80x128xf32, #tpu.memory_space<hbm>>
      tpu.wait_dma2 semaphore(%run_scoped3A : memref<!tpu.dma_semaphore, #tpu.memory_space<semaphore_mem>>) src(%arg16 : memref<80x128xf32, #tpu.memory_space<vmem>>) dst(%dma_wait3A_21 : memref<80x128xf32, #tpu.memory_space<hbm>>)
      tpu.yield
    }) : () -> ()
    "tpu.region"() ({
      %run_scoped3A = tpu.sem_alloc : memref<!tpu.dma_semaphore, #tpu.memory_space<semaphore_mem>>
      %dma_start3A = arith.constant 0 : i32
      %dma_start3A_8 = tpu.memref_slice %arg9[%add3A, %dma_start3A] : memref<32x16xf32, #tpu.memory_space<hbm>> -> memref<1x16xf32, #tpu.memory_space<hbm>>
      %dma_start3A_9 = tpu.memref_squeeze %dma_start3A_8 : memref<1x16xf32, #tpu.memory_space<hbm>> -> memref<16xf32, #tpu.memory_space<hbm>>
      %dma_start3A_10 = arith.constant 0 : i32
      %dma_start3A_11 = tpu.memref_slice %arg9[%add3A, %dma_start3A_10] : memref<32x16xf32, #tpu.memory_space<hbm>> -> memref<1x16xf32, #tpu.memory_space<hbm>>
      %dma_start3A_12 = tpu.memref_squeeze %dma_start3A_11 : memref<1x16xf32, #tpu.memory_space<hbm>> -> memref<16xf32, #tpu.memory_space<hbm>>
      tpu.enqueue_dma source(%arg17 : memref<16xf32, #tpu.memory_space<vmem>>) target(%dma_start3A_12 : memref<16xf32, #tpu.memory_space<hbm>>) target_semaphore(%run_scoped3A : memref<!tpu.dma_semaphore, #tpu.memory_space<semaphore_mem>>)
      %dma_wait3A = arith.constant 0 : i32
      %dma_wait3A_13 = tpu.memref_slice %arg9[%add3A, %dma_wait3A] : memref<32x16xf32, #tpu.memory_space<hbm>> -> memref<1x16xf32, #tpu.memory_space<hbm>>
      %dma_wait3A_14 = tpu.memref_squeeze %dma_wait3A_13 : memref<1x16xf32, #tpu.memory_space<hbm>> -> memref<16xf32, #tpu.memory_space<hbm>>
      %dma_wait3A_15 = arith.constant 0 : i32
      %dma_wait3A_16 = tpu.memref_slice %arg9[%add3A, %dma_wait3A_15] : memref<32x16xf32, #tpu.memory_space<hbm>> -> memref<1x16xf32, #tpu.memory_space<hbm>>
      %dma_wait3A_17 = tpu.memref_squeeze %dma_wait3A_16 : memref<1x16xf32, #tpu.memory_space<hbm>> -> memref<16xf32, #tpu.memory_space<hbm>>
      tpu.wait_dma2 semaphore(%run_scoped3A : memref<!tpu.dma_semaphore, #tpu.memory_space<semaphore_mem>>) src(%arg17 : memref<16xf32, #tpu.memory_space<vmem>>) dst(%dma_wait3A_17 : memref<16xf32, #tpu.memory_space<hbm>>)
      tpu.yield
    }) : () -> ()
    return
  }
}

#map = affine_map<(d0, d1) -> (0, 0, 0)>
#map1 = affine_map<(d0, d1) -> (0, 0)>
module attributes {stable_mosaic.version = 14 : i64} {
  func.func @_sc_aggregate(%arg0: i32, %arg1: i32, %arg2: memref<32x80x128xi32, #tpu.memory_space<hbm>>, %arg3: memref<32x80x128xi32, #tpu.memory_space<hbm>>, %arg4: memref<32x80x128xi32, #tpu.memory_space<hbm>>, %arg5: memref<32x80x128xf32, #tpu.memory_space<hbm>>, %arg6: memref<2x10240xf32, #tpu.memory_space<hbm>>, %arg7: memref<10000x128xf32, #tpu.memory_space<hbm>>, %arg8: memref<10000x128xf32, #tpu.memory_space<hbm>>, %arg9: memref<2x10112x128xf32, #tpu.memory_space<hbm>>, %arg10: memref<8x128xi32, #tpu.memory_space<vmem>>, %arg11: memref<8x128xi32, #tpu.memory_space<vmem>>, %arg12: memref<8x128xi32, #tpu.memory_space<vmem>>, %arg13: memref<8x128xf32, #tpu.memory_space<vmem>>, %arg14: memref<10240xf32, #tpu.memory_space<vmem>>, %arg15: memref<1024xf32, #tpu.memory_space<vmem>>, %arg16: memref<128x128xf32, #tpu.memory_space<vmem>>, %arg17: memref<128x128xf32, #tpu.memory_space<vmem>>, %arg18: memref<!tpu.dma_semaphore, #tpu.memory_space<semaphore_mem>>, %arg19: memref<!tpu.dma_semaphore, #tpu.memory_space<semaphore_mem>>, %arg20: memref<10112x128xf32, #tpu.memory_space<vmem_shared>>) attributes {dimension_semantics = [#tpu.dimension_semantics<core_parallel>, #tpu.dimension_semantics<subcore_parallel>], iteration_bounds = array<i64: 2, 16>, scalar_prefetch = 0 : i64, scratch_operands = 11 : i64, tpu.core_type = #tpu.core_type<sc_vector_subcore>, window_params = [{transform_indices = #map}, {transform_indices = #map}, {transform_indices = #map}, {transform_indices = #map}, {transform_indices = #map1}, {transform_indices = #map1}, {transform_indices = #map1}, {transform_indices = #map}]} {
    %mul3A = arith.constant 2 : i32
    %mul3A_0 = arith.muli %arg1, %mul3A : i32
    %add3A = arith.addi %mul3A_0, %arg0 : i32
    %run_scoped3A = arith.constant 0 : i32
    "tpu.region"() ({
      %run_scoped3A_119 = tpu.sem_alloc : memref<!tpu.dma_semaphore, #tpu.memory_space<semaphore_mem>>
      %dma_start3A = arith.constant 0 : i32
      %dma_start3A_120 = tpu.memref_slice %arg6[%run_scoped3A, %dma_start3A] : memref<2x10240xf32, #tpu.memory_space<hbm>> -> memref<1x10240xf32, #tpu.memory_space<hbm>>
      %dma_start3A_121 = tpu.memref_squeeze %dma_start3A_120 : memref<1x10240xf32, #tpu.memory_space<hbm>> -> memref<10240xf32, #tpu.memory_space<hbm>>
      %dma_start3A_122 = arith.constant 0 : i32
      %dma_start3A_123 = tpu.memref_slice %arg6[%run_scoped3A, %dma_start3A_122] : memref<2x10240xf32, #tpu.memory_space<hbm>> -> memref<1x10240xf32, #tpu.memory_space<hbm>>
      %dma_start3A_124 = tpu.memref_squeeze %dma_start3A_123 : memref<1x10240xf32, #tpu.memory_space<hbm>> -> memref<10240xf32, #tpu.memory_space<hbm>>
      tpu.enqueue_dma source(%dma_start3A_124 : memref<10240xf32, #tpu.memory_space<hbm>>) target(%arg14 : memref<10240xf32, #tpu.memory_space<vmem>>) target_semaphore(%run_scoped3A_119 : memref<!tpu.dma_semaphore, #tpu.memory_space<semaphore_mem>>)
      %dma_wait3A = arith.constant 0 : i32
      %dma_wait3A_125 = tpu.memref_slice %arg6[%run_scoped3A, %dma_wait3A] : memref<2x10240xf32, #tpu.memory_space<hbm>> -> memref<1x10240xf32, #tpu.memory_space<hbm>>
      %dma_wait3A_126 = tpu.memref_squeeze %dma_wait3A_125 : memref<1x10240xf32, #tpu.memory_space<hbm>> -> memref<10240xf32, #tpu.memory_space<hbm>>
      %dma_wait3A_127 = arith.constant 0 : i32
      %dma_wait3A_128 = tpu.memref_slice %arg6[%run_scoped3A, %dma_wait3A_127] : memref<2x10240xf32, #tpu.memory_space<hbm>> -> memref<1x10240xf32, #tpu.memory_space<hbm>>
      %dma_wait3A_129 = tpu.memref_squeeze %dma_wait3A_128 : memref<1x10240xf32, #tpu.memory_space<hbm>> -> memref<10240xf32, #tpu.memory_space<hbm>>
      tpu.wait_dma2 semaphore(%run_scoped3A_119 : memref<!tpu.dma_semaphore, #tpu.memory_space<semaphore_mem>>) src(%dma_wait3A_129 : memref<10240xf32, #tpu.memory_space<hbm>>) dst(%arg14 : memref<10240xf32, #tpu.memory_space<vmem>>)
      tpu.yield
    }) : () -> ()
    %run_scoped3A_1 = arith.constant 1 : i32
    "tpu.region"() ({
      %run_scoped3A_119 = tpu.sem_alloc : memref<!tpu.dma_semaphore, #tpu.memory_space<semaphore_mem>>
      %dma_start3A = arith.constant 0 : i32
      %dma_start3A_120 = tpu.memref_slice %arg6[%run_scoped3A_1, %dma_start3A] : memref<2x10240xf32, #tpu.memory_space<hbm>> -> memref<1x1024xf32, #tpu.memory_space<hbm>>
      %dma_start3A_121 = tpu.memref_squeeze %dma_start3A_120 : memref<1x1024xf32, #tpu.memory_space<hbm>> -> memref<1024xf32, #tpu.memory_space<hbm>>
      %dma_start3A_122 = arith.constant 0 : i32
      %dma_start3A_123 = tpu.memref_slice %arg6[%run_scoped3A_1, %dma_start3A_122] : memref<2x10240xf32, #tpu.memory_space<hbm>> -> memref<1x1024xf32, #tpu.memory_space<hbm>>
      %dma_start3A_124 = tpu.memref_squeeze %dma_start3A_123 : memref<1x1024xf32, #tpu.memory_space<hbm>> -> memref<1024xf32, #tpu.memory_space<hbm>>
      tpu.enqueue_dma source(%dma_start3A_124 : memref<1024xf32, #tpu.memory_space<hbm>>) target(%arg15 : memref<1024xf32, #tpu.memory_space<vmem>>) target_semaphore(%run_scoped3A_119 : memref<!tpu.dma_semaphore, #tpu.memory_space<semaphore_mem>>)
      %dma_wait3A = arith.constant 0 : i32
      %dma_wait3A_125 = tpu.memref_slice %arg6[%run_scoped3A_1, %dma_wait3A] : memref<2x10240xf32, #tpu.memory_space<hbm>> -> memref<1x1024xf32, #tpu.memory_space<hbm>>
      %dma_wait3A_126 = tpu.memref_squeeze %dma_wait3A_125 : memref<1x1024xf32, #tpu.memory_space<hbm>> -> memref<1024xf32, #tpu.memory_space<hbm>>
      %dma_wait3A_127 = arith.constant 0 : i32
      %dma_wait3A_128 = tpu.memref_slice %arg6[%run_scoped3A_1, %dma_wait3A_127] : memref<2x10240xf32, #tpu.memory_space<hbm>> -> memref<1x1024xf32, #tpu.memory_space<hbm>>
      %dma_wait3A_129 = tpu.memref_squeeze %dma_wait3A_128 : memref<1x1024xf32, #tpu.memory_space<hbm>> -> memref<1024xf32, #tpu.memory_space<hbm>>
      tpu.wait_dma2 semaphore(%run_scoped3A_119 : memref<!tpu.dma_semaphore, #tpu.memory_space<semaphore_mem>>) src(%dma_wait3A_129 : memref<1024xf32, #tpu.memory_space<hbm>>) dst(%arg15 : memref<1024xf32, #tpu.memory_space<vmem>>)
      tpu.yield
    }) : () -> ()
    %scan3A = arith.constant 0 : i32
    %scan3A_2 = arith.constant 0 : i32
    %scan3A_3 = arith.constant 64 : i32
    %scan3A_4 = arith.addi %scan3A_2, %scan3A_3 : i32
    %scan3A_5 = arith.constant 1 : i32
    %scan3A_6 = scf.for %scan3A_119 = %scan3A_2 to %scan3A_4 step %scan3A_5 iter_args(%scan3A_120 = %scan3A) -> (i32)  : i32 {
      %mul3A_121 = arith.constant 16 : i32
      %mul3A_122 = arith.muli %scan3A_119, %mul3A_121 : i32
      %add3A_123 = arith.constant 0 : i32
      %add3A_124 = arith.addi %add3A_123, %mul3A_122 : i32
      %get3A = arith.index_cast %add3A_124 : i32 to index
      %get3A_125 = tpu.vector_load %arg14[%get3A] {strides = array<i32>} : memref<10240xf32, #tpu.memory_space<vmem>>, vector<16xf32>,
      %mul3A_126 = arith.constant 16 : i32
      %mul3A_127 = arith.muli %scan3A_119, %mul3A_126 : i32
      %get3A_128 = arith.index_cast %mul3A_127 : i32 to index
      %get3A_129 = tpu.vector_load %arg15[%get3A_128] {strides = array<i32>} : memref<1024xf32, #tpu.memory_space<vmem>>, vector<16xf32>,
      %add3A_130 = arith.addf %get3A_125, %get3A_129 : vector<16xf32>
      %swap3A = arith.index_cast %add3A_124 : i32 to index
      %swap3A_131 = tpu.vector_load %arg14[%swap3A] {strides = array<i32>} : memref<10240xf32, #tpu.memory_space<vmem>>, vector<16xf32>,
      tpu.vector_store %arg14[%swap3A], %add3A_130 {strides = array<i32>} : memref<10240xf32, #tpu.memory_space<vmem>>, vector<16xf32>,
      %scan3A_132 = arith.constant 0 : i32
      scf.yield %scan3A_132 : i32
    }
    %scan3A_7 = arith.constant 64 : i32
    %run_scoped3A_8 = arith.constant 1 : i32
    "tpu.region"() ({
      %run_scoped3A_119 = tpu.sem_alloc : memref<!tpu.dma_semaphore, #tpu.memory_space<semaphore_mem>>
      %dma_start3A = arith.constant 1024 : i32
      %dma_start3A_120 = tpu.memref_slice %arg6[%run_scoped3A_8, %dma_start3A] : memref<2x10240xf32, #tpu.memory_space<hbm>> -> memref<1x1024xf32, #tpu.memory_space<hbm>>
      %dma_start3A_121 = tpu.memref_squeeze %dma_start3A_120 : memref<1x1024xf32, #tpu.memory_space<hbm>> -> memref<1024xf32, #tpu.memory_space<hbm>>
      %dma_start3A_122 = arith.constant 1024 : i32
      %dma_start3A_123 = tpu.memref_slice %arg6[%run_scoped3A_8, %dma_start3A_122] : memref<2x10240xf32, #tpu.memory_space<hbm>> -> memref<1x1024xf32, #tpu.memory_space<hbm>>
      %dma_start3A_124 = tpu.memref_squeeze %dma_start3A_123 : memref<1x1024xf32, #tpu.memory_space<hbm>> -> memref<1024xf32, #tpu.memory_space<hbm>>
      tpu.enqueue_dma source(%dma_start3A_124 : memref<1024xf32, #tpu.memory_space<hbm>>) target(%arg15 : memref<1024xf32, #tpu.memory_space<vmem>>) target_semaphore(%run_scoped3A_119 : memref<!tpu.dma_semaphore, #tpu.memory_space<semaphore_mem>>)
      %dma_wait3A = arith.constant 1024 : i32
      %dma_wait3A_125 = tpu.memref_slice %arg6[%run_scoped3A_8, %dma_wait3A] : memref<2x10240xf32, #tpu.memory_space<hbm>> -> memref<1x1024xf32, #tpu.memory_space<hbm>>
      %dma_wait3A_126 = tpu.memref_squeeze %dma_wait3A_125 : memref<1x1024xf32, #tpu.memory_space<hbm>> -> memref<1024xf32, #tpu.memory_space<hbm>>
      %dma_wait3A_127 = arith.constant 1024 : i32
      %dma_wait3A_128 = tpu.memref_slice %arg6[%run_scoped3A_8, %dma_wait3A_127] : memref<2x10240xf32, #tpu.memory_space<hbm>> -> memref<1x1024xf32, #tpu.memory_space<hbm>>
      %dma_wait3A_129 = tpu.memref_squeeze %dma_wait3A_128 : memref<1x1024xf32, #tpu.memory_space<hbm>> -> memref<1024xf32, #tpu.memory_space<hbm>>
      tpu.wait_dma2 semaphore(%run_scoped3A_119 : memref<!tpu.dma_semaphore, #tpu.memory_space<semaphore_mem>>) src(%dma_wait3A_129 : memref<1024xf32, #tpu.memory_space<hbm>>) dst(%arg15 : memref<1024xf32, #tpu.memory_space<vmem>>)
      tpu.yield
    }) : () -> ()
    %scan3A_9 = arith.constant 0 : i32
    %scan3A_10 = arith.constant 0 : i32
    %scan3A_11 = arith.constant 64 : i32
    %scan3A_12 = arith.addi %scan3A_10, %scan3A_11 : i32
    %scan3A_13 = arith.constant 1 : i32
    %scan3A_14 = scf.for %scan3A_119 = %scan3A_10 to %scan3A_12 step %scan3A_13 iter_args(%scan3A_120 = %scan3A_9) -> (i32)  : i32 {
      %mul3A_121 = arith.constant 16 : i32
      %mul3A_122 = arith.muli %scan3A_119, %mul3A_121 : i32
      %add3A_123 = arith.constant 1024 : i32
      %add3A_124 = arith.addi %add3A_123, %mul3A_122 : i32
      %get3A = arith.index_cast %add3A_124 : i32 to index
      %get3A_125 = tpu.vector_load %arg14[%get3A] {strides = array<i32>} : memref<10240xf32, #tpu.memory_space<vmem>>, vector<16xf32>,
      %mul3A_126 = arith.constant 16 : i32
      %mul3A_127 = arith.muli %scan3A_119, %mul3A_126 : i32
      %get3A_128 = arith.index_cast %mul3A_127 : i32 to index
      %get3A_129 = tpu.vector_load %arg15[%get3A_128] {strides = array<i32>} : memref<1024xf32, #tpu.memory_space<vmem>>, vector<16xf32>,
      %add3A_130 = arith.addf %get3A_125, %get3A_129 : vector<16xf32>
      %swap3A = arith.index_cast %add3A_124 : i32 to index
      %swap3A_131 = tpu.vector_load %arg14[%swap3A] {strides = array<i32>} : memref<10240xf32, #tpu.memory_space<vmem>>, vector<16xf32>,
      tpu.vector_store %arg14[%swap3A], %add3A_130 {strides = array<i32>} : memref<10240xf32, #tpu.memory_space<vmem>>, vector<16xf32>,
      %scan3A_132 = arith.constant 0 : i32
      scf.yield %scan3A_132 : i32
    }
    %scan3A_15 = arith.constant 64 : i32
    %run_scoped3A_16 = arith.constant 1 : i32
    "tpu.region"() ({
      %run_scoped3A_119 = tpu.sem_alloc : memref<!tpu.dma_semaphore, #tpu.memory_space<semaphore_mem>>
      %dma_start3A = arith.constant 2048 : i32
      %dma_start3A_120 = tpu.memref_slice %arg6[%run_scoped3A_16, %dma_start3A] : memref<2x10240xf32, #tpu.memory_space<hbm>> -> memref<1x1024xf32, #tpu.memory_space<hbm>>
      %dma_start3A_121 = tpu.memref_squeeze %dma_start3A_120 : memref<1x1024xf32, #tpu.memory_space<hbm>> -> memref<1024xf32, #tpu.memory_space<hbm>>
      %dma_start3A_122 = arith.constant 2048 : i32
      %dma_start3A_123 = tpu.memref_slice %arg6[%run_scoped3A_16, %dma_start3A_122] : memref<2x10240xf32, #tpu.memory_space<hbm>> -> memref<1x1024xf32, #tpu.memory_space<hbm>>
      %dma_start3A_124 = tpu.memref_squeeze %dma_start3A_123 : memref<1x1024xf32, #tpu.memory_space<hbm>> -> memref<1024xf32, #tpu.memory_space<hbm>>
      tpu.enqueue_dma source(%dma_start3A_124 : memref<1024xf32, #tpu.memory_space<hbm>>) target(%arg15 : memref<1024xf32, #tpu.memory_space<vmem>>) target_semaphore(%run_scoped3A_119 : memref<!tpu.dma_semaphore, #tpu.memory_space<semaphore_mem>>)
      %dma_wait3A = arith.constant 2048 : i32
      %dma_wait3A_125 = tpu.memref_slice %arg6[%run_scoped3A_16, %dma_wait3A] : memref<2x10240xf32, #tpu.memory_space<hbm>> -> memref<1x1024xf32, #tpu.memory_space<hbm>>
      %dma_wait3A_126 = tpu.memref_squeeze %dma_wait3A_125 : memref<1x1024xf32, #tpu.memory_space<hbm>> -> memref<1024xf32, #tpu.memory_space<hbm>>
      %dma_wait3A_127 = arith.constant 2048 : i32
      %dma_wait3A_128 = tpu.memref_slice %arg6[%run_scoped3A_16, %dma_wait3A_127] : memref<2x10240xf32, #tpu.memory_space<hbm>> -> memref<1x1024xf32, #tpu.memory_space<hbm>>
      %dma_wait3A_129 = tpu.memref_squeeze %dma_wait3A_128 : memref<1x1024xf32, #tpu.memory_space<hbm>> -> memref<1024xf32, #tpu.memory_space<hbm>>
      tpu.wait_dma2 semaphore(%run_scoped3A_119 : memref<!tpu.dma_semaphore, #tpu.memory_space<semaphore_mem>>) src(%dma_wait3A_129 : memref<1024xf32, #tpu.memory_space<hbm>>) dst(%arg15 : memref<1024xf32, #tpu.memory_space<vmem>>)
      tpu.yield
    }) : () -> ()
    %scan3A_17 = arith.constant 0 : i32
    %scan3A_18 = arith.constant 0 : i32
    %scan3A_19 = arith.constant 64 : i32
    %scan3A_20 = arith.addi %scan3A_18, %scan3A_19 : i32
    %scan3A_21 = arith.constant 1 : i32
    %scan3A_22 = scf.for %scan3A_119 = %scan3A_18 to %scan3A_20 step %scan3A_21 iter_args(%scan3A_120 = %scan3A_17) -> (i32)  : i32 {
      %mul3A_121 = arith.constant 16 : i32
      %mul3A_122 = arith.muli %scan3A_119, %mul3A_121 : i32
      %add3A_123 = arith.constant 2048 : i32
      %add3A_124 = arith.addi %add3A_123, %mul3A_122 : i32
      %get3A = arith.index_cast %add3A_124 : i32 to index
      %get3A_125 = tpu.vector_load %arg14[%get3A] {strides = array<i32>} : memref<10240xf32, #tpu.memory_space<vmem>>, vector<16xf32>,
      %mul3A_126 = arith.constant 16 : i32
      %mul3A_127 = arith.muli %scan3A_119, %mul3A_126 : i32
      %get3A_128 = arith.index_cast %mul3A_127 : i32 to index
      %get3A_129 = tpu.vector_load %arg15[%get3A_128] {strides = array<i32>} : memref<1024xf32, #tpu.memory_space<vmem>>, vector<16xf32>,
      %add3A_130 = arith.addf %get3A_125, %get3A_129 : vector<16xf32>
      %swap3A = arith.index_cast %add3A_124 : i32 to index
      %swap3A_131 = tpu.vector_load %arg14[%swap3A] {strides = array<i32>} : memref<10240xf32, #tpu.memory_space<vmem>>, vector<16xf32>,
      tpu.vector_store %arg14[%swap3A], %add3A_130 {strides = array<i32>} : memref<10240xf32, #tpu.memory_space<vmem>>, vector<16xf32>,
      %scan3A_132 = arith.constant 0 : i32
      scf.yield %scan3A_132 : i32
    }
    %scan3A_23 = arith.constant 64 : i32
    %run_scoped3A_24 = arith.constant 1 : i32
    "tpu.region"() ({
      %run_scoped3A_119 = tpu.sem_alloc : memref<!tpu.dma_semaphore, #tpu.memory_space<semaphore_mem>>
      %dma_start3A = arith.constant 3072 : i32
      %dma_start3A_120 = tpu.memref_slice %arg6[%run_scoped3A_24, %dma_start3A] : memref<2x10240xf32, #tpu.memory_space<hbm>> -> memref<1x1024xf32, #tpu.memory_space<hbm>>
      %dma_start3A_121 = tpu.memref_squeeze %dma_start3A_120 : memref<1x1024xf32, #tpu.memory_space<hbm>> -> memref<1024xf32, #tpu.memory_space<hbm>>
      %dma_start3A_122 = arith.constant 3072 : i32
      %dma_start3A_123 = tpu.memref_slice %arg6[%run_scoped3A_24, %dma_start3A_122] : memref<2x10240xf32, #tpu.memory_space<hbm>> -> memref<1x1024xf32, #tpu.memory_space<hbm>>
      %dma_start3A_124 = tpu.memref_squeeze %dma_start3A_123 : memref<1x1024xf32, #tpu.memory_space<hbm>> -> memref<1024xf32, #tpu.memory_space<hbm>>
      tpu.enqueue_dma source(%dma_start3A_124 : memref<1024xf32, #tpu.memory_space<hbm>>) target(%arg15 : memref<1024xf32, #tpu.memory_space<vmem>>) target_semaphore(%run_scoped3A_119 : memref<!tpu.dma_semaphore, #tpu.memory_space<semaphore_mem>>)
      %dma_wait3A = arith.constant 3072 : i32
      %dma_wait3A_125 = tpu.memref_slice %arg6[%run_scoped3A_24, %dma_wait3A] : memref<2x10240xf32, #tpu.memory_space<hbm>> -> memref<1x1024xf32, #tpu.memory_space<hbm>>
      %dma_wait3A_126 = tpu.memref_squeeze %dma_wait3A_125 : memref<1x1024xf32, #tpu.memory_space<hbm>> -> memref<1024xf32, #tpu.memory_space<hbm>>
      %dma_wait3A_127 = arith.constant 3072 : i32
      %dma_wait3A_128 = tpu.memref_slice %arg6[%run_scoped3A_24, %dma_wait3A_127] : memref<2x10240xf32, #tpu.memory_space<hbm>> -> memref<1x1024xf32, #tpu.memory_space<hbm>>
      %dma_wait3A_129 = tpu.memref_squeeze %dma_wait3A_128 : memref<1x1024xf32, #tpu.memory_space<hbm>> -> memref<1024xf32, #tpu.memory_space<hbm>>
      tpu.wait_dma2 semaphore(%run_scoped3A_119 : memref<!tpu.dma_semaphore, #tpu.memory_space<semaphore_mem>>) src(%dma_wait3A_129 : memref<1024xf32, #tpu.memory_space<hbm>>) dst(%arg15 : memref<1024xf32, #tpu.memory_space<vmem>>)
      tpu.yield
    }) : () -> ()
    %scan3A_25 = arith.constant 0 : i32
    %scan3A_26 = arith.constant 0 : i32
    %scan3A_27 = arith.constant 64 : i32
    %scan3A_28 = arith.addi %scan3A_26, %scan3A_27 : i32
    %scan3A_29 = arith.constant 1 : i32
    %scan3A_30 = scf.for %scan3A_119 = %scan3A_26 to %scan3A_28 step %scan3A_29 iter_args(%scan3A_120 = %scan3A_25) -> (i32)  : i32 {
      %mul3A_121 = arith.constant 16 : i32
      %mul3A_122 = arith.muli %scan3A_119, %mul3A_121 : i32
      %add3A_123 = arith.constant 3072 : i32
      %add3A_124 = arith.addi %add3A_123, %mul3A_122 : i32
      %get3A = arith.index_cast %add3A_124 : i32 to index
      %get3A_125 = tpu.vector_load %arg14[%get3A] {strides = array<i32>} : memref<10240xf32, #tpu.memory_space<vmem>>, vector<16xf32>,
      %mul3A_126 = arith.constant 16 : i32
      %mul3A_127 = arith.muli %scan3A_119, %mul3A_126 : i32
      %get3A_128 = arith.index_cast %mul3A_127 : i32 to index
      %get3A_129 = tpu.vector_load %arg15[%get3A_128] {strides = array<i32>} : memref<1024xf32, #tpu.memory_space<vmem>>, vector<16xf32>,
      %add3A_130 = arith.addf %get3A_125, %get3A_129 : vector<16xf32>
      %swap3A = arith.index_cast %add3A_124 : i32 to index
      %swap3A_131 = tpu.vector_load %arg14[%swap3A] {strides = array<i32>} : memref<10240xf32, #tpu.memory_space<vmem>>, vector<16xf32>,
      tpu.vector_store %arg14[%swap3A], %add3A_130 {strides = array<i32>} : memref<10240xf32, #tpu.memory_space<vmem>>, vector<16xf32>,
      %scan3A_132 = arith.constant 0 : i32
      scf.yield %scan3A_132 : i32
    }
    %scan3A_31 = arith.constant 64 : i32
    %run_scoped3A_32 = arith.constant 1 : i32
    "tpu.region"() ({
      %run_scoped3A_119 = tpu.sem_alloc : memref<!tpu.dma_semaphore, #tpu.memory_space<semaphore_mem>>
      %dma_start3A = arith.constant 4096 : i32
      %dma_start3A_120 = tpu.memref_slice %arg6[%run_scoped3A_32, %dma_start3A] : memref<2x10240xf32, #tpu.memory_space<hbm>> -> memref<1x1024xf32, #tpu.memory_space<hbm>>
      %dma_start3A_121 = tpu.memref_squeeze %dma_start3A_120 : memref<1x1024xf32, #tpu.memory_space<hbm>> -> memref<1024xf32, #tpu.memory_space<hbm>>
      %dma_start3A_122 = arith.constant 4096 : i32
      %dma_start3A_123 = tpu.memref_slice %arg6[%run_scoped3A_32, %dma_start3A_122] : memref<2x10240xf32, #tpu.memory_space<hbm>> -> memref<1x1024xf32, #tpu.memory_space<hbm>>
      %dma_start3A_124 = tpu.memref_squeeze %dma_start3A_123 : memref<1x1024xf32, #tpu.memory_space<hbm>> -> memref<1024xf32, #tpu.memory_space<hbm>>
      tpu.enqueue_dma source(%dma_start3A_124 : memref<1024xf32, #tpu.memory_space<hbm>>) target(%arg15 : memref<1024xf32, #tpu.memory_space<vmem>>) target_semaphore(%run_scoped3A_119 : memref<!tpu.dma_semaphore, #tpu.memory_space<semaphore_mem>>)
      %dma_wait3A = arith.constant 4096 : i32
      %dma_wait3A_125 = tpu.memref_slice %arg6[%run_scoped3A_32, %dma_wait3A] : memref<2x10240xf32, #tpu.memory_space<hbm>> -> memref<1x1024xf32, #tpu.memory_space<hbm>>
      %dma_wait3A_126 = tpu.memref_squeeze %dma_wait3A_125 : memref<1x1024xf32, #tpu.memory_space<hbm>> -> memref<1024xf32, #tpu.memory_space<hbm>>
      %dma_wait3A_127 = arith.constant 4096 : i32
      %dma_wait3A_128 = tpu.memref_slice %arg6[%run_scoped3A_32, %dma_wait3A_127] : memref<2x10240xf32, #tpu.memory_space<hbm>> -> memref<1x1024xf32, #tpu.memory_space<hbm>>
      %dma_wait3A_129 = tpu.memref_squeeze %dma_wait3A_128 : memref<1x1024xf32, #tpu.memory_space<hbm>> -> memref<1024xf32, #tpu.memory_space<hbm>>
      tpu.wait_dma2 semaphore(%run_scoped3A_119 : memref<!tpu.dma_semaphore, #tpu.memory_space<semaphore_mem>>) src(%dma_wait3A_129 : memref<1024xf32, #tpu.memory_space<hbm>>) dst(%arg15 : memref<1024xf32, #tpu.memory_space<vmem>>)
      tpu.yield
    }) : () -> ()
    %scan3A_33 = arith.constant 0 : i32
    %scan3A_34 = arith.constant 0 : i32
    %scan3A_35 = arith.constant 64 : i32
    %scan3A_36 = arith.addi %scan3A_34, %scan3A_35 : i32
    %scan3A_37 = arith.constant 1 : i32
    %scan3A_38 = scf.for %scan3A_119 = %scan3A_34 to %scan3A_36 step %scan3A_37 iter_args(%scan3A_120 = %scan3A_33) -> (i32)  : i32 {
      %mul3A_121 = arith.constant 16 : i32
      %mul3A_122 = arith.muli %scan3A_119, %mul3A_121 : i32
      %add3A_123 = arith.constant 4096 : i32
      %add3A_124 = arith.addi %add3A_123, %mul3A_122 : i32
      %get3A = arith.index_cast %add3A_124 : i32 to index
      %get3A_125 = tpu.vector_load %arg14[%get3A] {strides = array<i32>} : memref<10240xf32, #tpu.memory_space<vmem>>, vector<16xf32>,
      %mul3A_126 = arith.constant 16 : i32
      %mul3A_127 = arith.muli %scan3A_119, %mul3A_126 : i32
      %get3A_128 = arith.index_cast %mul3A_127 : i32 to index
      %get3A_129 = tpu.vector_load %arg15[%get3A_128] {strides = array<i32>} : memref<1024xf32, #tpu.memory_space<vmem>>, vector<16xf32>,
      %add3A_130 = arith.addf %get3A_125, %get3A_129 : vector<16xf32>
      %swap3A = arith.index_cast %add3A_124 : i32 to index
      %swap3A_131 = tpu.vector_load %arg14[%swap3A] {strides = array<i32>} : memref<10240xf32, #tpu.memory_space<vmem>>, vector<16xf32>,
      tpu.vector_store %arg14[%swap3A], %add3A_130 {strides = array<i32>} : memref<10240xf32, #tpu.memory_space<vmem>>, vector<16xf32>,
      %scan3A_132 = arith.constant 0 : i32
      scf.yield %scan3A_132 : i32
    }
    %scan3A_39 = arith.constant 64 : i32
    %run_scoped3A_40 = arith.constant 1 : i32
    "tpu.region"() ({
      %run_scoped3A_119 = tpu.sem_alloc : memref<!tpu.dma_semaphore, #tpu.memory_space<semaphore_mem>>
      %dma_start3A = arith.constant 5120 : i32
      %dma_start3A_120 = tpu.memref_slice %arg6[%run_scoped3A_40, %dma_start3A] : memref<2x10240xf32, #tpu.memory_space<hbm>> -> memref<1x1024xf32, #tpu.memory_space<hbm>>
      %dma_start3A_121 = tpu.memref_squeeze %dma_start3A_120 : memref<1x1024xf32, #tpu.memory_space<hbm>> -> memref<1024xf32, #tpu.memory_space<hbm>>
      %dma_start3A_122 = arith.constant 5120 : i32
      %dma_start3A_123 = tpu.memref_slice %arg6[%run_scoped3A_40, %dma_start3A_122] : memref<2x10240xf32, #tpu.memory_space<hbm>> -> memref<1x1024xf32, #tpu.memory_space<hbm>>
      %dma_start3A_124 = tpu.memref_squeeze %dma_start3A_123 : memref<1x1024xf32, #tpu.memory_space<hbm>> -> memref<1024xf32, #tpu.memory_space<hbm>>
      tpu.enqueue_dma source(%dma_start3A_124 : memref<1024xf32, #tpu.memory_space<hbm>>) target(%arg15 : memref<1024xf32, #tpu.memory_space<vmem>>) target_semaphore(%run_scoped3A_119 : memref<!tpu.dma_semaphore, #tpu.memory_space<semaphore_mem>>)
      %dma_wait3A = arith.constant 5120 : i32
      %dma_wait3A_125 = tpu.memref_slice %arg6[%run_scoped3A_40, %dma_wait3A] : memref<2x10240xf32, #tpu.memory_space<hbm>> -> memref<1x1024xf32, #tpu.memory_space<hbm>>
      %dma_wait3A_126 = tpu.memref_squeeze %dma_wait3A_125 : memref<1x1024xf32, #tpu.memory_space<hbm>> -> memref<1024xf32, #tpu.memory_space<hbm>>
      %dma_wait3A_127 = arith.constant 5120 : i32
      %dma_wait3A_128 = tpu.memref_slice %arg6[%run_scoped3A_40, %dma_wait3A_127] : memref<2x10240xf32, #tpu.memory_space<hbm>> -> memref<1x1024xf32, #tpu.memory_space<hbm>>
      %dma_wait3A_129 = tpu.memref_squeeze %dma_wait3A_128 : memref<1x1024xf32, #tpu.memory_space<hbm>> -> memref<1024xf32, #tpu.memory_space<hbm>>
      tpu.wait_dma2 semaphore(%run_scoped3A_119 : memref<!tpu.dma_semaphore, #tpu.memory_space<semaphore_mem>>) src(%dma_wait3A_129 : memref<1024xf32, #tpu.memory_space<hbm>>) dst(%arg15 : memref<1024xf32, #tpu.memory_space<vmem>>)
      tpu.yield
    }) : () -> ()
    %scan3A_41 = arith.constant 0 : i32
    %scan3A_42 = arith.constant 0 : i32
    %scan3A_43 = arith.constant 64 : i32
    %scan3A_44 = arith.addi %scan3A_42, %scan3A_43 : i32
    %scan3A_45 = arith.constant 1 : i32
    %scan3A_46 = scf.for %scan3A_119 = %scan3A_42 to %scan3A_44 step %scan3A_45 iter_args(%scan3A_120 = %scan3A_41) -> (i32)  : i32 {
      %mul3A_121 = arith.constant 16 : i32
      %mul3A_122 = arith.muli %scan3A_119, %mul3A_121 : i32
      %add3A_123 = arith.constant 5120 : i32
      %add3A_124 = arith.addi %add3A_123, %mul3A_122 : i32
      %get3A = arith.index_cast %add3A_124 : i32 to index
      %get3A_125 = tpu.vector_load %arg14[%get3A] {strides = array<i32>} : memref<10240xf32, #tpu.memory_space<vmem>>, vector<16xf32>,
      %mul3A_126 = arith.constant 16 : i32
      %mul3A_127 = arith.muli %scan3A_119, %mul3A_126 : i32
      %get3A_128 = arith.index_cast %mul3A_127 : i32 to index
      %get3A_129 = tpu.vector_load %arg15[%get3A_128] {strides = array<i32>} : memref<1024xf32, #tpu.memory_space<vmem>>, vector<16xf32>,
      %add3A_130 = arith.addf %get3A_125, %get3A_129 : vector<16xf32>
      %swap3A = arith.index_cast %add3A_124 : i32 to index
      %swap3A_131 = tpu.vector_load %arg14[%swap3A] {strides = array<i32>} : memref<10240xf32, #tpu.memory_space<vmem>>, vector<16xf32>,
      tpu.vector_store %arg14[%swap3A], %add3A_130 {strides = array<i32>} : memref<10240xf32, #tpu.memory_space<vmem>>, vector<16xf32>,
      %scan3A_132 = arith.constant 0 : i32
      scf.yield %scan3A_132 : i32
    }
    %scan3A_47 = arith.constant 64 : i32
    %run_scoped3A_48 = arith.constant 1 : i32
    "tpu.region"() ({
      %run_scoped3A_119 = tpu.sem_alloc : memref<!tpu.dma_semaphore, #tpu.memory_space<semaphore_mem>>
      %dma_start3A = arith.constant 6144 : i32
      %dma_start3A_120 = tpu.memref_slice %arg6[%run_scoped3A_48, %dma_start3A] : memref<2x10240xf32, #tpu.memory_space<hbm>> -> memref<1x1024xf32, #tpu.memory_space<hbm>>
      %dma_start3A_121 = tpu.memref_squeeze %dma_start3A_120 : memref<1x1024xf32, #tpu.memory_space<hbm>> -> memref<1024xf32, #tpu.memory_space<hbm>>
      %dma_start3A_122 = arith.constant 6144 : i32
      %dma_start3A_123 = tpu.memref_slice %arg6[%run_scoped3A_48, %dma_start3A_122] : memref<2x10240xf32, #tpu.memory_space<hbm>> -> memref<1x1024xf32, #tpu.memory_space<hbm>>
      %dma_start3A_124 = tpu.memref_squeeze %dma_start3A_123 : memref<1x1024xf32, #tpu.memory_space<hbm>> -> memref<1024xf32, #tpu.memory_space<hbm>>
      tpu.enqueue_dma source(%dma_start3A_124 : memref<1024xf32, #tpu.memory_space<hbm>>) target(%arg15 : memref<1024xf32, #tpu.memory_space<vmem>>) target_semaphore(%run_scoped3A_119 : memref<!tpu.dma_semaphore, #tpu.memory_space<semaphore_mem>>)
      %dma_wait3A = arith.constant 6144 : i32
      %dma_wait3A_125 = tpu.memref_slice %arg6[%run_scoped3A_48, %dma_wait3A] : memref<2x10240xf32, #tpu.memory_space<hbm>> -> memref<1x1024xf32, #tpu.memory_space<hbm>>
      %dma_wait3A_126 = tpu.memref_squeeze %dma_wait3A_125 : memref<1x1024xf32, #tpu.memory_space<hbm>> -> memref<1024xf32, #tpu.memory_space<hbm>>
      %dma_wait3A_127 = arith.constant 6144 : i32
      %dma_wait3A_128 = tpu.memref_slice %arg6[%run_scoped3A_48, %dma_wait3A_127] : memref<2x10240xf32, #tpu.memory_space<hbm>> -> memref<1x1024xf32, #tpu.memory_space<hbm>>
      %dma_wait3A_129 = tpu.memref_squeeze %dma_wait3A_128 : memref<1x1024xf32, #tpu.memory_space<hbm>> -> memref<1024xf32, #tpu.memory_space<hbm>>
      tpu.wait_dma2 semaphore(%run_scoped3A_119 : memref<!tpu.dma_semaphore, #tpu.memory_space<semaphore_mem>>) src(%dma_wait3A_129 : memref<1024xf32, #tpu.memory_space<hbm>>) dst(%arg15 : memref<1024xf32, #tpu.memory_space<vmem>>)
      tpu.yield
    }) : () -> ()
    %scan3A_49 = arith.constant 0 : i32
    %scan3A_50 = arith.constant 0 : i32
    %scan3A_51 = arith.constant 64 : i32
    %scan3A_52 = arith.addi %scan3A_50, %scan3A_51 : i32
    %scan3A_53 = arith.constant 1 : i32
    %scan3A_54 = scf.for %scan3A_119 = %scan3A_50 to %scan3A_52 step %scan3A_53 iter_args(%scan3A_120 = %scan3A_49) -> (i32)  : i32 {
      %mul3A_121 = arith.constant 16 : i32
      %mul3A_122 = arith.muli %scan3A_119, %mul3A_121 : i32
      %add3A_123 = arith.constant 6144 : i32
      %add3A_124 = arith.addi %add3A_123, %mul3A_122 : i32
      %get3A = arith.index_cast %add3A_124 : i32 to index
      %get3A_125 = tpu.vector_load %arg14[%get3A] {strides = array<i32>} : memref<10240xf32, #tpu.memory_space<vmem>>, vector<16xf32>,
      %mul3A_126 = arith.constant 16 : i32
      %mul3A_127 = arith.muli %scan3A_119, %mul3A_126 : i32
      %get3A_128 = arith.index_cast %mul3A_127 : i32 to index
      %get3A_129 = tpu.vector_load %arg15[%get3A_128] {strides = array<i32>} : memref<1024xf32, #tpu.memory_space<vmem>>, vector<16xf32>,
      %add3A_130 = arith.addf %get3A_125, %get3A_129 : vector<16xf32>
      %swap3A = arith.index_cast %add3A_124 : i32 to index
      %swap3A_131 = tpu.vector_load %arg14[%swap3A] {strides = array<i32>} : memref<10240xf32, #tpu.memory_space<vmem>>, vector<16xf32>,
      tpu.vector_store %arg14[%swap3A], %add3A_130 {strides = array<i32>} : memref<10240xf32, #tpu.memory_space<vmem>>, vector<16xf32>,
      %scan3A_132 = arith.constant 0 : i32
      scf.yield %scan3A_132 : i32
    }
    %scan3A_55 = arith.constant 64 : i32
    %run_scoped3A_56 = arith.constant 1 : i32
    "tpu.region"() ({
      %run_scoped3A_119 = tpu.sem_alloc : memref<!tpu.dma_semaphore, #tpu.memory_space<semaphore_mem>>
      %dma_start3A = arith.constant 7168 : i32
      %dma_start3A_120 = tpu.memref_slice %arg6[%run_scoped3A_56, %dma_start3A] : memref<2x10240xf32, #tpu.memory_space<hbm>> -> memref<1x1024xf32, #tpu.memory_space<hbm>>
      %dma_start3A_121 = tpu.memref_squeeze %dma_start3A_120 : memref<1x1024xf32, #tpu.memory_space<hbm>> -> memref<1024xf32, #tpu.memory_space<hbm>>
      %dma_start3A_122 = arith.constant 7168 : i32
      %dma_start3A_123 = tpu.memref_slice %arg6[%run_scoped3A_56, %dma_start3A_122] : memref<2x10240xf32, #tpu.memory_space<hbm>> -> memref<1x1024xf32, #tpu.memory_space<hbm>>
      %dma_start3A_124 = tpu.memref_squeeze %dma_start3A_123 : memref<1x1024xf32, #tpu.memory_space<hbm>> -> memref<1024xf32, #tpu.memory_space<hbm>>
      tpu.enqueue_dma source(%dma_start3A_124 : memref<1024xf32, #tpu.memory_space<hbm>>) target(%arg15 : memref<1024xf32, #tpu.memory_space<vmem>>) target_semaphore(%run_scoped3A_119 : memref<!tpu.dma_semaphore, #tpu.memory_space<semaphore_mem>>)
      %dma_wait3A = arith.constant 7168 : i32
      %dma_wait3A_125 = tpu.memref_slice %arg6[%run_scoped3A_56, %dma_wait3A] : memref<2x10240xf32, #tpu.memory_space<hbm>> -> memref<1x1024xf32, #tpu.memory_space<hbm>>
      %dma_wait3A_126 = tpu.memref_squeeze %dma_wait3A_125 : memref<1x1024xf32, #tpu.memory_space<hbm>> -> memref<1024xf32, #tpu.memory_space<hbm>>
      %dma_wait3A_127 = arith.constant 7168 : i32
      %dma_wait3A_128 = tpu.memref_slice %arg6[%run_scoped3A_56, %dma_wait3A_127] : memref<2x10240xf32, #tpu.memory_space<hbm>> -> memref<1x1024xf32, #tpu.memory_space<hbm>>
      %dma_wait3A_129 = tpu.memref_squeeze %dma_wait3A_128 : memref<1x1024xf32, #tpu.memory_space<hbm>> -> memref<1024xf32, #tpu.memory_space<hbm>>
      tpu.wait_dma2 semaphore(%run_scoped3A_119 : memref<!tpu.dma_semaphore, #tpu.memory_space<semaphore_mem>>) src(%dma_wait3A_129 : memref<1024xf32, #tpu.memory_space<hbm>>) dst(%arg15 : memref<1024xf32, #tpu.memory_space<vmem>>)
      tpu.yield
    }) : () -> ()
    %scan3A_57 = arith.constant 0 : i32
    %scan3A_58 = arith.constant 0 : i32
    %scan3A_59 = arith.constant 64 : i32
    %scan3A_60 = arith.addi %scan3A_58, %scan3A_59 : i32
    %scan3A_61 = arith.constant 1 : i32
    %scan3A_62 = scf.for %scan3A_119 = %scan3A_58 to %scan3A_60 step %scan3A_61 iter_args(%scan3A_120 = %scan3A_57) -> (i32)  : i32 {
      %mul3A_121 = arith.constant 16 : i32
      %mul3A_122 = arith.muli %scan3A_119, %mul3A_121 : i32
      %add3A_123 = arith.constant 7168 : i32
      %add3A_124 = arith.addi %add3A_123, %mul3A_122 : i32
      %get3A = arith.index_cast %add3A_124 : i32 to index
      %get3A_125 = tpu.vector_load %arg14[%get3A] {strides = array<i32>} : memref<10240xf32, #tpu.memory_space<vmem>>, vector<16xf32>,
      %mul3A_126 = arith.constant 16 : i32
      %mul3A_127 = arith.muli %scan3A_119, %mul3A_126 : i32
      %get3A_128 = arith.index_cast %mul3A_127 : i32 to index
      %get3A_129 = tpu.vector_load %arg15[%get3A_128] {strides = array<i32>} : memref<1024xf32, #tpu.memory_space<vmem>>, vector<16xf32>,
      %add3A_130 = arith.addf %get3A_125, %get3A_129 : vector<16xf32>
      %swap3A = arith.index_cast %add3A_124 : i32 to index
      %swap3A_131 = tpu.vector_load %arg14[%swap3A] {strides = array<i32>} : memref<10240xf32, #tpu.memory_space<vmem>>, vector<16xf32>,
      tpu.vector_store %arg14[%swap3A], %add3A_130 {strides = array<i32>} : memref<10240xf32, #tpu.memory_space<vmem>>, vector<16xf32>,
      %scan3A_132 = arith.constant 0 : i32
      scf.yield %scan3A_132 : i32
    }
    %scan3A_63 = arith.constant 64 : i32
    %run_scoped3A_64 = arith.constant 1 : i32
    "tpu.region"() ({
      %run_scoped3A_119 = tpu.sem_alloc : memref<!tpu.dma_semaphore, #tpu.memory_space<semaphore_mem>>
      %dma_start3A = arith.constant 8192 : i32
      %dma_start3A_120 = tpu.memref_slice %arg6[%run_scoped3A_64, %dma_start3A] : memref<2x10240xf32, #tpu.memory_space<hbm>> -> memref<1x1024xf32, #tpu.memory_space<hbm>>
      %dma_start3A_121 = tpu.memref_squeeze %dma_start3A_120 : memref<1x1024xf32, #tpu.memory_space<hbm>> -> memref<1024xf32, #tpu.memory_space<hbm>>
      %dma_start3A_122 = arith.constant 8192 : i32
      %dma_start3A_123 = tpu.memref_slice %arg6[%run_scoped3A_64, %dma_start3A_122] : memref<2x10240xf32, #tpu.memory_space<hbm>> -> memref<1x1024xf32, #tpu.memory_space<hbm>>
      %dma_start3A_124 = tpu.memref_squeeze %dma_start3A_123 : memref<1x1024xf32, #tpu.memory_space<hbm>> -> memref<1024xf32, #tpu.memory_space<hbm>>
      tpu.enqueue_dma source(%dma_start3A_124 : memref<1024xf32, #tpu.memory_space<hbm>>) target(%arg15 : memref<1024xf32, #tpu.memory_space<vmem>>) target_semaphore(%run_scoped3A_119 : memref<!tpu.dma_semaphore, #tpu.memory_space<semaphore_mem>>)
      %dma_wait3A = arith.constant 8192 : i32
      %dma_wait3A_125 = tpu.memref_slice %arg6[%run_scoped3A_64, %dma_wait3A] : memref<2x10240xf32, #tpu.memory_space<hbm>> -> memref<1x1024xf32, #tpu.memory_space<hbm>>
      %dma_wait3A_126 = tpu.memref_squeeze %dma_wait3A_125 : memref<1x1024xf32, #tpu.memory_space<hbm>> -> memref<1024xf32, #tpu.memory_space<hbm>>
      %dma_wait3A_127 = arith.constant 8192 : i32
      %dma_wait3A_128 = tpu.memref_slice %arg6[%run_scoped3A_64, %dma_wait3A_127] : memref<2x10240xf32, #tpu.memory_space<hbm>> -> memref<1x1024xf32, #tpu.memory_space<hbm>>
      %dma_wait3A_129 = tpu.memref_squeeze %dma_wait3A_128 : memref<1x1024xf32, #tpu.memory_space<hbm>> -> memref<1024xf32, #tpu.memory_space<hbm>>
      tpu.wait_dma2 semaphore(%run_scoped3A_119 : memref<!tpu.dma_semaphore, #tpu.memory_space<semaphore_mem>>) src(%dma_wait3A_129 : memref<1024xf32, #tpu.memory_space<hbm>>) dst(%arg15 : memref<1024xf32, #tpu.memory_space<vmem>>)
      tpu.yield
    }) : () -> ()
    %scan3A_65 = arith.constant 0 : i32
    %scan3A_66 = arith.constant 0 : i32
    %scan3A_67 = arith.constant 64 : i32
    %scan3A_68 = arith.addi %scan3A_66, %scan3A_67 : i32
    %scan3A_69 = arith.constant 1 : i32
    %scan3A_70 = scf.for %scan3A_119 = %scan3A_66 to %scan3A_68 step %scan3A_69 iter_args(%scan3A_120 = %scan3A_65) -> (i32)  : i32 {
      %mul3A_121 = arith.constant 16 : i32
      %mul3A_122 = arith.muli %scan3A_119, %mul3A_121 : i32
      %add3A_123 = arith.constant 8192 : i32
      %add3A_124 = arith.addi %add3A_123, %mul3A_122 : i32
      %get3A = arith.index_cast %add3A_124 : i32 to index
      %get3A_125 = tpu.vector_load %arg14[%get3A] {strides = array<i32>} : memref<10240xf32, #tpu.memory_space<vmem>>, vector<16xf32>,
      %mul3A_126 = arith.constant 16 : i32
      %mul3A_127 = arith.muli %scan3A_119, %mul3A_126 : i32
      %get3A_128 = arith.index_cast %mul3A_127 : i32 to index
      %get3A_129 = tpu.vector_load %arg15[%get3A_128] {strides = array<i32>} : memref<1024xf32, #tpu.memory_space<vmem>>, vector<16xf32>,
      %add3A_130 = arith.addf %get3A_125, %get3A_129 : vector<16xf32>
      %swap3A = arith.index_cast %add3A_124 : i32 to index
      %swap3A_131 = tpu.vector_load %arg14[%swap3A] {strides = array<i32>} : memref<10240xf32, #tpu.memory_space<vmem>>, vector<16xf32>,
      tpu.vector_store %arg14[%swap3A], %add3A_130 {strides = array<i32>} : memref<10240xf32, #tpu.memory_space<vmem>>, vector<16xf32>,
      %scan3A_132 = arith.constant 0 : i32
      scf.yield %scan3A_132 : i32
    }
    %scan3A_71 = arith.constant 64 : i32
    %run_scoped3A_72 = arith.constant 1 : i32
    "tpu.region"() ({
      %run_scoped3A_119 = tpu.sem_alloc : memref<!tpu.dma_semaphore, #tpu.memory_space<semaphore_mem>>
      %dma_start3A = arith.constant 9216 : i32
      %dma_start3A_120 = tpu.memref_slice %arg6[%run_scoped3A_72, %dma_start3A] : memref<2x10240xf32, #tpu.memory_space<hbm>> -> memref<1x1024xf32, #tpu.memory_space<hbm>>
      %dma_start3A_121 = tpu.memref_squeeze %dma_start3A_120 : memref<1x1024xf32, #tpu.memory_space<hbm>> -> memref<1024xf32, #tpu.memory_space<hbm>>
      %dma_start3A_122 = arith.constant 9216 : i32
      %dma_start3A_123 = tpu.memref_slice %arg6[%run_scoped3A_72, %dma_start3A_122] : memref<2x10240xf32, #tpu.memory_space<hbm>> -> memref<1x1024xf32, #tpu.memory_space<hbm>>
      %dma_start3A_124 = tpu.memref_squeeze %dma_start3A_123 : memref<1x1024xf32, #tpu.memory_space<hbm>> -> memref<1024xf32, #tpu.memory_space<hbm>>
      tpu.enqueue_dma source(%dma_start3A_124 : memref<1024xf32, #tpu.memory_space<hbm>>) target(%arg15 : memref<1024xf32, #tpu.memory_space<vmem>>) target_semaphore(%run_scoped3A_119 : memref<!tpu.dma_semaphore, #tpu.memory_space<semaphore_mem>>)
      %dma_wait3A = arith.constant 9216 : i32
      %dma_wait3A_125 = tpu.memref_slice %arg6[%run_scoped3A_72, %dma_wait3A] : memref<2x10240xf32, #tpu.memory_space<hbm>> -> memref<1x1024xf32, #tpu.memory_space<hbm>>
      %dma_wait3A_126 = tpu.memref_squeeze %dma_wait3A_125 : memref<1x1024xf32, #tpu.memory_space<hbm>> -> memref<1024xf32, #tpu.memory_space<hbm>>
      %dma_wait3A_127 = arith.constant 9216 : i32
      %dma_wait3A_128 = tpu.memref_slice %arg6[%run_scoped3A_72, %dma_wait3A_127] : memref<2x10240xf32, #tpu.memory_space<hbm>> -> memref<1x1024xf32, #tpu.memory_space<hbm>>
      %dma_wait3A_129 = tpu.memref_squeeze %dma_wait3A_128 : memref<1x1024xf32, #tpu.memory_space<hbm>> -> memref<1024xf32, #tpu.memory_space<hbm>>
      tpu.wait_dma2 semaphore(%run_scoped3A_119 : memref<!tpu.dma_semaphore, #tpu.memory_space<semaphore_mem>>) src(%dma_wait3A_129 : memref<1024xf32, #tpu.memory_space<hbm>>) dst(%arg15 : memref<1024xf32, #tpu.memory_space<vmem>>)
      tpu.yield
    }) : () -> ()
    %scan3A_73 = arith.constant 0 : i32
    %scan3A_74 = arith.constant 0 : i32
    %scan3A_75 = arith.constant 64 : i32
    %scan3A_76 = arith.addi %scan3A_74, %scan3A_75 : i32
    %scan3A_77 = arith.constant 1 : i32
    %scan3A_78 = scf.for %scan3A_119 = %scan3A_74 to %scan3A_76 step %scan3A_77 iter_args(%scan3A_120 = %scan3A_73) -> (i32)  : i32 {
      %mul3A_121 = arith.constant 16 : i32
      %mul3A_122 = arith.muli %scan3A_119, %mul3A_121 : i32
      %add3A_123 = arith.constant 9216 : i32
      %add3A_124 = arith.addi %add3A_123, %mul3A_122 : i32
      %get3A = arith.index_cast %add3A_124 : i32 to index
      %get3A_125 = tpu.vector_load %arg14[%get3A] {strides = array<i32>} : memref<10240xf32, #tpu.memory_space<vmem>>, vector<16xf32>,
      %mul3A_126 = arith.constant 16 : i32
      %mul3A_127 = arith.muli %scan3A_119, %mul3A_126 : i32
      %get3A_128 = arith.index_cast %mul3A_127 : i32 to index
      %get3A_129 = tpu.vector_load %arg15[%get3A_128] {strides = array<i32>} : memref<1024xf32, #tpu.memory_space<vmem>>, vector<16xf32>,
      %add3A_130 = arith.addf %get3A_125, %get3A_129 : vector<16xf32>
      %swap3A = arith.index_cast %add3A_124 : i32 to index
      %swap3A_131 = tpu.vector_load %arg14[%swap3A] {strides = array<i32>} : memref<10240xf32, #tpu.memory_space<vmem>>, vector<16xf32>,
      tpu.vector_store %arg14[%swap3A], %add3A_130 {strides = array<i32>} : memref<10240xf32, #tpu.memory_space<vmem>>, vector<16xf32>,
      %scan3A_132 = arith.constant 0 : i32
      scf.yield %scan3A_132 : i32
    }
    %scan3A_79 = arith.constant 64 : i32
    %scan3A_80 = arith.constant 0 : i32
    %scan3A_81 = arith.constant 0 : i32
    %scan3A_82 = arith.constant 128 : i32
    %scan3A_83 = arith.addi %scan3A_81, %scan3A_82 : i32
    %scan3A_84 = arith.constant 1 : i32
    %scan3A_85 = scf.for %scan3A_119 = %scan3A_81 to %scan3A_83 step %scan3A_84 iter_args(%scan3A_120 = %scan3A_80) -> (i32)  : i32 {
      %broadcast_in_dim3A = arith.constant 0.000000e+00 : f32
      %broadcast_in_dim3A_121 = vector.broadcast %broadcast_in_dim3A : f32 to vector<16xf32>
      %swap3A = arith.index_cast %scan3A_119 : i32 to index
      %swap3A_122 = arith.constant 0 : index
      %swap3A_123 = tpu.vector_load %arg16[%swap3A, %swap3A_122] {strides = array<i32>} : memref<128x128xf32, #tpu.memory_space<vmem>>, vector<16xf32>,
      tpu.vector_store %arg16[%swap3A, %swap3A_122], %broadcast_in_dim3A_121 {strides = array<i32>} : memref<128x128xf32, #tpu.memory_space<vmem>>, vector<16xf32>,
      %broadcast_in_dim3A_124 = arith.constant 0.000000e+00 : f32
      %broadcast_in_dim3A_125 = vector.broadcast %broadcast_in_dim3A_124 : f32 to vector<16xf32>
      %swap3A_126 = arith.index_cast %scan3A_119 : i32 to index
      %swap3A_127 = arith.constant 16 : index
      %swap3A_128 = tpu.vector_load %arg16[%swap3A_126, %swap3A_127] {strides = array<i32>} : memref<128x128xf32, #tpu.memory_space<vmem>>, vector<16xf32>,
      tpu.vector_store %arg16[%swap3A_126, %swap3A_127], %broadcast_in_dim3A_125 {strides = array<i32>} : memref<128x128xf32, #tpu.memory_space<vmem>>, vector<16xf32>,
      %broadcast_in_dim3A_129 = arith.constant 0.000000e+00 : f32
      %broadcast_in_dim3A_130 = vector.broadcast %broadcast_in_dim3A_129 : f32 to vector<16xf32>
      %swap3A_131 = arith.index_cast %scan3A_119 : i32 to index
      %swap3A_132 = arith.constant 32 : index
      %swap3A_133 = tpu.vector_load %arg16[%swap3A_131, %swap3A_132] {strides = array<i32>} : memref<128x128xf32, #tpu.memory_space<vmem>>, vector<16xf32>,
      tpu.vector_store %arg16[%swap3A_131, %swap3A_132], %broadcast_in_dim3A_130 {strides = array<i32>} : memref<128x128xf32, #tpu.memory_space<vmem>>, vector<16xf32>,
      %broadcast_in_dim3A_134 = arith.constant 0.000000e+00 : f32
      %broadcast_in_dim3A_135 = vector.broadcast %broadcast_in_dim3A_134 : f32 to vector<16xf32>
      %swap3A_136 = arith.index_cast %scan3A_119 : i32 to index
      %swap3A_137 = arith.constant 48 : index
      %swap3A_138 = tpu.vector_load %arg16[%swap3A_136, %swap3A_137] {strides = array<i32>} : memref<128x128xf32, #tpu.memory_space<vmem>>, vector<16xf32>,
      tpu.vector_store %arg16[%swap3A_136, %swap3A_137], %broadcast_in_dim3A_135 {strides = array<i32>} : memref<128x128xf32, #tpu.memory_space<vmem>>, vector<16xf32>,
      %broadcast_in_dim3A_139 = arith.constant 0.000000e+00 : f32
      %broadcast_in_dim3A_140 = vector.broadcast %broadcast_in_dim3A_139 : f32 to vector<16xf32>
      %swap3A_141 = arith.index_cast %scan3A_119 : i32 to index
      %swap3A_142 = arith.constant 64 : index
      %swap3A_143 = tpu.vector_load %arg16[%swap3A_141, %swap3A_142] {strides = array<i32>} : memref<128x128xf32, #tpu.memory_space<vmem>>, vector<16xf32>,
      tpu.vector_store %arg16[%swap3A_141, %swap3A_142], %broadcast_in_dim3A_140 {strides = array<i32>} : memref<128x128xf32, #tpu.memory_space<vmem>>, vector<16xf32>,
      %broadcast_in_dim3A_144 = arith.constant 0.000000e+00 : f32
      %broadcast_in_dim3A_145 = vector.broadcast %broadcast_in_dim3A_144 : f32 to vector<16xf32>
      %swap3A_146 = arith.index_cast %scan3A_119 : i32 to index
      %swap3A_147 = arith.constant 80 : index
      %swap3A_148 = tpu.vector_load %arg16[%swap3A_146, %swap3A_147] {strides = array<i32>} : memref<128x128xf32, #tpu.memory_space<vmem>>, vector<16xf32>,
      tpu.vector_store %arg16[%swap3A_146, %swap3A_147], %broadcast_in_dim3A_145 {strides = array<i32>} : memref<128x128xf32, #tpu.memory_space<vmem>>, vector<16xf32>,
      %broadcast_in_dim3A_149 = arith.constant 0.000000e+00 : f32
      %broadcast_in_dim3A_150 = vector.broadcast %broadcast_in_dim3A_149 : f32 to vector<16xf32>
      %swap3A_151 = arith.index_cast %scan3A_119 : i32 to index
      %swap3A_152 = arith.constant 96 : index
      %swap3A_153 = tpu.vector_load %arg16[%swap3A_151, %swap3A_152] {strides = array<i32>} : memref<128x128xf32, #tpu.memory_space<vmem>>, vector<16xf32>,
      tpu.vector_store %arg16[%swap3A_151, %swap3A_152], %broadcast_in_dim3A_150 {strides = array<i32>} : memref<128x128xf32, #tpu.memory_space<vmem>>, vector<16xf32>,
      %broadcast_in_dim3A_154 = arith.constant 0.000000e+00 : f32
      %broadcast_in_dim3A_155 = vector.broadcast %broadcast_in_dim3A_154 : f32 to vector<16xf32>
      %swap3A_156 = arith.index_cast %scan3A_119 : i32 to index
      %swap3A_157 = arith.constant 112 : index
      %swap3A_158 = tpu.vector_load %arg16[%swap3A_156, %swap3A_157] {strides = array<i32>} : memref<128x128xf32, #tpu.memory_space<vmem>>, vector<16xf32>,
      tpu.vector_store %arg16[%swap3A_156, %swap3A_157], %broadcast_in_dim3A_155 {strides = array<i32>} : memref<128x128xf32, #tpu.memory_space<vmem>>, vector<16xf32>,
      %scan3A_159 = arith.constant 0 : i32
      scf.yield %scan3A_159 : i32
    }
    %scan3A_86 = arith.constant 128 : i32
    %mul3A_87 = arith.constant 632 : i32
    %mul3A_88 = arith.muli %arg1, %mul3A_87 : i32
    %add3A_89 = arith.constant 0 : i32
    %add3A_90 = arith.addi %mul3A_88, %add3A_89 : i32
    "tpu.region"() ({
      %run_scoped3A_119 = tpu.sem_alloc : memref<!tpu.dma_semaphore, #tpu.memory_space<semaphore_mem>>
      %dma_start3A = arith.constant 0 : i32
      %dma_start3A_120 = arith.constant 0 : i32
      %dma_start3A_121 = tpu.memref_slice %arg16[%dma_start3A, %dma_start3A_120] : memref<128x128xf32, #tpu.memory_space<vmem>> -> memref<128x128xf32, #tpu.memory_space<vmem>>
      %dma_start3A_122 = arith.constant 0 : i32
      %dma_start3A_123 = tpu.memref_slice %arg20[%add3A_90, %dma_start3A_122] : memref<10112x128xf32, #tpu.memory_space<vmem_shared>> -> memref<128x128xf32, #tpu.memory_space<vmem_shared>>
      %dma_start3A_124 = arith.constant 0 : i32
      %dma_start3A_125 = tpu.memref_slice %arg20[%add3A_90, %dma_start3A_124] : memref<10112x128xf32, #tpu.memory_space<vmem_shared>> -> memref<128x128xf32, #tpu.memory_space<vmem_shared>>
      %dma_start3A_126 = arith.constant 0 : i32
      %dma_start3A_127 = arith.constant 0 : i32
      %dma_start3A_128 = tpu.memref_slice %arg16[%dma_start3A_126, %dma_start3A_127] : memref<128x128xf32, #tpu.memory_space<vmem>> -> memref<128x128xf32, #tpu.memory_space<vmem>>
      tpu.enqueue_dma source(%dma_start3A_128 : memref<128x128xf32, #tpu.memory_space<vmem>>) target(%dma_start3A_125 : memref<128x128xf32, #tpu.memory_space<vmem_shared>>) target_semaphore(%run_scoped3A_119 : memref<!tpu.dma_semaphore, #tpu.memory_space<semaphore_mem>>)
      %dma_wait3A = arith.constant 0 : i32
      %dma_wait3A_129 = arith.constant 0 : i32
      %dma_wait3A_130 = tpu.memref_slice %arg16[%dma_wait3A, %dma_wait3A_129] : memref<128x128xf32, #tpu.memory_space<vmem>> -> memref<128x128xf32, #tpu.memory_space<vmem>>
      %dma_wait3A_131 = arith.constant 0 : i32
      %dma_wait3A_132 = tpu.memref_slice %arg20[%add3A_90, %dma_wait3A_131] : memref<10112x128xf32, #tpu.memory_space<vmem_shared>> -> memref<128x128xf32, #tpu.memory_space<vmem_shared>>
      %dma_wait3A_133 = arith.constant 0 : i32
      %dma_wait3A_134 = tpu.memref_slice %arg20[%add3A_90, %dma_wait3A_133] : memref<10112x128xf32, #tpu.memory_space<vmem_shared>> -> memref<128x128xf32, #tpu.memory_space<vmem_shared>>
      %dma_wait3A_135 = arith.constant 0 : i32
      %dma_wait3A_136 = arith.constant 0 : i32
      %dma_wait3A_137 = tpu.memref_slice %arg16[%dma_wait3A_135, %dma_wait3A_136] : memref<128x128xf32, #tpu.memory_space<vmem>> -> memref<128x128xf32, #tpu.memory_space<vmem>>
      tpu.wait_dma2 semaphore(%run_scoped3A_119 : memref<!tpu.dma_semaphore, #tpu.memory_space<semaphore_mem>>) src(%dma_wait3A_137 : memref<128x128xf32, #tpu.memory_space<vmem>>) dst(%dma_wait3A_134 : memref<128x128xf32, #tpu.memory_space<vmem_shared>>)
      tpu.yield
    }) : () -> ()
    %mul3A_91 = arith.constant 632 : i32
    %mul3A_92 = arith.muli %arg1, %mul3A_91 : i32
    %add3A_93 = arith.constant 128 : i32
    %add3A_94 = arith.addi %mul3A_92, %add3A_93 : i32
    "tpu.region"() ({
      %run_scoped3A_119 = tpu.sem_alloc : memref<!tpu.dma_semaphore, #tpu.memory_space<semaphore_mem>>
      %dma_start3A = arith.constant 0 : i32
      %dma_start3A_120 = arith.constant 0 : i32
      %dma_start3A_121 = tpu.memref_slice %arg16[%dma_start3A, %dma_start3A_120] : memref<128x128xf32, #tpu.memory_space<vmem>> -> memref<128x128xf32, #tpu.memory_space<vmem>>
      %dma_start3A_122 = arith.constant 0 : i32
      %dma_start3A_123 = tpu.memref_slice %arg20[%add3A_94, %dma_start3A_122] : memref<10112x128xf32, #tpu.memory_space<vmem_shared>> -> memref<128x128xf32, #tpu.memory_space<vmem_shared>>
      %dma_start3A_124 = arith.constant 0 : i32
      %dma_start3A_125 = tpu.memref_slice %arg20[%add3A_94, %dma_start3A_124] : memref<10112x128xf32, #tpu.memory_space<vmem_shared>> -> memref<128x128xf32, #tpu.memory_space<vmem_shared>>
      %dma_start3A_126 = arith.constant 0 : i32
      %dma_start3A_127 = arith.constant 0 : i32
      %dma_start3A_128 = tpu.memref_slice %arg16[%dma_start3A_126, %dma_start3A_127] : memref<128x128xf32, #tpu.memory_space<vmem>> -> memref<128x128xf32, #tpu.memory_space<vmem>>
      tpu.enqueue_dma source(%dma_start3A_128 : memref<128x128xf32, #tpu.memory_space<vmem>>) target(%dma_start3A_125 : memref<128x128xf32, #tpu.memory_space<vmem_shared>>) target_semaphore(%run_scoped3A_119 : memref<!tpu.dma_semaphore, #tpu.memory_space<semaphore_mem>>)
      %dma_wait3A = arith.constant 0 : i32
      %dma_wait3A_129 = arith.constant 0 : i32
      %dma_wait3A_130 = tpu.memref_slice %arg16[%dma_wait3A, %dma_wait3A_129] : memref<128x128xf32, #tpu.memory_space<vmem>> -> memref<128x128xf32, #tpu.memory_space<vmem>>
      %dma_wait3A_131 = arith.constant 0 : i32
      %dma_wait3A_132 = tpu.memref_slice %arg20[%add3A_94, %dma_wait3A_131] : memref<10112x128xf32, #tpu.memory_space<vmem_shared>> -> memref<128x128xf32, #tpu.memory_space<vmem_shared>>
      %dma_wait3A_133 = arith.constant 0 : i32
      %dma_wait3A_134 = tpu.memref_slice %arg20[%add3A_94, %dma_wait3A_133] : memref<10112x128xf32, #tpu.memory_space<vmem_shared>> -> memref<128x128xf32, #tpu.memory_space<vmem_shared>>
      %dma_wait3A_135 = arith.constant 0 : i32
      %dma_wait3A_136 = arith.constant 0 : i32
      %dma_wait3A_137 = tpu.memref_slice %arg16[%dma_wait3A_135, %dma_wait3A_136] : memref<128x128xf32, #tpu.memory_space<vmem>> -> memref<128x128xf32, #tpu.memory_space<vmem>>
      tpu.wait_dma2 semaphore(%run_scoped3A_119 : memref<!tpu.dma_semaphore, #tpu.memory_space<semaphore_mem>>) src(%dma_wait3A_137 : memref<128x128xf32, #tpu.memory_space<vmem>>) dst(%dma_wait3A_134 : memref<128x128xf32, #tpu.memory_space<vmem_shared>>)
      tpu.yield
    }) : () -> ()
    %mul3A_95 = arith.constant 632 : i32
    %mul3A_96 = arith.muli %arg1, %mul3A_95 : i32
    %add3A_97 = arith.constant 256 : i32
    %add3A_98 = arith.addi %mul3A_96, %add3A_97 : i32
    "tpu.region"() ({
      %run_scoped3A_119 = tpu.sem_alloc : memref<!tpu.dma_semaphore, #tpu.memory_space<semaphore_mem>>
      %dma_start3A = arith.constant 0 : i32
      %dma_start3A_120 = arith.constant 0 : i32
      %dma_start3A_121 = tpu.memref_slice %arg16[%dma_start3A, %dma_start3A_120] : memref<128x128xf32, #tpu.memory_space<vmem>> -> memref<128x128xf32, #tpu.memory_space<vmem>>
      %dma_start3A_122 = arith.constant 0 : i32
      %dma_start3A_123 = tpu.memref_slice %arg20[%add3A_98, %dma_start3A_122] : memref<10112x128xf32, #tpu.memory_space<vmem_shared>> -> memref<128x128xf32, #tpu.memory_space<vmem_shared>>
      %dma_start3A_124 = arith.constant 0 : i32
      %dma_start3A_125 = tpu.memref_slice %arg20[%add3A_98, %dma_start3A_124] : memref<10112x128xf32, #tpu.memory_space<vmem_shared>> -> memref<128x128xf32, #tpu.memory_space<vmem_shared>>
      %dma_start3A_126 = arith.constant 0 : i32
      %dma_start3A_127 = arith.constant 0 : i32
      %dma_start3A_128 = tpu.memref_slice %arg16[%dma_start3A_126, %dma_start3A_127] : memref<128x128xf32, #tpu.memory_space<vmem>> -> memref<128x128xf32, #tpu.memory_space<vmem>>
      tpu.enqueue_dma source(%dma_start3A_128 : memref<128x128xf32, #tpu.memory_space<vmem>>) target(%dma_start3A_125 : memref<128x128xf32, #tpu.memory_space<vmem_shared>>) target_semaphore(%run_scoped3A_119 : memref<!tpu.dma_semaphore, #tpu.memory_space<semaphore_mem>>)
      %dma_wait3A = arith.constant 0 : i32
      %dma_wait3A_129 = arith.constant 0 : i32
      %dma_wait3A_130 = tpu.memref_slice %arg16[%dma_wait3A, %dma_wait3A_129] : memref<128x128xf32, #tpu.memory_space<vmem>> -> memref<128x128xf32, #tpu.memory_space<vmem>>
      %dma_wait3A_131 = arith.constant 0 : i32
      %dma_wait3A_132 = tpu.memref_slice %arg20[%add3A_98, %dma_wait3A_131] : memref<10112x128xf32, #tpu.memory_space<vmem_shared>> -> memref<128x128xf32, #tpu.memory_space<vmem_shared>>
      %dma_wait3A_133 = arith.constant 0 : i32
      %dma_wait3A_134 = tpu.memref_slice %arg20[%add3A_98, %dma_wait3A_133] : memref<10112x128xf32, #tpu.memory_space<vmem_shared>> -> memref<128x128xf32, #tpu.memory_space<vmem_shared>>
      %dma_wait3A_135 = arith.constant 0 : i32
      %dma_wait3A_136 = arith.constant 0 : i32
      %dma_wait3A_137 = tpu.memref_slice %arg16[%dma_wait3A_135, %dma_wait3A_136] : memref<128x128xf32, #tpu.memory_space<vmem>> -> memref<128x128xf32, #tpu.memory_space<vmem>>
      tpu.wait_dma2 semaphore(%run_scoped3A_119 : memref<!tpu.dma_semaphore, #tpu.memory_space<semaphore_mem>>) src(%dma_wait3A_137 : memref<128x128xf32, #tpu.memory_space<vmem>>) dst(%dma_wait3A_134 : memref<128x128xf32, #tpu.memory_space<vmem_shared>>)
      tpu.yield
    }) : () -> ()
    %mul3A_99 = arith.constant 632 : i32
    %mul3A_100 = arith.muli %arg1, %mul3A_99 : i32
    %add3A_101 = arith.constant 384 : i32
    %add3A_102 = arith.addi %mul3A_100, %add3A_101 : i32
    "tpu.region"() ({
      %run_scoped3A_119 = tpu.sem_alloc : memref<!tpu.dma_semaphore, #tpu.memory_space<semaphore_mem>>
      %dma_start3A = arith.constant 0 : i32
      %dma_start3A_120 = arith.constant 0 : i32
      %dma_start3A_121 = tpu.memref_slice %arg16[%dma_start3A, %dma_start3A_120] : memref<128x128xf32, #tpu.memory_space<vmem>> -> memref<128x128xf32, #tpu.memory_space<vmem>>
      %dma_start3A_122 = arith.constant 0 : i32
      %dma_start3A_123 = tpu.memref_slice %arg20[%add3A_102, %dma_start3A_122] : memref<10112x128xf32, #tpu.memory_space<vmem_shared>> -> memref<128x128xf32, #tpu.memory_space<vmem_shared>>
      %dma_start3A_124 = arith.constant 0 : i32
      %dma_start3A_125 = tpu.memref_slice %arg20[%add3A_102, %dma_start3A_124] : memref<10112x128xf32, #tpu.memory_space<vmem_shared>> -> memref<128x128xf32, #tpu.memory_space<vmem_shared>>
      %dma_start3A_126 = arith.constant 0 : i32
      %dma_start3A_127 = arith.constant 0 : i32
      %dma_start3A_128 = tpu.memref_slice %arg16[%dma_start3A_126, %dma_start3A_127] : memref<128x128xf32, #tpu.memory_space<vmem>> -> memref<128x128xf32, #tpu.memory_space<vmem>>
      tpu.enqueue_dma source(%dma_start3A_128 : memref<128x128xf32, #tpu.memory_space<vmem>>) target(%dma_start3A_125 : memref<128x128xf32, #tpu.memory_space<vmem_shared>>) target_semaphore(%run_scoped3A_119 : memref<!tpu.dma_semaphore, #tpu.memory_space<semaphore_mem>>)
      %dma_wait3A = arith.constant 0 : i32
      %dma_wait3A_129 = arith.constant 0 : i32
      %dma_wait3A_130 = tpu.memref_slice %arg16[%dma_wait3A, %dma_wait3A_129] : memref<128x128xf32, #tpu.memory_space<vmem>> -> memref<128x128xf32, #tpu.memory_space<vmem>>
      %dma_wait3A_131 = arith.constant 0 : i32
      %dma_wait3A_132 = tpu.memref_slice %arg20[%add3A_102, %dma_wait3A_131] : memref<10112x128xf32, #tpu.memory_space<vmem_shared>> -> memref<128x128xf32, #tpu.memory_space<vmem_shared>>
      %dma_wait3A_133 = arith.constant 0 : i32
      %dma_wait3A_134 = tpu.memref_slice %arg20[%add3A_102, %dma_wait3A_133] : memref<10112x128xf32, #tpu.memory_space<vmem_shared>> -> memref<128x128xf32, #tpu.memory_space<vmem_shared>>
      %dma_wait3A_135 = arith.constant 0 : i32
      %dma_wait3A_136 = arith.constant 0 : i32
      %dma_wait3A_137 = tpu.memref_slice %arg16[%dma_wait3A_135, %dma_wait3A_136] : memref<128x128xf32, #tpu.memory_space<vmem>> -> memref<128x128xf32, #tpu.memory_space<vmem>>
      tpu.wait_dma2 semaphore(%run_scoped3A_119 : memref<!tpu.dma_semaphore, #tpu.memory_space<semaphore_mem>>) src(%dma_wait3A_137 : memref<128x128xf32, #tpu.memory_space<vmem>>) dst(%dma_wait3A_134 : memref<128x128xf32, #tpu.memory_space<vmem_shared>>)
      tpu.yield
    }) : () -> ()
    %mul3A_103 = arith.constant 632 : i32
    %mul3A_104 = arith.muli %arg1, %mul3A_103 : i32
    %add3A_105 = arith.constant 512 : i32
    %add3A_106 = arith.addi %mul3A_104, %add3A_105 : i32
    "tpu.region"() ({
      %run_scoped3A_119 = tpu.sem_alloc : memref<!tpu.dma_semaphore, #tpu.memory_space<semaphore_mem>>
      %dma_start3A = arith.constant 0 : i32
      %dma_start3A_120 = arith.constant 0 : i32
      %dma_start3A_121 = tpu.memref_slice %arg16[%dma_start3A, %dma_start3A_120] : memref<128x128xf32, #tpu.memory_space<vmem>> -> memref<120x128xf32, #tpu.memory_space<vmem>>
      %dma_start3A_122 = arith.constant 0 : i32
      %dma_start3A_123 = tpu.memref_slice %arg20[%add3A_106, %dma_start3A_122] : memref<10112x128xf32, #tpu.memory_space<vmem_shared>> -> memref<120x128xf32, #tpu.memory_space<vmem_shared>>
      %dma_start3A_124 = arith.constant 0 : i32
      %dma_start3A_125 = tpu.memref_slice %arg20[%add3A_106, %dma_start3A_124] : memref<10112x128xf32, #tpu.memory_space<vmem_shared>> -> memref<120x128xf32, #tpu.memory_space<vmem_shared>>
      %dma_start3A_126 = arith.constant 0 : i32
      %dma_start3A_127 = arith.constant 0 : i32
      %dma_start3A_128 = tpu.memref_slice %arg16[%dma_start3A_126, %dma_start3A_127] : memref<128x128xf32, #tpu.memory_space<vmem>> -> memref<120x128xf32, #tpu.memory_space<vmem>>
      tpu.enqueue_dma source(%dma_start3A_128 : memref<120x128xf32, #tpu.memory_space<vmem>>) target(%dma_start3A_125 : memref<120x128xf32, #tpu.memory_space<vmem_shared>>) target_semaphore(%run_scoped3A_119 : memref<!tpu.dma_semaphore, #tpu.memory_space<semaphore_mem>>)
      %dma_wait3A = arith.constant 0 : i32
      %dma_wait3A_129 = arith.constant 0 : i32
      %dma_wait3A_130 = tpu.memref_slice %arg16[%dma_wait3A, %dma_wait3A_129] : memref<128x128xf32, #tpu.memory_space<vmem>> -> memref<120x128xf32, #tpu.memory_space<vmem>>
      %dma_wait3A_131 = arith.constant 0 : i32
      %dma_wait3A_132 = tpu.memref_slice %arg20[%add3A_106, %dma_wait3A_131] : memref<10112x128xf32, #tpu.memory_space<vmem_shared>> -> memref<120x128xf32, #tpu.memory_space<vmem_shared>>
      %dma_wait3A_133 = arith.constant 0 : i32
      %dma_wait3A_134 = tpu.memref_slice %arg20[%add3A_106, %dma_wait3A_133] : memref<10112x128xf32, #tpu.memory_space<vmem_shared>> -> memref<120x128xf32, #tpu.memory_space<vmem_shared>>
      %dma_wait3A_135 = arith.constant 0 : i32
      %dma_wait3A_136 = arith.constant 0 : i32
      %dma_wait3A_137 = tpu.memref_slice %arg16[%dma_wait3A_135, %dma_wait3A_136] : memref<128x128xf32, #tpu.memory_space<vmem>> -> memref<120x128xf32, #tpu.memory_space<vmem>>
      tpu.wait_dma2 semaphore(%run_scoped3A_119 : memref<!tpu.dma_semaphore, #tpu.memory_space<semaphore_mem>>) src(%dma_wait3A_137 : memref<120x128xf32, #tpu.memory_space<vmem>>) dst(%dma_wait3A_134 : memref<120x128xf32, #tpu.memory_space<vmem_shared>>)
      tpu.yield
    }) : () -> ()
    %barrier3A = arith.constant 0 : index
    tpu.barrier barrier_id(%barrier3A)
    %scan3A_107 = arith.constant 0 : i32
    %scan3A_108 = arith.constant 0 : i32
    %scan3A_109 = arith.constant 10 : i32
    %scan3A_110 = arith.addi %scan3A_108, %scan3A_109 : i32
    %scan3A_111 = arith.constant 1 : i32
    %scan3A_112 = scf.for %scan3A_119 = %scan3A_108 to %scan3A_110 step %scan3A_111 iter_args(%scan3A_120 = %scan3A_107) -> (i32)  : i32 {
      %mul3A_121 = arith.constant 8 : i32
      %mul3A_122 = arith.muli %scan3A_119, %mul3A_121 : i32
      "tpu.region"() ({
        %run_scoped3A_131 = tpu.sem_alloc : memref<!tpu.dma_semaphore, #tpu.memory_space<semaphore_mem>>
        %dma_start3A = arith.constant 0 : i32
        %dma_start3A_132 = tpu.memref_slice %arg2[%add3A, %mul3A_122, %dma_start3A] : memref<32x80x128xi32, #tpu.memory_space<hbm>> -> memref<1x8x128xi32, #tpu.memory_space<hbm>>
        %dma_start3A_133 = tpu.memref_squeeze %dma_start3A_132 : memref<1x8x128xi32, #tpu.memory_space<hbm>> -> memref<8x128xi32, #tpu.memory_space<hbm>>
        %dma_start3A_134 = arith.constant 0 : i32
        %dma_start3A_135 = tpu.memref_slice %arg2[%add3A, %mul3A_122, %dma_start3A_134] : memref<32x80x128xi32, #tpu.memory_space<hbm>> -> memref<1x8x128xi32, #tpu.memory_space<hbm>>
        %dma_start3A_136 = tpu.memref_squeeze %dma_start3A_135 : memref<1x8x128xi32, #tpu.memory_space<hbm>> -> memref<8x128xi32, #tpu.memory_space<hbm>>
        tpu.enqueue_dma source(%dma_start3A_136 : memref<8x128xi32, #tpu.memory_space<hbm>>) target(%arg10 : memref<8x128xi32, #tpu.memory_space<vmem>>) target_semaphore(%run_scoped3A_131 : memref<!tpu.dma_semaphore, #tpu.memory_space<semaphore_mem>>)
        %dma_wait3A = arith.constant 0 : i32
        %dma_wait3A_137 = tpu.memref_slice %arg2[%add3A, %mul3A_122, %dma_wait3A] : memref<32x80x128xi32, #tpu.memory_space<hbm>> -> memref<1x8x128xi32, #tpu.memory_space<hbm>>
        %dma_wait3A_138 = tpu.memref_squeeze %dma_wait3A_137 : memref<1x8x128xi32, #tpu.memory_space<hbm>> -> memref<8x128xi32, #tpu.memory_space<hbm>>
        %dma_wait3A_139 = arith.constant 0 : i32
        %dma_wait3A_140 = tpu.memref_slice %arg2[%add3A, %mul3A_122, %dma_wait3A_139] : memref<32x80x128xi32, #tpu.memory_space<hbm>> -> memref<1x8x128xi32, #tpu.memory_space<hbm>>
        %dma_wait3A_141 = tpu.memref_squeeze %dma_wait3A_140 : memref<1x8x128xi32, #tpu.memory_space<hbm>> -> memref<8x128xi32, #tpu.memory_space<hbm>>
        tpu.wait_dma2 semaphore(%run_scoped3A_131 : memref<!tpu.dma_semaphore, #tpu.memory_space<semaphore_mem>>) src(%dma_wait3A_141 : memref<8x128xi32, #tpu.memory_space<hbm>>) dst(%arg10 : memref<8x128xi32, #tpu.memory_space<vmem>>)
        tpu.yield
      }) : () -> ()
      "tpu.region"() ({
        %run_scoped3A_131 = tpu.sem_alloc : memref<!tpu.dma_semaphore, #tpu.memory_space<semaphore_mem>>
        %dma_start3A = arith.constant 0 : i32
        %dma_start3A_132 = tpu.memref_slice %arg3[%add3A, %mul3A_122, %dma_start3A] : memref<32x80x128xi32, #tpu.memory_space<hbm>> -> memref<1x8x128xi32, #tpu.memory_space<hbm>>
        %dma_start3A_133 = tpu.memref_squeeze %dma_start3A_132 : memref<1x8x128xi32, #tpu.memory_space<hbm>> -> memref<8x128xi32, #tpu.memory_space<hbm>>
        %dma_start3A_134 = arith.constant 0 : i32
        %dma_start3A_135 = tpu.memref_slice %arg3[%add3A, %mul3A_122, %dma_start3A_134] : memref<32x80x128xi32, #tpu.memory_space<hbm>> -> memref<1x8x128xi32, #tpu.memory_space<hbm>>
        %dma_start3A_136 = tpu.memref_squeeze %dma_start3A_135 : memref<1x8x128xi32, #tpu.memory_space<hbm>> -> memref<8x128xi32, #tpu.memory_space<hbm>>
        tpu.enqueue_dma source(%dma_start3A_136 : memref<8x128xi32, #tpu.memory_space<hbm>>) target(%arg11 : memref<8x128xi32, #tpu.memory_space<vmem>>) target_semaphore(%run_scoped3A_131 : memref<!tpu.dma_semaphore, #tpu.memory_space<semaphore_mem>>)
        %dma_wait3A = arith.constant 0 : i32
        %dma_wait3A_137 = tpu.memref_slice %arg3[%add3A, %mul3A_122, %dma_wait3A] : memref<32x80x128xi32, #tpu.memory_space<hbm>> -> memref<1x8x128xi32, #tpu.memory_space<hbm>>
        %dma_wait3A_138 = tpu.memref_squeeze %dma_wait3A_137 : memref<1x8x128xi32, #tpu.memory_space<hbm>> -> memref<8x128xi32, #tpu.memory_space<hbm>>
        %dma_wait3A_139 = arith.constant 0 : i32
        %dma_wait3A_140 = tpu.memref_slice %arg3[%add3A, %mul3A_122, %dma_wait3A_139] : memref<32x80x128xi32, #tpu.memory_space<hbm>> -> memref<1x8x128xi32, #tpu.memory_space<hbm>>
        %dma_wait3A_141 = tpu.memref_squeeze %dma_wait3A_140 : memref<1x8x128xi32, #tpu.memory_space<hbm>> -> memref<8x128xi32, #tpu.memory_space<hbm>>
        tpu.wait_dma2 semaphore(%run_scoped3A_131 : memref<!tpu.dma_semaphore, #tpu.memory_space<semaphore_mem>>) src(%dma_wait3A_141 : memref<8x128xi32, #tpu.memory_space<hbm>>) dst(%arg11 : memref<8x128xi32, #tpu.memory_space<vmem>>)
        tpu.yield
      }) : () -> ()
      "tpu.region"() ({
        %run_scoped3A_131 = tpu.sem_alloc : memref<!tpu.dma_semaphore, #tpu.memory_space<semaphore_mem>>
        %dma_start3A = arith.constant 0 : i32
        %dma_start3A_132 = tpu.memref_slice %arg4[%add3A, %mul3A_122, %dma_start3A] : memref<32x80x128xi32, #tpu.memory_space<hbm>> -> memref<1x8x128xi32, #tpu.memory_space<hbm>>
        %dma_start3A_133 = tpu.memref_squeeze %dma_start3A_132 : memref<1x8x128xi32, #tpu.memory_space<hbm>> -> memref<8x128xi32, #tpu.memory_space<hbm>>
        %dma_start3A_134 = arith.constant 0 : i32
        %dma_start3A_135 = tpu.memref_slice %arg4[%add3A, %mul3A_122, %dma_start3A_134] : memref<32x80x128xi32, #tpu.memory_space<hbm>> -> memref<1x8x128xi32, #tpu.memory_space<hbm>>
        %dma_start3A_136 = tpu.memref_squeeze %dma_start3A_135 : memref<1x8x128xi32, #tpu.memory_space<hbm>> -> memref<8x128xi32, #tpu.memory_space<hbm>>
        tpu.enqueue_dma source(%dma_start3A_136 : memref<8x128xi32, #tpu.memory_space<hbm>>) target(%arg12 : memref<8x128xi32, #tpu.memory_space<vmem>>) target_semaphore(%run_scoped3A_131 : memref<!tpu.dma_semaphore, #tpu.memory_space<semaphore_mem>>)
        %dma_wait3A = arith.constant 0 : i32
        %dma_wait3A_137 = tpu.memref_slice %arg4[%add3A, %mul3A_122, %dma_wait3A] : memref<32x80x128xi32, #tpu.memory_space<hbm>> -> memref<1x8x128xi32, #tpu.memory_space<hbm>>
        %dma_wait3A_138 = tpu.memref_squeeze %dma_wait3A_137 : memref<1x8x128xi32, #tpu.memory_space<hbm>> -> memref<8x128xi32, #tpu.memory_space<hbm>>
        %dma_wait3A_139 = arith.constant 0 : i32
        %dma_wait3A_140 = tpu.memref_slice %arg4[%add3A, %mul3A_122, %dma_wait3A_139] : memref<32x80x128xi32, #tpu.memory_space<hbm>> -> memref<1x8x128xi32, #tpu.memory_space<hbm>>
        %dma_wait3A_141 = tpu.memref_squeeze %dma_wait3A_140 : memref<1x8x128xi32, #tpu.memory_space<hbm>> -> memref<8x128xi32, #tpu.memory_space<hbm>>
        tpu.wait_dma2 semaphore(%run_scoped3A_131 : memref<!tpu.dma_semaphore, #tpu.memory_space<semaphore_mem>>) src(%dma_wait3A_141 : memref<8x128xi32, #tpu.memory_space<hbm>>) dst(%arg12 : memref<8x128xi32, #tpu.memory_space<vmem>>)
        tpu.yield
      }) : () -> ()
      "tpu.region"() ({
        %run_scoped3A_131 = tpu.sem_alloc : memref<!tpu.dma_semaphore, #tpu.memory_space<semaphore_mem>>
        %dma_start3A = arith.constant 0 : i32
        %dma_start3A_132 = tpu.memref_slice %arg5[%add3A, %mul3A_122, %dma_start3A] : memref<32x80x128xf32, #tpu.memory_space<hbm>> -> memref<1x8x128xf32, #tpu.memory_space<hbm>>
        %dma_start3A_133 = tpu.memref_squeeze %dma_start3A_132 : memref<1x8x128xf32, #tpu.memory_space<hbm>> -> memref<8x128xf32, #tpu.memory_space<hbm>>
        %dma_start3A_134 = arith.constant 0 : i32
        %dma_start3A_135 = tpu.memref_slice %arg5[%add3A, %mul3A_122, %dma_start3A_134] : memref<32x80x128xf32, #tpu.memory_space<hbm>> -> memref<1x8x128xf32, #tpu.memory_space<hbm>>
        %dma_start3A_136 = tpu.memref_squeeze %dma_start3A_135 : memref<1x8x128xf32, #tpu.memory_space<hbm>> -> memref<8x128xf32, #tpu.memory_space<hbm>>
        tpu.enqueue_dma source(%dma_start3A_136 : memref<8x128xf32, #tpu.memory_space<hbm>>) target(%arg13 : memref<8x128xf32, #tpu.memory_space<vmem>>) target_semaphore(%run_scoped3A_131 : memref<!tpu.dma_semaphore, #tpu.memory_space<semaphore_mem>>)
        %dma_wait3A = arith.constant 0 : i32
        %dma_wait3A_137 = tpu.memref_slice %arg5[%add3A, %mul3A_122, %dma_wait3A] : memref<32x80x128xf32, #tpu.memory_space<hbm>> -> memref<1x8x128xf32, #tpu.memory_space<hbm>>
        %dma_wait3A_138 = tpu.memref_squeeze %dma_wait3A_137 : memref<1x8x128xf32, #tpu.memory_space<hbm>> -> memref<8x128xf32, #tpu.memory_space<hbm>>
        %dma_wait3A_139 = arith.constant 0 : i32
        %dma_wait3A_140 = tpu.memref_slice %arg5[%add3A, %mul3A_122, %dma_wait3A_139] : memref<32x80x128xf32, #tpu.memory_space<hbm>> -> memref<1x8x128xf32, #tpu.memory_space<hbm>>
        %dma_wait3A_141 = tpu.memref_squeeze %dma_wait3A_140 : memref<1x8x128xf32, #tpu.memory_space<hbm>> -> memref<8x128xf32, #tpu.memory_space<hbm>>
        tpu.wait_dma2 semaphore(%run_scoped3A_131 : memref<!tpu.dma_semaphore, #tpu.memory_space<semaphore_mem>>) src(%dma_wait3A_141 : memref<8x128xf32, #tpu.memory_space<hbm>>) dst(%arg13 : memref<8x128xf32, #tpu.memory_space<vmem>>)
        tpu.yield
      }) : () -> ()
      %scan3A_123 = arith.constant 0 : i32
      %scan3A_124 = arith.constant 0 : i32
      %scan3A_125 = arith.constant 8 : i32
      %scan3A_126 = arith.addi %scan3A_124, %scan3A_125 : i32
      %scan3A_127 = arith.constant 1 : i32
      %scan3A_128 = scf.for %scan3A_131 = %scan3A_124 to %scan3A_126 step %scan3A_127 iter_args(%scan3A_132 = %scan3A_123) -> (i32)  : i32 {
        %dma_start3A = arith.constant 0 : i32
        %dma_start3A_133 = tpu.memref_slice %arg10[%scan3A_131, %dma_start3A] : memref<8x128xi32, #tpu.memory_space<vmem>> -> memref<1x128xi32, #tpu.memory_space<vmem>>
        %dma_start3A_134 = tpu.memref_squeeze %dma_start3A_133 : memref<1x128xi32, #tpu.memory_space<vmem>> -> memref<128xi32, #tpu.memory_space<vmem>>
        %dma_start3A_135 = arith.constant 0 : i32
        %dma_start3A_136 = arith.constant 0 : i32
        %dma_start3A_137 = tpu.memref_slice %arg7[%dma_start3A_135, %dma_start3A_136] : memref<10000x128xf32, #tpu.memory_space<hbm>> -> memref<10000x128xf32, #tpu.memory_space<hbm>>
        tpu.enqueue_indirect_dma source(%dma_start3A_137 : memref<10000x128xf32, #tpu.memory_space<hbm>>) target(%arg16 : memref<128x128xf32, #tpu.memory_space<vmem>>) offsets(%dma_start3A_134 : memref<128xi32, #tpu.memory_space<vmem>>) semaphore(%arg18 : memref<!tpu.dma_semaphore, #tpu.memory_space<semaphore_mem>>)
        %dma_start3A_138 = arith.constant 0 : i32
        %dma_start3A_139 = tpu.memref_slice %arg12[%scan3A_131, %dma_start3A_138] : memref<8x128xi32, #tpu.memory_space<vmem>> -> memref<1x128xi32, #tpu.memory_space<vmem>>
        %dma_start3A_140 = tpu.memref_squeeze %dma_start3A_139 : memref<1x128xi32, #tpu.memory_space<vmem>> -> memref<128xi32, #tpu.memory_space<vmem>>
        %dma_start3A_141 = arith.constant 0 : i32
        %dma_start3A_142 = arith.constant 0 : i32
        %dma_start3A_143 = tpu.memref_slice %arg8[%dma_start3A_141, %dma_start3A_142] : memref<10000x128xf32, #tpu.memory_space<hbm>> -> memref<10000x128xf32, #tpu.memory_space<hbm>>
        tpu.enqueue_indirect_dma source(%dma_start3A_143 : memref<10000x128xf32, #tpu.memory_space<hbm>>) target(%arg17 : memref<128x128xf32, #tpu.memory_space<vmem>>) offsets(%dma_start3A_140 : memref<128xi32, #tpu.memory_space<vmem>>) semaphore(%arg19 : memref<!tpu.dma_semaphore, #tpu.memory_space<semaphore_mem>>)
        %dma_wait3A = arith.constant 0 : i32
        %dma_wait3A_144 = tpu.memref_slice %arg10[%scan3A_131, %dma_wait3A] : memref<8x128xi32, #tpu.memory_space<vmem>> -> memref<1x128xi32, #tpu.memory_space<vmem>>
        %dma_wait3A_145 = tpu.memref_squeeze %dma_wait3A_144 : memref<1x128xi32, #tpu.memory_space<vmem>> -> memref<128xi32, #tpu.memory_space<vmem>>
        %dma_wait3A_146 = arith.constant 0 : i32
        %dma_wait3A_147 = arith.constant 0 : i32
        %dma_wait3A_148 = tpu.memref_slice %arg7[%dma_wait3A_146, %dma_wait3A_147] : memref<10000x128xf32, #tpu.memory_space<hbm>> -> memref<10000x128xf32, #tpu.memory_space<hbm>>
        tpu.wait_indirect_dma semaphore(%arg18 : memref<!tpu.dma_semaphore, #tpu.memory_space<semaphore_mem>>) src(%dma_wait3A_148 : memref<10000x128xf32, #tpu.memory_space<hbm>>) dst(%arg16 : memref<128x128xf32, #tpu.memory_space<vmem>>)
        %dma_wait3A_149 = arith.constant 0 : i32
        %dma_wait3A_150 = tpu.memref_slice %arg12[%scan3A_131, %dma_wait3A_149] : memref<8x128xi32, #tpu.memory_space<vmem>> -> memref<1x128xi32, #tpu.memory_space<vmem>>
        %dma_wait3A_151 = tpu.memref_squeeze %dma_wait3A_150 : memref<1x128xi32, #tpu.memory_space<vmem>> -> memref<128xi32, #tpu.memory_space<vmem>>
        %dma_wait3A_152 = arith.constant 0 : i32
        %dma_wait3A_153 = arith.constant 0 : i32
        %dma_wait3A_154 = tpu.memref_slice %arg8[%dma_wait3A_152, %dma_wait3A_153] : memref<10000x128xf32, #tpu.memory_space<hbm>> -> memref<10000x128xf32, #tpu.memory_space<hbm>>
        tpu.wait_indirect_dma semaphore(%arg19 : memref<!tpu.dma_semaphore, #tpu.memory_space<semaphore_mem>>) src(%dma_wait3A_154 : memref<10000x128xf32, #tpu.memory_space<hbm>>) dst(%arg17 : memref<128x128xf32, #tpu.memory_space<vmem>>)
        %scan3A_155 = arith.constant 0 : i32
        %scan3A_156 = arith.constant 0 : i32
        %scan3A_157 = arith.constant 8 : i32
        %scan3A_158 = arith.addi %scan3A_156, %scan3A_157 : i32
        %scan3A_159 = arith.constant 1 : i32
        %scan3A_160 = scf.for %scan3A_163 = %scan3A_156 to %scan3A_158 step %scan3A_159 iter_args(%scan3A_164 = %scan3A_155) -> (i32)  : i32 {
          %mul3A_165 = arith.constant 16 : i32
          %mul3A_166 = arith.muli %scan3A_163, %mul3A_165 : i32
          %get3A = arith.index_cast %scan3A_131 : i32 to index
          %get3A_167 = arith.index_cast %mul3A_166 : i32 to index
          %get3A_168 = tpu.vector_load %arg11[%get3A, %get3A_167] {strides = array<i32>} : memref<8x128xi32, #tpu.memory_space<vmem>>, vector<16xi32>,
          %gather3A = tpu.vector_load_idx %arg14[%get3A_168] : memref<10240xf32, #tpu.memory_space<vmem>>[vector<16xi32>], vector<16xf32>,
          %get3A_169 = arith.index_cast %scan3A_131 : i32 to index
          %get3A_170 = arith.index_cast %mul3A_166 : i32 to index
          %get3A_171 = tpu.vector_load %arg13[%get3A_169, %get3A_170] {strides = array<i32>} : memref<8x128xf32, #tpu.memory_space<vmem>>, vector<16xf32>,
          %add3A_172 = arith.constant 1.000000e-16 : f32
          %add3A_173 = vector.broadcast %add3A_172 : f32 to vector<16xf32>
          %add3A_174 = arith.addf %gather3A, %add3A_173 : vector<16xf32>
          %div3A = arith.divf %get3A_171, %add3A_174 : vector<16xf32>
          %broadcast_in_dim3A = arith.constant 0 : i32
          %broadcast_in_dim3A_175 = vector.broadcast %broadcast_in_dim3A : i32 to vector<16x1xi32>
          %gather3A_176 = vector.shape_cast %broadcast_in_dim3A_175 : vector<16x1xi32> to vector<16xi32>
          %gather3A_177 = tpu.dynamic_gather %div3A[%gather3A_176] in [0] : vector<16xf32>, vector<16xi32> -> vector<16xf32>
          %mul3A_178 = arith.constant 16 : i32
          %mul3A_179 = arith.muli %scan3A_163, %mul3A_178 : i32
          %add3A_180 = arith.constant 0 : i32
          %add3A_181 = arith.addi %mul3A_179, %add3A_180 : i32
          %get3A_182 = arith.index_cast %add3A_181 : i32 to index
          %get3A_183 = arith.constant 0 : index
          %get3A_184 = tpu.vector_load %arg16[%get3A_182, %get3A_183] {strides = array<i32>} : memref<128x128xf32, #tpu.memory_space<vmem>>, vector<16xf32>,
          %get3A_185 = arith.index_cast %add3A_181 : i32 to index
          %get3A_186 = arith.constant 0 : index
          %get3A_187 = tpu.vector_load %arg17[%get3A_185, %get3A_186] {strides = array<i32>} : memref<128x128xf32, #tpu.memory_space<vmem>>, vector<16xf32>,
          %add3A_188 = arith.addf %get3A_184, %get3A_187 : vector<16xf32>
          %mul3A_189 = arith.mulf %add3A_188, %gather3A_177 : vector<16xf32>
          %swap3A = arith.index_cast %add3A_181 : i32 to index
          %swap3A_190 = arith.constant 0 : index
          %swap3A_191 = tpu.vector_load %arg16[%swap3A, %swap3A_190] {strides = array<i32>} : memref<128x128xf32, #tpu.memory_space<vmem>>, vector<16xf32>,
          tpu.vector_store %arg16[%swap3A, %swap3A_190], %mul3A_189 {strides = array<i32>} : memref<128x128xf32, #tpu.memory_space<vmem>>, vector<16xf32>,
          %get3A_192 = arith.index_cast %add3A_181 : i32 to index
          %get3A_193 = arith.constant 16 : index
          %get3A_194 = tpu.vector_load %arg16[%get3A_192, %get3A_193] {strides = array<i32>} : memref<128x128xf32, #tpu.memory_space<vmem>>, vector<16xf32>,
          %get3A_195 = arith.index_cast %add3A_181 : i32 to index
          %get3A_196 = arith.constant 16 : index
          %get3A_197 = tpu.vector_load %arg17[%get3A_195, %get3A_196] {strides = array<i32>} : memref<128x128xf32, #tpu.memory_space<vmem>>, vector<16xf32>,
          %add3A_198 = arith.addf %get3A_194, %get3A_197 : vector<16xf32>
          %mul3A_199 = arith.mulf %add3A_198, %gather3A_177 : vector<16xf32>
          %swap3A_200 = arith.index_cast %add3A_181 : i32 to index
          %swap3A_201 = arith.constant 16 : index
          %swap3A_202 = tpu.vector_load %arg16[%swap3A_200, %swap3A_201] {strides = array<i32>} : memref<128x128xf32, #tpu.memory_space<vmem>>, vector<16xf32>,
          tpu.vector_store %arg16[%swap3A_200, %swap3A_201], %mul3A_199 {strides = array<i32>} : memref<128x128xf32, #tpu.memory_space<vmem>>, vector<16xf32>,
          %get3A_203 = arith.index_cast %add3A_181 : i32 to index
          %get3A_204 = arith.constant 32 : index
          %get3A_205 = tpu.vector_load %arg16[%get3A_203, %get3A_204] {strides = array<i32>} : memref<128x128xf32, #tpu.memory_space<vmem>>, vector<16xf32>,
          %get3A_206 = arith.index_cast %add3A_181 : i32 to index
          %get3A_207 = arith.constant 32 : index
          %get3A_208 = tpu.vector_load %arg17[%get3A_206, %get3A_207] {strides = array<i32>} : memref<128x128xf32, #tpu.memory_space<vmem>>, vector<16xf32>,
          %add3A_209 = arith.addf %get3A_205, %get3A_208 : vector<16xf32>
          %mul3A_210 = arith.mulf %add3A_209, %gather3A_177 : vector<16xf32>
          %swap3A_211 = arith.index_cast %add3A_181 : i32 to index
          %swap3A_212 = arith.constant 32 : index
          %swap3A_213 = tpu.vector_load %arg16[%swap3A_211, %swap3A_212] {strides = array<i32>} : memref<128x128xf32, #tpu.memory_space<vmem>>, vector<16xf32>,
          tpu.vector_store %arg16[%swap3A_211, %swap3A_212], %mul3A_210 {strides = array<i32>} : memref<128x128xf32, #tpu.memory_space<vmem>>, vector<16xf32>,
          %get3A_214 = arith.index_cast %add3A_181 : i32 to index
          %get3A_215 = arith.constant 48 : index
          %get3A_216 = tpu.vector_load %arg16[%get3A_214, %get3A_215] {strides = array<i32>} : memref<128x128xf32, #tpu.memory_space<vmem>>, vector<16xf32>,
          %get3A_217 = arith.index_cast %add3A_181 : i32 to index
          %get3A_218 = arith.constant 48 : index
          %get3A_219 = tpu.vector_load %arg17[%get3A_217, %get3A_218] {strides = array<i32>} : memref<128x128xf32, #tpu.memory_space<vmem>>, vector<16xf32>,
          %add3A_220 = arith.addf %get3A_216, %get3A_219 : vector<16xf32>
          %mul3A_221 = arith.mulf %add3A_220, %gather3A_177 : vector<16xf32>
          %swap3A_222 = arith.index_cast %add3A_181 : i32 to index
          %swap3A_223 = arith.constant 48 : index
          %swap3A_224 = tpu.vector_load %arg16[%swap3A_222, %swap3A_223] {strides = array<i32>} : memref<128x128xf32, #tpu.memory_space<vmem>>, vector<16xf32>,
          tpu.vector_store %arg16[%swap3A_222, %swap3A_223], %mul3A_221 {strides = array<i32>} : memref<128x128xf32, #tpu.memory_space<vmem>>, vector<16xf32>,
          %get3A_225 = arith.index_cast %add3A_181 : i32 to index
          %get3A_226 = arith.constant 64 : index
          %get3A_227 = tpu.vector_load %arg16[%get3A_225, %get3A_226] {strides = array<i32>} : memref<128x128xf32, #tpu.memory_space<vmem>>, vector<16xf32>,
          %get3A_228 = arith.index_cast %add3A_181 : i32 to index
          %get3A_229 = arith.constant 64 : index
          %get3A_230 = tpu.vector_load %arg17[%get3A_228, %get3A_229] {strides = array<i32>} : memref<128x128xf32, #tpu.memory_space<vmem>>, vector<16xf32>,
          %add3A_231 = arith.addf %get3A_227, %get3A_230 : vector<16xf32>
          %mul3A_232 = arith.mulf %add3A_231, %gather3A_177 : vector<16xf32>
          %swap3A_233 = arith.index_cast %add3A_181 : i32 to index
          %swap3A_234 = arith.constant 64 : index
          %swap3A_235 = tpu.vector_load %arg16[%swap3A_233, %swap3A_234] {strides = array<i32>} : memref<128x128xf32, #tpu.memory_space<vmem>>, vector<16xf32>,
          tpu.vector_store %arg16[%swap3A_233, %swap3A_234], %mul3A_232 {strides = array<i32>} : memref<128x128xf32, #tpu.memory_space<vmem>>, vector<16xf32>,
          %get3A_236 = arith.index_cast %add3A_181 : i32 to index
          %get3A_237 = arith.constant 80 : index
          %get3A_238 = tpu.vector_load %arg16[%get3A_236, %get3A_237] {strides = array<i32>} : memref<128x128xf32, #tpu.memory_space<vmem>>, vector<16xf32>,
          %get3A_239 = arith.index_cast %add3A_181 : i32 to index
          %get3A_240 = arith.constant 80 : index
          %get3A_241 = tpu.vector_load %arg17[%get3A_239, %get3A_240] {strides = array<i32>} : memref<128x128xf32, #tpu.memory_space<vmem>>, vector<16xf32>,
          %add3A_242 = arith.addf %get3A_238, %get3A_241 : vector<16xf32>
          %mul3A_243 = arith.mulf %add3A_242, %gather3A_177 : vector<16xf32>
          %swap3A_244 = arith.index_cast %add3A_181 : i32 to index
          %swap3A_245 = arith.constant 80 : index
          %swap3A_246 = tpu.vector_load %arg16[%swap3A_244, %swap3A_245] {strides = array<i32>} : memref<128x128xf32, #tpu.memory_space<vmem>>, vector<16xf32>,
          tpu.vector_store %arg16[%swap3A_244, %swap3A_245], %mul3A_243 {strides = array<i32>} : memref<128x128xf32, #tpu.memory_space<vmem>>, vector<16xf32>,
          %get3A_247 = arith.index_cast %add3A_181 : i32 to index
          %get3A_248 = arith.constant 96 : index
          %get3A_249 = tpu.vector_load %arg16[%get3A_247, %get3A_248] {strides = array<i32>} : memref<128x128xf32, #tpu.memory_space<vmem>>, vector<16xf32>,
          %get3A_250 = arith.index_cast %add3A_181 : i32 to index
          %get3A_251 = arith.constant 96 : index
          %get3A_252 = tpu.vector_load %arg17[%get3A_250, %get3A_251] {strides = array<i32>} : memref<128x128xf32, #tpu.memory_space<vmem>>, vector<16xf32>,
          %add3A_253 = arith.addf %get3A_249, %get3A_252 : vector<16xf32>
          %mul3A_254 = arith.mulf %add3A_253, %gather3A_177 : vector<16xf32>
          %swap3A_255 = arith.index_cast %add3A_181 : i32 to index
          %swap3A_256 = arith.constant 96 : index
          %swap3A_257 = tpu.vector_load %arg16[%swap3A_255, %swap3A_256] {strides = array<i32>} : memref<128x128xf32, #tpu.memory_space<vmem>>, vector<16xf32>,
          tpu.vector_store %arg16[%swap3A_255, %swap3A_256], %mul3A_254 {strides = array<i32>} : memref<128x128xf32, #tpu.memory_space<vmem>>, vector<16xf32>,
          %get3A_258 = arith.index_cast %add3A_181 : i32 to index
          %get3A_259 = arith.constant 112 : index
          %get3A_260 = tpu.vector_load %arg16[%get3A_258, %get3A_259] {strides = array<i32>} : memref<128x128xf32, #tpu.memory_space<vmem>>, vector<16xf32>,
          %get3A_261 = arith.index_cast %add3A_181 : i32 to index
          %get3A_262 = arith.constant 112 : index
          %get3A_263 = tpu.vector_load %arg17[%get3A_261, %get3A_262] {strides = array<i32>} : memref<128x128xf32, #tpu.memory_space<vmem>>, vector<16xf32>,
          %add3A_264 = arith.addf %get3A_260, %get3A_263 : vector<16xf32>
          %mul3A_265 = arith.mulf %add3A_264, %gather3A_177 : vector<16xf32>
          %swap3A_266 = arith.index_cast %add3A_181 : i32 to index
          %swap3A_267 = arith.constant 112 : index
          %swap3A_268 = tpu.vector_load %arg16[%swap3A_266, %swap3A_267] {strides = array<i32>} : memref<128x128xf32, #tpu.memory_space<vmem>>, vector<16xf32>,
          tpu.vector_store %arg16[%swap3A_266, %swap3A_267], %mul3A_265 {strides = array<i32>} : memref<128x128xf32, #tpu.memory_space<vmem>>, vector<16xf32>,
          %broadcast_in_dim3A_269 = arith.constant 1 : i32
          %broadcast_in_dim3A_270 = vector.broadcast %broadcast_in_dim3A_269 : i32 to vector<16x1xi32>
          %gather3A_271 = vector.shape_cast %broadcast_in_dim3A_270 : vector<16x1xi32> to vector<16xi32>
          %gather3A_272 = tpu.dynamic_gather %div3A[%gather3A_271] in [0] : vector<16xf32>, vector<16xi32> -> vector<16xf32>
          %mul3A_273 = arith.constant 16 : i32
          %mul3A_274 = arith.muli %scan3A_163, %mul3A_273 : i32
          %add3A_275 = arith.constant 1 : i32
          %add3A_276 = arith.addi %mul3A_274, %add3A_275 : i32
          %get3A_277 = arith.index_cast %add3A_276 : i32 to index
          %get3A_278 = arith.constant 0 : index
          %get3A_279 = tpu.vector_load %arg16[%get3A_277, %get3A_278] {strides = array<i32>} : memref<128x128xf32, #tpu.memory_space<vmem>>, vector<16xf32>,
          %get3A_280 = arith.index_cast %add3A_276 : i32 to index
          %get3A_281 = arith.constant 0 : index
          %get3A_282 = tpu.vector_load %arg17[%get3A_280, %get3A_281] {strides = array<i32>} : memref<128x128xf32, #tpu.memory_space<vmem>>, vector<16xf32>,
          %add3A_283 = arith.addf %get3A_279, %get3A_282 : vector<16xf32>
          %mul3A_284 = arith.mulf %add3A_283, %gather3A_272 : vector<16xf32>
          %swap3A_285 = arith.index_cast %add3A_276 : i32 to index
          %swap3A_286 = arith.constant 0 : index
          %swap3A_287 = tpu.vector_load %arg16[%swap3A_285, %swap3A_286] {strides = array<i32>} : memref<128x128xf32, #tpu.memory_space<vmem>>, vector<16xf32>,
          tpu.vector_store %arg16[%swap3A_285, %swap3A_286], %mul3A_284 {strides = array<i32>} : memref<128x128xf32, #tpu.memory_space<vmem>>, vector<16xf32>,
          %get3A_288 = arith.index_cast %add3A_276 : i32 to index
          %get3A_289 = arith.constant 16 : index
          %get3A_290 = tpu.vector_load %arg16[%get3A_288, %get3A_289] {strides = array<i32>} : memref<128x128xf32, #tpu.memory_space<vmem>>, vector<16xf32>,
          %get3A_291 = arith.index_cast %add3A_276 : i32 to index
          %get3A_292 = arith.constant 16 : index
          %get3A_293 = tpu.vector_load %arg17[%get3A_291, %get3A_292] {strides = array<i32>} : memref<128x128xf32, #tpu.memory_space<vmem>>, vector<16xf32>,
          %add3A_294 = arith.addf %get3A_290, %get3A_293 : vector<16xf32>
          %mul3A_295 = arith.mulf %add3A_294, %gather3A_272 : vector<16xf32>
          %swap3A_296 = arith.index_cast %add3A_276 : i32 to index
          %swap3A_297 = arith.constant 16 : index
          %swap3A_298 = tpu.vector_load %arg16[%swap3A_296, %swap3A_297] {strides = array<i32>} : memref<128x128xf32, #tpu.memory_space<vmem>>, vector<16xf32>,
          tpu.vector_store %arg16[%swap3A_296, %swap3A_297], %mul3A_295 {strides = array<i32>} : memref<128x128xf32, #tpu.memory_space<vmem>>, vector<16xf32>,
          %get3A_299 = arith.index_cast %add3A_276 : i32 to index
          %get3A_300 = arith.constant 32 : index
          %get3A_301 = tpu.vector_load %arg16[%get3A_299, %get3A_300] {strides = array<i32>} : memref<128x128xf32, #tpu.memory_space<vmem>>, vector<16xf32>,
          %get3A_302 = arith.index_cast %add3A_276 : i32 to index
          %get3A_303 = arith.constant 32 : index
          %get3A_304 = tpu.vector_load %arg17[%get3A_302, %get3A_303] {strides = array<i32>} : memref<128x128xf32, #tpu.memory_space<vmem>>, vector<16xf32>,
          %add3A_305 = arith.addf %get3A_301, %get3A_304 : vector<16xf32>
          %mul3A_306 = arith.mulf %add3A_305, %gather3A_272 : vector<16xf32>
          %swap3A_307 = arith.index_cast %add3A_276 : i32 to index
          %swap3A_308 = arith.constant 32 : index
          %swap3A_309 = tpu.vector_load %arg16[%swap3A_307, %swap3A_308] {strides = array<i32>} : memref<128x128xf32, #tpu.memory_space<vmem>>, vector<16xf32>,
          tpu.vector_store %arg16[%swap3A_307, %swap3A_308], %mul3A_306 {strides = array<i32>} : memref<128x128xf32, #tpu.memory_space<vmem>>, vector<16xf32>,
          %get3A_310 = arith.index_cast %add3A_276 : i32 to index
          %get3A_311 = arith.constant 48 : index
          %get3A_312 = tpu.vector_load %arg16[%get3A_310, %get3A_311] {strides = array<i32>} : memref<128x128xf32, #tpu.memory_space<vmem>>, vector<16xf32>,
          %get3A_313 = arith.index_cast %add3A_276 : i32 to index
          %get3A_314 = arith.constant 48 : index
          %get3A_315 = tpu.vector_load %arg17[%get3A_313, %get3A_314] {strides = array<i32>} : memref<128x128xf32, #tpu.memory_space<vmem>>, vector<16xf32>,
          %add3A_316 = arith.addf %get3A_312, %get3A_315 : vector<16xf32>
          %mul3A_317 = arith.mulf %add3A_316, %gather3A_272 : vector<16xf32>
          %swap3A_318 = arith.index_cast %add3A_276 : i32 to index
          %swap3A_319 = arith.constant 48 : index
          %swap3A_320 = tpu.vector_load %arg16[%swap3A_318, %swap3A_319] {strides = array<i32>} : memref<128x128xf32, #tpu.memory_space<vmem>>, vector<16xf32>,
          tpu.vector_store %arg16[%swap3A_318, %swap3A_319], %mul3A_317 {strides = array<i32>} : memref<128x128xf32, #tpu.memory_space<vmem>>, vector<16xf32>,
          %get3A_321 = arith.index_cast %add3A_276 : i32 to index
          %get3A_322 = arith.constant 64 : index
          %get3A_323 = tpu.vector_load %arg16[%get3A_321, %get3A_322] {strides = array<i32>} : memref<128x128xf32, #tpu.memory_space<vmem>>, vector<16xf32>,
          %get3A_324 = arith.index_cast %add3A_276 : i32 to index
          %get3A_325 = arith.constant 64 : index
          %get3A_326 = tpu.vector_load %arg17[%get3A_324, %get3A_325] {strides = array<i32>} : memref<128x128xf32, #tpu.memory_space<vmem>>, vector<16xf32>,
          %add3A_327 = arith.addf %get3A_323, %get3A_326 : vector<16xf32>
          %mul3A_328 = arith.mulf %add3A_327, %gather3A_272 : vector<16xf32>
          %swap3A_329 = arith.index_cast %add3A_276 : i32 to index
          %swap3A_330 = arith.constant 64 : index
          %swap3A_331 = tpu.vector_load %arg16[%swap3A_329, %swap3A_330] {strides = array<i32>} : memref<128x128xf32, #tpu.memory_space<vmem>>, vector<16xf32>,
          tpu.vector_store %arg16[%swap3A_329, %swap3A_330], %mul3A_328 {strides = array<i32>} : memref<128x128xf32, #tpu.memory_space<vmem>>, vector<16xf32>,
          %get3A_332 = arith.index_cast %add3A_276 : i32 to index
          %get3A_333 = arith.constant 80 : index
          %get3A_334 = tpu.vector_load %arg16[%get3A_332, %get3A_333] {strides = array<i32>} : memref<128x128xf32, #tpu.memory_space<vmem>>, vector<16xf32>,
          %get3A_335 = arith.index_cast %add3A_276 : i32 to index
          %get3A_336 = arith.constant 80 : index
          %get3A_337 = tpu.vector_load %arg17[%get3A_335, %get3A_336] {strides = array<i32>} : memref<128x128xf32, #tpu.memory_space<vmem>>, vector<16xf32>,
          %add3A_338 = arith.addf %get3A_334, %get3A_337 : vector<16xf32>
          %mul3A_339 = arith.mulf %add3A_338, %gather3A_272 : vector<16xf32>
          %swap3A_340 = arith.index_cast %add3A_276 : i32 to index
          %swap3A_341 = arith.constant 80 : index
          %swap3A_342 = tpu.vector_load %arg16[%swap3A_340, %swap3A_341] {strides = array<i32>} : memref<128x128xf32, #tpu.memory_space<vmem>>, vector<16xf32>,
          tpu.vector_store %arg16[%swap3A_340, %swap3A_341], %mul3A_339 {strides = array<i32>} : memref<128x128xf32, #tpu.memory_space<vmem>>, vector<16xf32>,
          %get3A_343 = arith.index_cast %add3A_276 : i32 to index
          %get3A_344 = arith.constant 96 : index
          %get3A_345 = tpu.vector_load %arg16[%get3A_343, %get3A_344] {strides = array<i32>} : memref<128x128xf32, #tpu.memory_space<vmem>>, vector<16xf32>,
          %get3A_346 = arith.index_cast %add3A_276 : i32 to index
          %get3A_347 = arith.constant 96 : index
          %get3A_348 = tpu.vector_load %arg17[%get3A_346, %get3A_347] {strides = array<i32>} : memref<128x128xf32, #tpu.memory_space<vmem>>, vector<16xf32>,
          %add3A_349 = arith.addf %get3A_345, %get3A_348 : vector<16xf32>
          %mul3A_350 = arith.mulf %add3A_349, %gather3A_272 : vector<16xf32>
          %swap3A_351 = arith.index_cast %add3A_276 : i32 to index
          %swap3A_352 = arith.constant 96 : index
          %swap3A_353 = tpu.vector_load %arg16[%swap3A_351, %swap3A_352] {strides = array<i32>} : memref<128x128xf32, #tpu.memory_space<vmem>>, vector<16xf32>,
          tpu.vector_store %arg16[%swap3A_351, %swap3A_352], %mul3A_350 {strides = array<i32>} : memref<128x128xf32, #tpu.memory_space<vmem>>, vector<16xf32>,
          %get3A_354 = arith.index_cast %add3A_276 : i32 to index
          %get3A_355 = arith.constant 112 : index
          %get3A_356 = tpu.vector_load %arg16[%get3A_354, %get3A_355] {strides = array<i32>} : memref<128x128xf32, #tpu.memory_space<vmem>>, vector<16xf32>,
          %get3A_357 = arith.index_cast %add3A_276 : i32 to index
          %get3A_358 = arith.constant 112 : index
          %get3A_359 = tpu.vector_load %arg17[%get3A_357, %get3A_358] {strides = array<i32>} : memref<128x128xf32, #tpu.memory_space<vmem>>, vector<16xf32>,
          %add3A_360 = arith.addf %get3A_356, %get3A_359 : vector<16xf32>
          %mul3A_361 = arith.mulf %add3A_360, %gather3A_272 : vector<16xf32>
          %swap3A_362 = arith.index_cast %add3A_276 : i32 to index
          %swap3A_363 = arith.constant 112 : index
          %swap3A_364 = tpu.vector_load %arg16[%swap3A_362, %swap3A_363] {strides = array<i32>} : memref<128x128xf32, #tpu.memory_space<vmem>>, vector<16xf32>,
          tpu.vector_store %arg16[%swap3A_362, %swap3A_363], %mul3A_361 {strides = array<i32>} : memref<128x128xf32, #tpu.memory_space<vmem>>, vector<16xf32>,
          %broadcast_in_dim3A_365 = arith.constant 2 : i32
          %broadcast_in_dim3A_366 = vector.broadcast %broadcast_in_dim3A_365 : i32 to vector<16x1xi32>
          %gather3A_367 = vector.shape_cast %broadcast_in_dim3A_366 : vector<16x1xi32> to vector<16xi32>
          %gather3A_368 = tpu.dynamic_gather %div3A[%gather3A_367] in [0] : vector<16xf32>, vector<16xi32> -> vector<16xf32>
          %mul3A_369 = arith.constant 16 : i32
          %mul3A_370 = arith.muli %scan3A_163, %mul3A_369 : i32
          %add3A_371 = arith.constant 2 : i32
          %add3A_372 = arith.addi %mul3A_370, %add3A_371 : i32
          %get3A_373 = arith.index_cast %add3A_372 : i32 to index
          %get3A_374 = arith.constant 0 : index
          %get3A_375 = tpu.vector_load %arg16[%get3A_373, %get3A_374] {strides = array<i32>} : memref<128x128xf32, #tpu.memory_space<vmem>>, vector<16xf32>,
          %get3A_376 = arith.index_cast %add3A_372 : i32 to index
          %get3A_377 = arith.constant 0 : index
          %get3A_378 = tpu.vector_load %arg17[%get3A_376, %get3A_377] {strides = array<i32>} : memref<128x128xf32, #tpu.memory_space<vmem>>, vector<16xf32>,
          %add3A_379 = arith.addf %get3A_375, %get3A_378 : vector<16xf32>
          %mul3A_380 = arith.mulf %add3A_379, %gather3A_368 : vector<16xf32>
          %swap3A_381 = arith.index_cast %add3A_372 : i32 to index
          %swap3A_382 = arith.constant 0 : index
          %swap3A_383 = tpu.vector_load %arg16[%swap3A_381, %swap3A_382] {strides = array<i32>} : memref<128x128xf32, #tpu.memory_space<vmem>>, vector<16xf32>,
          tpu.vector_store %arg16[%swap3A_381, %swap3A_382], %mul3A_380 {strides = array<i32>} : memref<128x128xf32, #tpu.memory_space<vmem>>, vector<16xf32>,
          %get3A_384 = arith.index_cast %add3A_372 : i32 to index
          %get3A_385 = arith.constant 16 : index
          %get3A_386 = tpu.vector_load %arg16[%get3A_384, %get3A_385] {strides = array<i32>} : memref<128x128xf32, #tpu.memory_space<vmem>>, vector<16xf32>,
          %get3A_387 = arith.index_cast %add3A_372 : i32 to index
          %get3A_388 = arith.constant 16 : index
          %get3A_389 = tpu.vector_load %arg17[%get3A_387, %get3A_388] {strides = array<i32>} : memref<128x128xf32, #tpu.memory_space<vmem>>, vector<16xf32>,
          %add3A_390 = arith.addf %get3A_386, %get3A_389 : vector<16xf32>
          %mul3A_391 = arith.mulf %add3A_390, %gather3A_368 : vector<16xf32>
          %swap3A_392 = arith.index_cast %add3A_372 : i32 to index
          %swap3A_393 = arith.constant 16 : index
          %swap3A_394 = tpu.vector_load %arg16[%swap3A_392, %swap3A_393] {strides = array<i32>} : memref<128x128xf32, #tpu.memory_space<vmem>>, vector<16xf32>,
          tpu.vector_store %arg16[%swap3A_392, %swap3A_393], %mul3A_391 {strides = array<i32>} : memref<128x128xf32, #tpu.memory_space<vmem>>, vector<16xf32>,
          %get3A_395 = arith.index_cast %add3A_372 : i32 to index
          %get3A_396 = arith.constant 32 : index
          %get3A_397 = tpu.vector_load %arg16[%get3A_395, %get3A_396] {strides = array<i32>} : memref<128x128xf32, #tpu.memory_space<vmem>>, vector<16xf32>,
          %get3A_398 = arith.index_cast %add3A_372 : i32 to index
          %get3A_399 = arith.constant 32 : index
          %get3A_400 = tpu.vector_load %arg17[%get3A_398, %get3A_399] {strides = array<i32>} : memref<128x128xf32, #tpu.memory_space<vmem>>, vector<16xf32>,
          %add3A_401 = arith.addf %get3A_397, %get3A_400 : vector<16xf32>
          %mul3A_402 = arith.mulf %add3A_401, %gather3A_368 : vector<16xf32>
          %swap3A_403 = arith.index_cast %add3A_372 : i32 to index
          %swap3A_404 = arith.constant 32 : index
          %swap3A_405 = tpu.vector_load %arg16[%swap3A_403, %swap3A_404] {strides = array<i32>} : memref<128x128xf32, #tpu.memory_space<vmem>>, vector<16xf32>,
          tpu.vector_store %arg16[%swap3A_403, %swap3A_404], %mul3A_402 {strides = array<i32>} : memref<128x128xf32, #tpu.memory_space<vmem>>, vector<16xf32>,
          %get3A_406 = arith.index_cast %add3A_372 : i32 to index
          %get3A_407 = arith.constant 48 : index
          %get3A_408 = tpu.vector_load %arg16[%get3A_406, %get3A_407] {strides = array<i32>} : memref<128x128xf32, #tpu.memory_space<vmem>>, vector<16xf32>,
          %get3A_409 = arith.index_cast %add3A_372 : i32 to index
          %get3A_410 = arith.constant 48 : index
          %get3A_411 = tpu.vector_load %arg17[%get3A_409, %get3A_410] {strides = array<i32>} : memref<128x128xf32, #tpu.memory_space<vmem>>, vector<16xf32>,
          %add3A_412 = arith.addf %get3A_408, %get3A_411 : vector<16xf32>
          %mul3A_413 = arith.mulf %add3A_412, %gather3A_368 : vector<16xf32>
          %swap3A_414 = arith.index_cast %add3A_372 : i32 to index
          %swap3A_415 = arith.constant 48 : index
          %swap3A_416 = tpu.vector_load %arg16[%swap3A_414, %swap3A_415] {strides = array<i32>} : memref<128x128xf32, #tpu.memory_space<vmem>>, vector<16xf32>,
          tpu.vector_store %arg16[%swap3A_414, %swap3A_415], %mul3A_413 {strides = array<i32>} : memref<128x128xf32, #tpu.memory_space<vmem>>, vector<16xf32>,
          %get3A_417 = arith.index_cast %add3A_372 : i32 to index
          %get3A_418 = arith.constant 64 : index
          %get3A_419 = tpu.vector_load %arg16[%get3A_417, %get3A_418] {strides = array<i32>} : memref<128x128xf32, #tpu.memory_space<vmem>>, vector<16xf32>,
          %get3A_420 = arith.index_cast %add3A_372 : i32 to index
          %get3A_421 = arith.constant 64 : index
          %get3A_422 = tpu.vector_load %arg17[%get3A_420, %get3A_421] {strides = array<i32>} : memref<128x128xf32, #tpu.memory_space<vmem>>, vector<16xf32>,
          %add3A_423 = arith.addf %get3A_419, %get3A_422 : vector<16xf32>
          %mul3A_424 = arith.mulf %add3A_423, %gather3A_368 : vector<16xf32>
          %swap3A_425 = arith.index_cast %add3A_372 : i32 to index
          %swap3A_426 = arith.constant 64 : index
          %swap3A_427 = tpu.vector_load %arg16[%swap3A_425, %swap3A_426] {strides = array<i32>} : memref<128x128xf32, #tpu.memory_space<vmem>>, vector<16xf32>,
          tpu.vector_store %arg16[%swap3A_425, %swap3A_426], %mul3A_424 {strides = array<i32>} : memref<128x128xf32, #tpu.memory_space<vmem>>, vector<16xf32>,
          %get3A_428 = arith.index_cast %add3A_372 : i32 to index
          %get3A_429 = arith.constant 80 : index
          %get3A_430 = tpu.vector_load %arg16[%get3A_428, %get3A_429] {strides = array<i32>} : memref<128x128xf32, #tpu.memory_space<vmem>>, vector<16xf32>,
          %get3A_431 = arith.index_cast %add3A_372 : i32 to index
          %get3A_432 = arith.constant 80 : index
          %get3A_433 = tpu.vector_load %arg17[%get3A_431, %get3A_432] {strides = array<i32>} : memref<128x128xf32, #tpu.memory_space<vmem>>, vector<16xf32>,
          %add3A_434 = arith.addf %get3A_430, %get3A_433 : vector<16xf32>
          %mul3A_435 = arith.mulf %add3A_434, %gather3A_368 : vector<16xf32>
          %swap3A_436 = arith.index_cast %add3A_372 : i32 to index
          %swap3A_437 = arith.constant 80 : index
          %swap3A_438 = tpu.vector_load %arg16[%swap3A_436, %swap3A_437] {strides = array<i32>} : memref<128x128xf32, #tpu.memory_space<vmem>>, vector<16xf32>,
          tpu.vector_store %arg16[%swap3A_436, %swap3A_437], %mul3A_435 {strides = array<i32>} : memref<128x128xf32, #tpu.memory_space<vmem>>, vector<16xf32>,
          %get3A_439 = arith.index_cast %add3A_372 : i32 to index
          %get3A_440 = arith.constant 96 : index
          %get3A_441 = tpu.vector_load %arg16[%get3A_439, %get3A_440] {strides = array<i32>} : memref<128x128xf32, #tpu.memory_space<vmem>>, vector<16xf32>,
          %get3A_442 = arith.index_cast %add3A_372 : i32 to index
          %get3A_443 = arith.constant 96 : index
          %get3A_444 = tpu.vector_load %arg17[%get3A_442, %get3A_443] {strides = array<i32>} : memref<128x128xf32, #tpu.memory_space<vmem>>, vector<16xf32>,
          %add3A_445 = arith.addf %get3A_441, %get3A_444 : vector<16xf32>
          %mul3A_446 = arith.mulf %add3A_445, %gather3A_368 : vector<16xf32>
          %swap3A_447 = arith.index_cast %add3A_372 : i32 to index
          %swap3A_448 = arith.constant 96 : index
          %swap3A_449 = tpu.vector_load %arg16[%swap3A_447, %swap3A_448] {strides = array<i32>} : memref<128x128xf32, #tpu.memory_space<vmem>>, vector<16xf32>,
          tpu.vector_store %arg16[%swap3A_447, %swap3A_448], %mul3A_446 {strides = array<i32>} : memref<128x128xf32, #tpu.memory_space<vmem>>, vector<16xf32>,
          %get3A_450 = arith.index_cast %add3A_372 : i32 to index
          %get3A_451 = arith.constant 112 : index
          %get3A_452 = tpu.vector_load %arg16[%get3A_450, %get3A_451] {strides = array<i32>} : memref<128x128xf32, #tpu.memory_space<vmem>>, vector<16xf32>,
          %get3A_453 = arith.index_cast %add3A_372 : i32 to index
          %get3A_454 = arith.constant 112 : index
          %get3A_455 = tpu.vector_load %arg17[%get3A_453, %get3A_454] {strides = array<i32>} : memref<128x128xf32, #tpu.memory_space<vmem>>, vector<16xf32>,
          %add3A_456 = arith.addf %get3A_452, %get3A_455 : vector<16xf32>
          %mul3A_457 = arith.mulf %add3A_456, %gather3A_368 : vector<16xf32>
          %swap3A_458 = arith.index_cast %add3A_372 : i32 to index
          %swap3A_459 = arith.constant 112 : index
          %swap3A_460 = tpu.vector_load %arg16[%swap3A_458, %swap3A_459] {strides = array<i32>} : memref<128x128xf32, #tpu.memory_space<vmem>>, vector<16xf32>,
          tpu.vector_store %arg16[%swap3A_458, %swap3A_459], %mul3A_457 {strides = array<i32>} : memref<128x128xf32, #tpu.memory_space<vmem>>, vector<16xf32>,
          %broadcast_in_dim3A_461 = arith.constant 3 : i32
          %broadcast_in_dim3A_462 = vector.broadcast %broadcast_in_dim3A_461 : i32 to vector<16x1xi32>
          %gather3A_463 = vector.shape_cast %broadcast_in_dim3A_462 : vector<16x1xi32> to vector<16xi32>
          %gather3A_464 = tpu.dynamic_gather %div3A[%gather3A_463] in [0] : vector<16xf32>, vector<16xi32> -> vector<16xf32>
          %mul3A_465 = arith.constant 16 : i32
          %mul3A_466 = arith.muli %scan3A_163, %mul3A_465 : i32
          %add3A_467 = arith.constant 3 : i32
          %add3A_468 = arith.addi %mul3A_466, %add3A_467 : i32
          %get3A_469 = arith.index_cast %add3A_468 : i32 to index
          %get3A_470 = arith.constant 0 : index
          %get3A_471 = tpu.vector_load %arg16[%get3A_469, %get3A_470] {strides = array<i32>} : memref<128x128xf32, #tpu.memory_space<vmem>>, vector<16xf32>,
          %get3A_472 = arith.index_cast %add3A_468 : i32 to index
          %get3A_473 = arith.constant 0 : index
          %get3A_474 = tpu.vector_load %arg17[%get3A_472, %get3A_473] {strides = array<i32>} : memref<128x128xf32, #tpu.memory_space<vmem>>, vector<16xf32>,
          %add3A_475 = arith.addf %get3A_471, %get3A_474 : vector<16xf32>
          %mul3A_476 = arith.mulf %add3A_475, %gather3A_464 : vector<16xf32>
          %swap3A_477 = arith.index_cast %add3A_468 : i32 to index
          %swap3A_478 = arith.constant 0 : index
          %swap3A_479 = tpu.vector_load %arg16[%swap3A_477, %swap3A_478] {strides = array<i32>} : memref<128x128xf32, #tpu.memory_space<vmem>>, vector<16xf32>,
          tpu.vector_store %arg16[%swap3A_477, %swap3A_478], %mul3A_476 {strides = array<i32>} : memref<128x128xf32, #tpu.memory_space<vmem>>, vector<16xf32>,
          %get3A_480 = arith.index_cast %add3A_468 : i32 to index
          %get3A_481 = arith.constant 16 : index
          %get3A_482 = tpu.vector_load %arg16[%get3A_480, %get3A_481] {strides = array<i32>} : memref<128x128xf32, #tpu.memory_space<vmem>>, vector<16xf32>,
          %get3A_483 = arith.index_cast %add3A_468 : i32 to index
          %get3A_484 = arith.constant 16 : index
          %get3A_485 = tpu.vector_load %arg17[%get3A_483, %get3A_484] {strides = array<i32>} : memref<128x128xf32, #tpu.memory_space<vmem>>, vector<16xf32>,
          %add3A_486 = arith.addf %get3A_482, %get3A_485 : vector<16xf32>
          %mul3A_487 = arith.mulf %add3A_486, %gather3A_464 : vector<16xf32>
          %swap3A_488 = arith.index_cast %add3A_468 : i32 to index
          %swap3A_489 = arith.constant 16 : index
          %swap3A_490 = tpu.vector_load %arg16[%swap3A_488, %swap3A_489] {strides = array<i32>} : memref<128x128xf32, #tpu.memory_space<vmem>>, vector<16xf32>,
          tpu.vector_store %arg16[%swap3A_488, %swap3A_489], %mul3A_487 {strides = array<i32>} : memref<128x128xf32, #tpu.memory_space<vmem>>, vector<16xf32>,
          %get3A_491 = arith.index_cast %add3A_468 : i32 to index
          %get3A_492 = arith.constant 32 : index
          %get3A_493 = tpu.vector_load %arg16[%get3A_491, %get3A_492] {strides = array<i32>} : memref<128x128xf32, #tpu.memory_space<vmem>>, vector<16xf32>,
          %get3A_494 = arith.index_cast %add3A_468 : i32 to index
          %get3A_495 = arith.constant 32 : index
          %get3A_496 = tpu.vector_load %arg17[%get3A_494, %get3A_495] {strides = array<i32>} : memref<128x128xf32, #tpu.memory_space<vmem>>, vector<16xf32>,
          %add3A_497 = arith.addf %get3A_493, %get3A_496 : vector<16xf32>
          %mul3A_498 = arith.mulf %add3A_497, %gather3A_464 : vector<16xf32>
          %swap3A_499 = arith.index_cast %add3A_468 : i32 to index
          %swap3A_500 = arith.constant 32 : index
          %swap3A_501 = tpu.vector_load %arg16[%swap3A_499, %swap3A_500] {strides = array<i32>} : memref<128x128xf32, #tpu.memory_space<vmem>>, vector<16xf32>,
          tpu.vector_store %arg16[%swap3A_499, %swap3A_500], %mul3A_498 {strides = array<i32>} : memref<128x128xf32, #tpu.memory_space<vmem>>, vector<16xf32>,
          %get3A_502 = arith.index_cast %add3A_468 : i32 to index
          %get3A_503 = arith.constant 48 : index
          %get3A_504 = tpu.vector_load %arg16[%get3A_502, %get3A_503] {strides = array<i32>} : memref<128x128xf32, #tpu.memory_space<vmem>>, vector<16xf32>,
          %get3A_505 = arith.index_cast %add3A_468 : i32 to index
          %get3A_506 = arith.constant 48 : index
          %get3A_507 = tpu.vector_load %arg17[%get3A_505, %get3A_506] {strides = array<i32>} : memref<128x128xf32, #tpu.memory_space<vmem>>, vector<16xf32>,
          %add3A_508 = arith.addf %get3A_504, %get3A_507 : vector<16xf32>
          %mul3A_509 = arith.mulf %add3A_508, %gather3A_464 : vector<16xf32>
          %swap3A_510 = arith.index_cast %add3A_468 : i32 to index
          %swap3A_511 = arith.constant 48 : index
          %swap3A_512 = tpu.vector_load %arg16[%swap3A_510, %swap3A_511] {strides = array<i32>} : memref<128x128xf32, #tpu.memory_space<vmem>>, vector<16xf32>,
          tpu.vector_store %arg16[%swap3A_510, %swap3A_511], %mul3A_509 {strides = array<i32>} : memref<128x128xf32, #tpu.memory_space<vmem>>, vector<16xf32>,
          %get3A_513 = arith.index_cast %add3A_468 : i32 to index
          %get3A_514 = arith.constant 64 : index
          %get3A_515 = tpu.vector_load %arg16[%get3A_513, %get3A_514] {strides = array<i32>} : memref<128x128xf32, #tpu.memory_space<vmem>>, vector<16xf32>,
          %get3A_516 = arith.index_cast %add3A_468 : i32 to index
          %get3A_517 = arith.constant 64 : index
          %get3A_518 = tpu.vector_load %arg17[%get3A_516, %get3A_517] {strides = array<i32>} : memref<128x128xf32, #tpu.memory_space<vmem>>, vector<16xf32>,
          %add3A_519 = arith.addf %get3A_515, %get3A_518 : vector<16xf32>
          %mul3A_520 = arith.mulf %add3A_519, %gather3A_464 : vector<16xf32>
          %swap3A_521 = arith.index_cast %add3A_468 : i32 to index
          %swap3A_522 = arith.constant 64 : index
          %swap3A_523 = tpu.vector_load %arg16[%swap3A_521, %swap3A_522] {strides = array<i32>} : memref<128x128xf32, #tpu.memory_space<vmem>>, vector<16xf32>,
          tpu.vector_store %arg16[%swap3A_521, %swap3A_522], %mul3A_520 {strides = array<i32>} : memref<128x128xf32, #tpu.memory_space<vmem>>, vector<16xf32>,
          %get3A_524 = arith.index_cast %add3A_468 : i32 to index
          %get3A_525 = arith.constant 80 : index
          %get3A_526 = tpu.vector_load %arg16[%get3A_524, %get3A_525] {strides = array<i32>} : memref<128x128xf32, #tpu.memory_space<vmem>>, vector<16xf32>,
          %get3A_527 = arith.index_cast %add3A_468 : i32 to index
          %get3A_528 = arith.constant 80 : index
          %get3A_529 = tpu.vector_load %arg17[%get3A_527, %get3A_528] {strides = array<i32>} : memref<128x128xf32, #tpu.memory_space<vmem>>, vector<16xf32>,
          %add3A_530 = arith.addf %get3A_526, %get3A_529 : vector<16xf32>
          %mul3A_531 = arith.mulf %add3A_530, %gather3A_464 : vector<16xf32>
          %swap3A_532 = arith.index_cast %add3A_468 : i32 to index
          %swap3A_533 = arith.constant 80 : index
          %swap3A_534 = tpu.vector_load %arg16[%swap3A_532, %swap3A_533] {strides = array<i32>} : memref<128x128xf32, #tpu.memory_space<vmem>>, vector<16xf32>,
          tpu.vector_store %arg16[%swap3A_532, %swap3A_533], %mul3A_531 {strides = array<i32>} : memref<128x128xf32, #tpu.memory_space<vmem>>, vector<16xf32>,
          %get3A_535 = arith.index_cast %add3A_468 : i32 to index
          %get3A_536 = arith.constant 96 : index
          %get3A_537 = tpu.vector_load %arg16[%get3A_535, %get3A_536] {strides = array<i32>} : memref<128x128xf32, #tpu.memory_space<vmem>>, vector<16xf32>,
          %get3A_538 = arith.index_cast %add3A_468 : i32 to index
          %get3A_539 = arith.constant 96 : index
          %get3A_540 = tpu.vector_load %arg17[%get3A_538, %get3A_539] {strides = array<i32>} : memref<128x128xf32, #tpu.memory_space<vmem>>, vector<16xf32>,
          %add3A_541 = arith.addf %get3A_537, %get3A_540 : vector<16xf32>
          %mul3A_542 = arith.mulf %add3A_541, %gather3A_464 : vector<16xf32>
          %swap3A_543 = arith.index_cast %add3A_468 : i32 to index
          %swap3A_544 = arith.constant 96 : index
          %swap3A_545 = tpu.vector_load %arg16[%swap3A_543, %swap3A_544] {strides = array<i32>} : memref<128x128xf32, #tpu.memory_space<vmem>>, vector<16xf32>,
          tpu.vector_store %arg16[%swap3A_543, %swap3A_544], %mul3A_542 {strides = array<i32>} : memref<128x128xf32, #tpu.memory_space<vmem>>, vector<16xf32>,
          %get3A_546 = arith.index_cast %add3A_468 : i32 to index
          %get3A_547 = arith.constant 112 : index
          %get3A_548 = tpu.vector_load %arg16[%get3A_546, %get3A_547] {strides = array<i32>} : memref<128x128xf32, #tpu.memory_space<vmem>>, vector<16xf32>,
          %get3A_549 = arith.index_cast %add3A_468 : i32 to index
          %get3A_550 = arith.constant 112 : index
          %get3A_551 = tpu.vector_load %arg17[%get3A_549, %get3A_550] {strides = array<i32>} : memref<128x128xf32, #tpu.memory_space<vmem>>, vector<16xf32>,
          %add3A_552 = arith.addf %get3A_548, %get3A_551 : vector<16xf32>
          %mul3A_553 = arith.mulf %add3A_552, %gather3A_464 : vector<16xf32>
          %swap3A_554 = arith.index_cast %add3A_468 : i32 to index
          %swap3A_555 = arith.constant 112 : index
          %swap3A_556 = tpu.vector_load %arg16[%swap3A_554, %swap3A_555] {strides = array<i32>} : memref<128x128xf32, #tpu.memory_space<vmem>>, vector<16xf32>,
          tpu.vector_store %arg16[%swap3A_554, %swap3A_555], %mul3A_553 {strides = array<i32>} : memref<128x128xf32, #tpu.memory_space<vmem>>, vector<16xf32>,
          %broadcast_in_dim3A_557 = arith.constant 4 : i32
          %broadcast_in_dim3A_558 = vector.broadcast %broadcast_in_dim3A_557 : i32 to vector<16x1xi32>
          %gather3A_559 = vector.shape_cast %broadcast_in_dim3A_558 : vector<16x1xi32> to vector<16xi32>
          %gather3A_560 = tpu.dynamic_gather %div3A[%gather3A_559] in [0] : vector<16xf32>, vector<16xi32> -> vector<16xf32>
          %mul3A_561 = arith.constant 16 : i32
          %mul3A_562 = arith.muli %scan3A_163, %mul3A_561 : i32
          %add3A_563 = arith.constant 4 : i32
          %add3A_564 = arith.addi %mul3A_562, %add3A_563 : i32
          %get3A_565 = arith.index_cast %add3A_564 : i32 to index
          %get3A_566 = arith.constant 0 : index
          %get3A_567 = tpu.vector_load %arg16[%get3A_565, %get3A_566] {strides = array<i32>} : memref<128x128xf32, #tpu.memory_space<vmem>>, vector<16xf32>,
          %get3A_568 = arith.index_cast %add3A_564 : i32 to index
          %get3A_569 = arith.constant 0 : index
          %get3A_570 = tpu.vector_load %arg17[%get3A_568, %get3A_569] {strides = array<i32>} : memref<128x128xf32, #tpu.memory_space<vmem>>, vector<16xf32>,
          %add3A_571 = arith.addf %get3A_567, %get3A_570 : vector<16xf32>
          %mul3A_572 = arith.mulf %add3A_571, %gather3A_560 : vector<16xf32>
          %swap3A_573 = arith.index_cast %add3A_564 : i32 to index
          %swap3A_574 = arith.constant 0 : index
          %swap3A_575 = tpu.vector_load %arg16[%swap3A_573, %swap3A_574] {strides = array<i32>} : memref<128x128xf32, #tpu.memory_space<vmem>>, vector<16xf32>,
          tpu.vector_store %arg16[%swap3A_573, %swap3A_574], %mul3A_572 {strides = array<i32>} : memref<128x128xf32, #tpu.memory_space<vmem>>, vector<16xf32>,
          %get3A_576 = arith.index_cast %add3A_564 : i32 to index
          %get3A_577 = arith.constant 16 : index
          %get3A_578 = tpu.vector_load %arg16[%get3A_576, %get3A_577] {strides = array<i32>} : memref<128x128xf32, #tpu.memory_space<vmem>>, vector<16xf32>,
          %get3A_579 = arith.index_cast %add3A_564 : i32 to index
          %get3A_580 = arith.constant 16 : index
          %get3A_581 = tpu.vector_load %arg17[%get3A_579, %get3A_580] {strides = array<i32>} : memref<128x128xf32, #tpu.memory_space<vmem>>, vector<16xf32>,
          %add3A_582 = arith.addf %get3A_578, %get3A_581 : vector<16xf32>
          %mul3A_583 = arith.mulf %add3A_582, %gather3A_560 : vector<16xf32>
          %swap3A_584 = arith.index_cast %add3A_564 : i32 to index
          %swap3A_585 = arith.constant 16 : index
          %swap3A_586 = tpu.vector_load %arg16[%swap3A_584, %swap3A_585] {strides = array<i32>} : memref<128x128xf32, #tpu.memory_space<vmem>>, vector<16xf32>,
          tpu.vector_store %arg16[%swap3A_584, %swap3A_585], %mul3A_583 {strides = array<i32>} : memref<128x128xf32, #tpu.memory_space<vmem>>, vector<16xf32>,
          %get3A_587 = arith.index_cast %add3A_564 : i32 to index
          %get3A_588 = arith.constant 32 : index
          %get3A_589 = tpu.vector_load %arg16[%get3A_587, %get3A_588] {strides = array<i32>} : memref<128x128xf32, #tpu.memory_space<vmem>>, vector<16xf32>,
          %get3A_590 = arith.index_cast %add3A_564 : i32 to index
          %get3A_591 = arith.constant 32 : index
          %get3A_592 = tpu.vector_load %arg17[%get3A_590, %get3A_591] {strides = array<i32>} : memref<128x128xf32, #tpu.memory_space<vmem>>, vector<16xf32>,
          %add3A_593 = arith.addf %get3A_589, %get3A_592 : vector<16xf32>
          %mul3A_594 = arith.mulf %add3A_593, %gather3A_560 : vector<16xf32>
          %swap3A_595 = arith.index_cast %add3A_564 : i32 to index
          %swap3A_596 = arith.constant 32 : index
          %swap3A_597 = tpu.vector_load %arg16[%swap3A_595, %swap3A_596] {strides = array<i32>} : memref<128x128xf32, #tpu.memory_space<vmem>>, vector<16xf32>,
          tpu.vector_store %arg16[%swap3A_595, %swap3A_596], %mul3A_594 {strides = array<i32>} : memref<128x128xf32, #tpu.memory_space<vmem>>, vector<16xf32>,
          %get3A_598 = arith.index_cast %add3A_564 : i32 to index
          %get3A_599 = arith.constant 48 : index
          %get3A_600 = tpu.vector_load %arg16[%get3A_598, %get3A_599] {strides = array<i32>} : memref<128x128xf32, #tpu.memory_space<vmem>>, vector<16xf32>,
          %get3A_601 = arith.index_cast %add3A_564 : i32 to index
          %get3A_602 = arith.constant 48 : index
          %get3A_603 = tpu.vector_load %arg17[%get3A_601, %get3A_602] {strides = array<i32>} : memref<128x128xf32, #tpu.memory_space<vmem>>, vector<16xf32>,
          %add3A_604 = arith.addf %get3A_600, %get3A_603 : vector<16xf32>
          %mul3A_605 = arith.mulf %add3A_604, %gather3A_560 : vector<16xf32>
          %swap3A_606 = arith.index_cast %add3A_564 : i32 to index
          %swap3A_607 = arith.constant 48 : index
          %swap3A_608 = tpu.vector_load %arg16[%swap3A_606, %swap3A_607] {strides = array<i32>} : memref<128x128xf32, #tpu.memory_space<vmem>>, vector<16xf32>,
          tpu.vector_store %arg16[%swap3A_606, %swap3A_607], %mul3A_605 {strides = array<i32>} : memref<128x128xf32, #tpu.memory_space<vmem>>, vector<16xf32>,
          %get3A_609 = arith.index_cast %add3A_564 : i32 to index
          %get3A_610 = arith.constant 64 : index
          %get3A_611 = tpu.vector_load %arg16[%get3A_609, %get3A_610] {strides = array<i32>} : memref<128x128xf32, #tpu.memory_space<vmem>>, vector<16xf32>,
          %get3A_612 = arith.index_cast %add3A_564 : i32 to index
          %get3A_613 = arith.constant 64 : index
          %get3A_614 = tpu.vector_load %arg17[%get3A_612, %get3A_613] {strides = array<i32>} : memref<128x128xf32, #tpu.memory_space<vmem>>, vector<16xf32>,
          %add3A_615 = arith.addf %get3A_611, %get3A_614 : vector<16xf32>
          %mul3A_616 = arith.mulf %add3A_615, %gather3A_560 : vector<16xf32>
          %swap3A_617 = arith.index_cast %add3A_564 : i32 to index
          %swap3A_618 = arith.constant 64 : index
          %swap3A_619 = tpu.vector_load %arg16[%swap3A_617, %swap3A_618] {strides = array<i32>} : memref<128x128xf32, #tpu.memory_space<vmem>>, vector<16xf32>,
          tpu.vector_store %arg16[%swap3A_617, %swap3A_618], %mul3A_616 {strides = array<i32>} : memref<128x128xf32, #tpu.memory_space<vmem>>, vector<16xf32>,
          %get3A_620 = arith.index_cast %add3A_564 : i32 to index
          %get3A_621 = arith.constant 80 : index
          %get3A_622 = tpu.vector_load %arg16[%get3A_620, %get3A_621] {strides = array<i32>} : memref<128x128xf32, #tpu.memory_space<vmem>>, vector<16xf32>,
          %get3A_623 = arith.index_cast %add3A_564 : i32 to index
          %get3A_624 = arith.constant 80 : index
          %get3A_625 = tpu.vector_load %arg17[%get3A_623, %get3A_624] {strides = array<i32>} : memref<128x128xf32, #tpu.memory_space<vmem>>, vector<16xf32>,
          %add3A_626 = arith.addf %get3A_622, %get3A_625 : vector<16xf32>
          %mul3A_627 = arith.mulf %add3A_626, %gather3A_560 : vector<16xf32>
          %swap3A_628 = arith.index_cast %add3A_564 : i32 to index
          %swap3A_629 = arith.constant 80 : index
          %swap3A_630 = tpu.vector_load %arg16[%swap3A_628, %swap3A_629] {strides = array<i32>} : memref<128x128xf32, #tpu.memory_space<vmem>>, vector<16xf32>,
          tpu.vector_store %arg16[%swap3A_628, %swap3A_629], %mul3A_627 {strides = array<i32>} : memref<128x128xf32, #tpu.memory_space<vmem>>, vector<16xf32>,
          %get3A_631 = arith.index_cast %add3A_564 : i32 to index
          %get3A_632 = arith.constant 96 : index
          %get3A_633 = tpu.vector_load %arg16[%get3A_631, %get3A_632] {strides = array<i32>} : memref<128x128xf32, #tpu.memory_space<vmem>>, vector<16xf32>,
          %get3A_634 = arith.index_cast %add3A_564 : i32 to index
          %get3A_635 = arith.constant 96 : index
          %get3A_636 = tpu.vector_load %arg17[%get3A_634, %get3A_635] {strides = array<i32>} : memref<128x128xf32, #tpu.memory_space<vmem>>, vector<16xf32>,
          %add3A_637 = arith.addf %get3A_633, %get3A_636 : vector<16xf32>
          %mul3A_638 = arith.mulf %add3A_637, %gather3A_560 : vector<16xf32>
          %swap3A_639 = arith.index_cast %add3A_564 : i32 to index
          %swap3A_640 = arith.constant 96 : index
          %swap3A_641 = tpu.vector_load %arg16[%swap3A_639, %swap3A_640] {strides = array<i32>} : memref<128x128xf32, #tpu.memory_space<vmem>>, vector<16xf32>,
          tpu.vector_store %arg16[%swap3A_639, %swap3A_640], %mul3A_638 {strides = array<i32>} : memref<128x128xf32, #tpu.memory_space<vmem>>, vector<16xf32>,
          %get3A_642 = arith.index_cast %add3A_564 : i32 to index
          %get3A_643 = arith.constant 112 : index
          %get3A_644 = tpu.vector_load %arg16[%get3A_642, %get3A_643] {strides = array<i32>} : memref<128x128xf32, #tpu.memory_space<vmem>>, vector<16xf32>,
          %get3A_645 = arith.index_cast %add3A_564 : i32 to index
          %get3A_646 = arith.constant 112 : index
          %get3A_647 = tpu.vector_load %arg17[%get3A_645, %get3A_646] {strides = array<i32>} : memref<128x128xf32, #tpu.memory_space<vmem>>, vector<16xf32>,
          %add3A_648 = arith.addf %get3A_644, %get3A_647 : vector<16xf32>
          %mul3A_649 = arith.mulf %add3A_648, %gather3A_560 : vector<16xf32>
          %swap3A_650 = arith.index_cast %add3A_564 : i32 to index
          %swap3A_651 = arith.constant 112 : index
          %swap3A_652 = tpu.vector_load %arg16[%swap3A_650, %swap3A_651] {strides = array<i32>} : memref<128x128xf32, #tpu.memory_space<vmem>>, vector<16xf32>,
          tpu.vector_store %arg16[%swap3A_650, %swap3A_651], %mul3A_649 {strides = array<i32>} : memref<128x128xf32, #tpu.memory_space<vmem>>, vector<16xf32>,
          %broadcast_in_dim3A_653 = arith.constant 5 : i32
          %broadcast_in_dim3A_654 = vector.broadcast %broadcast_in_dim3A_653 : i32 to vector<16x1xi32>
          %gather3A_655 = vector.shape_cast %broadcast_in_dim3A_654 : vector<16x1xi32> to vector<16xi32>
          %gather3A_656 = tpu.dynamic_gather %div3A[%gather3A_655] in [0] : vector<16xf32>, vector<16xi32> -> vector<16xf32>
          %mul3A_657 = arith.constant 16 : i32
          %mul3A_658 = arith.muli %scan3A_163, %mul3A_657 : i32
          %add3A_659 = arith.constant 5 : i32
          %add3A_660 = arith.addi %mul3A_658, %add3A_659 : i32
          %get3A_661 = arith.index_cast %add3A_660 : i32 to index
          %get3A_662 = arith.constant 0 : index
          %get3A_663 = tpu.vector_load %arg16[%get3A_661, %get3A_662] {strides = array<i32>} : memref<128x128xf32, #tpu.memory_space<vmem>>, vector<16xf32>,
          %get3A_664 = arith.index_cast %add3A_660 : i32 to index
          %get3A_665 = arith.constant 0 : index
          %get3A_666 = tpu.vector_load %arg17[%get3A_664, %get3A_665] {strides = array<i32>} : memref<128x128xf32, #tpu.memory_space<vmem>>, vector<16xf32>,
          %add3A_667 = arith.addf %get3A_663, %get3A_666 : vector<16xf32>
          %mul3A_668 = arith.mulf %add3A_667, %gather3A_656 : vector<16xf32>
          %swap3A_669 = arith.index_cast %add3A_660 : i32 to index
          %swap3A_670 = arith.constant 0 : index
          %swap3A_671 = tpu.vector_load %arg16[%swap3A_669, %swap3A_670] {strides = array<i32>} : memref<128x128xf32, #tpu.memory_space<vmem>>, vector<16xf32>,
          tpu.vector_store %arg16[%swap3A_669, %swap3A_670], %mul3A_668 {strides = array<i32>} : memref<128x128xf32, #tpu.memory_space<vmem>>, vector<16xf32>,
          %get3A_672 = arith.index_cast %add3A_660 : i32 to index
          %get3A_673 = arith.constant 16 : index
          %get3A_674 = tpu.vector_load %arg16[%get3A_672, %get3A_673] {strides = array<i32>} : memref<128x128xf32, #tpu.memory_space<vmem>>, vector<16xf32>,
          %get3A_675 = arith.index_cast %add3A_660 : i32 to index
          %get3A_676 = arith.constant 16 : index
          %get3A_677 = tpu.vector_load %arg17[%get3A_675, %get3A_676] {strides = array<i32>} : memref<128x128xf32, #tpu.memory_space<vmem>>, vector<16xf32>,
          %add3A_678 = arith.addf %get3A_674, %get3A_677 : vector<16xf32>
          %mul3A_679 = arith.mulf %add3A_678, %gather3A_656 : vector<16xf32>
          %swap3A_680 = arith.index_cast %add3A_660 : i32 to index
          %swap3A_681 = arith.constant 16 : index
          %swap3A_682 = tpu.vector_load %arg16[%swap3A_680, %swap3A_681] {strides = array<i32>} : memref<128x128xf32, #tpu.memory_space<vmem>>, vector<16xf32>,
          tpu.vector_store %arg16[%swap3A_680, %swap3A_681], %mul3A_679 {strides = array<i32>} : memref<128x128xf32, #tpu.memory_space<vmem>>, vector<16xf32>,
          %get3A_683 = arith.index_cast %add3A_660 : i32 to index
          %get3A_684 = arith.constant 32 : index
          %get3A_685 = tpu.vector_load %arg16[%get3A_683, %get3A_684] {strides = array<i32>} : memref<128x128xf32, #tpu.memory_space<vmem>>, vector<16xf32>,
          %get3A_686 = arith.index_cast %add3A_660 : i32 to index
          %get3A_687 = arith.constant 32 : index
          %get3A_688 = tpu.vector_load %arg17[%get3A_686, %get3A_687] {strides = array<i32>} : memref<128x128xf32, #tpu.memory_space<vmem>>, vector<16xf32>,
          %add3A_689 = arith.addf %get3A_685, %get3A_688 : vector<16xf32>
          %mul3A_690 = arith.mulf %add3A_689, %gather3A_656 : vector<16xf32>
          %swap3A_691 = arith.index_cast %add3A_660 : i32 to index
          %swap3A_692 = arith.constant 32 : index
          %swap3A_693 = tpu.vector_load %arg16[%swap3A_691, %swap3A_692] {strides = array<i32>} : memref<128x128xf32, #tpu.memory_space<vmem>>, vector<16xf32>,
          tpu.vector_store %arg16[%swap3A_691, %swap3A_692], %mul3A_690 {strides = array<i32>} : memref<128x128xf32, #tpu.memory_space<vmem>>, vector<16xf32>,
          %get3A_694 = arith.index_cast %add3A_660 : i32 to index
          %get3A_695 = arith.constant 48 : index
          %get3A_696 = tpu.vector_load %arg16[%get3A_694, %get3A_695] {strides = array<i32>} : memref<128x128xf32, #tpu.memory_space<vmem>>, vector<16xf32>,
          %get3A_697 = arith.index_cast %add3A_660 : i32 to index
          %get3A_698 = arith.constant 48 : index
          %get3A_699 = tpu.vector_load %arg17[%get3A_697, %get3A_698] {strides = array<i32>} : memref<128x128xf32, #tpu.memory_space<vmem>>, vector<16xf32>,
          %add3A_700 = arith.addf %get3A_696, %get3A_699 : vector<16xf32>
          %mul3A_701 = arith.mulf %add3A_700, %gather3A_656 : vector<16xf32>
          %swap3A_702 = arith.index_cast %add3A_660 : i32 to index
          %swap3A_703 = arith.constant 48 : index
          %swap3A_704 = tpu.vector_load %arg16[%swap3A_702, %swap3A_703] {strides = array<i32>} : memref<128x128xf32, #tpu.memory_space<vmem>>, vector<16xf32>,
          tpu.vector_store %arg16[%swap3A_702, %swap3A_703], %mul3A_701 {strides = array<i32>} : memref<128x128xf32, #tpu.memory_space<vmem>>, vector<16xf32>,
          %get3A_705 = arith.index_cast %add3A_660 : i32 to index
          %get3A_706 = arith.constant 64 : index
          %get3A_707 = tpu.vector_load %arg16[%get3A_705, %get3A_706] {strides = array<i32>} : memref<128x128xf32, #tpu.memory_space<vmem>>, vector<16xf32>,
          %get3A_708 = arith.index_cast %add3A_660 : i32 to index
          %get3A_709 = arith.constant 64 : index
          %get3A_710 = tpu.vector_load %arg17[%get3A_708, %get3A_709] {strides = array<i32>} : memref<128x128xf32, #tpu.memory_space<vmem>>, vector<16xf32>,
          %add3A_711 = arith.addf %get3A_707, %get3A_710 : vector<16xf32>
          %mul3A_712 = arith.mulf %add3A_711, %gather3A_656 : vector<16xf32>
          %swap3A_713 = arith.index_cast %add3A_660 : i32 to index
          %swap3A_714 = arith.constant 64 : index
          %swap3A_715 = tpu.vector_load %arg16[%swap3A_713, %swap3A_714] {strides = array<i32>} : memref<128x128xf32, #tpu.memory_space<vmem>>, vector<16xf32>,
          tpu.vector_store %arg16[%swap3A_713, %swap3A_714], %mul3A_712 {strides = array<i32>} : memref<128x128xf32, #tpu.memory_space<vmem>>, vector<16xf32>,
          %get3A_716 = arith.index_cast %add3A_660 : i32 to index
          %get3A_717 = arith.constant 80 : index
          %get3A_718 = tpu.vector_load %arg16[%get3A_716, %get3A_717] {strides = array<i32>} : memref<128x128xf32, #tpu.memory_space<vmem>>, vector<16xf32>,
          %get3A_719 = arith.index_cast %add3A_660 : i32 to index
          %get3A_720 = arith.constant 80 : index
          %get3A_721 = tpu.vector_load %arg17[%get3A_719, %get3A_720] {strides = array<i32>} : memref<128x128xf32, #tpu.memory_space<vmem>>, vector<16xf32>,
          %add3A_722 = arith.addf %get3A_718, %get3A_721 : vector<16xf32>
          %mul3A_723 = arith.mulf %add3A_722, %gather3A_656 : vector<16xf32>
          %swap3A_724 = arith.index_cast %add3A_660 : i32 to index
          %swap3A_725 = arith.constant 80 : index
          %swap3A_726 = tpu.vector_load %arg16[%swap3A_724, %swap3A_725] {strides = array<i32>} : memref<128x128xf32, #tpu.memory_space<vmem>>, vector<16xf32>,
          tpu.vector_store %arg16[%swap3A_724, %swap3A_725], %mul3A_723 {strides = array<i32>} : memref<128x128xf32, #tpu.memory_space<vmem>>, vector<16xf32>,
          %get3A_727 = arith.index_cast %add3A_660 : i32 to index
          %get3A_728 = arith.constant 96 : index
          %get3A_729 = tpu.vector_load %arg16[%get3A_727, %get3A_728] {strides = array<i32>} : memref<128x128xf32, #tpu.memory_space<vmem>>, vector<16xf32>,
          %get3A_730 = arith.index_cast %add3A_660 : i32 to index
          %get3A_731 = arith.constant 96 : index
          %get3A_732 = tpu.vector_load %arg17[%get3A_730, %get3A_731] {strides = array<i32>} : memref<128x128xf32, #tpu.memory_space<vmem>>, vector<16xf32>,
          %add3A_733 = arith.addf %get3A_729, %get3A_732 : vector<16xf32>
          %mul3A_734 = arith.mulf %add3A_733, %gather3A_656 : vector<16xf32>
          %swap3A_735 = arith.index_cast %add3A_660 : i32 to index
          %swap3A_736 = arith.constant 96 : index
          %swap3A_737 = tpu.vector_load %arg16[%swap3A_735, %swap3A_736] {strides = array<i32>} : memref<128x128xf32, #tpu.memory_space<vmem>>, vector<16xf32>,
          tpu.vector_store %arg16[%swap3A_735, %swap3A_736], %mul3A_734 {strides = array<i32>} : memref<128x128xf32, #tpu.memory_space<vmem>>, vector<16xf32>,
          %get3A_738 = arith.index_cast %add3A_660 : i32 to index
          %get3A_739 = arith.constant 112 : index
          %get3A_740 = tpu.vector_load %arg16[%get3A_738, %get3A_739] {strides = array<i32>} : memref<128x128xf32, #tpu.memory_space<vmem>>, vector<16xf32>,
          %get3A_741 = arith.index_cast %add3A_660 : i32 to index
          %get3A_742 = arith.constant 112 : index
          %get3A_743 = tpu.vector_load %arg17[%get3A_741, %get3A_742] {strides = array<i32>} : memref<128x128xf32, #tpu.memory_space<vmem>>, vector<16xf32>,
          %add3A_744 = arith.addf %get3A_740, %get3A_743 : vector<16xf32>
          %mul3A_745 = arith.mulf %add3A_744, %gather3A_656 : vector<16xf32>
          %swap3A_746 = arith.index_cast %add3A_660 : i32 to index
          %swap3A_747 = arith.constant 112 : index
          %swap3A_748 = tpu.vector_load %arg16[%swap3A_746, %swap3A_747] {strides = array<i32>} : memref<128x128xf32, #tpu.memory_space<vmem>>, vector<16xf32>,
          tpu.vector_store %arg16[%swap3A_746, %swap3A_747], %mul3A_745 {strides = array<i32>} : memref<128x128xf32, #tpu.memory_space<vmem>>, vector<16xf32>,
          %broadcast_in_dim3A_749 = arith.constant 6 : i32
          %broadcast_in_dim3A_750 = vector.broadcast %broadcast_in_dim3A_749 : i32 to vector<16x1xi32>
          %gather3A_751 = vector.shape_cast %broadcast_in_dim3A_750 : vector<16x1xi32> to vector<16xi32>
          %gather3A_752 = tpu.dynamic_gather %div3A[%gather3A_751] in [0] : vector<16xf32>, vector<16xi32> -> vector<16xf32>
          %mul3A_753 = arith.constant 16 : i32
          %mul3A_754 = arith.muli %scan3A_163, %mul3A_753 : i32
          %add3A_755 = arith.constant 6 : i32
          %add3A_756 = arith.addi %mul3A_754, %add3A_755 : i32
          %get3A_757 = arith.index_cast %add3A_756 : i32 to index
          %get3A_758 = arith.constant 0 : index
          %get3A_759 = tpu.vector_load %arg16[%get3A_757, %get3A_758] {strides = array<i32>} : memref<128x128xf32, #tpu.memory_space<vmem>>, vector<16xf32>,
          %get3A_760 = arith.index_cast %add3A_756 : i32 to index
          %get3A_761 = arith.constant 0 : index
          %get3A_762 = tpu.vector_load %arg17[%get3A_760, %get3A_761] {strides = array<i32>} : memref<128x128xf32, #tpu.memory_space<vmem>>, vector<16xf32>,
          %add3A_763 = arith.addf %get3A_759, %get3A_762 : vector<16xf32>
          %mul3A_764 = arith.mulf %add3A_763, %gather3A_752 : vector<16xf32>
          %swap3A_765 = arith.index_cast %add3A_756 : i32 to index
          %swap3A_766 = arith.constant 0 : index
          %swap3A_767 = tpu.vector_load %arg16[%swap3A_765, %swap3A_766] {strides = array<i32>} : memref<128x128xf32, #tpu.memory_space<vmem>>, vector<16xf32>,
          tpu.vector_store %arg16[%swap3A_765, %swap3A_766], %mul3A_764 {strides = array<i32>} : memref<128x128xf32, #tpu.memory_space<vmem>>, vector<16xf32>,
          %get3A_768 = arith.index_cast %add3A_756 : i32 to index
          %get3A_769 = arith.constant 16 : index
          %get3A_770 = tpu.vector_load %arg16[%get3A_768, %get3A_769] {strides = array<i32>} : memref<128x128xf32, #tpu.memory_space<vmem>>, vector<16xf32>,
          %get3A_771 = arith.index_cast %add3A_756 : i32 to index
          %get3A_772 = arith.constant 16 : index
          %get3A_773 = tpu.vector_load %arg17[%get3A_771, %get3A_772] {strides = array<i32>} : memref<128x128xf32, #tpu.memory_space<vmem>>, vector<16xf32>,
          %add3A_774 = arith.addf %get3A_770, %get3A_773 : vector<16xf32>
          %mul3A_775 = arith.mulf %add3A_774, %gather3A_752 : vector<16xf32>
          %swap3A_776 = arith.index_cast %add3A_756 : i32 to index
          %swap3A_777 = arith.constant 16 : index
          %swap3A_778 = tpu.vector_load %arg16[%swap3A_776, %swap3A_777] {strides = array<i32>} : memref<128x128xf32, #tpu.memory_space<vmem>>, vector<16xf32>,
          tpu.vector_store %arg16[%swap3A_776, %swap3A_777], %mul3A_775 {strides = array<i32>} : memref<128x128xf32, #tpu.memory_space<vmem>>, vector<16xf32>,
          %get3A_779 = arith.index_cast %add3A_756 : i32 to index
          %get3A_780 = arith.constant 32 : index
          %get3A_781 = tpu.vector_load %arg16[%get3A_779, %get3A_780] {strides = array<i32>} : memref<128x128xf32, #tpu.memory_space<vmem>>, vector<16xf32>,
          %get3A_782 = arith.index_cast %add3A_756 : i32 to index
          %get3A_783 = arith.constant 32 : index
          %get3A_784 = tpu.vector_load %arg17[%get3A_782, %get3A_783] {strides = array<i32>} : memref<128x128xf32, #tpu.memory_space<vmem>>, vector<16xf32>,
          %add3A_785 = arith.addf %get3A_781, %get3A_784 : vector<16xf32>
          %mul3A_786 = arith.mulf %add3A_785, %gather3A_752 : vector<16xf32>
          %swap3A_787 = arith.index_cast %add3A_756 : i32 to index
          %swap3A_788 = arith.constant 32 : index
          %swap3A_789 = tpu.vector_load %arg16[%swap3A_787, %swap3A_788] {strides = array<i32>} : memref<128x128xf32, #tpu.memory_space<vmem>>, vector<16xf32>,
          tpu.vector_store %arg16[%swap3A_787, %swap3A_788], %mul3A_786 {strides = array<i32>} : memref<128x128xf32, #tpu.memory_space<vmem>>, vector<16xf32>,
          %get3A_790 = arith.index_cast %add3A_756 : i32 to index
          %get3A_791 = arith.constant 48 : index
          %get3A_792 = tpu.vector_load %arg16[%get3A_790, %get3A_791] {strides = array<i32>} : memref<128x128xf32, #tpu.memory_space<vmem>>, vector<16xf32>,
          %get3A_793 = arith.index_cast %add3A_756 : i32 to index
          %get3A_794 = arith.constant 48 : index
          %get3A_795 = tpu.vector_load %arg17[%get3A_793, %get3A_794] {strides = array<i32>} : memref<128x128xf32, #tpu.memory_space<vmem>>, vector<16xf32>,
          %add3A_796 = arith.addf %get3A_792, %get3A_795 : vector<16xf32>
          %mul3A_797 = arith.mulf %add3A_796, %gather3A_752 : vector<16xf32>
          %swap3A_798 = arith.index_cast %add3A_756 : i32 to index
          %swap3A_799 = arith.constant 48 : index
          %swap3A_800 = tpu.vector_load %arg16[%swap3A_798, %swap3A_799] {strides = array<i32>} : memref<128x128xf32, #tpu.memory_space<vmem>>, vector<16xf32>,
          tpu.vector_store %arg16[%swap3A_798, %swap3A_799], %mul3A_797 {strides = array<i32>} : memref<128x128xf32, #tpu.memory_space<vmem>>, vector<16xf32>,
          %get3A_801 = arith.index_cast %add3A_756 : i32 to index
          %get3A_802 = arith.constant 64 : index
          %get3A_803 = tpu.vector_load %arg16[%get3A_801, %get3A_802] {strides = array<i32>} : memref<128x128xf32, #tpu.memory_space<vmem>>, vector<16xf32>,
          %get3A_804 = arith.index_cast %add3A_756 : i32 to index
          %get3A_805 = arith.constant 64 : index
          %get3A_806 = tpu.vector_load %arg17[%get3A_804, %get3A_805] {strides = array<i32>} : memref<128x128xf32, #tpu.memory_space<vmem>>, vector<16xf32>,
          %add3A_807 = arith.addf %get3A_803, %get3A_806 : vector<16xf32>
          %mul3A_808 = arith.mulf %add3A_807, %gather3A_752 : vector<16xf32>
          %swap3A_809 = arith.index_cast %add3A_756 : i32 to index
          %swap3A_810 = arith.constant 64 : index
          %swap3A_811 = tpu.vector_load %arg16[%swap3A_809, %swap3A_810] {strides = array<i32>} : memref<128x128xf32, #tpu.memory_space<vmem>>, vector<16xf32>,
          tpu.vector_store %arg16[%swap3A_809, %swap3A_810], %mul3A_808 {strides = array<i32>} : memref<128x128xf32, #tpu.memory_space<vmem>>, vector<16xf32>,
          %get3A_812 = arith.index_cast %add3A_756 : i32 to index
          %get3A_813 = arith.constant 80 : index
          %get3A_814 = tpu.vector_load %arg16[%get3A_812, %get3A_813] {strides = array<i32>} : memref<128x128xf32, #tpu.memory_space<vmem>>, vector<16xf32>,
          %get3A_815 = arith.index_cast %add3A_756 : i32 to index
          %get3A_816 = arith.constant 80 : index
          %get3A_817 = tpu.vector_load %arg17[%get3A_815, %get3A_816] {strides = array<i32>} : memref<128x128xf32, #tpu.memory_space<vmem>>, vector<16xf32>,
          %add3A_818 = arith.addf %get3A_814, %get3A_817 : vector<16xf32>
          %mul3A_819 = arith.mulf %add3A_818, %gather3A_752 : vector<16xf32>
          %swap3A_820 = arith.index_cast %add3A_756 : i32 to index
          %swap3A_821 = arith.constant 80 : index
          %swap3A_822 = tpu.vector_load %arg16[%swap3A_820, %swap3A_821] {strides = array<i32>} : memref<128x128xf32, #tpu.memory_space<vmem>>, vector<16xf32>,
          tpu.vector_store %arg16[%swap3A_820, %swap3A_821], %mul3A_819 {strides = array<i32>} : memref<128x128xf32, #tpu.memory_space<vmem>>, vector<16xf32>,
          %get3A_823 = arith.index_cast %add3A_756 : i32 to index
          %get3A_824 = arith.constant 96 : index
          %get3A_825 = tpu.vector_load %arg16[%get3A_823, %get3A_824] {strides = array<i32>} : memref<128x128xf32, #tpu.memory_space<vmem>>, vector<16xf32>,
          %get3A_826 = arith.index_cast %add3A_756 : i32 to index
          %get3A_827 = arith.constant 96 : index
          %get3A_828 = tpu.vector_load %arg17[%get3A_826, %get3A_827] {strides = array<i32>} : memref<128x128xf32, #tpu.memory_space<vmem>>, vector<16xf32>,
          %add3A_829 = arith.addf %get3A_825, %get3A_828 : vector<16xf32>
          %mul3A_830 = arith.mulf %add3A_829, %gather3A_752 : vector<16xf32>
          %swap3A_831 = arith.index_cast %add3A_756 : i32 to index
          %swap3A_832 = arith.constant 96 : index
          %swap3A_833 = tpu.vector_load %arg16[%swap3A_831, %swap3A_832] {strides = array<i32>} : memref<128x128xf32, #tpu.memory_space<vmem>>, vector<16xf32>,
          tpu.vector_store %arg16[%swap3A_831, %swap3A_832], %mul3A_830 {strides = array<i32>} : memref<128x128xf32, #tpu.memory_space<vmem>>, vector<16xf32>,
          %get3A_834 = arith.index_cast %add3A_756 : i32 to index
          %get3A_835 = arith.constant 112 : index
          %get3A_836 = tpu.vector_load %arg16[%get3A_834, %get3A_835] {strides = array<i32>} : memref<128x128xf32, #tpu.memory_space<vmem>>, vector<16xf32>,
          %get3A_837 = arith.index_cast %add3A_756 : i32 to index
          %get3A_838 = arith.constant 112 : index
          %get3A_839 = tpu.vector_load %arg17[%get3A_837, %get3A_838] {strides = array<i32>} : memref<128x128xf32, #tpu.memory_space<vmem>>, vector<16xf32>,
          %add3A_840 = arith.addf %get3A_836, %get3A_839 : vector<16xf32>
          %mul3A_841 = arith.mulf %add3A_840, %gather3A_752 : vector<16xf32>
          %swap3A_842 = arith.index_cast %add3A_756 : i32 to index
          %swap3A_843 = arith.constant 112 : index
          %swap3A_844 = tpu.vector_load %arg16[%swap3A_842, %swap3A_843] {strides = array<i32>} : memref<128x128xf32, #tpu.memory_space<vmem>>, vector<16xf32>,
          tpu.vector_store %arg16[%swap3A_842, %swap3A_843], %mul3A_841 {strides = array<i32>} : memref<128x128xf32, #tpu.memory_space<vmem>>, vector<16xf32>,
          %broadcast_in_dim3A_845 = arith.constant 7 : i32
          %broadcast_in_dim3A_846 = vector.broadcast %broadcast_in_dim3A_845 : i32 to vector<16x1xi32>
          %gather3A_847 = vector.shape_cast %broadcast_in_dim3A_846 : vector<16x1xi32> to vector<16xi32>
          %gather3A_848 = tpu.dynamic_gather %div3A[%gather3A_847] in [0] : vector<16xf32>, vector<16xi32> -> vector<16xf32>
          %mul3A_849 = arith.constant 16 : i32
          %mul3A_850 = arith.muli %scan3A_163, %mul3A_849 : i32
          %add3A_851 = arith.constant 7 : i32
          %add3A_852 = arith.addi %mul3A_850, %add3A_851 : i32
          %get3A_853 = arith.index_cast %add3A_852 : i32 to index
          %get3A_854 = arith.constant 0 : index
          %get3A_855 = tpu.vector_load %arg16[%get3A_853, %get3A_854] {strides = array<i32>} : memref<128x128xf32, #tpu.memory_space<vmem>>, vector<16xf32>,
          %get3A_856 = arith.index_cast %add3A_852 : i32 to index
          %get3A_857 = arith.constant 0 : index
          %get3A_858 = tpu.vector_load %arg17[%get3A_856, %get3A_857] {strides = array<i32>} : memref<128x128xf32, #tpu.memory_space<vmem>>, vector<16xf32>,
          %add3A_859 = arith.addf %get3A_855, %get3A_858 : vector<16xf32>
          %mul3A_860 = arith.mulf %add3A_859, %gather3A_848 : vector<16xf32>
          %swap3A_861 = arith.index_cast %add3A_852 : i32 to index
          %swap3A_862 = arith.constant 0 : index
          %swap3A_863 = tpu.vector_load %arg16[%swap3A_861, %swap3A_862] {strides = array<i32>} : memref<128x128xf32, #tpu.memory_space<vmem>>, vector<16xf32>,
          tpu.vector_store %arg16[%swap3A_861, %swap3A_862], %mul3A_860 {strides = array<i32>} : memref<128x128xf32, #tpu.memory_space<vmem>>, vector<16xf32>,
          %get3A_864 = arith.index_cast %add3A_852 : i32 to index
          %get3A_865 = arith.constant 16 : index
          %get3A_866 = tpu.vector_load %arg16[%get3A_864, %get3A_865] {strides = array<i32>} : memref<128x128xf32, #tpu.memory_space<vmem>>, vector<16xf32>,
          %get3A_867 = arith.index_cast %add3A_852 : i32 to index
          %get3A_868 = arith.constant 16 : index
          %get3A_869 = tpu.vector_load %arg17[%get3A_867, %get3A_868] {strides = array<i32>} : memref<128x128xf32, #tpu.memory_space<vmem>>, vector<16xf32>,
          %add3A_870 = arith.addf %get3A_866, %get3A_869 : vector<16xf32>
          %mul3A_871 = arith.mulf %add3A_870, %gather3A_848 : vector<16xf32>
          %swap3A_872 = arith.index_cast %add3A_852 : i32 to index
          %swap3A_873 = arith.constant 16 : index
          %swap3A_874 = tpu.vector_load %arg16[%swap3A_872, %swap3A_873] {strides = array<i32>} : memref<128x128xf32, #tpu.memory_space<vmem>>, vector<16xf32>,
          tpu.vector_store %arg16[%swap3A_872, %swap3A_873], %mul3A_871 {strides = array<i32>} : memref<128x128xf32, #tpu.memory_space<vmem>>, vector<16xf32>,
          %get3A_875 = arith.index_cast %add3A_852 : i32 to index
          %get3A_876 = arith.constant 32 : index
          %get3A_877 = tpu.vector_load %arg16[%get3A_875, %get3A_876] {strides = array<i32>} : memref<128x128xf32, #tpu.memory_space<vmem>>, vector<16xf32>,
          %get3A_878 = arith.index_cast %add3A_852 : i32 to index
          %get3A_879 = arith.constant 32 : index
          %get3A_880 = tpu.vector_load %arg17[%get3A_878, %get3A_879] {strides = array<i32>} : memref<128x128xf32, #tpu.memory_space<vmem>>, vector<16xf32>,
          %add3A_881 = arith.addf %get3A_877, %get3A_880 : vector<16xf32>
          %mul3A_882 = arith.mulf %add3A_881, %gather3A_848 : vector<16xf32>
          %swap3A_883 = arith.index_cast %add3A_852 : i32 to index
          %swap3A_884 = arith.constant 32 : index
          %swap3A_885 = tpu.vector_load %arg16[%swap3A_883, %swap3A_884] {strides = array<i32>} : memref<128x128xf32, #tpu.memory_space<vmem>>, vector<16xf32>,
          tpu.vector_store %arg16[%swap3A_883, %swap3A_884], %mul3A_882 {strides = array<i32>} : memref<128x128xf32, #tpu.memory_space<vmem>>, vector<16xf32>,
          %get3A_886 = arith.index_cast %add3A_852 : i32 to index
          %get3A_887 = arith.constant 48 : index
          %get3A_888 = tpu.vector_load %arg16[%get3A_886, %get3A_887] {strides = array<i32>} : memref<128x128xf32, #tpu.memory_space<vmem>>, vector<16xf32>,
          %get3A_889 = arith.index_cast %add3A_852 : i32 to index
          %get3A_890 = arith.constant 48 : index
          %get3A_891 = tpu.vector_load %arg17[%get3A_889, %get3A_890] {strides = array<i32>} : memref<128x128xf32, #tpu.memory_space<vmem>>, vector<16xf32>,
          %add3A_892 = arith.addf %get3A_888, %get3A_891 : vector<16xf32>
          %mul3A_893 = arith.mulf %add3A_892, %gather3A_848 : vector<16xf32>
          %swap3A_894 = arith.index_cast %add3A_852 : i32 to index
          %swap3A_895 = arith.constant 48 : index
          %swap3A_896 = tpu.vector_load %arg16[%swap3A_894, %swap3A_895] {strides = array<i32>} : memref<128x128xf32, #tpu.memory_space<vmem>>, vector<16xf32>,
          tpu.vector_store %arg16[%swap3A_894, %swap3A_895], %mul3A_893 {strides = array<i32>} : memref<128x128xf32, #tpu.memory_space<vmem>>, vector<16xf32>,
          %get3A_897 = arith.index_cast %add3A_852 : i32 to index
          %get3A_898 = arith.constant 64 : index
          %get3A_899 = tpu.vector_load %arg16[%get3A_897, %get3A_898] {strides = array<i32>} : memref<128x128xf32, #tpu.memory_space<vmem>>, vector<16xf32>,
          %get3A_900 = arith.index_cast %add3A_852 : i32 to index
          %get3A_901 = arith.constant 64 : index
          %get3A_902 = tpu.vector_load %arg17[%get3A_900, %get3A_901] {strides = array<i32>} : memref<128x128xf32, #tpu.memory_space<vmem>>, vector<16xf32>,
          %add3A_903 = arith.addf %get3A_899, %get3A_902 : vector<16xf32>
          %mul3A_904 = arith.mulf %add3A_903, %gather3A_848 : vector<16xf32>
          %swap3A_905 = arith.index_cast %add3A_852 : i32 to index
          %swap3A_906 = arith.constant 64 : index
          %swap3A_907 = tpu.vector_load %arg16[%swap3A_905, %swap3A_906] {strides = array<i32>} : memref<128x128xf32, #tpu.memory_space<vmem>>, vector<16xf32>,
          tpu.vector_store %arg16[%swap3A_905, %swap3A_906], %mul3A_904 {strides = array<i32>} : memref<128x128xf32, #tpu.memory_space<vmem>>, vector<16xf32>,
          %get3A_908 = arith.index_cast %add3A_852 : i32 to index
          %get3A_909 = arith.constant 80 : index
          %get3A_910 = tpu.vector_load %arg16[%get3A_908, %get3A_909] {strides = array<i32>} : memref<128x128xf32, #tpu.memory_space<vmem>>, vector<16xf32>,
          %get3A_911 = arith.index_cast %add3A_852 : i32 to index
          %get3A_912 = arith.constant 80 : index
          %get3A_913 = tpu.vector_load %arg17[%get3A_911, %get3A_912] {strides = array<i32>} : memref<128x128xf32, #tpu.memory_space<vmem>>, vector<16xf32>,
          %add3A_914 = arith.addf %get3A_910, %get3A_913 : vector<16xf32>
          %mul3A_915 = arith.mulf %add3A_914, %gather3A_848 : vector<16xf32>
          %swap3A_916 = arith.index_cast %add3A_852 : i32 to index
          %swap3A_917 = arith.constant 80 : index
          %swap3A_918 = tpu.vector_load %arg16[%swap3A_916, %swap3A_917] {strides = array<i32>} : memref<128x128xf32, #tpu.memory_space<vmem>>, vector<16xf32>,
          tpu.vector_store %arg16[%swap3A_916, %swap3A_917], %mul3A_915 {strides = array<i32>} : memref<128x128xf32, #tpu.memory_space<vmem>>, vector<16xf32>,
          %get3A_919 = arith.index_cast %add3A_852 : i32 to index
          %get3A_920 = arith.constant 96 : index
          %get3A_921 = tpu.vector_load %arg16[%get3A_919, %get3A_920] {strides = array<i32>} : memref<128x128xf32, #tpu.memory_space<vmem>>, vector<16xf32>,
          %get3A_922 = arith.index_cast %add3A_852 : i32 to index
          %get3A_923 = arith.constant 96 : index
          %get3A_924 = tpu.vector_load %arg17[%get3A_922, %get3A_923] {strides = array<i32>} : memref<128x128xf32, #tpu.memory_space<vmem>>, vector<16xf32>,
          %add3A_925 = arith.addf %get3A_921, %get3A_924 : vector<16xf32>
          %mul3A_926 = arith.mulf %add3A_925, %gather3A_848 : vector<16xf32>
          %swap3A_927 = arith.index_cast %add3A_852 : i32 to index
          %swap3A_928 = arith.constant 96 : index
          %swap3A_929 = tpu.vector_load %arg16[%swap3A_927, %swap3A_928] {strides = array<i32>} : memref<128x128xf32, #tpu.memory_space<vmem>>, vector<16xf32>,
          tpu.vector_store %arg16[%swap3A_927, %swap3A_928], %mul3A_926 {strides = array<i32>} : memref<128x128xf32, #tpu.memory_space<vmem>>, vector<16xf32>,
          %get3A_930 = arith.index_cast %add3A_852 : i32 to index
          %get3A_931 = arith.constant 112 : index
          %get3A_932 = tpu.vector_load %arg16[%get3A_930, %get3A_931] {strides = array<i32>} : memref<128x128xf32, #tpu.memory_space<vmem>>, vector<16xf32>,
          %get3A_933 = arith.index_cast %add3A_852 : i32 to index
          %get3A_934 = arith.constant 112 : index
          %get3A_935 = tpu.vector_load %arg17[%get3A_933, %get3A_934] {strides = array<i32>} : memref<128x128xf32, #tpu.memory_space<vmem>>, vector<16xf32>,
          %add3A_936 = arith.addf %get3A_932, %get3A_935 : vector<16xf32>
          %mul3A_937 = arith.mulf %add3A_936, %gather3A_848 : vector<16xf32>
          %swap3A_938 = arith.index_cast %add3A_852 : i32 to index
          %swap3A_939 = arith.constant 112 : index
          %swap3A_940 = tpu.vector_load %arg16[%swap3A_938, %swap3A_939] {strides = array<i32>} : memref<128x128xf32, #tpu.memory_space<vmem>>, vector<16xf32>,
          tpu.vector_store %arg16[%swap3A_938, %swap3A_939], %mul3A_937 {strides = array<i32>} : memref<128x128xf32, #tpu.memory_space<vmem>>, vector<16xf32>,
          %broadcast_in_dim3A_941 = arith.constant 8 : i32
          %broadcast_in_dim3A_942 = vector.broadcast %broadcast_in_dim3A_941 : i32 to vector<16x1xi32>
          %gather3A_943 = vector.shape_cast %broadcast_in_dim3A_942 : vector<16x1xi32> to vector<16xi32>
          %gather3A_944 = tpu.dynamic_gather %div3A[%gather3A_943] in [0] : vector<16xf32>, vector<16xi32> -> vector<16xf32>
          %mul3A_945 = arith.constant 16 : i32
          %mul3A_946 = arith.muli %scan3A_163, %mul3A_945 : i32
          %add3A_947 = arith.constant 8 : i32
          %add3A_948 = arith.addi %mul3A_946, %add3A_947 : i32
          %get3A_949 = arith.index_cast %add3A_948 : i32 to index
          %get3A_950 = arith.constant 0 : index
          %get3A_951 = tpu.vector_load %arg16[%get3A_949, %get3A_950] {strides = array<i32>} : memref<128x128xf32, #tpu.memory_space<vmem>>, vector<16xf32>,
          %get3A_952 = arith.index_cast %add3A_948 : i32 to index
          %get3A_953 = arith.constant 0 : index
          %get3A_954 = tpu.vector_load %arg17[%get3A_952, %get3A_953] {strides = array<i32>} : memref<128x128xf32, #tpu.memory_space<vmem>>, vector<16xf32>,
          %add3A_955 = arith.addf %get3A_951, %get3A_954 : vector<16xf32>
          %mul3A_956 = arith.mulf %add3A_955, %gather3A_944 : vector<16xf32>
          %swap3A_957 = arith.index_cast %add3A_948 : i32 to index
          %swap3A_958 = arith.constant 0 : index
          %swap3A_959 = tpu.vector_load %arg16[%swap3A_957, %swap3A_958] {strides = array<i32>} : memref<128x128xf32, #tpu.memory_space<vmem>>, vector<16xf32>,
          tpu.vector_store %arg16[%swap3A_957, %swap3A_958], %mul3A_956 {strides = array<i32>} : memref<128x128xf32, #tpu.memory_space<vmem>>, vector<16xf32>,
          %get3A_960 = arith.index_cast %add3A_948 : i32 to index
          %get3A_961 = arith.constant 16 : index
          %get3A_962 = tpu.vector_load %arg16[%get3A_960, %get3A_961] {strides = array<i32>} : memref<128x128xf32, #tpu.memory_space<vmem>>, vector<16xf32>,
          %get3A_963 = arith.index_cast %add3A_948 : i32 to index
          %get3A_964 = arith.constant 16 : index
          %get3A_965 = tpu.vector_load %arg17[%get3A_963, %get3A_964] {strides = array<i32>} : memref<128x128xf32, #tpu.memory_space<vmem>>, vector<16xf32>,
          %add3A_966 = arith.addf %get3A_962, %get3A_965 : vector<16xf32>
          %mul3A_967 = arith.mulf %add3A_966, %gather3A_944 : vector<16xf32>
          %swap3A_968 = arith.index_cast %add3A_948 : i32 to index
          %swap3A_969 = arith.constant 16 : index
          %swap3A_970 = tpu.vector_load %arg16[%swap3A_968, %swap3A_969] {strides = array<i32>} : memref<128x128xf32, #tpu.memory_space<vmem>>, vector<16xf32>,
          tpu.vector_store %arg16[%swap3A_968, %swap3A_969], %mul3A_967 {strides = array<i32>} : memref<128x128xf32, #tpu.memory_space<vmem>>, vector<16xf32>,
          %get3A_971 = arith.index_cast %add3A_948 : i32 to index
          %get3A_972 = arith.constant 32 : index
          %get3A_973 = tpu.vector_load %arg16[%get3A_971, %get3A_972] {strides = array<i32>} : memref<128x128xf32, #tpu.memory_space<vmem>>, vector<16xf32>,
          %get3A_974 = arith.index_cast %add3A_948 : i32 to index
          %get3A_975 = arith.constant 32 : index
          %get3A_976 = tpu.vector_load %arg17[%get3A_974, %get3A_975] {strides = array<i32>} : memref<128x128xf32, #tpu.memory_space<vmem>>, vector<16xf32>,
          %add3A_977 = arith.addf %get3A_973, %get3A_976 : vector<16xf32>
          %mul3A_978 = arith.mulf %add3A_977, %gather3A_944 : vector<16xf32>
          %swap3A_979 = arith.index_cast %add3A_948 : i32 to index
          %swap3A_980 = arith.constant 32 : index
          %swap3A_981 = tpu.vector_load %arg16[%swap3A_979, %swap3A_980] {strides = array<i32>} : memref<128x128xf32, #tpu.memory_space<vmem>>, vector<16xf32>,
          tpu.vector_store %arg16[%swap3A_979, %swap3A_980], %mul3A_978 {strides = array<i32>} : memref<128x128xf32, #tpu.memory_space<vmem>>, vector<16xf32>,
          %get3A_982 = arith.index_cast %add3A_948 : i32 to index
          %get3A_983 = arith.constant 48 : index
          %get3A_984 = tpu.vector_load %arg16[%get3A_982, %get3A_983] {strides = array<i32>} : memref<128x128xf32, #tpu.memory_space<vmem>>, vector<16xf32>,
          %get3A_985 = arith.index_cast %add3A_948 : i32 to index
          %get3A_986 = arith.constant 48 : index
          %get3A_987 = tpu.vector_load %arg17[%get3A_985, %get3A_986] {strides = array<i32>} : memref<128x128xf32, #tpu.memory_space<vmem>>, vector<16xf32>,
          %add3A_988 = arith.addf %get3A_984, %get3A_987 : vector<16xf32>
          %mul3A_989 = arith.mulf %add3A_988, %gather3A_944 : vector<16xf32>
          %swap3A_990 = arith.index_cast %add3A_948 : i32 to index
          %swap3A_991 = arith.constant 48 : index
          %swap3A_992 = tpu.vector_load %arg16[%swap3A_990, %swap3A_991] {strides = array<i32>} : memref<128x128xf32, #tpu.memory_space<vmem>>, vector<16xf32>,
          tpu.vector_store %arg16[%swap3A_990, %swap3A_991], %mul3A_989 {strides = array<i32>} : memref<128x128xf32, #tpu.memory_space<vmem>>, vector<16xf32>,
          %get3A_993 = arith.index_cast %add3A_948 : i32 to index
          %get3A_994 = arith.constant 64 : index
          %get3A_995 = tpu.vector_load %arg16[%get3A_993, %get3A_994] {strides = array<i32>} : memref<128x128xf32, #tpu.memory_space<vmem>>, vector<16xf32>,
          %get3A_996 = arith.index_cast %add3A_948 : i32 to index
          %get3A_997 = arith.constant 64 : index
          %get3A_998 = tpu.vector_load %arg17[%get3A_996, %get3A_997] {strides = array<i32>} : memref<128x128xf32, #tpu.memory_space<vmem>>, vector<16xf32>,
          %add3A_999 = arith.addf %get3A_995, %get3A_998 : vector<16xf32>
          %mul3A_1000 = arith.mulf %add3A_999, %gather3A_944 : vector<16xf32>
          %swap3A_1001 = arith.index_cast %add3A_948 : i32 to index
          %swap3A_1002 = arith.constant 64 : index
          %swap3A_1003 = tpu.vector_load %arg16[%swap3A_1001, %swap3A_1002] {strides = array<i32>} : memref<128x128xf32, #tpu.memory_space<vmem>>, vector<16xf32>,
          tpu.vector_store %arg16[%swap3A_1001, %swap3A_1002], %mul3A_1000 {strides = array<i32>} : memref<128x128xf32, #tpu.memory_space<vmem>>, vector<16xf32>,
          %get3A_1004 = arith.index_cast %add3A_948 : i32 to index
          %get3A_1005 = arith.constant 80 : index
          %get3A_1006 = tpu.vector_load %arg16[%get3A_1004, %get3A_1005] {strides = array<i32>} : memref<128x128xf32, #tpu.memory_space<vmem>>, vector<16xf32>,
          %get3A_1007 = arith.index_cast %add3A_948 : i32 to index
          %get3A_1008 = arith.constant 80 : index
          %get3A_1009 = tpu.vector_load %arg17[%get3A_1007, %get3A_1008] {strides = array<i32>} : memref<128x128xf32, #tpu.memory_space<vmem>>, vector<16xf32>,
          %add3A_1010 = arith.addf %get3A_1006, %get3A_1009 : vector<16xf32>
          %mul3A_1011 = arith.mulf %add3A_1010, %gather3A_944 : vector<16xf32>
          %swap3A_1012 = arith.index_cast %add3A_948 : i32 to index
          %swap3A_1013 = arith.constant 80 : index
          %swap3A_1014 = tpu.vector_load %arg16[%swap3A_1012, %swap3A_1013] {strides = array<i32>} : memref<128x128xf32, #tpu.memory_space<vmem>>, vector<16xf32>,
          tpu.vector_store %arg16[%swap3A_1012, %swap3A_1013], %mul3A_1011 {strides = array<i32>} : memref<128x128xf32, #tpu.memory_space<vmem>>, vector<16xf32>,
          %get3A_1015 = arith.index_cast %add3A_948 : i32 to index
          %get3A_1016 = arith.constant 96 : index
          %get3A_1017 = tpu.vector_load %arg16[%get3A_1015, %get3A_1016] {strides = array<i32>} : memref<128x128xf32, #tpu.memory_space<vmem>>, vector<16xf32>,
          %get3A_1018 = arith.index_cast %add3A_948 : i32 to index
          %get3A_1019 = arith.constant 96 : index
          %get3A_1020 = tpu.vector_load %arg17[%get3A_1018, %get3A_1019] {strides = array<i32>} : memref<128x128xf32, #tpu.memory_space<vmem>>, vector<16xf32>,
          %add3A_1021 = arith.addf %get3A_1017, %get3A_1020 : vector<16xf32>
          %mul3A_1022 = arith.mulf %add3A_1021, %gather3A_944 : vector<16xf32>
          %swap3A_1023 = arith.index_cast %add3A_948 : i32 to index
          %swap3A_1024 = arith.constant 96 : index
          %swap3A_1025 = tpu.vector_load %arg16[%swap3A_1023, %swap3A_1024] {strides = array<i32>} : memref<128x128xf32, #tpu.memory_space<vmem>>, vector<16xf32>,
          tpu.vector_store %arg16[%swap3A_1023, %swap3A_1024], %mul3A_1022 {strides = array<i32>} : memref<128x128xf32, #tpu.memory_space<vmem>>, vector<16xf32>,
          %get3A_1026 = arith.index_cast %add3A_948 : i32 to index
          %get3A_1027 = arith.constant 112 : index
          %get3A_1028 = tpu.vector_load %arg16[%get3A_1026, %get3A_1027] {strides = array<i32>} : memref<128x128xf32, #tpu.memory_space<vmem>>, vector<16xf32>,
          %get3A_1029 = arith.index_cast %add3A_948 : i32 to index
          %get3A_1030 = arith.constant 112 : index
          %get3A_1031 = tpu.vector_load %arg17[%get3A_1029, %get3A_1030] {strides = array<i32>} : memref<128x128xf32, #tpu.memory_space<vmem>>, vector<16xf32>,
          %add3A_1032 = arith.addf %get3A_1028, %get3A_1031 : vector<16xf32>
          %mul3A_1033 = arith.mulf %add3A_1032, %gather3A_944 : vector<16xf32>
          %swap3A_1034 = arith.index_cast %add3A_948 : i32 to index
          %swap3A_1035 = arith.constant 112 : index
          %swap3A_1036 = tpu.vector_load %arg16[%swap3A_1034, %swap3A_1035] {strides = array<i32>} : memref<128x128xf32, #tpu.memory_space<vmem>>, vector<16xf32>,
          tpu.vector_store %arg16[%swap3A_1034, %swap3A_1035], %mul3A_1033 {strides = array<i32>} : memref<128x128xf32, #tpu.memory_space<vmem>>, vector<16xf32>,
          %broadcast_in_dim3A_1037 = arith.constant 9 : i32
          %broadcast_in_dim3A_1038 = vector.broadcast %broadcast_in_dim3A_1037 : i32 to vector<16x1xi32>
          %gather3A_1039 = vector.shape_cast %broadcast_in_dim3A_1038 : vector<16x1xi32> to vector<16xi32>
          %gather3A_1040 = tpu.dynamic_gather %div3A[%gather3A_1039] in [0] : vector<16xf32>, vector<16xi32> -> vector<16xf32>
          %mul3A_1041 = arith.constant 16 : i32
          %mul3A_1042 = arith.muli %scan3A_163, %mul3A_1041 : i32
          %add3A_1043 = arith.constant 9 : i32
          %add3A_1044 = arith.addi %mul3A_1042, %add3A_1043 : i32
          %get3A_1045 = arith.index_cast %add3A_1044 : i32 to index
          %get3A_1046 = arith.constant 0 : index
          %get3A_1047 = tpu.vector_load %arg16[%get3A_1045, %get3A_1046] {strides = array<i32>} : memref<128x128xf32, #tpu.memory_space<vmem>>, vector<16xf32>,
          %get3A_1048 = arith.index_cast %add3A_1044 : i32 to index
          %get3A_1049 = arith.constant 0 : index
          %get3A_1050 = tpu.vector_load %arg17[%get3A_1048, %get3A_1049] {strides = array<i32>} : memref<128x128xf32, #tpu.memory_space<vmem>>, vector<16xf32>,
          %add3A_1051 = arith.addf %get3A_1047, %get3A_1050 : vector<16xf32>
          %mul3A_1052 = arith.mulf %add3A_1051, %gather3A_1040 : vector<16xf32>
          %swap3A_1053 = arith.index_cast %add3A_1044 : i32 to index
          %swap3A_1054 = arith.constant 0 : index
          %swap3A_1055 = tpu.vector_load %arg16[%swap3A_1053, %swap3A_1054] {strides = array<i32>} : memref<128x128xf32, #tpu.memory_space<vmem>>, vector<16xf32>,
          tpu.vector_store %arg16[%swap3A_1053, %swap3A_1054], %mul3A_1052 {strides = array<i32>} : memref<128x128xf32, #tpu.memory_space<vmem>>, vector<16xf32>,
          %get3A_1056 = arith.index_cast %add3A_1044 : i32 to index
          %get3A_1057 = arith.constant 16 : index
          %get3A_1058 = tpu.vector_load %arg16[%get3A_1056, %get3A_1057] {strides = array<i32>} : memref<128x128xf32, #tpu.memory_space<vmem>>, vector<16xf32>,
          %get3A_1059 = arith.index_cast %add3A_1044 : i32 to index
          %get3A_1060 = arith.constant 16 : index
          %get3A_1061 = tpu.vector_load %arg17[%get3A_1059, %get3A_1060] {strides = array<i32>} : memref<128x128xf32, #tpu.memory_space<vmem>>, vector<16xf32>,
          %add3A_1062 = arith.addf %get3A_1058, %get3A_1061 : vector<16xf32>
          %mul3A_1063 = arith.mulf %add3A_1062, %gather3A_1040 : vector<16xf32>
          %swap3A_1064 = arith.index_cast %add3A_1044 : i32 to index
          %swap3A_1065 = arith.constant 16 : index
          %swap3A_1066 = tpu.vector_load %arg16[%swap3A_1064, %swap3A_1065] {strides = array<i32>} : memref<128x128xf32, #tpu.memory_space<vmem>>, vector<16xf32>,
          tpu.vector_store %arg16[%swap3A_1064, %swap3A_1065], %mul3A_1063 {strides = array<i32>} : memref<128x128xf32, #tpu.memory_space<vmem>>, vector<16xf32>,
          %get3A_1067 = arith.index_cast %add3A_1044 : i32 to index
          %get3A_1068 = arith.constant 32 : index
          %get3A_1069 = tpu.vector_load %arg16[%get3A_1067, %get3A_1068] {strides = array<i32>} : memref<128x128xf32, #tpu.memory_space<vmem>>, vector<16xf32>,
          %get3A_1070 = arith.index_cast %add3A_1044 : i32 to index
          %get3A_1071 = arith.constant 32 : index
          %get3A_1072 = tpu.vector_load %arg17[%get3A_1070, %get3A_1071] {strides = array<i32>} : memref<128x128xf32, #tpu.memory_space<vmem>>, vector<16xf32>,
          %add3A_1073 = arith.addf %get3A_1069, %get3A_1072 : vector<16xf32>
          %mul3A_1074 = arith.mulf %add3A_1073, %gather3A_1040 : vector<16xf32>
          %swap3A_1075 = arith.index_cast %add3A_1044 : i32 to index
          %swap3A_1076 = arith.constant 32 : index
          %swap3A_1077 = tpu.vector_load %arg16[%swap3A_1075, %swap3A_1076] {strides = array<i32>} : memref<128x128xf32, #tpu.memory_space<vmem>>, vector<16xf32>,
          tpu.vector_store %arg16[%swap3A_1075, %swap3A_1076], %mul3A_1074 {strides = array<i32>} : memref<128x128xf32, #tpu.memory_space<vmem>>, vector<16xf32>,
          %get3A_1078 = arith.index_cast %add3A_1044 : i32 to index
          %get3A_1079 = arith.constant 48 : index
          %get3A_1080 = tpu.vector_load %arg16[%get3A_1078, %get3A_1079] {strides = array<i32>} : memref<128x128xf32, #tpu.memory_space<vmem>>, vector<16xf32>,
          %get3A_1081 = arith.index_cast %add3A_1044 : i32 to index
          %get3A_1082 = arith.constant 48 : index
          %get3A_1083 = tpu.vector_load %arg17[%get3A_1081, %get3A_1082] {strides = array<i32>} : memref<128x128xf32, #tpu.memory_space<vmem>>, vector<16xf32>,
          %add3A_1084 = arith.addf %get3A_1080, %get3A_1083 : vector<16xf32>
          %mul3A_1085 = arith.mulf %add3A_1084, %gather3A_1040 : vector<16xf32>
          %swap3A_1086 = arith.index_cast %add3A_1044 : i32 to index
          %swap3A_1087 = arith.constant 48 : index
          %swap3A_1088 = tpu.vector_load %arg16[%swap3A_1086, %swap3A_1087] {strides = array<i32>} : memref<128x128xf32, #tpu.memory_space<vmem>>, vector<16xf32>,
          tpu.vector_store %arg16[%swap3A_1086, %swap3A_1087], %mul3A_1085 {strides = array<i32>} : memref<128x128xf32, #tpu.memory_space<vmem>>, vector<16xf32>,
          %get3A_1089 = arith.index_cast %add3A_1044 : i32 to index
          %get3A_1090 = arith.constant 64 : index
          %get3A_1091 = tpu.vector_load %arg16[%get3A_1089, %get3A_1090] {strides = array<i32>} : memref<128x128xf32, #tpu.memory_space<vmem>>, vector<16xf32>,
          %get3A_1092 = arith.index_cast %add3A_1044 : i32 to index
          %get3A_1093 = arith.constant 64 : index
          %get3A_1094 = tpu.vector_load %arg17[%get3A_1092, %get3A_1093] {strides = array<i32>} : memref<128x128xf32, #tpu.memory_space<vmem>>, vector<16xf32>,
          %add3A_1095 = arith.addf %get3A_1091, %get3A_1094 : vector<16xf32>
          %mul3A_1096 = arith.mulf %add3A_1095, %gather3A_1040 : vector<16xf32>
          %swap3A_1097 = arith.index_cast %add3A_1044 : i32 to index
          %swap3A_1098 = arith.constant 64 : index
          %swap3A_1099 = tpu.vector_load %arg16[%swap3A_1097, %swap3A_1098] {strides = array<i32>} : memref<128x128xf32, #tpu.memory_space<vmem>>, vector<16xf32>,
          tpu.vector_store %arg16[%swap3A_1097, %swap3A_1098], %mul3A_1096 {strides = array<i32>} : memref<128x128xf32, #tpu.memory_space<vmem>>, vector<16xf32>,
          %get3A_1100 = arith.index_cast %add3A_1044 : i32 to index
          %get3A_1101 = arith.constant 80 : index
          %get3A_1102 = tpu.vector_load %arg16[%get3A_1100, %get3A_1101] {strides = array<i32>} : memref<128x128xf32, #tpu.memory_space<vmem>>, vector<16xf32>,
          %get3A_1103 = arith.index_cast %add3A_1044 : i32 to index
          %get3A_1104 = arith.constant 80 : index
          %get3A_1105 = tpu.vector_load %arg17[%get3A_1103, %get3A_1104] {strides = array<i32>} : memref<128x128xf32, #tpu.memory_space<vmem>>, vector<16xf32>,
          %add3A_1106 = arith.addf %get3A_1102, %get3A_1105 : vector<16xf32>
          %mul3A_1107 = arith.mulf %add3A_1106, %gather3A_1040 : vector<16xf32>
          %swap3A_1108 = arith.index_cast %add3A_1044 : i32 to index
          %swap3A_1109 = arith.constant 80 : index
          %swap3A_1110 = tpu.vector_load %arg16[%swap3A_1108, %swap3A_1109] {strides = array<i32>} : memref<128x128xf32, #tpu.memory_space<vmem>>, vector<16xf32>,
          tpu.vector_store %arg16[%swap3A_1108, %swap3A_1109], %mul3A_1107 {strides = array<i32>} : memref<128x128xf32, #tpu.memory_space<vmem>>, vector<16xf32>,
          %get3A_1111 = arith.index_cast %add3A_1044 : i32 to index
          %get3A_1112 = arith.constant 96 : index
          %get3A_1113 = tpu.vector_load %arg16[%get3A_1111, %get3A_1112] {strides = array<i32>} : memref<128x128xf32, #tpu.memory_space<vmem>>, vector<16xf32>,
          %get3A_1114 = arith.index_cast %add3A_1044 : i32 to index
          %get3A_1115 = arith.constant 96 : index
          %get3A_1116 = tpu.vector_load %arg17[%get3A_1114, %get3A_1115] {strides = array<i32>} : memref<128x128xf32, #tpu.memory_space<vmem>>, vector<16xf32>,
          %add3A_1117 = arith.addf %get3A_1113, %get3A_1116 : vector<16xf32>
          %mul3A_1118 = arith.mulf %add3A_1117, %gather3A_1040 : vector<16xf32>
          %swap3A_1119 = arith.index_cast %add3A_1044 : i32 to index
          %swap3A_1120 = arith.constant 96 : index
          %swap3A_1121 = tpu.vector_load %arg16[%swap3A_1119, %swap3A_1120] {strides = array<i32>} : memref<128x128xf32, #tpu.memory_space<vmem>>, vector<16xf32>,
          tpu.vector_store %arg16[%swap3A_1119, %swap3A_1120], %mul3A_1118 {strides = array<i32>} : memref<128x128xf32, #tpu.memory_space<vmem>>, vector<16xf32>,
          %get3A_1122 = arith.index_cast %add3A_1044 : i32 to index
          %get3A_1123 = arith.constant 112 : index
          %get3A_1124 = tpu.vector_load %arg16[%get3A_1122, %get3A_1123] {strides = array<i32>} : memref<128x128xf32, #tpu.memory_space<vmem>>, vector<16xf32>,
          %get3A_1125 = arith.index_cast %add3A_1044 : i32 to index
          %get3A_1126 = arith.constant 112 : index
          %get3A_1127 = tpu.vector_load %arg17[%get3A_1125, %get3A_1126] {strides = array<i32>} : memref<128x128xf32, #tpu.memory_space<vmem>>, vector<16xf32>,
          %add3A_1128 = arith.addf %get3A_1124, %get3A_1127 : vector<16xf32>
          %mul3A_1129 = arith.mulf %add3A_1128, %gather3A_1040 : vector<16xf32>
          %swap3A_1130 = arith.index_cast %add3A_1044 : i32 to index
          %swap3A_1131 = arith.constant 112 : index
          %swap3A_1132 = tpu.vector_load %arg16[%swap3A_1130, %swap3A_1131] {strides = array<i32>} : memref<128x128xf32, #tpu.memory_space<vmem>>, vector<16xf32>,
          tpu.vector_store %arg16[%swap3A_1130, %swap3A_1131], %mul3A_1129 {strides = array<i32>} : memref<128x128xf32, #tpu.memory_space<vmem>>, vector<16xf32>,
          %broadcast_in_dim3A_1133 = arith.constant 10 : i32
          %broadcast_in_dim3A_1134 = vector.broadcast %broadcast_in_dim3A_1133 : i32 to vector<16x1xi32>
          %gather3A_1135 = vector.shape_cast %broadcast_in_dim3A_1134 : vector<16x1xi32> to vector<16xi32>
          %gather3A_1136 = tpu.dynamic_gather %div3A[%gather3A_1135] in [0] : vector<16xf32>, vector<16xi32> -> vector<16xf32>
          %mul3A_1137 = arith.constant 16 : i32
          %mul3A_1138 = arith.muli %scan3A_163, %mul3A_1137 : i32
          %add3A_1139 = arith.constant 10 : i32
          %add3A_1140 = arith.addi %mul3A_1138, %add3A_1139 : i32
          %get3A_1141 = arith.index_cast %add3A_1140 : i32 to index
          %get3A_1142 = arith.constant 0 : index
          %get3A_1143 = tpu.vector_load %arg16[%get3A_1141, %get3A_1142] {strides = array<i32>} : memref<128x128xf32, #tpu.memory_space<vmem>>, vector<16xf32>,
          %get3A_1144 = arith.index_cast %add3A_1140 : i32 to index
          %get3A_1145 = arith.constant 0 : index
          %get3A_1146 = tpu.vector_load %arg17[%get3A_1144, %get3A_1145] {strides = array<i32>} : memref<128x128xf32, #tpu.memory_space<vmem>>, vector<16xf32>,
          %add3A_1147 = arith.addf %get3A_1143, %get3A_1146 : vector<16xf32>
          %mul3A_1148 = arith.mulf %add3A_1147, %gather3A_1136 : vector<16xf32>
          %swap3A_1149 = arith.index_cast %add3A_1140 : i32 to index
          %swap3A_1150 = arith.constant 0 : index
          %swap3A_1151 = tpu.vector_load %arg16[%swap3A_1149, %swap3A_1150] {strides = array<i32>} : memref<128x128xf32, #tpu.memory_space<vmem>>, vector<16xf32>,
          tpu.vector_store %arg16[%swap3A_1149, %swap3A_1150], %mul3A_1148 {strides = array<i32>} : memref<128x128xf32, #tpu.memory_space<vmem>>, vector<16xf32>,
          %get3A_1152 = arith.index_cast %add3A_1140 : i32 to index
          %get3A_1153 = arith.constant 16 : index
          %get3A_1154 = tpu.vector_load %arg16[%get3A_1152, %get3A_1153] {strides = array<i32>} : memref<128x128xf32, #tpu.memory_space<vmem>>, vector<16xf32>,
          %get3A_1155 = arith.index_cast %add3A_1140 : i32 to index
          %get3A_1156 = arith.constant 16 : index
          %get3A_1157 = tpu.vector_load %arg17[%get3A_1155, %get3A_1156] {strides = array<i32>} : memref<128x128xf32, #tpu.memory_space<vmem>>, vector<16xf32>,
          %add3A_1158 = arith.addf %get3A_1154, %get3A_1157 : vector<16xf32>
          %mul3A_1159 = arith.mulf %add3A_1158, %gather3A_1136 : vector<16xf32>
          %swap3A_1160 = arith.index_cast %add3A_1140 : i32 to index
          %swap3A_1161 = arith.constant 16 : index
          %swap3A_1162 = tpu.vector_load %arg16[%swap3A_1160, %swap3A_1161] {strides = array<i32>} : memref<128x128xf32, #tpu.memory_space<vmem>>, vector<16xf32>,
          tpu.vector_store %arg16[%swap3A_1160, %swap3A_1161], %mul3A_1159 {strides = array<i32>} : memref<128x128xf32, #tpu.memory_space<vmem>>, vector<16xf32>,
          %get3A_1163 = arith.index_cast %add3A_1140 : i32 to index
          %get3A_1164 = arith.constant 32 : index
          %get3A_1165 = tpu.vector_load %arg16[%get3A_1163, %get3A_1164] {strides = array<i32>} : memref<128x128xf32, #tpu.memory_space<vmem>>, vector<16xf32>,
          %get3A_1166 = arith.index_cast %add3A_1140 : i32 to index
          %get3A_1167 = arith.constant 32 : index
          %get3A_1168 = tpu.vector_load %arg17[%get3A_1166, %get3A_1167] {strides = array<i32>} : memref<128x128xf32, #tpu.memory_space<vmem>>, vector<16xf32>,
          %add3A_1169 = arith.addf %get3A_1165, %get3A_1168 : vector<16xf32>
          %mul3A_1170 = arith.mulf %add3A_1169, %gather3A_1136 : vector<16xf32>
          %swap3A_1171 = arith.index_cast %add3A_1140 : i32 to index
          %swap3A_1172 = arith.constant 32 : index
          %swap3A_1173 = tpu.vector_load %arg16[%swap3A_1171, %swap3A_1172] {strides = array<i32>} : memref<128x128xf32, #tpu.memory_space<vmem>>, vector<16xf32>,
          tpu.vector_store %arg16[%swap3A_1171, %swap3A_1172], %mul3A_1170 {strides = array<i32>} : memref<128x128xf32, #tpu.memory_space<vmem>>, vector<16xf32>,
          %get3A_1174 = arith.index_cast %add3A_1140 : i32 to index
          %get3A_1175 = arith.constant 48 : index
          %get3A_1176 = tpu.vector_load %arg16[%get3A_1174, %get3A_1175] {strides = array<i32>} : memref<128x128xf32, #tpu.memory_space<vmem>>, vector<16xf32>,
          %get3A_1177 = arith.index_cast %add3A_1140 : i32 to index
          %get3A_1178 = arith.constant 48 : index
          %get3A_1179 = tpu.vector_load %arg17[%get3A_1177, %get3A_1178] {strides = array<i32>} : memref<128x128xf32, #tpu.memory_space<vmem>>, vector<16xf32>,
          %add3A_1180 = arith.addf %get3A_1176, %get3A_1179 : vector<16xf32>
          %mul3A_1181 = arith.mulf %add3A_1180, %gather3A_1136 : vector<16xf32>
          %swap3A_1182 = arith.index_cast %add3A_1140 : i32 to index
          %swap3A_1183 = arith.constant 48 : index
          %swap3A_1184 = tpu.vector_load %arg16[%swap3A_1182, %swap3A_1183] {strides = array<i32>} : memref<128x128xf32, #tpu.memory_space<vmem>>, vector<16xf32>,
          tpu.vector_store %arg16[%swap3A_1182, %swap3A_1183], %mul3A_1181 {strides = array<i32>} : memref<128x128xf32, #tpu.memory_space<vmem>>, vector<16xf32>,
          %get3A_1185 = arith.index_cast %add3A_1140 : i32 to index
          %get3A_1186 = arith.constant 64 : index
          %get3A_1187 = tpu.vector_load %arg16[%get3A_1185, %get3A_1186] {strides = array<i32>} : memref<128x128xf32, #tpu.memory_space<vmem>>, vector<16xf32>,
          %get3A_1188 = arith.index_cast %add3A_1140 : i32 to index
          %get3A_1189 = arith.constant 64 : index
          %get3A_1190 = tpu.vector_load %arg17[%get3A_1188, %get3A_1189] {strides = array<i32>} : memref<128x128xf32, #tpu.memory_space<vmem>>, vector<16xf32>,
          %add3A_1191 = arith.addf %get3A_1187, %get3A_1190 : vector<16xf32>
          %mul3A_1192 = arith.mulf %add3A_1191, %gather3A_1136 : vector<16xf32>
          %swap3A_1193 = arith.index_cast %add3A_1140 : i32 to index
          %swap3A_1194 = arith.constant 64 : index
          %swap3A_1195 = tpu.vector_load %arg16[%swap3A_1193, %swap3A_1194] {strides = array<i32>} : memref<128x128xf32, #tpu.memory_space<vmem>>, vector<16xf32>,
          tpu.vector_store %arg16[%swap3A_1193, %swap3A_1194], %mul3A_1192 {strides = array<i32>} : memref<128x128xf32, #tpu.memory_space<vmem>>, vector<16xf32>,
          %get3A_1196 = arith.index_cast %add3A_1140 : i32 to index
          %get3A_1197 = arith.constant 80 : index
          %get3A_1198 = tpu.vector_load %arg16[%get3A_1196, %get3A_1197] {strides = array<i32>} : memref<128x128xf32, #tpu.memory_space<vmem>>, vector<16xf32>,
          %get3A_1199 = arith.index_cast %add3A_1140 : i32 to index
          %get3A_1200 = arith.constant 80 : index
          %get3A_1201 = tpu.vector_load %arg17[%get3A_1199, %get3A_1200] {strides = array<i32>} : memref<128x128xf32, #tpu.memory_space<vmem>>, vector<16xf32>,
          %add3A_1202 = arith.addf %get3A_1198, %get3A_1201 : vector<16xf32>
          %mul3A_1203 = arith.mulf %add3A_1202, %gather3A_1136 : vector<16xf32>
          %swap3A_1204 = arith.index_cast %add3A_1140 : i32 to index
          %swap3A_1205 = arith.constant 80 : index
          %swap3A_1206 = tpu.vector_load %arg16[%swap3A_1204, %swap3A_1205] {strides = array<i32>} : memref<128x128xf32, #tpu.memory_space<vmem>>, vector<16xf32>,
          tpu.vector_store %arg16[%swap3A_1204, %swap3A_1205], %mul3A_1203 {strides = array<i32>} : memref<128x128xf32, #tpu.memory_space<vmem>>, vector<16xf32>,
          %get3A_1207 = arith.index_cast %add3A_1140 : i32 to index
          %get3A_1208 = arith.constant 96 : index
          %get3A_1209 = tpu.vector_load %arg16[%get3A_1207, %get3A_1208] {strides = array<i32>} : memref<128x128xf32, #tpu.memory_space<vmem>>, vector<16xf32>,
          %get3A_1210 = arith.index_cast %add3A_1140 : i32 to index
          %get3A_1211 = arith.constant 96 : index
          %get3A_1212 = tpu.vector_load %arg17[%get3A_1210, %get3A_1211] {strides = array<i32>} : memref<128x128xf32, #tpu.memory_space<vmem>>, vector<16xf32>,
          %add3A_1213 = arith.addf %get3A_1209, %get3A_1212 : vector<16xf32>
          %mul3A_1214 = arith.mulf %add3A_1213, %gather3A_1136 : vector<16xf32>
          %swap3A_1215 = arith.index_cast %add3A_1140 : i32 to index
          %swap3A_1216 = arith.constant 96 : index
          %swap3A_1217 = tpu.vector_load %arg16[%swap3A_1215, %swap3A_1216] {strides = array<i32>} : memref<128x128xf32, #tpu.memory_space<vmem>>, vector<16xf32>,
          tpu.vector_store %arg16[%swap3A_1215, %swap3A_1216], %mul3A_1214 {strides = array<i32>} : memref<128x128xf32, #tpu.memory_space<vmem>>, vector<16xf32>,
          %get3A_1218 = arith.index_cast %add3A_1140 : i32 to index
          %get3A_1219 = arith.constant 112 : index
          %get3A_1220 = tpu.vector_load %arg16[%get3A_1218, %get3A_1219] {strides = array<i32>} : memref<128x128xf32, #tpu.memory_space<vmem>>, vector<16xf32>,
          %get3A_1221 = arith.index_cast %add3A_1140 : i32 to index
          %get3A_1222 = arith.constant 112 : index
          %get3A_1223 = tpu.vector_load %arg17[%get3A_1221, %get3A_1222] {strides = array<i32>} : memref<128x128xf32, #tpu.memory_space<vmem>>, vector<16xf32>,
          %add3A_1224 = arith.addf %get3A_1220, %get3A_1223 : vector<16xf32>
          %mul3A_1225 = arith.mulf %add3A_1224, %gather3A_1136 : vector<16xf32>
          %swap3A_1226 = arith.index_cast %add3A_1140 : i32 to index
          %swap3A_1227 = arith.constant 112 : index
          %swap3A_1228 = tpu.vector_load %arg16[%swap3A_1226, %swap3A_1227] {strides = array<i32>} : memref<128x128xf32, #tpu.memory_space<vmem>>, vector<16xf32>,
          tpu.vector_store %arg16[%swap3A_1226, %swap3A_1227], %mul3A_1225 {strides = array<i32>} : memref<128x128xf32, #tpu.memory_space<vmem>>, vector<16xf32>,
          %broadcast_in_dim3A_1229 = arith.constant 11 : i32
          %broadcast_in_dim3A_1230 = vector.broadcast %broadcast_in_dim3A_1229 : i32 to vector<16x1xi32>
          %gather3A_1231 = vector.shape_cast %broadcast_in_dim3A_1230 : vector<16x1xi32> to vector<16xi32>
          %gather3A_1232 = tpu.dynamic_gather %div3A[%gather3A_1231] in [0] : vector<16xf32>, vector<16xi32> -> vector<16xf32>
          %mul3A_1233 = arith.constant 16 : i32
          %mul3A_1234 = arith.muli %scan3A_163, %mul3A_1233 : i32
          %add3A_1235 = arith.constant 11 : i32
          %add3A_1236 = arith.addi %mul3A_1234, %add3A_1235 : i32
          %get3A_1237 = arith.index_cast %add3A_1236 : i32 to index
          %get3A_1238 = arith.constant 0 : index
          %get3A_1239 = tpu.vector_load %arg16[%get3A_1237, %get3A_1238] {strides = array<i32>} : memref<128x128xf32, #tpu.memory_space<vmem>>, vector<16xf32>,
          %get3A_1240 = arith.index_cast %add3A_1236 : i32 to index
          %get3A_1241 = arith.constant 0 : index
          %get3A_1242 = tpu.vector_load %arg17[%get3A_1240, %get3A_1241] {strides = array<i32>} : memref<128x128xf32, #tpu.memory_space<vmem>>, vector<16xf32>,
          %add3A_1243 = arith.addf %get3A_1239, %get3A_1242 : vector<16xf32>
          %mul3A_1244 = arith.mulf %add3A_1243, %gather3A_1232 : vector<16xf32>
          %swap3A_1245 = arith.index_cast %add3A_1236 : i32 to index
          %swap3A_1246 = arith.constant 0 : index
          %swap3A_1247 = tpu.vector_load %arg16[%swap3A_1245, %swap3A_1246] {strides = array<i32>} : memref<128x128xf32, #tpu.memory_space<vmem>>, vector<16xf32>,
          tpu.vector_store %arg16[%swap3A_1245, %swap3A_1246], %mul3A_1244 {strides = array<i32>} : memref<128x128xf32, #tpu.memory_space<vmem>>, vector<16xf32>,
          %get3A_1248 = arith.index_cast %add3A_1236 : i32 to index
          %get3A_1249 = arith.constant 16 : index
          %get3A_1250 = tpu.vector_load %arg16[%get3A_1248, %get3A_1249] {strides = array<i32>} : memref<128x128xf32, #tpu.memory_space<vmem>>, vector<16xf32>,
          %get3A_1251 = arith.index_cast %add3A_1236 : i32 to index
          %get3A_1252 = arith.constant 16 : index
          %get3A_1253 = tpu.vector_load %arg17[%get3A_1251, %get3A_1252] {strides = array<i32>} : memref<128x128xf32, #tpu.memory_space<vmem>>, vector<16xf32>,
          %add3A_1254 = arith.addf %get3A_1250, %get3A_1253 : vector<16xf32>
          %mul3A_1255 = arith.mulf %add3A_1254, %gather3A_1232 : vector<16xf32>
          %swap3A_1256 = arith.index_cast %add3A_1236 : i32 to index
          %swap3A_1257 = arith.constant 16 : index
          %swap3A_1258 = tpu.vector_load %arg16[%swap3A_1256, %swap3A_1257] {strides = array<i32>} : memref<128x128xf32, #tpu.memory_space<vmem>>, vector<16xf32>,
          tpu.vector_store %arg16[%swap3A_1256, %swap3A_1257], %mul3A_1255 {strides = array<i32>} : memref<128x128xf32, #tpu.memory_space<vmem>>, vector<16xf32>,
          %get3A_1259 = arith.index_cast %add3A_1236 : i32 to index
          %get3A_1260 = arith.constant 32 : index
          %get3A_1261 = tpu.vector_load %arg16[%get3A_1259, %get3A_1260] {strides = array<i32>} : memref<128x128xf32, #tpu.memory_space<vmem>>, vector<16xf32>,
          %get3A_1262 = arith.index_cast %add3A_1236 : i32 to index
          %get3A_1263 = arith.constant 32 : index
          %get3A_1264 = tpu.vector_load %arg17[%get3A_1262, %get3A_1263] {strides = array<i32>} : memref<128x128xf32, #tpu.memory_space<vmem>>, vector<16xf32>,
          %add3A_1265 = arith.addf %get3A_1261, %get3A_1264 : vector<16xf32>
          %mul3A_1266 = arith.mulf %add3A_1265, %gather3A_1232 : vector<16xf32>
          %swap3A_1267 = arith.index_cast %add3A_1236 : i32 to index
          %swap3A_1268 = arith.constant 32 : index
          %swap3A_1269 = tpu.vector_load %arg16[%swap3A_1267, %swap3A_1268] {strides = array<i32>} : memref<128x128xf32, #tpu.memory_space<vmem>>, vector<16xf32>,
          tpu.vector_store %arg16[%swap3A_1267, %swap3A_1268], %mul3A_1266 {strides = array<i32>} : memref<128x128xf32, #tpu.memory_space<vmem>>, vector<16xf32>,
          %get3A_1270 = arith.index_cast %add3A_1236 : i32 to index
          %get3A_1271 = arith.constant 48 : index
          %get3A_1272 = tpu.vector_load %arg16[%get3A_1270, %get3A_1271] {strides = array<i32>} : memref<128x128xf32, #tpu.memory_space<vmem>>, vector<16xf32>,
          %get3A_1273 = arith.index_cast %add3A_1236 : i32 to index
          %get3A_1274 = arith.constant 48 : index
          %get3A_1275 = tpu.vector_load %arg17[%get3A_1273, %get3A_1274] {strides = array<i32>} : memref<128x128xf32, #tpu.memory_space<vmem>>, vector<16xf32>,
          %add3A_1276 = arith.addf %get3A_1272, %get3A_1275 : vector<16xf32>
          %mul3A_1277 = arith.mulf %add3A_1276, %gather3A_1232 : vector<16xf32>
          %swap3A_1278 = arith.index_cast %add3A_1236 : i32 to index
          %swap3A_1279 = arith.constant 48 : index
          %swap3A_1280 = tpu.vector_load %arg16[%swap3A_1278, %swap3A_1279] {strides = array<i32>} : memref<128x128xf32, #tpu.memory_space<vmem>>, vector<16xf32>,
          tpu.vector_store %arg16[%swap3A_1278, %swap3A_1279], %mul3A_1277 {strides = array<i32>} : memref<128x128xf32, #tpu.memory_space<vmem>>, vector<16xf32>,
          %get3A_1281 = arith.index_cast %add3A_1236 : i32 to index
          %get3A_1282 = arith.constant 64 : index
          %get3A_1283 = tpu.vector_load %arg16[%get3A_1281, %get3A_1282] {strides = array<i32>} : memref<128x128xf32, #tpu.memory_space<vmem>>, vector<16xf32>,
          %get3A_1284 = arith.index_cast %add3A_1236 : i32 to index
          %get3A_1285 = arith.constant 64 : index
          %get3A_1286 = tpu.vector_load %arg17[%get3A_1284, %get3A_1285] {strides = array<i32>} : memref<128x128xf32, #tpu.memory_space<vmem>>, vector<16xf32>,
          %add3A_1287 = arith.addf %get3A_1283, %get3A_1286 : vector<16xf32>
          %mul3A_1288 = arith.mulf %add3A_1287, %gather3A_1232 : vector<16xf32>
          %swap3A_1289 = arith.index_cast %add3A_1236 : i32 to index
          %swap3A_1290 = arith.constant 64 : index
          %swap3A_1291 = tpu.vector_load %arg16[%swap3A_1289, %swap3A_1290] {strides = array<i32>} : memref<128x128xf32, #tpu.memory_space<vmem>>, vector<16xf32>,
          tpu.vector_store %arg16[%swap3A_1289, %swap3A_1290], %mul3A_1288 {strides = array<i32>} : memref<128x128xf32, #tpu.memory_space<vmem>>, vector<16xf32>,
          %get3A_1292 = arith.index_cast %add3A_1236 : i32 to index
          %get3A_1293 = arith.constant 80 : index
          %get3A_1294 = tpu.vector_load %arg16[%get3A_1292, %get3A_1293] {strides = array<i32>} : memref<128x128xf32, #tpu.memory_space<vmem>>, vector<16xf32>,
          %get3A_1295 = arith.index_cast %add3A_1236 : i32 to index
          %get3A_1296 = arith.constant 80 : index
          %get3A_1297 = tpu.vector_load %arg17[%get3A_1295, %get3A_1296] {strides = array<i32>} : memref<128x128xf32, #tpu.memory_space<vmem>>, vector<16xf32>,
          %add3A_1298 = arith.addf %get3A_1294, %get3A_1297 : vector<16xf32>
          %mul3A_1299 = arith.mulf %add3A_1298, %gather3A_1232 : vector<16xf32>
          %swap3A_1300 = arith.index_cast %add3A_1236 : i32 to index
          %swap3A_1301 = arith.constant 80 : index
          %swap3A_1302 = tpu.vector_load %arg16[%swap3A_1300, %swap3A_1301] {strides = array<i32>} : memref<128x128xf32, #tpu.memory_space<vmem>>, vector<16xf32>,
          tpu.vector_store %arg16[%swap3A_1300, %swap3A_1301], %mul3A_1299 {strides = array<i32>} : memref<128x128xf32, #tpu.memory_space<vmem>>, vector<16xf32>,
          %get3A_1303 = arith.index_cast %add3A_1236 : i32 to index
          %get3A_1304 = arith.constant 96 : index
          %get3A_1305 = tpu.vector_load %arg16[%get3A_1303, %get3A_1304] {strides = array<i32>} : memref<128x128xf32, #tpu.memory_space<vmem>>, vector<16xf32>,
          %get3A_1306 = arith.index_cast %add3A_1236 : i32 to index
          %get3A_1307 = arith.constant 96 : index
          %get3A_1308 = tpu.vector_load %arg17[%get3A_1306, %get3A_1307] {strides = array<i32>} : memref<128x128xf32, #tpu.memory_space<vmem>>, vector<16xf32>,
          %add3A_1309 = arith.addf %get3A_1305, %get3A_1308 : vector<16xf32>
          %mul3A_1310 = arith.mulf %add3A_1309, %gather3A_1232 : vector<16xf32>
          %swap3A_1311 = arith.index_cast %add3A_1236 : i32 to index
          %swap3A_1312 = arith.constant 96 : index
          %swap3A_1313 = tpu.vector_load %arg16[%swap3A_1311, %swap3A_1312] {strides = array<i32>} : memref<128x128xf32, #tpu.memory_space<vmem>>, vector<16xf32>,
          tpu.vector_store %arg16[%swap3A_1311, %swap3A_1312], %mul3A_1310 {strides = array<i32>} : memref<128x128xf32, #tpu.memory_space<vmem>>, vector<16xf32>,
          %get3A_1314 = arith.index_cast %add3A_1236 : i32 to index
          %get3A_1315 = arith.constant 112 : index
          %get3A_1316 = tpu.vector_load %arg16[%get3A_1314, %get3A_1315] {strides = array<i32>} : memref<128x128xf32, #tpu.memory_space<vmem>>, vector<16xf32>,
          %get3A_1317 = arith.index_cast %add3A_1236 : i32 to index
          %get3A_1318 = arith.constant 112 : index
          %get3A_1319 = tpu.vector_load %arg17[%get3A_1317, %get3A_1318] {strides = array<i32>} : memref<128x128xf32, #tpu.memory_space<vmem>>, vector<16xf32>,
          %add3A_1320 = arith.addf %get3A_1316, %get3A_1319 : vector<16xf32>
          %mul3A_1321 = arith.mulf %add3A_1320, %gather3A_1232 : vector<16xf32>
          %swap3A_1322 = arith.index_cast %add3A_1236 : i32 to index
          %swap3A_1323 = arith.constant 112 : index
          %swap3A_1324 = tpu.vector_load %arg16[%swap3A_1322, %swap3A_1323] {strides = array<i32>} : memref<128x128xf32, #tpu.memory_space<vmem>>, vector<16xf32>,
          tpu.vector_store %arg16[%swap3A_1322, %swap3A_1323], %mul3A_1321 {strides = array<i32>} : memref<128x128xf32, #tpu.memory_space<vmem>>, vector<16xf32>,
          %broadcast_in_dim3A_1325 = arith.constant 12 : i32
          %broadcast_in_dim3A_1326 = vector.broadcast %broadcast_in_dim3A_1325 : i32 to vector<16x1xi32>
          %gather3A_1327 = vector.shape_cast %broadcast_in_dim3A_1326 : vector<16x1xi32> to vector<16xi32>
          %gather3A_1328 = tpu.dynamic_gather %div3A[%gather3A_1327] in [0] : vector<16xf32>, vector<16xi32> -> vector<16xf32>
          %mul3A_1329 = arith.constant 16 : i32
          %mul3A_1330 = arith.muli %scan3A_163, %mul3A_1329 : i32
          %add3A_1331 = arith.constant 12 : i32
          %add3A_1332 = arith.addi %mul3A_1330, %add3A_1331 : i32
          %get3A_1333 = arith.index_cast %add3A_1332 : i32 to index
          %get3A_1334 = arith.constant 0 : index
          %get3A_1335 = tpu.vector_load %arg16[%get3A_1333, %get3A_1334] {strides = array<i32>} : memref<128x128xf32, #tpu.memory_space<vmem>>, vector<16xf32>,
          %get3A_1336 = arith.index_cast %add3A_1332 : i32 to index
          %get3A_1337 = arith.constant 0 : index
          %get3A_1338 = tpu.vector_load %arg17[%get3A_1336, %get3A_1337] {strides = array<i32>} : memref<128x128xf32, #tpu.memory_space<vmem>>, vector<16xf32>,
          %add3A_1339 = arith.addf %get3A_1335, %get3A_1338 : vector<16xf32>
          %mul3A_1340 = arith.mulf %add3A_1339, %gather3A_1328 : vector<16xf32>
          %swap3A_1341 = arith.index_cast %add3A_1332 : i32 to index
          %swap3A_1342 = arith.constant 0 : index
          %swap3A_1343 = tpu.vector_load %arg16[%swap3A_1341, %swap3A_1342] {strides = array<i32>} : memref<128x128xf32, #tpu.memory_space<vmem>>, vector<16xf32>,
          tpu.vector_store %arg16[%swap3A_1341, %swap3A_1342], %mul3A_1340 {strides = array<i32>} : memref<128x128xf32, #tpu.memory_space<vmem>>, vector<16xf32>,
          %get3A_1344 = arith.index_cast %add3A_1332 : i32 to index
          %get3A_1345 = arith.constant 16 : index
          %get3A_1346 = tpu.vector_load %arg16[%get3A_1344, %get3A_1345] {strides = array<i32>} : memref<128x128xf32, #tpu.memory_space<vmem>>, vector<16xf32>,
          %get3A_1347 = arith.index_cast %add3A_1332 : i32 to index
          %get3A_1348 = arith.constant 16 : index
          %get3A_1349 = tpu.vector_load %arg17[%get3A_1347, %get3A_1348] {strides = array<i32>} : memref<128x128xf32, #tpu.memory_space<vmem>>, vector<16xf32>,
          %add3A_1350 = arith.addf %get3A_1346, %get3A_1349 : vector<16xf32>
          %mul3A_1351 = arith.mulf %add3A_1350, %gather3A_1328 : vector<16xf32>
          %swap3A_1352 = arith.index_cast %add3A_1332 : i32 to index
          %swap3A_1353 = arith.constant 16 : index
          %swap3A_1354 = tpu.vector_load %arg16[%swap3A_1352, %swap3A_1353] {strides = array<i32>} : memref<128x128xf32, #tpu.memory_space<vmem>>, vector<16xf32>,
          tpu.vector_store %arg16[%swap3A_1352, %swap3A_1353], %mul3A_1351 {strides = array<i32>} : memref<128x128xf32, #tpu.memory_space<vmem>>, vector<16xf32>,
          %get3A_1355 = arith.index_cast %add3A_1332 : i32 to index
          %get3A_1356 = arith.constant 32 : index
          %get3A_1357 = tpu.vector_load %arg16[%get3A_1355, %get3A_1356] {strides = array<i32>} : memref<128x128xf32, #tpu.memory_space<vmem>>, vector<16xf32>,
          %get3A_1358 = arith.index_cast %add3A_1332 : i32 to index
          %get3A_1359 = arith.constant 32 : index
          %get3A_1360 = tpu.vector_load %arg17[%get3A_1358, %get3A_1359] {strides = array<i32>} : memref<128x128xf32, #tpu.memory_space<vmem>>, vector<16xf32>,
          %add3A_1361 = arith.addf %get3A_1357, %get3A_1360 : vector<16xf32>
          %mul3A_1362 = arith.mulf %add3A_1361, %gather3A_1328 : vector<16xf32>
          %swap3A_1363 = arith.index_cast %add3A_1332 : i32 to index
          %swap3A_1364 = arith.constant 32 : index
          %swap3A_1365 = tpu.vector_load %arg16[%swap3A_1363, %swap3A_1364] {strides = array<i32>} : memref<128x128xf32, #tpu.memory_space<vmem>>, vector<16xf32>,
          tpu.vector_store %arg16[%swap3A_1363, %swap3A_1364], %mul3A_1362 {strides = array<i32>} : memref<128x128xf32, #tpu.memory_space<vmem>>, vector<16xf32>,
          %get3A_1366 = arith.index_cast %add3A_1332 : i32 to index
          %get3A_1367 = arith.constant 48 : index
          %get3A_1368 = tpu.vector_load %arg16[%get3A_1366, %get3A_1367] {strides = array<i32>} : memref<128x128xf32, #tpu.memory_space<vmem>>, vector<16xf32>,
          %get3A_1369 = arith.index_cast %add3A_1332 : i32 to index
          %get3A_1370 = arith.constant 48 : index
          %get3A_1371 = tpu.vector_load %arg17[%get3A_1369, %get3A_1370] {strides = array<i32>} : memref<128x128xf32, #tpu.memory_space<vmem>>, vector<16xf32>,
          %add3A_1372 = arith.addf %get3A_1368, %get3A_1371 : vector<16xf32>
          %mul3A_1373 = arith.mulf %add3A_1372, %gather3A_1328 : vector<16xf32>
          %swap3A_1374 = arith.index_cast %add3A_1332 : i32 to index
          %swap3A_1375 = arith.constant 48 : index
          %swap3A_1376 = tpu.vector_load %arg16[%swap3A_1374, %swap3A_1375] {strides = array<i32>} : memref<128x128xf32, #tpu.memory_space<vmem>>, vector<16xf32>,
          tpu.vector_store %arg16[%swap3A_1374, %swap3A_1375], %mul3A_1373 {strides = array<i32>} : memref<128x128xf32, #tpu.memory_space<vmem>>, vector<16xf32>,
          %get3A_1377 = arith.index_cast %add3A_1332 : i32 to index
          %get3A_1378 = arith.constant 64 : index
          %get3A_1379 = tpu.vector_load %arg16[%get3A_1377, %get3A_1378] {strides = array<i32>} : memref<128x128xf32, #tpu.memory_space<vmem>>, vector<16xf32>,
          %get3A_1380 = arith.index_cast %add3A_1332 : i32 to index
          %get3A_1381 = arith.constant 64 : index
          %get3A_1382 = tpu.vector_load %arg17[%get3A_1380, %get3A_1381] {strides = array<i32>} : memref<128x128xf32, #tpu.memory_space<vmem>>, vector<16xf32>,
          %add3A_1383 = arith.addf %get3A_1379, %get3A_1382 : vector<16xf32>
          %mul3A_1384 = arith.mulf %add3A_1383, %gather3A_1328 : vector<16xf32>
          %swap3A_1385 = arith.index_cast %add3A_1332 : i32 to index
          %swap3A_1386 = arith.constant 64 : index
          %swap3A_1387 = tpu.vector_load %arg16[%swap3A_1385, %swap3A_1386] {strides = array<i32>} : memref<128x128xf32, #tpu.memory_space<vmem>>, vector<16xf32>,
          tpu.vector_store %arg16[%swap3A_1385, %swap3A_1386], %mul3A_1384 {strides = array<i32>} : memref<128x128xf32, #tpu.memory_space<vmem>>, vector<16xf32>,
          %get3A_1388 = arith.index_cast %add3A_1332 : i32 to index
          %get3A_1389 = arith.constant 80 : index
          %get3A_1390 = tpu.vector_load %arg16[%get3A_1388, %get3A_1389] {strides = array<i32>} : memref<128x128xf32, #tpu.memory_space<vmem>>, vector<16xf32>,
          %get3A_1391 = arith.index_cast %add3A_1332 : i32 to index
          %get3A_1392 = arith.constant 80 : index
          %get3A_1393 = tpu.vector_load %arg17[%get3A_1391, %get3A_1392] {strides = array<i32>} : memref<128x128xf32, #tpu.memory_space<vmem>>, vector<16xf32>,
          %add3A_1394 = arith.addf %get3A_1390, %get3A_1393 : vector<16xf32>
          %mul3A_1395 = arith.mulf %add3A_1394, %gather3A_1328 : vector<16xf32>
          %swap3A_1396 = arith.index_cast %add3A_1332 : i32 to index
          %swap3A_1397 = arith.constant 80 : index
          %swap3A_1398 = tpu.vector_load %arg16[%swap3A_1396, %swap3A_1397] {strides = array<i32>} : memref<128x128xf32, #tpu.memory_space<vmem>>, vector<16xf32>,
          tpu.vector_store %arg16[%swap3A_1396, %swap3A_1397], %mul3A_1395 {strides = array<i32>} : memref<128x128xf32, #tpu.memory_space<vmem>>, vector<16xf32>,
          %get3A_1399 = arith.index_cast %add3A_1332 : i32 to index
          %get3A_1400 = arith.constant 96 : index
          %get3A_1401 = tpu.vector_load %arg16[%get3A_1399, %get3A_1400] {strides = array<i32>} : memref<128x128xf32, #tpu.memory_space<vmem>>, vector<16xf32>,
          %get3A_1402 = arith.index_cast %add3A_1332 : i32 to index
          %get3A_1403 = arith.constant 96 : index
          %get3A_1404 = tpu.vector_load %arg17[%get3A_1402, %get3A_1403] {strides = array<i32>} : memref<128x128xf32, #tpu.memory_space<vmem>>, vector<16xf32>,
          %add3A_1405 = arith.addf %get3A_1401, %get3A_1404 : vector<16xf32>
          %mul3A_1406 = arith.mulf %add3A_1405, %gather3A_1328 : vector<16xf32>
          %swap3A_1407 = arith.index_cast %add3A_1332 : i32 to index
          %swap3A_1408 = arith.constant 96 : index
          %swap3A_1409 = tpu.vector_load %arg16[%swap3A_1407, %swap3A_1408] {strides = array<i32>} : memref<128x128xf32, #tpu.memory_space<vmem>>, vector<16xf32>,
          tpu.vector_store %arg16[%swap3A_1407, %swap3A_1408], %mul3A_1406 {strides = array<i32>} : memref<128x128xf32, #tpu.memory_space<vmem>>, vector<16xf32>,
          %get3A_1410 = arith.index_cast %add3A_1332 : i32 to index
          %get3A_1411 = arith.constant 112 : index
          %get3A_1412 = tpu.vector_load %arg16[%get3A_1410, %get3A_1411] {strides = array<i32>} : memref<128x128xf32, #tpu.memory_space<vmem>>, vector<16xf32>,
          %get3A_1413 = arith.index_cast %add3A_1332 : i32 to index
          %get3A_1414 = arith.constant 112 : index
          %get3A_1415 = tpu.vector_load %arg17[%get3A_1413, %get3A_1414] {strides = array<i32>} : memref<128x128xf32, #tpu.memory_space<vmem>>, vector<16xf32>,
          %add3A_1416 = arith.addf %get3A_1412, %get3A_1415 : vector<16xf32>
          %mul3A_1417 = arith.mulf %add3A_1416, %gather3A_1328 : vector<16xf32>
          %swap3A_1418 = arith.index_cast %add3A_1332 : i32 to index
          %swap3A_1419 = arith.constant 112 : index
          %swap3A_1420 = tpu.vector_load %arg16[%swap3A_1418, %swap3A_1419] {strides = array<i32>} : memref<128x128xf32, #tpu.memory_space<vmem>>, vector<16xf32>,
          tpu.vector_store %arg16[%swap3A_1418, %swap3A_1419], %mul3A_1417 {strides = array<i32>} : memref<128x128xf32, #tpu.memory_space<vmem>>, vector<16xf32>,
          %broadcast_in_dim3A_1421 = arith.constant 13 : i32
          %broadcast_in_dim3A_1422 = vector.broadcast %broadcast_in_dim3A_1421 : i32 to vector<16x1xi32>
          %gather3A_1423 = vector.shape_cast %broadcast_in_dim3A_1422 : vector<16x1xi32> to vector<16xi32>
          %gather3A_1424 = tpu.dynamic_gather %div3A[%gather3A_1423] in [0] : vector<16xf32>, vector<16xi32> -> vector<16xf32>
          %mul3A_1425 = arith.constant 16 : i32
          %mul3A_1426 = arith.muli %scan3A_163, %mul3A_1425 : i32
          %add3A_1427 = arith.constant 13 : i32
          %add3A_1428 = arith.addi %mul3A_1426, %add3A_1427 : i32
          %get3A_1429 = arith.index_cast %add3A_1428 : i32 to index
          %get3A_1430 = arith.constant 0 : index
          %get3A_1431 = tpu.vector_load %arg16[%get3A_1429, %get3A_1430] {strides = array<i32>} : memref<128x128xf32, #tpu.memory_space<vmem>>, vector<16xf32>,
          %get3A_1432 = arith.index_cast %add3A_1428 : i32 to index
          %get3A_1433 = arith.constant 0 : index
          %get3A_1434 = tpu.vector_load %arg17[%get3A_1432, %get3A_1433] {strides = array<i32>} : memref<128x128xf32, #tpu.memory_space<vmem>>, vector<16xf32>,
          %add3A_1435 = arith.addf %get3A_1431, %get3A_1434 : vector<16xf32>
          %mul3A_1436 = arith.mulf %add3A_1435, %gather3A_1424 : vector<16xf32>
          %swap3A_1437 = arith.index_cast %add3A_1428 : i32 to index
          %swap3A_1438 = arith.constant 0 : index
          %swap3A_1439 = tpu.vector_load %arg16[%swap3A_1437, %swap3A_1438] {strides = array<i32>} : memref<128x128xf32, #tpu.memory_space<vmem>>, vector<16xf32>,
          tpu.vector_store %arg16[%swap3A_1437, %swap3A_1438], %mul3A_1436 {strides = array<i32>} : memref<128x128xf32, #tpu.memory_space<vmem>>, vector<16xf32>,
          %get3A_1440 = arith.index_cast %add3A_1428 : i32 to index
          %get3A_1441 = arith.constant 16 : index
          %get3A_1442 = tpu.vector_load %arg16[%get3A_1440, %get3A_1441] {strides = array<i32>} : memref<128x128xf32, #tpu.memory_space<vmem>>, vector<16xf32>,
          %get3A_1443 = arith.index_cast %add3A_1428 : i32 to index
          %get3A_1444 = arith.constant 16 : index
          %get3A_1445 = tpu.vector_load %arg17[%get3A_1443, %get3A_1444] {strides = array<i32>} : memref<128x128xf32, #tpu.memory_space<vmem>>, vector<16xf32>,
          %add3A_1446 = arith.addf %get3A_1442, %get3A_1445 : vector<16xf32>
          %mul3A_1447 = arith.mulf %add3A_1446, %gather3A_1424 : vector<16xf32>
          %swap3A_1448 = arith.index_cast %add3A_1428 : i32 to index
          %swap3A_1449 = arith.constant 16 : index
          %swap3A_1450 = tpu.vector_load %arg16[%swap3A_1448, %swap3A_1449] {strides = array<i32>} : memref<128x128xf32, #tpu.memory_space<vmem>>, vector<16xf32>,
          tpu.vector_store %arg16[%swap3A_1448, %swap3A_1449], %mul3A_1447 {strides = array<i32>} : memref<128x128xf32, #tpu.memory_space<vmem>>, vector<16xf32>,
          %get3A_1451 = arith.index_cast %add3A_1428 : i32 to index
          %get3A_1452 = arith.constant 32 : index
          %get3A_1453 = tpu.vector_load %arg16[%get3A_1451, %get3A_1452] {strides = array<i32>} : memref<128x128xf32, #tpu.memory_space<vmem>>, vector<16xf32>,
          %get3A_1454 = arith.index_cast %add3A_1428 : i32 to index
          %get3A_1455 = arith.constant 32 : index
          %get3A_1456 = tpu.vector_load %arg17[%get3A_1454, %get3A_1455] {strides = array<i32>} : memref<128x128xf32, #tpu.memory_space<vmem>>, vector<16xf32>,
          %add3A_1457 = arith.addf %get3A_1453, %get3A_1456 : vector<16xf32>
          %mul3A_1458 = arith.mulf %add3A_1457, %gather3A_1424 : vector<16xf32>
          %swap3A_1459 = arith.index_cast %add3A_1428 : i32 to index
          %swap3A_1460 = arith.constant 32 : index
          %swap3A_1461 = tpu.vector_load %arg16[%swap3A_1459, %swap3A_1460] {strides = array<i32>} : memref<128x128xf32, #tpu.memory_space<vmem>>, vector<16xf32>,
          tpu.vector_store %arg16[%swap3A_1459, %swap3A_1460], %mul3A_1458 {strides = array<i32>} : memref<128x128xf32, #tpu.memory_space<vmem>>, vector<16xf32>,
          %get3A_1462 = arith.index_cast %add3A_1428 : i32 to index
          %get3A_1463 = arith.constant 48 : index
          %get3A_1464 = tpu.vector_load %arg16[%get3A_1462, %get3A_1463] {strides = array<i32>} : memref<128x128xf32, #tpu.memory_space<vmem>>, vector<16xf32>,
          %get3A_1465 = arith.index_cast %add3A_1428 : i32 to index
          %get3A_1466 = arith.constant 48 : index
          %get3A_1467 = tpu.vector_load %arg17[%get3A_1465, %get3A_1466] {strides = array<i32>} : memref<128x128xf32, #tpu.memory_space<vmem>>, vector<16xf32>,
          %add3A_1468 = arith.addf %get3A_1464, %get3A_1467 : vector<16xf32>
          %mul3A_1469 = arith.mulf %add3A_1468, %gather3A_1424 : vector<16xf32>
          %swap3A_1470 = arith.index_cast %add3A_1428 : i32 to index
          %swap3A_1471 = arith.constant 48 : index
          %swap3A_1472 = tpu.vector_load %arg16[%swap3A_1470, %swap3A_1471] {strides = array<i32>} : memref<128x128xf32, #tpu.memory_space<vmem>>, vector<16xf32>,
          tpu.vector_store %arg16[%swap3A_1470, %swap3A_1471], %mul3A_1469 {strides = array<i32>} : memref<128x128xf32, #tpu.memory_space<vmem>>, vector<16xf32>,
          %get3A_1473 = arith.index_cast %add3A_1428 : i32 to index
          %get3A_1474 = arith.constant 64 : index
          %get3A_1475 = tpu.vector_load %arg16[%get3A_1473, %get3A_1474] {strides = array<i32>} : memref<128x128xf32, #tpu.memory_space<vmem>>, vector<16xf32>,
          %get3A_1476 = arith.index_cast %add3A_1428 : i32 to index
          %get3A_1477 = arith.constant 64 : index
          %get3A_1478 = tpu.vector_load %arg17[%get3A_1476, %get3A_1477] {strides = array<i32>} : memref<128x128xf32, #tpu.memory_space<vmem>>, vector<16xf32>,
          %add3A_1479 = arith.addf %get3A_1475, %get3A_1478 : vector<16xf32>
          %mul3A_1480 = arith.mulf %add3A_1479, %gather3A_1424 : vector<16xf32>
          %swap3A_1481 = arith.index_cast %add3A_1428 : i32 to index
          %swap3A_1482 = arith.constant 64 : index
          %swap3A_1483 = tpu.vector_load %arg16[%swap3A_1481, %swap3A_1482] {strides = array<i32>} : memref<128x128xf32, #tpu.memory_space<vmem>>, vector<16xf32>,
          tpu.vector_store %arg16[%swap3A_1481, %swap3A_1482], %mul3A_1480 {strides = array<i32>} : memref<128x128xf32, #tpu.memory_space<vmem>>, vector<16xf32>,
          %get3A_1484 = arith.index_cast %add3A_1428 : i32 to index
          %get3A_1485 = arith.constant 80 : index
          %get3A_1486 = tpu.vector_load %arg16[%get3A_1484, %get3A_1485] {strides = array<i32>} : memref<128x128xf32, #tpu.memory_space<vmem>>, vector<16xf32>,
          %get3A_1487 = arith.index_cast %add3A_1428 : i32 to index
          %get3A_1488 = arith.constant 80 : index
          %get3A_1489 = tpu.vector_load %arg17[%get3A_1487, %get3A_1488] {strides = array<i32>} : memref<128x128xf32, #tpu.memory_space<vmem>>, vector<16xf32>,
          %add3A_1490 = arith.addf %get3A_1486, %get3A_1489 : vector<16xf32>
          %mul3A_1491 = arith.mulf %add3A_1490, %gather3A_1424 : vector<16xf32>
          %swap3A_1492 = arith.index_cast %add3A_1428 : i32 to index
          %swap3A_1493 = arith.constant 80 : index
          %swap3A_1494 = tpu.vector_load %arg16[%swap3A_1492, %swap3A_1493] {strides = array<i32>} : memref<128x128xf32, #tpu.memory_space<vmem>>, vector<16xf32>,
          tpu.vector_store %arg16[%swap3A_1492, %swap3A_1493], %mul3A_1491 {strides = array<i32>} : memref<128x128xf32, #tpu.memory_space<vmem>>, vector<16xf32>,
          %get3A_1495 = arith.index_cast %add3A_1428 : i32 to index
          %get3A_1496 = arith.constant 96 : index
          %get3A_1497 = tpu.vector_load %arg16[%get3A_1495, %get3A_1496] {strides = array<i32>} : memref<128x128xf32, #tpu.memory_space<vmem>>, vector<16xf32>,
          %get3A_1498 = arith.index_cast %add3A_1428 : i32 to index
          %get3A_1499 = arith.constant 96 : index
          %get3A_1500 = tpu.vector_load %arg17[%get3A_1498, %get3A_1499] {strides = array<i32>} : memref<128x128xf32, #tpu.memory_space<vmem>>, vector<16xf32>,
          %add3A_1501 = arith.addf %get3A_1497, %get3A_1500 : vector<16xf32>
          %mul3A_1502 = arith.mulf %add3A_1501, %gather3A_1424 : vector<16xf32>
          %swap3A_1503 = arith.index_cast %add3A_1428 : i32 to index
          %swap3A_1504 = arith.constant 96 : index
          %swap3A_1505 = tpu.vector_load %arg16[%swap3A_1503, %swap3A_1504] {strides = array<i32>} : memref<128x128xf32, #tpu.memory_space<vmem>>, vector<16xf32>,
          tpu.vector_store %arg16[%swap3A_1503, %swap3A_1504], %mul3A_1502 {strides = array<i32>} : memref<128x128xf32, #tpu.memory_space<vmem>>, vector<16xf32>,
          %get3A_1506 = arith.index_cast %add3A_1428 : i32 to index
          %get3A_1507 = arith.constant 112 : index
          %get3A_1508 = tpu.vector_load %arg16[%get3A_1506, %get3A_1507] {strides = array<i32>} : memref<128x128xf32, #tpu.memory_space<vmem>>, vector<16xf32>,
          %get3A_1509 = arith.index_cast %add3A_1428 : i32 to index
          %get3A_1510 = arith.constant 112 : index
          %get3A_1511 = tpu.vector_load %arg17[%get3A_1509, %get3A_1510] {strides = array<i32>} : memref<128x128xf32, #tpu.memory_space<vmem>>, vector<16xf32>,
          %add3A_1512 = arith.addf %get3A_1508, %get3A_1511 : vector<16xf32>
          %mul3A_1513 = arith.mulf %add3A_1512, %gather3A_1424 : vector<16xf32>
          %swap3A_1514 = arith.index_cast %add3A_1428 : i32 to index
          %swap3A_1515 = arith.constant 112 : index
          %swap3A_1516 = tpu.vector_load %arg16[%swap3A_1514, %swap3A_1515] {strides = array<i32>} : memref<128x128xf32, #tpu.memory_space<vmem>>, vector<16xf32>,
          tpu.vector_store %arg16[%swap3A_1514, %swap3A_1515], %mul3A_1513 {strides = array<i32>} : memref<128x128xf32, #tpu.memory_space<vmem>>, vector<16xf32>,
          %broadcast_in_dim3A_1517 = arith.constant 14 : i32
          %broadcast_in_dim3A_1518 = vector.broadcast %broadcast_in_dim3A_1517 : i32 to vector<16x1xi32>
          %gather3A_1519 = vector.shape_cast %broadcast_in_dim3A_1518 : vector<16x1xi32> to vector<16xi32>
          %gather3A_1520 = tpu.dynamic_gather %div3A[%gather3A_1519] in [0] : vector<16xf32>, vector<16xi32> -> vector<16xf32>
          %mul3A_1521 = arith.constant 16 : i32
          %mul3A_1522 = arith.muli %scan3A_163, %mul3A_1521 : i32
          %add3A_1523 = arith.constant 14 : i32
          %add3A_1524 = arith.addi %mul3A_1522, %add3A_1523 : i32
          %get3A_1525 = arith.index_cast %add3A_1524 : i32 to index
          %get3A_1526 = arith.constant 0 : index
          %get3A_1527 = tpu.vector_load %arg16[%get3A_1525, %get3A_1526] {strides = array<i32>} : memref<128x128xf32, #tpu.memory_space<vmem>>, vector<16xf32>,
          %get3A_1528 = arith.index_cast %add3A_1524 : i32 to index
          %get3A_1529 = arith.constant 0 : index
          %get3A_1530 = tpu.vector_load %arg17[%get3A_1528, %get3A_1529] {strides = array<i32>} : memref<128x128xf32, #tpu.memory_space<vmem>>, vector<16xf32>,
          %add3A_1531 = arith.addf %get3A_1527, %get3A_1530 : vector<16xf32>
          %mul3A_1532 = arith.mulf %add3A_1531, %gather3A_1520 : vector<16xf32>
          %swap3A_1533 = arith.index_cast %add3A_1524 : i32 to index
          %swap3A_1534 = arith.constant 0 : index
          %swap3A_1535 = tpu.vector_load %arg16[%swap3A_1533, %swap3A_1534] {strides = array<i32>} : memref<128x128xf32, #tpu.memory_space<vmem>>, vector<16xf32>,
          tpu.vector_store %arg16[%swap3A_1533, %swap3A_1534], %mul3A_1532 {strides = array<i32>} : memref<128x128xf32, #tpu.memory_space<vmem>>, vector<16xf32>,
          %get3A_1536 = arith.index_cast %add3A_1524 : i32 to index
          %get3A_1537 = arith.constant 16 : index
          %get3A_1538 = tpu.vector_load %arg16[%get3A_1536, %get3A_1537] {strides = array<i32>} : memref<128x128xf32, #tpu.memory_space<vmem>>, vector<16xf32>,
          %get3A_1539 = arith.index_cast %add3A_1524 : i32 to index
          %get3A_1540 = arith.constant 16 : index
          %get3A_1541 = tpu.vector_load %arg17[%get3A_1539, %get3A_1540] {strides = array<i32>} : memref<128x128xf32, #tpu.memory_space<vmem>>, vector<16xf32>,
          %add3A_1542 = arith.addf %get3A_1538, %get3A_1541 : vector<16xf32>
          %mul3A_1543 = arith.mulf %add3A_1542, %gather3A_1520 : vector<16xf32>
          %swap3A_1544 = arith.index_cast %add3A_1524 : i32 to index
          %swap3A_1545 = arith.constant 16 : index
          %swap3A_1546 = tpu.vector_load %arg16[%swap3A_1544, %swap3A_1545] {strides = array<i32>} : memref<128x128xf32, #tpu.memory_space<vmem>>, vector<16xf32>,
          tpu.vector_store %arg16[%swap3A_1544, %swap3A_1545], %mul3A_1543 {strides = array<i32>} : memref<128x128xf32, #tpu.memory_space<vmem>>, vector<16xf32>,
          %get3A_1547 = arith.index_cast %add3A_1524 : i32 to index
          %get3A_1548 = arith.constant 32 : index
          %get3A_1549 = tpu.vector_load %arg16[%get3A_1547, %get3A_1548] {strides = array<i32>} : memref<128x128xf32, #tpu.memory_space<vmem>>, vector<16xf32>,
          %get3A_1550 = arith.index_cast %add3A_1524 : i32 to index
          %get3A_1551 = arith.constant 32 : index
          %get3A_1552 = tpu.vector_load %arg17[%get3A_1550, %get3A_1551] {strides = array<i32>} : memref<128x128xf32, #tpu.memory_space<vmem>>, vector<16xf32>,
          %add3A_1553 = arith.addf %get3A_1549, %get3A_1552 : vector<16xf32>
          %mul3A_1554 = arith.mulf %add3A_1553, %gather3A_1520 : vector<16xf32>
          %swap3A_1555 = arith.index_cast %add3A_1524 : i32 to index
          %swap3A_1556 = arith.constant 32 : index
          %swap3A_1557 = tpu.vector_load %arg16[%swap3A_1555, %swap3A_1556] {strides = array<i32>} : memref<128x128xf32, #tpu.memory_space<vmem>>, vector<16xf32>,
          tpu.vector_store %arg16[%swap3A_1555, %swap3A_1556], %mul3A_1554 {strides = array<i32>} : memref<128x128xf32, #tpu.memory_space<vmem>>, vector<16xf32>,
          %get3A_1558 = arith.index_cast %add3A_1524 : i32 to index
          %get3A_1559 = arith.constant 48 : index
          %get3A_1560 = tpu.vector_load %arg16[%get3A_1558, %get3A_1559] {strides = array<i32>} : memref<128x128xf32, #tpu.memory_space<vmem>>, vector<16xf32>,
          %get3A_1561 = arith.index_cast %add3A_1524 : i32 to index
          %get3A_1562 = arith.constant 48 : index
          %get3A_1563 = tpu.vector_load %arg17[%get3A_1561, %get3A_1562] {strides = array<i32>} : memref<128x128xf32, #tpu.memory_space<vmem>>, vector<16xf32>,
          %add3A_1564 = arith.addf %get3A_1560, %get3A_1563 : vector<16xf32>
          %mul3A_1565 = arith.mulf %add3A_1564, %gather3A_1520 : vector<16xf32>
          %swap3A_1566 = arith.index_cast %add3A_1524 : i32 to index
          %swap3A_1567 = arith.constant 48 : index
          %swap3A_1568 = tpu.vector_load %arg16[%swap3A_1566, %swap3A_1567] {strides = array<i32>} : memref<128x128xf32, #tpu.memory_space<vmem>>, vector<16xf32>,
          tpu.vector_store %arg16[%swap3A_1566, %swap3A_1567], %mul3A_1565 {strides = array<i32>} : memref<128x128xf32, #tpu.memory_space<vmem>>, vector<16xf32>,
          %get3A_1569 = arith.index_cast %add3A_1524 : i32 to index
          %get3A_1570 = arith.constant 64 : index
          %get3A_1571 = tpu.vector_load %arg16[%get3A_1569, %get3A_1570] {strides = array<i32>} : memref<128x128xf32, #tpu.memory_space<vmem>>, vector<16xf32>,
          %get3A_1572 = arith.index_cast %add3A_1524 : i32 to index
          %get3A_1573 = arith.constant 64 : index
          %get3A_1574 = tpu.vector_load %arg17[%get3A_1572, %get3A_1573] {strides = array<i32>} : memref<128x128xf32, #tpu.memory_space<vmem>>, vector<16xf32>,
          %add3A_1575 = arith.addf %get3A_1571, %get3A_1574 : vector<16xf32>
          %mul3A_1576 = arith.mulf %add3A_1575, %gather3A_1520 : vector<16xf32>
          %swap3A_1577 = arith.index_cast %add3A_1524 : i32 to index
          %swap3A_1578 = arith.constant 64 : index
          %swap3A_1579 = tpu.vector_load %arg16[%swap3A_1577, %swap3A_1578] {strides = array<i32>} : memref<128x128xf32, #tpu.memory_space<vmem>>, vector<16xf32>,
          tpu.vector_store %arg16[%swap3A_1577, %swap3A_1578], %mul3A_1576 {strides = array<i32>} : memref<128x128xf32, #tpu.memory_space<vmem>>, vector<16xf32>,
          %get3A_1580 = arith.index_cast %add3A_1524 : i32 to index
          %get3A_1581 = arith.constant 80 : index
          %get3A_1582 = tpu.vector_load %arg16[%get3A_1580, %get3A_1581] {strides = array<i32>} : memref<128x128xf32, #tpu.memory_space<vmem>>, vector<16xf32>,
          %get3A_1583 = arith.index_cast %add3A_1524 : i32 to index
          %get3A_1584 = arith.constant 80 : index
          %get3A_1585 = tpu.vector_load %arg17[%get3A_1583, %get3A_1584] {strides = array<i32>} : memref<128x128xf32, #tpu.memory_space<vmem>>, vector<16xf32>,
          %add3A_1586 = arith.addf %get3A_1582, %get3A_1585 : vector<16xf32>
          %mul3A_1587 = arith.mulf %add3A_1586, %gather3A_1520 : vector<16xf32>
          %swap3A_1588 = arith.index_cast %add3A_1524 : i32 to index
          %swap3A_1589 = arith.constant 80 : index
          %swap3A_1590 = tpu.vector_load %arg16[%swap3A_1588, %swap3A_1589] {strides = array<i32>} : memref<128x128xf32, #tpu.memory_space<vmem>>, vector<16xf32>,
          tpu.vector_store %arg16[%swap3A_1588, %swap3A_1589], %mul3A_1587 {strides = array<i32>} : memref<128x128xf32, #tpu.memory_space<vmem>>, vector<16xf32>,
          %get3A_1591 = arith.index_cast %add3A_1524 : i32 to index
          %get3A_1592 = arith.constant 96 : index
          %get3A_1593 = tpu.vector_load %arg16[%get3A_1591, %get3A_1592] {strides = array<i32>} : memref<128x128xf32, #tpu.memory_space<vmem>>, vector<16xf32>,
          %get3A_1594 = arith.index_cast %add3A_1524 : i32 to index
          %get3A_1595 = arith.constant 96 : index
          %get3A_1596 = tpu.vector_load %arg17[%get3A_1594, %get3A_1595] {strides = array<i32>} : memref<128x128xf32, #tpu.memory_space<vmem>>, vector<16xf32>,
          %add3A_1597 = arith.addf %get3A_1593, %get3A_1596 : vector<16xf32>
          %mul3A_1598 = arith.mulf %add3A_1597, %gather3A_1520 : vector<16xf32>
          %swap3A_1599 = arith.index_cast %add3A_1524 : i32 to index
          %swap3A_1600 = arith.constant 96 : index
          %swap3A_1601 = tpu.vector_load %arg16[%swap3A_1599, %swap3A_1600] {strides = array<i32>} : memref<128x128xf32, #tpu.memory_space<vmem>>, vector<16xf32>,
          tpu.vector_store %arg16[%swap3A_1599, %swap3A_1600], %mul3A_1598 {strides = array<i32>} : memref<128x128xf32, #tpu.memory_space<vmem>>, vector<16xf32>,
          %get3A_1602 = arith.index_cast %add3A_1524 : i32 to index
          %get3A_1603 = arith.constant 112 : index
          %get3A_1604 = tpu.vector_load %arg16[%get3A_1602, %get3A_1603] {strides = array<i32>} : memref<128x128xf32, #tpu.memory_space<vmem>>, vector<16xf32>,
          %get3A_1605 = arith.index_cast %add3A_1524 : i32 to index
          %get3A_1606 = arith.constant 112 : index
          %get3A_1607 = tpu.vector_load %arg17[%get3A_1605, %get3A_1606] {strides = array<i32>} : memref<128x128xf32, #tpu.memory_space<vmem>>, vector<16xf32>,
          %add3A_1608 = arith.addf %get3A_1604, %get3A_1607 : vector<16xf32>
          %mul3A_1609 = arith.mulf %add3A_1608, %gather3A_1520 : vector<16xf32>
          %swap3A_1610 = arith.index_cast %add3A_1524 : i32 to index
          %swap3A_1611 = arith.constant 112 : index
          %swap3A_1612 = tpu.vector_load %arg16[%swap3A_1610, %swap3A_1611] {strides = array<i32>} : memref<128x128xf32, #tpu.memory_space<vmem>>, vector<16xf32>,
          tpu.vector_store %arg16[%swap3A_1610, %swap3A_1611], %mul3A_1609 {strides = array<i32>} : memref<128x128xf32, #tpu.memory_space<vmem>>, vector<16xf32>,
          %broadcast_in_dim3A_1613 = arith.constant 15 : i32
          %broadcast_in_dim3A_1614 = vector.broadcast %broadcast_in_dim3A_1613 : i32 to vector<16x1xi32>
          %gather3A_1615 = vector.shape_cast %broadcast_in_dim3A_1614 : vector<16x1xi32> to vector<16xi32>
          %gather3A_1616 = tpu.dynamic_gather %div3A[%gather3A_1615] in [0] : vector<16xf32>, vector<16xi32> -> vector<16xf32>
          %mul3A_1617 = arith.constant 16 : i32
          %mul3A_1618 = arith.muli %scan3A_163, %mul3A_1617 : i32
          %add3A_1619 = arith.constant 15 : i32
          %add3A_1620 = arith.addi %mul3A_1618, %add3A_1619 : i32
          %get3A_1621 = arith.index_cast %add3A_1620 : i32 to index
          %get3A_1622 = arith.constant 0 : index
          %get3A_1623 = tpu.vector_load %arg16[%get3A_1621, %get3A_1622] {strides = array<i32>} : memref<128x128xf32, #tpu.memory_space<vmem>>, vector<16xf32>,
          %get3A_1624 = arith.index_cast %add3A_1620 : i32 to index
          %get3A_1625 = arith.constant 0 : index
          %get3A_1626 = tpu.vector_load %arg17[%get3A_1624, %get3A_1625] {strides = array<i32>} : memref<128x128xf32, #tpu.memory_space<vmem>>, vector<16xf32>,
          %add3A_1627 = arith.addf %get3A_1623, %get3A_1626 : vector<16xf32>
          %mul3A_1628 = arith.mulf %add3A_1627, %gather3A_1616 : vector<16xf32>
          %swap3A_1629 = arith.index_cast %add3A_1620 : i32 to index
          %swap3A_1630 = arith.constant 0 : index
          %swap3A_1631 = tpu.vector_load %arg16[%swap3A_1629, %swap3A_1630] {strides = array<i32>} : memref<128x128xf32, #tpu.memory_space<vmem>>, vector<16xf32>,
          tpu.vector_store %arg16[%swap3A_1629, %swap3A_1630], %mul3A_1628 {strides = array<i32>} : memref<128x128xf32, #tpu.memory_space<vmem>>, vector<16xf32>,
          %get3A_1632 = arith.index_cast %add3A_1620 : i32 to index
          %get3A_1633 = arith.constant 16 : index
          %get3A_1634 = tpu.vector_load %arg16[%get3A_1632, %get3A_1633] {strides = array<i32>} : memref<128x128xf32, #tpu.memory_space<vmem>>, vector<16xf32>,
          %get3A_1635 = arith.index_cast %add3A_1620 : i32 to index
          %get3A_1636 = arith.constant 16 : index
          %get3A_1637 = tpu.vector_load %arg17[%get3A_1635, %get3A_1636] {strides = array<i32>} : memref<128x128xf32, #tpu.memory_space<vmem>>, vector<16xf32>,
          %add3A_1638 = arith.addf %get3A_1634, %get3A_1637 : vector<16xf32>
          %mul3A_1639 = arith.mulf %add3A_1638, %gather3A_1616 : vector<16xf32>
          %swap3A_1640 = arith.index_cast %add3A_1620 : i32 to index
          %swap3A_1641 = arith.constant 16 : index
          %swap3A_1642 = tpu.vector_load %arg16[%swap3A_1640, %swap3A_1641] {strides = array<i32>} : memref<128x128xf32, #tpu.memory_space<vmem>>, vector<16xf32>,
          tpu.vector_store %arg16[%swap3A_1640, %swap3A_1641], %mul3A_1639 {strides = array<i32>} : memref<128x128xf32, #tpu.memory_space<vmem>>, vector<16xf32>,
          %get3A_1643 = arith.index_cast %add3A_1620 : i32 to index
          %get3A_1644 = arith.constant 32 : index
          %get3A_1645 = tpu.vector_load %arg16[%get3A_1643, %get3A_1644] {strides = array<i32>} : memref<128x128xf32, #tpu.memory_space<vmem>>, vector<16xf32>,
          %get3A_1646 = arith.index_cast %add3A_1620 : i32 to index
          %get3A_1647 = arith.constant 32 : index
          %get3A_1648 = tpu.vector_load %arg17[%get3A_1646, %get3A_1647] {strides = array<i32>} : memref<128x128xf32, #tpu.memory_space<vmem>>, vector<16xf32>,
          %add3A_1649 = arith.addf %get3A_1645, %get3A_1648 : vector<16xf32>
          %mul3A_1650 = arith.mulf %add3A_1649, %gather3A_1616 : vector<16xf32>
          %swap3A_1651 = arith.index_cast %add3A_1620 : i32 to index
          %swap3A_1652 = arith.constant 32 : index
          %swap3A_1653 = tpu.vector_load %arg16[%swap3A_1651, %swap3A_1652] {strides = array<i32>} : memref<128x128xf32, #tpu.memory_space<vmem>>, vector<16xf32>,
          tpu.vector_store %arg16[%swap3A_1651, %swap3A_1652], %mul3A_1650 {strides = array<i32>} : memref<128x128xf32, #tpu.memory_space<vmem>>, vector<16xf32>,
          %get3A_1654 = arith.index_cast %add3A_1620 : i32 to index
          %get3A_1655 = arith.constant 48 : index
          %get3A_1656 = tpu.vector_load %arg16[%get3A_1654, %get3A_1655] {strides = array<i32>} : memref<128x128xf32, #tpu.memory_space<vmem>>, vector<16xf32>,
          %get3A_1657 = arith.index_cast %add3A_1620 : i32 to index
          %get3A_1658 = arith.constant 48 : index
          %get3A_1659 = tpu.vector_load %arg17[%get3A_1657, %get3A_1658] {strides = array<i32>} : memref<128x128xf32, #tpu.memory_space<vmem>>, vector<16xf32>,
          %add3A_1660 = arith.addf %get3A_1656, %get3A_1659 : vector<16xf32>
          %mul3A_1661 = arith.mulf %add3A_1660, %gather3A_1616 : vector<16xf32>
          %swap3A_1662 = arith.index_cast %add3A_1620 : i32 to index
          %swap3A_1663 = arith.constant 48 : index
          %swap3A_1664 = tpu.vector_load %arg16[%swap3A_1662, %swap3A_1663] {strides = array<i32>} : memref<128x128xf32, #tpu.memory_space<vmem>>, vector<16xf32>,
          tpu.vector_store %arg16[%swap3A_1662, %swap3A_1663], %mul3A_1661 {strides = array<i32>} : memref<128x128xf32, #tpu.memory_space<vmem>>, vector<16xf32>,
          %get3A_1665 = arith.index_cast %add3A_1620 : i32 to index
          %get3A_1666 = arith.constant 64 : index
          %get3A_1667 = tpu.vector_load %arg16[%get3A_1665, %get3A_1666] {strides = array<i32>} : memref<128x128xf32, #tpu.memory_space<vmem>>, vector<16xf32>,
          %get3A_1668 = arith.index_cast %add3A_1620 : i32 to index
          %get3A_1669 = arith.constant 64 : index
          %get3A_1670 = tpu.vector_load %arg17[%get3A_1668, %get3A_1669] {strides = array<i32>} : memref<128x128xf32, #tpu.memory_space<vmem>>, vector<16xf32>,
          %add3A_1671 = arith.addf %get3A_1667, %get3A_1670 : vector<16xf32>
          %mul3A_1672 = arith.mulf %add3A_1671, %gather3A_1616 : vector<16xf32>
          %swap3A_1673 = arith.index_cast %add3A_1620 : i32 to index
          %swap3A_1674 = arith.constant 64 : index
          %swap3A_1675 = tpu.vector_load %arg16[%swap3A_1673, %swap3A_1674] {strides = array<i32>} : memref<128x128xf32, #tpu.memory_space<vmem>>, vector<16xf32>,
          tpu.vector_store %arg16[%swap3A_1673, %swap3A_1674], %mul3A_1672 {strides = array<i32>} : memref<128x128xf32, #tpu.memory_space<vmem>>, vector<16xf32>,
          %get3A_1676 = arith.index_cast %add3A_1620 : i32 to index
          %get3A_1677 = arith.constant 80 : index
          %get3A_1678 = tpu.vector_load %arg16[%get3A_1676, %get3A_1677] {strides = array<i32>} : memref<128x128xf32, #tpu.memory_space<vmem>>, vector<16xf32>,
          %get3A_1679 = arith.index_cast %add3A_1620 : i32 to index
          %get3A_1680 = arith.constant 80 : index
          %get3A_1681 = tpu.vector_load %arg17[%get3A_1679, %get3A_1680] {strides = array<i32>} : memref<128x128xf32, #tpu.memory_space<vmem>>, vector<16xf32>,
          %add3A_1682 = arith.addf %get3A_1678, %get3A_1681 : vector<16xf32>
          %mul3A_1683 = arith.mulf %add3A_1682, %gather3A_1616 : vector<16xf32>
          %swap3A_1684 = arith.index_cast %add3A_1620 : i32 to index
          %swap3A_1685 = arith.constant 80 : index
          %swap3A_1686 = tpu.vector_load %arg16[%swap3A_1684, %swap3A_1685] {strides = array<i32>} : memref<128x128xf32, #tpu.memory_space<vmem>>, vector<16xf32>,
          tpu.vector_store %arg16[%swap3A_1684, %swap3A_1685], %mul3A_1683 {strides = array<i32>} : memref<128x128xf32, #tpu.memory_space<vmem>>, vector<16xf32>,
          %get3A_1687 = arith.index_cast %add3A_1620 : i32 to index
          %get3A_1688 = arith.constant 96 : index
          %get3A_1689 = tpu.vector_load %arg16[%get3A_1687, %get3A_1688] {strides = array<i32>} : memref<128x128xf32, #tpu.memory_space<vmem>>, vector<16xf32>,
          %get3A_1690 = arith.index_cast %add3A_1620 : i32 to index
          %get3A_1691 = arith.constant 96 : index
          %get3A_1692 = tpu.vector_load %arg17[%get3A_1690, %get3A_1691] {strides = array<i32>} : memref<128x128xf32, #tpu.memory_space<vmem>>, vector<16xf32>,
          %add3A_1693 = arith.addf %get3A_1689, %get3A_1692 : vector<16xf32>
          %mul3A_1694 = arith.mulf %add3A_1693, %gather3A_1616 : vector<16xf32>
          %swap3A_1695 = arith.index_cast %add3A_1620 : i32 to index
          %swap3A_1696 = arith.constant 96 : index
          %swap3A_1697 = tpu.vector_load %arg16[%swap3A_1695, %swap3A_1696] {strides = array<i32>} : memref<128x128xf32, #tpu.memory_space<vmem>>, vector<16xf32>,
          tpu.vector_store %arg16[%swap3A_1695, %swap3A_1696], %mul3A_1694 {strides = array<i32>} : memref<128x128xf32, #tpu.memory_space<vmem>>, vector<16xf32>,
          %get3A_1698 = arith.index_cast %add3A_1620 : i32 to index
          %get3A_1699 = arith.constant 112 : index
          %get3A_1700 = tpu.vector_load %arg16[%get3A_1698, %get3A_1699] {strides = array<i32>} : memref<128x128xf32, #tpu.memory_space<vmem>>, vector<16xf32>,
          %get3A_1701 = arith.index_cast %add3A_1620 : i32 to index
          %get3A_1702 = arith.constant 112 : index
          %get3A_1703 = tpu.vector_load %arg17[%get3A_1701, %get3A_1702] {strides = array<i32>} : memref<128x128xf32, #tpu.memory_space<vmem>>, vector<16xf32>,
          %add3A_1704 = arith.addf %get3A_1700, %get3A_1703 : vector<16xf32>
          %mul3A_1705 = arith.mulf %add3A_1704, %gather3A_1616 : vector<16xf32>
          %swap3A_1706 = arith.index_cast %add3A_1620 : i32 to index
          %swap3A_1707 = arith.constant 112 : index
          %swap3A_1708 = tpu.vector_load %arg16[%swap3A_1706, %swap3A_1707] {strides = array<i32>} : memref<128x128xf32, #tpu.memory_space<vmem>>, vector<16xf32>,
          tpu.vector_store %arg16[%swap3A_1706, %swap3A_1707], %mul3A_1705 {strides = array<i32>} : memref<128x128xf32, #tpu.memory_space<vmem>>, vector<16xf32>,
          %scan3A_1709 = arith.constant 0 : i32
          scf.yield %scan3A_1709 : i32
        }
        %scan3A_161 = arith.constant 8 : i32
        "tpu.region"() ({
          %run_scoped3A_163 = tpu.sem_alloc : memref<!tpu.dma_semaphore, #tpu.memory_space<semaphore_mem>>
          %dma_start3A_164 = arith.constant 0 : i32
          %dma_start3A_165 = tpu.memref_slice %arg11[%scan3A_131, %dma_start3A_164] : memref<8x128xi32, #tpu.memory_space<vmem>> -> memref<1x128xi32, #tpu.memory_space<vmem>>
          %dma_start3A_166 = tpu.memref_squeeze %dma_start3A_165 : memref<1x128xi32, #tpu.memory_space<vmem>> -> memref<128xi32, #tpu.memory_space<vmem>>
          %dma_start3A_167 = arith.constant 0 : i32
          %dma_start3A_168 = arith.constant 0 : i32
          %dma_start3A_169 = tpu.memref_slice %arg20[%dma_start3A_167, %dma_start3A_168] : memref<10112x128xf32, #tpu.memory_space<vmem_shared>> -> memref<10112x128xf32, #tpu.memory_space<vmem_shared>>
          tpu.enqueue_indirect_dma source(%arg16 : memref<128x128xf32, #tpu.memory_space<vmem>>) target(%dma_start3A_169 : memref<10112x128xf32, #tpu.memory_space<vmem_shared>>) offsets(%dma_start3A_166 : memref<128xi32, #tpu.memory_space<vmem>>) semaphore(%run_scoped3A_163 : memref<!tpu.dma_semaphore, #tpu.memory_space<semaphore_mem>>) {add = true}
          %dma_wait3A_170 = arith.constant 0 : i32
          %dma_wait3A_171 = tpu.memref_slice %arg11[%scan3A_131, %dma_wait3A_170] : memref<8x128xi32, #tpu.memory_space<vmem>> -> memref<1x128xi32, #tpu.memory_space<vmem>>
          %dma_wait3A_172 = tpu.memref_squeeze %dma_wait3A_171 : memref<1x128xi32, #tpu.memory_space<vmem>> -> memref<128xi32, #tpu.memory_space<vmem>>
          %dma_wait3A_173 = arith.constant 0 : i32
          %dma_wait3A_174 = arith.constant 0 : i32
          %dma_wait3A_175 = tpu.memref_slice %arg20[%dma_wait3A_173, %dma_wait3A_174] : memref<10112x128xf32, #tpu.memory_space<vmem_shared>> -> memref<10112x128xf32, #tpu.memory_space<vmem_shared>>
          tpu.wait_indirect_dma semaphore(%run_scoped3A_163 : memref<!tpu.dma_semaphore, #tpu.memory_space<semaphore_mem>>) src(%arg16 : memref<128x128xf32, #tpu.memory_space<vmem>>) dst(%dma_wait3A_175 : memref<10112x128xf32, #tpu.memory_space<vmem_shared>>)
          tpu.yield
        }) : () -> ()
        %scan3A_162 = arith.constant 0 : i32
        scf.yield %scan3A_162 : i32
      }
      %scan3A_129 = arith.constant 8 : i32
      %scan3A_130 = arith.constant 0 : i32
      scf.yield %scan3A_130 : i32
    }
    %scan3A_113 = arith.constant 10 : i32
    %barrier3A_114 = arith.constant 0 : index
    tpu.barrier barrier_id(%barrier3A_114)
    %mul3A_115 = arith.constant 632 : i32
    %mul3A_116 = arith.muli %arg1, %mul3A_115 : i32
    %mul3A_117 = arith.constant 632 : i32
    %mul3A_118 = arith.muli %arg1, %mul3A_117 : i32
    "tpu.region"() ({
      %run_scoped3A_119 = tpu.sem_alloc : memref<!tpu.dma_semaphore, #tpu.memory_space<semaphore_mem>>
      %dma_start3A = arith.constant 0 : i32
      %dma_start3A_120 = tpu.memref_slice %arg9[%arg0, %mul3A_118, %dma_start3A] : memref<2x10112x128xf32, #tpu.memory_space<hbm>> -> memref<1x632x128xf32, #tpu.memory_space<hbm>>
      %dma_start3A_121 = tpu.memref_squeeze %dma_start3A_120 : memref<1x632x128xf32, #tpu.memory_space<hbm>> -> memref<632x128xf32, #tpu.memory_space<hbm>>
      %dma_start3A_122 = arith.constant 0 : i32
      %dma_start3A_123 = tpu.memref_slice %arg20[%mul3A_116, %dma_start3A_122] : memref<10112x128xf32, #tpu.memory_space<vmem_shared>> -> memref<632x128xf32, #tpu.memory_space<vmem_shared>>
      tpu.enqueue_dma source(%dma_start3A_123 : memref<632x128xf32, #tpu.memory_space<vmem_shared>>) target(%dma_start3A_121 : memref<632x128xf32, #tpu.memory_space<hbm>>) target_semaphore(%run_scoped3A_119 : memref<!tpu.dma_semaphore, #tpu.memory_space<semaphore_mem>>)
      %dma_wait3A = arith.constant 0 : i32
      %dma_wait3A_124 = tpu.memref_slice %arg9[%arg0, %mul3A_118, %dma_wait3A] : memref<2x10112x128xf32, #tpu.memory_space<hbm>> -> memref<1x632x128xf32, #tpu.memory_space<hbm>>
      %dma_wait3A_125 = tpu.memref_squeeze %dma_wait3A_124 : memref<1x632x128xf32, #tpu.memory_space<hbm>> -> memref<632x128xf32, #tpu.memory_space<hbm>>
      %dma_wait3A_126 = arith.constant 0 : i32
      %dma_wait3A_127 = tpu.memref_slice %arg20[%mul3A_116, %dma_wait3A_126] : memref<10112x128xf32, #tpu.memory_space<vmem_shared>> -> memref<632x128xf32, #tpu.memory_space<vmem_shared>>
      tpu.wait_dma2 semaphore(%run_scoped3A_119 : memref<!tpu.dma_semaphore, #tpu.memory_space<semaphore_mem>>) src(%dma_wait3A_127 : memref<632x128xf32, #tpu.memory_space<vmem_shared>>) dst(%dma_wait3A_125 : memref<632x128xf32, #tpu.memory_space<hbm>>)
      tpu.yield
    }) : () -> ()
    return
  }
}

#map = affine_map<(d0, d1) -> (0, 0, 0)>
#map1 = affine_map<(d0, d1) -> (0, 0)>
module attributes {stable_mosaic.version = 14 : i64} {
  func.func @_sc_denom(%arg0: i32, %arg1: i32, %arg2: memref<32x80x128xf32, #tpu.memory_space<hbm>>, %arg3: memref<32x16xf32, #tpu.memory_space<hbm>>, %arg4: memref<32x80x128xi32, #tpu.memory_space<hbm>>, %arg5: memref<32x80x128xf32, #tpu.memory_space<hbm>>, %arg6: memref<2x10240xf32, #tpu.memory_space<hbm>>, %arg7: memref<80x128xf32, #tpu.memory_space<vmem>>, %arg8: memref<80x128xi32, #tpu.memory_space<vmem>>, %arg9: memref<32x16xf32, #tpu.memory_space<vmem>>, %arg10: memref<80x128xf32, #tpu.memory_space<vmem>>, %arg11: memref<640xf32, #tpu.memory_space<vmem>>, %arg12: memref<10240xf32, #tpu.memory_space<vmem_shared>>) attributes {dimension_semantics = [#tpu.dimension_semantics<core_parallel>, #tpu.dimension_semantics<subcore_parallel>], iteration_bounds = array<i64: 2, 16>, scalar_prefetch = 0 : i64, scratch_operands = 6 : i64, tpu.core_type = #tpu.core_type<sc_vector_subcore>, window_params = [{transform_indices = #map}, {transform_indices = #map1}, {transform_indices = #map}, {transform_indices = #map}, {transform_indices = #map1}]} {
    %mul3A = arith.constant 2 : i32
    %mul3A_0 = arith.muli %arg1, %mul3A : i32
    %add3A = arith.addi %mul3A_0, %arg0 : i32
    "tpu.region"() ({
      %run_scoped3A = tpu.sem_alloc : memref<!tpu.dma_semaphore, #tpu.memory_space<semaphore_mem>>
      %dma_start3A = arith.constant 0 : i32
      %dma_start3A_38 = arith.constant 0 : i32
      %dma_start3A_39 = tpu.memref_slice %arg2[%add3A, %dma_start3A, %dma_start3A_38] : memref<32x80x128xf32, #tpu.memory_space<hbm>> -> memref<1x80x128xf32, #tpu.memory_space<hbm>>
      %dma_start3A_40 = tpu.memref_squeeze %dma_start3A_39 : memref<1x80x128xf32, #tpu.memory_space<hbm>> -> memref<80x128xf32, #tpu.memory_space<hbm>>
      %dma_start3A_41 = arith.constant 0 : i32
      %dma_start3A_42 = arith.constant 0 : i32
      %dma_start3A_43 = tpu.memref_slice %arg2[%add3A, %dma_start3A_41, %dma_start3A_42] : memref<32x80x128xf32, #tpu.memory_space<hbm>> -> memref<1x80x128xf32, #tpu.memory_space<hbm>>
      %dma_start3A_44 = tpu.memref_squeeze %dma_start3A_43 : memref<1x80x128xf32, #tpu.memory_space<hbm>> -> memref<80x128xf32, #tpu.memory_space<hbm>>
      tpu.enqueue_dma source(%dma_start3A_44 : memref<80x128xf32, #tpu.memory_space<hbm>>) target(%arg7 : memref<80x128xf32, #tpu.memory_space<vmem>>) target_semaphore(%run_scoped3A : memref<!tpu.dma_semaphore, #tpu.memory_space<semaphore_mem>>)
      %dma_wait3A = arith.constant 0 : i32
      %dma_wait3A_45 = arith.constant 0 : i32
      %dma_wait3A_46 = tpu.memref_slice %arg2[%add3A, %dma_wait3A, %dma_wait3A_45] : memref<32x80x128xf32, #tpu.memory_space<hbm>> -> memref<1x80x128xf32, #tpu.memory_space<hbm>>
      %dma_wait3A_47 = tpu.memref_squeeze %dma_wait3A_46 : memref<1x80x128xf32, #tpu.memory_space<hbm>> -> memref<80x128xf32, #tpu.memory_space<hbm>>
      %dma_wait3A_48 = arith.constant 0 : i32
      %dma_wait3A_49 = arith.constant 0 : i32
      %dma_wait3A_50 = tpu.memref_slice %arg2[%add3A, %dma_wait3A_48, %dma_wait3A_49] : memref<32x80x128xf32, #tpu.memory_space<hbm>> -> memref<1x80x128xf32, #tpu.memory_space<hbm>>
      %dma_wait3A_51 = tpu.memref_squeeze %dma_wait3A_50 : memref<1x80x128xf32, #tpu.memory_space<hbm>> -> memref<80x128xf32, #tpu.memory_space<hbm>>
      tpu.wait_dma2 semaphore(%run_scoped3A : memref<!tpu.dma_semaphore, #tpu.memory_space<semaphore_mem>>) src(%dma_wait3A_51 : memref<80x128xf32, #tpu.memory_space<hbm>>) dst(%arg7 : memref<80x128xf32, #tpu.memory_space<vmem>>)
      tpu.yield
    }) : () -> ()
    "tpu.region"() ({
      %run_scoped3A = tpu.sem_alloc : memref<!tpu.dma_semaphore, #tpu.memory_space<semaphore_mem>>
      %dma_start3A = arith.constant 0 : i32
      %dma_start3A_38 = arith.constant 0 : i32
      %dma_start3A_39 = tpu.memref_slice %arg4[%add3A, %dma_start3A, %dma_start3A_38] : memref<32x80x128xi32, #tpu.memory_space<hbm>> -> memref<1x80x128xi32, #tpu.memory_space<hbm>>
      %dma_start3A_40 = tpu.memref_squeeze %dma_start3A_39 : memref<1x80x128xi32, #tpu.memory_space<hbm>> -> memref<80x128xi32, #tpu.memory_space<hbm>>
      %dma_start3A_41 = arith.constant 0 : i32
      %dma_start3A_42 = arith.constant 0 : i32
      %dma_start3A_43 = tpu.memref_slice %arg4[%add3A, %dma_start3A_41, %dma_start3A_42] : memref<32x80x128xi32, #tpu.memory_space<hbm>> -> memref<1x80x128xi32, #tpu.memory_space<hbm>>
      %dma_start3A_44 = tpu.memref_squeeze %dma_start3A_43 : memref<1x80x128xi32, #tpu.memory_space<hbm>> -> memref<80x128xi32, #tpu.memory_space<hbm>>
      tpu.enqueue_dma source(%dma_start3A_44 : memref<80x128xi32, #tpu.memory_space<hbm>>) target(%arg8 : memref<80x128xi32, #tpu.memory_space<vmem>>) target_semaphore(%run_scoped3A : memref<!tpu.dma_semaphore, #tpu.memory_space<semaphore_mem>>)
      %dma_wait3A = arith.constant 0 : i32
      %dma_wait3A_45 = arith.constant 0 : i32
      %dma_wait3A_46 = tpu.memref_slice %arg4[%add3A, %dma_wait3A, %dma_wait3A_45] : memref<32x80x128xi32, #tpu.memory_space<hbm>> -> memref<1x80x128xi32, #tpu.memory_space<hbm>>
      %dma_wait3A_47 = tpu.memref_squeeze %dma_wait3A_46 : memref<1x80x128xi32, #tpu.memory_space<hbm>> -> memref<80x128xi32, #tpu.memory_space<hbm>>
      %dma_wait3A_48 = arith.constant 0 : i32
      %dma_wait3A_49 = arith.constant 0 : i32
      %dma_wait3A_50 = tpu.memref_slice %arg4[%add3A, %dma_wait3A_48, %dma_wait3A_49] : memref<32x80x128xi32, #tpu.memory_space<hbm>> -> memref<1x80x128xi32, #tpu.memory_space<hbm>>
      %dma_wait3A_51 = tpu.memref_squeeze %dma_wait3A_50 : memref<1x80x128xi32, #tpu.memory_space<hbm>> -> memref<80x128xi32, #tpu.memory_space<hbm>>
      tpu.wait_dma2 semaphore(%run_scoped3A : memref<!tpu.dma_semaphore, #tpu.memory_space<semaphore_mem>>) src(%dma_wait3A_51 : memref<80x128xi32, #tpu.memory_space<hbm>>) dst(%arg8 : memref<80x128xi32, #tpu.memory_space<vmem>>)
      tpu.yield
    }) : () -> ()
    "tpu.region"() ({
      %run_scoped3A = tpu.sem_alloc : memref<!tpu.dma_semaphore, #tpu.memory_space<semaphore_mem>>
      tpu.enqueue_dma source(%arg3 : memref<32x16xf32, #tpu.memory_space<hbm>>) target(%arg9 : memref<32x16xf32, #tpu.memory_space<vmem>>) target_semaphore(%run_scoped3A : memref<!tpu.dma_semaphore, #tpu.memory_space<semaphore_mem>>)
      tpu.wait_dma2 semaphore(%run_scoped3A : memref<!tpu.dma_semaphore, #tpu.memory_space<semaphore_mem>>) src(%arg3 : memref<32x16xf32, #tpu.memory_space<hbm>>) dst(%arg9 : memref<32x16xf32, #tpu.memory_space<vmem>>)
      tpu.yield
    }) : () -> ()
    %scan3A = arith.constant 0 : i32
    %scan3A_1 = arith.constant 0 : i32
    %scan3A_2 = arith.constant 40 : i32
    %scan3A_3 = arith.addi %scan3A_1, %scan3A_2 : i32
    %scan3A_4 = arith.constant 1 : i32
    %scan3A_5 = scf.for %scan3A_38 = %scan3A_1 to %scan3A_3 step %scan3A_4 iter_args(%scan3A_39 = %scan3A) -> (i32)  : i32 {
      %broadcast_in_dim3A_40 = arith.constant 0.000000e+00 : f32
      %broadcast_in_dim3A_41 = vector.broadcast %broadcast_in_dim3A_40 : f32 to vector<16xf32>
      %mul3A_42 = arith.constant 16 : i32
      %mul3A_43 = arith.muli %scan3A_38, %mul3A_42 : i32
      %swap3A = arith.index_cast %mul3A_43 : i32 to index
      %swap3A_44 = tpu.vector_load %arg11[%swap3A] {strides = array<i32>} : memref<640xf32, #tpu.memory_space<vmem>>, vector<16xf32>,
      tpu.vector_store %arg11[%swap3A], %broadcast_in_dim3A_41 {strides = array<i32>} : memref<640xf32, #tpu.memory_space<vmem>>, vector<16xf32>,
      %scan3A_45 = arith.constant 0 : i32
      scf.yield %scan3A_45 : i32
    }
    %scan3A_6 = arith.constant 40 : i32
    %mul3A_7 = arith.constant 640 : i32
    %mul3A_8 = arith.muli %arg1, %mul3A_7 : i32
    "tpu.region"() ({
      %run_scoped3A = tpu.sem_alloc : memref<!tpu.dma_semaphore, #tpu.memory_space<semaphore_mem>>
      %dma_start3A = tpu.memref_slice %arg12[%mul3A_8] : memref<10240xf32, #tpu.memory_space<vmem_shared>> -> memref<640xf32, #tpu.memory_space<vmem_shared>>
      %dma_start3A_38 = tpu.memref_slice %arg12[%mul3A_8] : memref<10240xf32, #tpu.memory_space<vmem_shared>> -> memref<640xf32, #tpu.memory_space<vmem_shared>>
      tpu.enqueue_dma source(%arg11 : memref<640xf32, #tpu.memory_space<vmem>>) target(%dma_start3A_38 : memref<640xf32, #tpu.memory_space<vmem_shared>>) target_semaphore(%run_scoped3A : memref<!tpu.dma_semaphore, #tpu.memory_space<semaphore_mem>>)
      %dma_wait3A = tpu.memref_slice %arg12[%mul3A_8] : memref<10240xf32, #tpu.memory_space<vmem_shared>> -> memref<640xf32, #tpu.memory_space<vmem_shared>>
      %dma_wait3A_39 = tpu.memref_slice %arg12[%mul3A_8] : memref<10240xf32, #tpu.memory_space<vmem_shared>> -> memref<640xf32, #tpu.memory_space<vmem_shared>>
      tpu.wait_dma2 semaphore(%run_scoped3A : memref<!tpu.dma_semaphore, #tpu.memory_space<semaphore_mem>>) src(%arg11 : memref<640xf32, #tpu.memory_space<vmem>>) dst(%dma_wait3A_39 : memref<640xf32, #tpu.memory_space<vmem_shared>>)
      tpu.yield
    }) : () -> ()
    %barrier3A = arith.constant 0 : index
    tpu.barrier barrier_id(%barrier3A)
    %broadcast_in_dim3A = arith.constant -3.000000e+38 : f32
    %broadcast_in_dim3A_9 = vector.broadcast %broadcast_in_dim3A : f32 to vector<16xf32>
    %scan3A_10 = arith.constant 0 : i32
    %scan3A_11 = arith.constant 32 : i32
    %scan3A_12 = arith.addi %scan3A_10, %scan3A_11 : i32
    %scan3A_13 = arith.constant 1 : i32
    %scan3A_14 = scf.for %scan3A_38 = %scan3A_10 to %scan3A_12 step %scan3A_13 iter_args(%scan3A_39 = %broadcast_in_dim3A_9) -> (vector<16xf32>)  : i32 {
      %get3A = arith.index_cast %scan3A_38 : i32 to index
      %get3A_40 = arith.constant 0 : index
      %get3A_41 = tpu.vector_load %arg9[%get3A, %get3A_40] {strides = array<i32>} : memref<32x16xf32, #tpu.memory_space<vmem>>, vector<16xf32>,
      %max3A = arith.maximumf %scan3A_39, %get3A_41 : vector<16xf32>
      scf.yield %max3A : vector<16xf32>
    }
    %scan3A_15 = arith.constant 32 : i32
    %reduce_max3A = arith.constant true
    %reduce_max3A_16 = vector.broadcast %reduce_max3A : i1 to vector<16xi1>
    %reduce_max3A_17 = tpu.scan <max>, %scan3A_14 masked %reduce_max3A_16 : vector<16xf32>, vector<16xi1> -> vector<16xf32>
    %reduce_max3A_18 = vector.extract %reduce_max3A_17[15] : f32 from vector<16xf32>
    %scan3A_19 = arith.constant 0 : i32
    %scan3A_20 = arith.constant 0 : i32
    %scan3A_21 = arith.constant 80 : i32
    %scan3A_22 = arith.addi %scan3A_20, %scan3A_21 : i32
    %scan3A_23 = arith.constant 1 : i32
    %scan3A_24 = scf.for %scan3A_38 = %scan3A_20 to %scan3A_22 step %scan3A_23 iter_args(%scan3A_39 = %scan3A_19) -> (i32)  : i32 {
      %get3A = arith.index_cast %scan3A_38 : i32 to index
      %get3A_40 = arith.constant 0 : index
      %get3A_41 = tpu.vector_load %arg7[%get3A, %get3A_40] {strides = array<i32>} : memref<80x128xf32, #tpu.memory_space<vmem>>, vector<16xf32>,
      %sub3A = vector.broadcast %reduce_max3A_18 : f32 to vector<16xf32>
      %sub3A_42 = arith.subf %get3A_41, %sub3A : vector<16xf32>
      %exp3A = math.exp %sub3A_42 : vector<16xf32>
      %swap3A = arith.index_cast %scan3A_38 : i32 to index
      %swap3A_43 = arith.constant 0 : index
      %swap3A_44 = tpu.vector_load %arg10[%swap3A, %swap3A_43] {strides = array<i32>} : memref<80x128xf32, #tpu.memory_space<vmem>>, vector<16xf32>,
      tpu.vector_store %arg10[%swap3A, %swap3A_43], %exp3A {strides = array<i32>} : memref<80x128xf32, #tpu.memory_space<vmem>>, vector<16xf32>,
      %get3A_45 = arith.index_cast %scan3A_38 : i32 to index
      %get3A_46 = arith.constant 16 : index
      %get3A_47 = tpu.vector_load %arg7[%get3A_45, %get3A_46] {strides = array<i32>} : memref<80x128xf32, #tpu.memory_space<vmem>>, vector<16xf32>,
      %sub3A_48 = vector.broadcast %reduce_max3A_18 : f32 to vector<16xf32>
      %sub3A_49 = arith.subf %get3A_47, %sub3A_48 : vector<16xf32>
      %exp3A_50 = math.exp %sub3A_49 : vector<16xf32>
      %swap3A_51 = arith.index_cast %scan3A_38 : i32 to index
      %swap3A_52 = arith.constant 16 : index
      %swap3A_53 = tpu.vector_load %arg10[%swap3A_51, %swap3A_52] {strides = array<i32>} : memref<80x128xf32, #tpu.memory_space<vmem>>, vector<16xf32>,
      tpu.vector_store %arg10[%swap3A_51, %swap3A_52], %exp3A_50 {strides = array<i32>} : memref<80x128xf32, #tpu.memory_space<vmem>>, vector<16xf32>,
      %get3A_54 = arith.index_cast %scan3A_38 : i32 to index
      %get3A_55 = arith.constant 32 : index
      %get3A_56 = tpu.vector_load %arg7[%get3A_54, %get3A_55] {strides = array<i32>} : memref<80x128xf32, #tpu.memory_space<vmem>>, vector<16xf32>,
      %sub3A_57 = vector.broadcast %reduce_max3A_18 : f32 to vector<16xf32>
      %sub3A_58 = arith.subf %get3A_56, %sub3A_57 : vector<16xf32>
      %exp3A_59 = math.exp %sub3A_58 : vector<16xf32>
      %swap3A_60 = arith.index_cast %scan3A_38 : i32 to index
      %swap3A_61 = arith.constant 32 : index
      %swap3A_62 = tpu.vector_load %arg10[%swap3A_60, %swap3A_61] {strides = array<i32>} : memref<80x128xf32, #tpu.memory_space<vmem>>, vector<16xf32>,
      tpu.vector_store %arg10[%swap3A_60, %swap3A_61], %exp3A_59 {strides = array<i32>} : memref<80x128xf32, #tpu.memory_space<vmem>>, vector<16xf32>,
      %get3A_63 = arith.index_cast %scan3A_38 : i32 to index
      %get3A_64 = arith.constant 48 : index
      %get3A_65 = tpu.vector_load %arg7[%get3A_63, %get3A_64] {strides = array<i32>} : memref<80x128xf32, #tpu.memory_space<vmem>>, vector<16xf32>,
      %sub3A_66 = vector.broadcast %reduce_max3A_18 : f32 to vector<16xf32>
      %sub3A_67 = arith.subf %get3A_65, %sub3A_66 : vector<16xf32>
      %exp3A_68 = math.exp %sub3A_67 : vector<16xf32>
      %swap3A_69 = arith.index_cast %scan3A_38 : i32 to index
      %swap3A_70 = arith.constant 48 : index
      %swap3A_71 = tpu.vector_load %arg10[%swap3A_69, %swap3A_70] {strides = array<i32>} : memref<80x128xf32, #tpu.memory_space<vmem>>, vector<16xf32>,
      tpu.vector_store %arg10[%swap3A_69, %swap3A_70], %exp3A_68 {strides = array<i32>} : memref<80x128xf32, #tpu.memory_space<vmem>>, vector<16xf32>,
      %get3A_72 = arith.index_cast %scan3A_38 : i32 to index
      %get3A_73 = arith.constant 64 : index
      %get3A_74 = tpu.vector_load %arg7[%get3A_72, %get3A_73] {strides = array<i32>} : memref<80x128xf32, #tpu.memory_space<vmem>>, vector<16xf32>,
      %sub3A_75 = vector.broadcast %reduce_max3A_18 : f32 to vector<16xf32>
      %sub3A_76 = arith.subf %get3A_74, %sub3A_75 : vector<16xf32>
      %exp3A_77 = math.exp %sub3A_76 : vector<16xf32>
      %swap3A_78 = arith.index_cast %scan3A_38 : i32 to index
      %swap3A_79 = arith.constant 64 : index
      %swap3A_80 = tpu.vector_load %arg10[%swap3A_78, %swap3A_79] {strides = array<i32>} : memref<80x128xf32, #tpu.memory_space<vmem>>, vector<16xf32>,
      tpu.vector_store %arg10[%swap3A_78, %swap3A_79], %exp3A_77 {strides = array<i32>} : memref<80x128xf32, #tpu.memory_space<vmem>>, vector<16xf32>,
      %get3A_81 = arith.index_cast %scan3A_38 : i32 to index
      %get3A_82 = arith.constant 80 : index
      %get3A_83 = tpu.vector_load %arg7[%get3A_81, %get3A_82] {strides = array<i32>} : memref<80x128xf32, #tpu.memory_space<vmem>>, vector<16xf32>,
      %sub3A_84 = vector.broadcast %reduce_max3A_18 : f32 to vector<16xf32>
      %sub3A_85 = arith.subf %get3A_83, %sub3A_84 : vector<16xf32>
      %exp3A_86 = math.exp %sub3A_85 : vector<16xf32>
      %swap3A_87 = arith.index_cast %scan3A_38 : i32 to index
      %swap3A_88 = arith.constant 80 : index
      %swap3A_89 = tpu.vector_load %arg10[%swap3A_87, %swap3A_88] {strides = array<i32>} : memref<80x128xf32, #tpu.memory_space<vmem>>, vector<16xf32>,
      tpu.vector_store %arg10[%swap3A_87, %swap3A_88], %exp3A_86 {strides = array<i32>} : memref<80x128xf32, #tpu.memory_space<vmem>>, vector<16xf32>,
      %get3A_90 = arith.index_cast %scan3A_38 : i32 to index
      %get3A_91 = arith.constant 96 : index
      %get3A_92 = tpu.vector_load %arg7[%get3A_90, %get3A_91] {strides = array<i32>} : memref<80x128xf32, #tpu.memory_space<vmem>>, vector<16xf32>,
      %sub3A_93 = vector.broadcast %reduce_max3A_18 : f32 to vector<16xf32>
      %sub3A_94 = arith.subf %get3A_92, %sub3A_93 : vector<16xf32>
      %exp3A_95 = math.exp %sub3A_94 : vector<16xf32>
      %swap3A_96 = arith.index_cast %scan3A_38 : i32 to index
      %swap3A_97 = arith.constant 96 : index
      %swap3A_98 = tpu.vector_load %arg10[%swap3A_96, %swap3A_97] {strides = array<i32>} : memref<80x128xf32, #tpu.memory_space<vmem>>, vector<16xf32>,
      tpu.vector_store %arg10[%swap3A_96, %swap3A_97], %exp3A_95 {strides = array<i32>} : memref<80x128xf32, #tpu.memory_space<vmem>>, vector<16xf32>,
      %get3A_99 = arith.index_cast %scan3A_38 : i32 to index
      %get3A_100 = arith.constant 112 : index
      %get3A_101 = tpu.vector_load %arg7[%get3A_99, %get3A_100] {strides = array<i32>} : memref<80x128xf32, #tpu.memory_space<vmem>>, vector<16xf32>,
      %sub3A_102 = vector.broadcast %reduce_max3A_18 : f32 to vector<16xf32>
      %sub3A_103 = arith.subf %get3A_101, %sub3A_102 : vector<16xf32>
      %exp3A_104 = math.exp %sub3A_103 : vector<16xf32>
      %swap3A_105 = arith.index_cast %scan3A_38 : i32 to index
      %swap3A_106 = arith.constant 112 : index
      %swap3A_107 = tpu.vector_load %arg10[%swap3A_105, %swap3A_106] {strides = array<i32>} : memref<80x128xf32, #tpu.memory_space<vmem>>, vector<16xf32>,
      tpu.vector_store %arg10[%swap3A_105, %swap3A_106], %exp3A_104 {strides = array<i32>} : memref<80x128xf32, #tpu.memory_space<vmem>>, vector<16xf32>,
      %scan3A_108 = arith.constant 0 : i32
      scf.yield %scan3A_108 : i32
    }
    %scan3A_25 = arith.constant 80 : i32
    %scan3A_26 = arith.constant 0 : i32
    %scan3A_27 = arith.constant 0 : i32
    %scan3A_28 = arith.constant 80 : i32
    %scan3A_29 = arith.addi %scan3A_27, %scan3A_28 : i32
    %scan3A_30 = arith.constant 1 : i32
    %scan3A_31 = scf.for %scan3A_38 = %scan3A_27 to %scan3A_29 step %scan3A_30 iter_args(%scan3A_39 = %scan3A_26) -> (i32)  : i32 {
      "tpu.region"() ({
        %run_scoped3A = tpu.sem_alloc : memref<!tpu.dma_semaphore, #tpu.memory_space<semaphore_mem>>
        %dma_start3A = arith.constant 0 : i32
        %dma_start3A_41 = tpu.memref_slice %arg10[%scan3A_38, %dma_start3A] : memref<80x128xf32, #tpu.memory_space<vmem>> -> memref<1x128xf32, #tpu.memory_space<vmem>>
        %dma_start3A_42 = tpu.memref_squeeze %dma_start3A_41 : memref<1x128xf32, #tpu.memory_space<vmem>> -> memref<128xf32, #tpu.memory_space<vmem>>
        %dma_start3A_43 = arith.constant 0 : i32
        %dma_start3A_44 = tpu.memref_slice %arg8[%scan3A_38, %dma_start3A_43] : memref<80x128xi32, #tpu.memory_space<vmem>> -> memref<1x128xi32, #tpu.memory_space<vmem>>
        %dma_start3A_45 = tpu.memref_squeeze %dma_start3A_44 : memref<1x128xi32, #tpu.memory_space<vmem>> -> memref<128xi32, #tpu.memory_space<vmem>>
        %dma_start3A_46 = arith.constant 0 : i32
        %dma_start3A_47 = tpu.memref_slice %arg12[%dma_start3A_46] : memref<10240xf32, #tpu.memory_space<vmem_shared>> -> memref<10240xf32, #tpu.memory_space<vmem_shared>>
        tpu.enqueue_indirect_dma source(%dma_start3A_42 : memref<128xf32, #tpu.memory_space<vmem>>) target(%dma_start3A_47 : memref<10240xf32, #tpu.memory_space<vmem_shared>>) offsets(%dma_start3A_45 : memref<128xi32, #tpu.memory_space<vmem>>) semaphore(%run_scoped3A : memref<!tpu.dma_semaphore, #tpu.memory_space<semaphore_mem>>) {add = true}
        %dma_wait3A = arith.constant 0 : i32
        %dma_wait3A_48 = tpu.memref_slice %arg10[%scan3A_38, %dma_wait3A] : memref<80x128xf32, #tpu.memory_space<vmem>> -> memref<1x128xf32, #tpu.memory_space<vmem>>
        %dma_wait3A_49 = tpu.memref_squeeze %dma_wait3A_48 : memref<1x128xf32, #tpu.memory_space<vmem>> -> memref<128xf32, #tpu.memory_space<vmem>>
        %dma_wait3A_50 = arith.constant 0 : i32
        %dma_wait3A_51 = tpu.memref_slice %arg8[%scan3A_38, %dma_wait3A_50] : memref<80x128xi32, #tpu.memory_space<vmem>> -> memref<1x128xi32, #tpu.memory_space<vmem>>
        %dma_wait3A_52 = tpu.memref_squeeze %dma_wait3A_51 : memref<1x128xi32, #tpu.memory_space<vmem>> -> memref<128xi32, #tpu.memory_space<vmem>>
        %dma_wait3A_53 = arith.constant 0 : i32
        %dma_wait3A_54 = tpu.memref_slice %arg12[%dma_wait3A_53] : memref<10240xf32, #tpu.memory_space<vmem_shared>> -> memref<10240xf32, #tpu.memory_space<vmem_shared>>
        tpu.wait_indirect_dma semaphore(%run_scoped3A : memref<!tpu.dma_semaphore, #tpu.memory_space<semaphore_mem>>) src(%dma_wait3A_49 : memref<128xf32, #tpu.memory_space<vmem>>) dst(%dma_wait3A_54 : memref<10240xf32, #tpu.memory_space<vmem_shared>>)
        tpu.yield
      }) : () -> ()
      %scan3A_40 = arith.constant 0 : i32
      scf.yield %scan3A_40 : i32
    }
    %scan3A_32 = arith.constant 80 : i32
    %barrier3A_33 = arith.constant 0 : index
    tpu.barrier barrier_id(%barrier3A_33)
    "tpu.region"() ({
      %run_scoped3A = tpu.sem_alloc : memref<!tpu.dma_semaphore, #tpu.memory_space<semaphore_mem>>
      %dma_start3A = arith.constant 0 : i32
      %dma_start3A_38 = arith.constant 0 : i32
      %dma_start3A_39 = tpu.memref_slice %arg5[%add3A, %dma_start3A, %dma_start3A_38] : memref<32x80x128xf32, #tpu.memory_space<hbm>> -> memref<1x80x128xf32, #tpu.memory_space<hbm>>
      %dma_start3A_40 = tpu.memref_squeeze %dma_start3A_39 : memref<1x80x128xf32, #tpu.memory_space<hbm>> -> memref<80x128xf32, #tpu.memory_space<hbm>>
      %dma_start3A_41 = arith.constant 0 : i32
      %dma_start3A_42 = arith.constant 0 : i32
      %dma_start3A_43 = tpu.memref_slice %arg5[%add3A, %dma_start3A_41, %dma_start3A_42] : memref<32x80x128xf32, #tpu.memory_space<hbm>> -> memref<1x80x128xf32, #tpu.memory_space<hbm>>
      %dma_start3A_44 = tpu.memref_squeeze %dma_start3A_43 : memref<1x80x128xf32, #tpu.memory_space<hbm>> -> memref<80x128xf32, #tpu.memory_space<hbm>>
      tpu.enqueue_dma source(%arg10 : memref<80x128xf32, #tpu.memory_space<vmem>>) target(%dma_start3A_44 : memref<80x128xf32, #tpu.memory_space<hbm>>) target_semaphore(%run_scoped3A : memref<!tpu.dma_semaphore, #tpu.memory_space<semaphore_mem>>)
      %dma_wait3A = arith.constant 0 : i32
      %dma_wait3A_45 = arith.constant 0 : i32
      %dma_wait3A_46 = tpu.memref_slice %arg5[%add3A, %dma_wait3A, %dma_wait3A_45] : memref<32x80x128xf32, #tpu.memory_space<hbm>> -> memref<1x80x128xf32, #tpu.memory_space<hbm>>
      %dma_wait3A_47 = tpu.memref_squeeze %dma_wait3A_46 : memref<1x80x128xf32, #tpu.memory_space<hbm>> -> memref<80x128xf32, #tpu.memory_space<hbm>>
      %dma_wait3A_48 = arith.constant 0 : i32
      %dma_wait3A_49 = arith.constant 0 : i32
      %dma_wait3A_50 = tpu.memref_slice %arg5[%add3A, %dma_wait3A_48, %dma_wait3A_49] : memref<32x80x128xf32, #tpu.memory_space<hbm>> -> memref<1x80x128xf32, #tpu.memory_space<hbm>>
      %dma_wait3A_51 = tpu.memref_squeeze %dma_wait3A_50 : memref<1x80x128xf32, #tpu.memory_space<hbm>> -> memref<80x128xf32, #tpu.memory_space<hbm>>
      tpu.wait_dma2 semaphore(%run_scoped3A : memref<!tpu.dma_semaphore, #tpu.memory_space<semaphore_mem>>) src(%arg10 : memref<80x128xf32, #tpu.memory_space<vmem>>) dst(%dma_wait3A_51 : memref<80x128xf32, #tpu.memory_space<hbm>>)
      tpu.yield
    }) : () -> ()
    %mul3A_34 = arith.constant 640 : i32
    %mul3A_35 = arith.muli %arg1, %mul3A_34 : i32
    %mul3A_36 = arith.constant 640 : i32
    %mul3A_37 = arith.muli %arg1, %mul3A_36 : i32
    "tpu.region"() ({
      %run_scoped3A = tpu.sem_alloc : memref<!tpu.dma_semaphore, #tpu.memory_space<semaphore_mem>>
      %dma_start3A = tpu.memref_slice %arg6[%arg0, %mul3A_37] : memref<2x10240xf32, #tpu.memory_space<hbm>> -> memref<1x640xf32, #tpu.memory_space<hbm>>
      %dma_start3A_38 = tpu.memref_squeeze %dma_start3A : memref<1x640xf32, #tpu.memory_space<hbm>> -> memref<640xf32, #tpu.memory_space<hbm>>
      %dma_start3A_39 = tpu.memref_slice %arg12[%mul3A_35] : memref<10240xf32, #tpu.memory_space<vmem_shared>> -> memref<640xf32, #tpu.memory_space<vmem_shared>>
      tpu.enqueue_dma source(%dma_start3A_39 : memref<640xf32, #tpu.memory_space<vmem_shared>>) target(%dma_start3A_38 : memref<640xf32, #tpu.memory_space<hbm>>) target_semaphore(%run_scoped3A : memref<!tpu.dma_semaphore, #tpu.memory_space<semaphore_mem>>)
      %dma_wait3A = tpu.memref_slice %arg6[%arg0, %mul3A_37] : memref<2x10240xf32, #tpu.memory_space<hbm>> -> memref<1x640xf32, #tpu.memory_space<hbm>>
      %dma_wait3A_40 = tpu.memref_squeeze %dma_wait3A : memref<1x640xf32, #tpu.memory_space<hbm>> -> memref<640xf32, #tpu.memory_space<hbm>>
      %dma_wait3A_41 = tpu.memref_slice %arg12[%mul3A_35] : memref<10240xf32, #tpu.memory_space<vmem_shared>> -> memref<640xf32, #tpu.memory_space<vmem_shared>>
      tpu.wait_dma2 semaphore(%run_scoped3A : memref<!tpu.dma_semaphore, #tpu.memory_space<semaphore_mem>>) src(%dma_wait3A_41 : memref<640xf32, #tpu.memory_space<vmem_shared>>) dst(%dma_wait3A_40 : memref<640xf32, #tpu.memory_space<hbm>>)
      tpu.yield
    }) : () -> ()
    return
  }
}

module attributes {stable_mosaic.version = 14 : i64} {
  func.func @_mm_body(%arg0: i32, %arg1: memref<1000x128xf32, #tpu.memory_space<vmem>>, %arg2: memref<128x128xf32, #tpu.memory_space<vmem>>, %arg3: memref<128x8xf32, #tpu.memory_space<vmem>>, %arg4: memref<128x8xf32, #tpu.memory_space<vmem>>, %arg5: memref<1000x128xf32, #tpu.memory_space<vmem>>, %arg6: memref<1000x8xf32, #tpu.memory_space<vmem>>) attributes {dimension_semantics = [#tpu.dimension_semantics<arbitrary>], iteration_bounds = array<i64: 10>, scalar_prefetch = 0 : i64, scratch_operands = 0 : i64, tpu.core_type = #tpu.core_type<tc>, window_params = [{transform_indices = @transform_0, window_bounds = array<i64: 1000, 128>}, {pipeline_mode = #tpu.pipeline_mode<synchronous>, transform_indices = @transform_1, window_bounds = array<i64: 128, 128>}, {pipeline_mode = #tpu.pipeline_mode<synchronous>, transform_indices = @transform_2, window_bounds = array<i64: 128, 8>}, {pipeline_mode = #tpu.pipeline_mode<synchronous>, transform_indices = @transform_3, window_bounds = array<i64: 128, 8>}, {transform_indices = @transform_4, window_bounds = array<i64: 1000, 128>}, {transform_indices = @transform_5, window_bounds = array<i64: 1000, 8>}]} {
    %get3A = arith.constant 0 : index
    %get3A_0 = arith.constant 0 : index
    %get3A_1 = vector.load %arg1[%get3A, %get3A_0] : memref<1000x128xf32, #tpu.memory_space<vmem>>, vector<1000x128xf32>
    %get3A_2 = arith.constant 0 : index
    %get3A_3 = arith.constant 0 : index
    %get3A_4 = vector.load %arg2[%get3A_2, %get3A_3] : memref<128x128xf32, #tpu.memory_space<vmem>>, vector<128x128xf32>
    %dot_general3A = arith.constant dense<0.000000e+00> : vector<1000x128xf32>
    %dot_general3A_5 = tpu.matmul %get3A_1, %get3A_4, %dot_general3A {dimension_numbers = #tpu.dot_dimension_numbers<[1], [0], [0], [1], [0, 0, 1, 1], [], []>, transpose_lhs_hint = false} : vector<1000x128xf32>, vector<128x128xf32>, vector<1000x128xf32> -> vector<1000x128xf32>
    %swap3A = arith.constant 0 : index
    %swap3A_6 = arith.constant 0 : index
    %swap3A_7 = vector.load %arg5[%swap3A, %swap3A_6] : memref<1000x128xf32, #tpu.memory_space<vmem>>, vector<1000x128xf32>
    tpu.vector_store %arg5[%swap3A, %swap3A_6], %dot_general3A_5 {strides = array<i32>} : memref<1000x128xf32, #tpu.memory_space<vmem>>, vector<1000x128xf32>,
    %get3A_8 = arith.constant 0 : index
    %get3A_9 = arith.constant 0 : index
    %get3A_10 = vector.load %arg3[%get3A_8, %get3A_9] : memref<128x8xf32, #tpu.memory_space<vmem>>, vector<128x8xf32>
    %dot_general3A_11 = arith.constant dense<0.000000e+00> : vector<1000x8xf32>
    %dot_general3A_12 = tpu.matmul %dot_general3A_5, %get3A_10, %dot_general3A_11 {dimension_numbers = #tpu.dot_dimension_numbers<[1], [0], [0], [1], [0, 0, 1, 1], [], []>, transpose_lhs_hint = false} : vector<1000x128xf32>, vector<128x8xf32>, vector<1000x8xf32> -> vector<1000x8xf32>
    %get3A_13 = arith.constant 0 : index
    %get3A_14 = arith.constant 0 : index
    %get3A_15 = vector.load %arg4[%get3A_13, %get3A_14] : memref<128x8xf32, #tpu.memory_space<vmem>>, vector<128x8xf32>
    %dot_general3A_16 = arith.constant dense<0.000000e+00> : vector<1000x8xf32>
    %dot_general3A_17 = tpu.matmul %get3A_1, %get3A_15, %dot_general3A_16 {dimension_numbers = #tpu.dot_dimension_numbers<[1], [0], [0], [1], [0, 0, 1, 1], [], []>, transpose_lhs_hint = false} : vector<1000x128xf32>, vector<128x8xf32>, vector<1000x8xf32> -> vector<1000x8xf32>
    %add3A = arith.addf %dot_general3A_12, %dot_general3A_17 : vector<1000x8xf32>
    %swap3A_18 = arith.constant 0 : index
    %swap3A_19 = arith.constant 0 : index
    %swap3A_20 = vector.load %arg6[%swap3A_18, %swap3A_19] : memref<1000x8xf32, #tpu.memory_space<vmem>>, vector<1000x8xf32>
    tpu.vector_store %arg6[%swap3A_18, %swap3A_19], %add3A {strides = array<i32>} : memref<1000x8xf32, #tpu.memory_space<vmem>>, vector<1000x8xf32>,
    return
  }
  func.func @transform_0(%arg0: i32) -> (i32, i32) {
    %c0_i32 = arith.constant 0 : i32
    %c0_i32_0 = arith.constant 0 : i32
    return %arg0, %c0_i32 : i32, i32
  }
  func.func @transform_1(%arg0: i32) -> (i32, i32) {
    %c0_i32 = arith.constant 0 : i32
    %c0_i32_0 = arith.constant 0 : i32
    %c0_i32_1 = arith.constant 0 : i32
    return %c0_i32, %c0_i32_0 : i32, i32
  }
  func.func @transform_2(%arg0: i32) -> (i32, i32) {
    %c0_i32 = arith.constant 0 : i32
    %c0_i32_0 = arith.constant 0 : i32
    %c0_i32_1 = arith.constant 0 : i32
    return %c0_i32, %c0_i32_0 : i32, i32
  }
  func.func @transform_3(%arg0: i32) -> (i32, i32) {
    %c0_i32 = arith.constant 0 : i32
    %c0_i32_0 = arith.constant 0 : i32
    %c0_i32_1 = arith.constant 0 : i32
    return %c0_i32, %c0_i32_0 : i32, i32
  }
  func.func @transform_4(%arg0: i32) -> (i32, i32) {
    %c0_i32 = arith.constant 0 : i32
    %c0_i32_0 = arith.constant 0 : i32
    return %arg0, %c0_i32 : i32, i32
  }
  func.func @transform_5(%arg0: i32) -> (i32, i32) {
    %c0_i32 = arith.constant 0 : i32
    %c0_i32_0 = arith.constant 0 : i32
    return %arg0, %c0_i32 : i32, i32
  }
}

module attributes {stable_mosaic.version = 14 : i64} {
  func.func @_add_body(%arg0: i32, %arg1: memref<1000x128xf32, #tpu.memory_space<vmem>>, %arg2: memref<1000x128xf32, #tpu.memory_space<vmem>>, %arg3: memref<1000x128xf32, #tpu.memory_space<vmem>>) attributes {dimension_semantics = [#tpu.dimension_semantics<arbitrary>], iteration_bounds = array<i64: 10>, scalar_prefetch = 0 : i64, scratch_operands = 0 : i64, tpu.core_type = #tpu.core_type<tc>, window_params = [{transform_indices = @transform_0, window_bounds = array<i64: 1000, 128>}, {transform_indices = @transform_1, window_bounds = array<i64: 1000, 128>}, {transform_indices = @transform_2, window_bounds = array<i64: 1000, 128>}]} {
    %get3A = arith.constant 0 : index
    %get3A_0 = arith.constant 0 : index
    %get3A_1 = vector.load %arg1[%get3A, %get3A_0] : memref<1000x128xf32, #tpu.memory_space<vmem>>, vector<1000x128xf32>
    %get3A_2 = arith.constant 0 : index
    %get3A_3 = arith.constant 0 : index
    %get3A_4 = vector.load %arg2[%get3A_2, %get3A_3] : memref<1000x128xf32, #tpu.memory_space<vmem>>, vector<1000x128xf32>
    %add3A = arith.addf %get3A_1, %get3A_4 : vector<1000x128xf32>
    %swap3A = arith.constant 0 : index
    %swap3A_5 = arith.constant 0 : index
    %swap3A_6 = vector.load %arg3[%swap3A, %swap3A_5] : memref<1000x128xf32, #tpu.memory_space<vmem>>, vector<1000x128xf32>
    tpu.vector_store %arg3[%swap3A, %swap3A_5], %add3A {strides = array<i32>} : memref<1000x128xf32, #tpu.memory_space<vmem>>, vector<1000x128xf32>,
    return
  }
  func.func @transform_0(%arg0: i32) -> (i32, i32) {
    %c0_i32 = arith.constant 0 : i32
    %c0_i32_0 = arith.constant 0 : i32
    return %arg0, %c0_i32 : i32, i32
  }
  func.func @transform_1(%arg0: i32) -> (i32, i32) {
    %c0_i32 = arith.constant 0 : i32
    %c0_i32_0 = arith.constant 0 : i32
    return %arg0, %c0_i32 : i32, i32
  }
  func.func @transform_2(%arg0: i32) -> (i32, i32) {
    %c0_i32 = arith.constant 0 : i32
    %c0_i32_0 = arith.constant 0 : i32
    return %arg0, %c0_i32 : i32, i32
  }
}

</mosaic_0001>

<sc_bundles>
// kernel: kernel.10.cloned.1.call-start
scs
__scs_entry_jumppad:
0x0: {  	(pc) =	sbr.rel $0x88, $3  }
0x1: {  	(tag) =	ssettag $0x0;
	lr =	simm.s32 $0x1  }
0x2: {  	[smem:$0x3F9A] =	sst lr;
	_ =	strace $0xD0000000  }
0x3: {  	_ = 	snop  }
0x4: {  	_ = 	snop  }
0x5: {  	_ = 	snop  }
0x6: {  	_ = 	snop  }
0x7: {  	_ = 	snop  }
__scs_overlays_trampoline_lowered:
0x8: {  	[smem:$0x3FA9] =	sst s0  }
0x9: {  	[smem:$0x3FAA] =	sst s1  }
0xa: {  	[smem:$0x3FAB] =	sst s2  }
0xb: {  	[smem:$0x3FAC] =	sst s3  }
0xc: {  	[smem:$0x3FAD] =	sst s4  }
0xd: {  	[smem:$0x3FAE] =	sst s5  }
0xe: {  	[smem:$0x3FAF] =	sst s6  }
0xf: {  	[smem:$0x3FB0] =	sst s7  }
0x10: {  	[smem:$0x3FB1] =	sst s8  }
0x11: {  	[smem:$0x3FB2] =	sst s9;
	s0 =	simm.s32 @!p0 $0x0  }
0x12: {  	s1 =	sld [smem:$0x3F98];
	s0 =	simm.s32 @p0 $0x1  }
0x13: {  	[smem:$0x3FB3] =	sst s0;
	s0 =	simm.s32 @!p1 $0x0  }
0x14: {  	s2 =	sld [smem:$0x3F97];
	s0 =	simm.s32 @p1 $0x1  }
0x15: {  	[smem:$0x3FB4] =	sst s0;
	s0 =	simm.s32 @!p2 $0x0  }
0x16: {  	s3 =	sld [smem:$0x3FDB];
	s0 =	simm.s32 @p2 $0x1  }
0x17: {  	s4 =	simm.s32 $0x1BF5;
	[smem:$0x3FB6] =	sst s0  }
0x18: {  	s0 =	sld [smem:$0x3F99];
	_ =	swait.ge [sflag:s4], $0x0  }
0x19: {  	s7 =	sld [smem:$0x3F9A]  }
0x1a: {  	s8 =	sadd.s32 $0xFFFFE003, lr  }
0x1b: {  	s9 =	sadd.s32 $0xFFFFFEF7, lr;
	s5 =	simm.s32 $0xFFFFFFFF;
	p2 =	slt.u32 s8, $0xFFFFF086  }
0x1c: {  	p1 =	slt.u32 s9, $0xF7A;
	s5 =	simm.s32 @!p2 $0x0  }
0x1d: {  	s5 =	simm.s32 @p1 $0x1;
	p0 =	seq.s32 s7, s2  }
0x1e: {  	s7 =	smul.u32 @!p0 $0xF7A, s2;
	p2 =	seq.s32 @!p0 s5, $0x0  }
0x1f: {  	s9 =	smul.u32 $0xF7A, s1;
	s8 =	simm.s32 @!p0 $0x1BF5;
	p2 =	por !p2, p0  }
0x20: {  	[sflag:s8] =	ssyncset.s32 @!p0 $0xFFFFF086;
	s6 =	sadd.s32 @!p0 s3, s7;
	s7 =	simm.s32 @!p0 $0x108  }
0x21: {  	s3 =	sadd.s32 s3, s9;
	s6 =	sadd.s32 @!p0 $0x88, s6;
	s7 =	simm.s32 @p2 $0x1082  }
0x22: {  	[simem:s7], [sflag:s8] =	dma.local @!p0 [hbm:s6], $0xF7A  }
0x23: {  	s9 =	sor.u32 $0xD0000000, s2;
	s6 =	simm.s32 $0x108;
	_ =	swait.ge @!p0 [sflag:s8], $0x0  }
0x24: {  	s3 =	sadd.s32 $0x88, s3;
	s6 =	simm.s32 @!p1 $0x1082;
	[sflag:s4] =	ssyncset.s32 $0xFFFFF086  }
0x25: {  	[simem:s6], [sflag:s4] =	dma.local [hbm:s3], $0xF7A  }
0x26: {  	[smem:$0x3F9A] =	sst s1;
	(tag) =	ssettag s2;
	_ =	strace s9  }
0x27: {  	s1 =	sld [smem:$0x3FAA]  }
0x28: {  	s2 =	sld [smem:$0x3FAB]  }
0x29: {  	s4 =	sld [smem:$0x3FAD]  }
0x2a: {  	p0 =	seq.s32 s5, $0x0;
	s5 =	sld [smem:$0x3FAE]  }
0x2b: {  	s6 =	sld [smem:$0x3FAF]  }
0x2c: {  	s7 =	sld [smem:$0x3FB0]  }
0x2d: {  	s3 =	simm.s32 $0x108;
	s8 =	sld [smem:$0x3FB1]  }
0x2e: {  	s3 =	simm.s32 @!p0 $0x1082;
	s9 =	sld [smem:$0x3FB2]  }
0x2f: {  	lr =	sadd.s32 s0, s3;
	s0 =	sld [smem:$0x3FA9]  }
0x30: {  	s3 =	sld [smem:$0x3FAC]  }
0x31: {  	[smem:$0x3FB5] =	sst s10  }
0x32: {  	s10 =	sld [smem:$0x3FB3];
	_ =	sdelay $0x3  }
0x33: {  	p0 =	seq.s32 s10, $0x1;
	s10 =	sld [smem:$0x3FB5];
	_ =	sdelay $0x3  }
0x34: {  	[smem:$0x3FB5] =	sst s10  }
0x35: {  	s10 =	sld [smem:$0x3FB4];
	_ =	sdelay $0x3  }
0x36: {  	p1 =	seq.s32 s10, $0x1;
	s10 =	sld [smem:$0x3FB5];
	_ =	sdelay $0x3  }
0x37: {  	[smem:$0x3FB5] =	sst s10  }
0x38: {  	s10 =	sld [smem:$0x3FB6]  }
0x39: {  	_ = 	snop;
	(pc) =	sbr.ind lr, $3  }
0x3a: {  	_ = 	snop  }
0x3b: {  	_ = 	snop  }
0x3c: {  	p2 =	seq.s32 s10, $0x1;
	s10 =	sld [smem:$0x3FB5]  }
0x3d: {  	_ =	shalt  }
0x3e: {  	_ =	shalt  }
0x3f: {  	_ =	shalt  }
0x40: {  	_ =	shalt  }
0x41: {  	_ =	shalt  }
0x42: {  	_ =	shalt  }
0x43: {  	_ =	shalt  }
0x44: {  	_ =	shalt  }
0x45: {  	_ =	shalt  }
0x46: {  	_ =	shalt  }
0x47: {  	_ =	shalt  }
0x48: {  	_ =	shalt  }
0x49: {  	_ =	shalt  }
0x4a: {  	_ =	shalt  }
0x4b: {  	_ =	shalt  }
0x4c: {  	_ =	shalt  }
0x4d: {  	_ =	shalt  }
0x4e: {  	_ =	shalt  }
0x4f: {  	_ =	shalt  }
0x50: {  	_ =	shalt  }
0x51: {  	_ =	shalt  }
0x52: {  	_ =	shalt  }
0x53: {  	_ =	shalt  }
0x54: {  	_ =	shalt  }
0x55: {  	_ =	shalt  }
0x56: {  	_ =	shalt  }
0x57: {  	_ =	shalt  }
0x58: {  	_ =	shalt  }
0x59: {  	_ =	shalt  }
0x5a: {  	_ =	shalt  }
0x5b: {  	_ =	shalt  }
0x5c: {  	_ =	shalt  }
0x5d: {  	_ =	shalt  }
0x5e: {  	_ =	shalt  }
0x5f: {  	_ =	shalt  }
0x60: {  	_ =	shalt  }
0x61: {  	_ =	shalt  }
0x62: {  	_ =	shalt  }
0x63: {  	_ =	shalt  }
0x64: {  	_ =	shalt  }
0x65: {  	_ =	shalt  }
0x66: {  	_ =	shalt  }
0x67: {  	_ =	shalt  }
0x68: {  	_ =	shalt  }
0x69: {  	_ =	shalt  }
0x6a: {  	_ =	shalt  }
0x6b: {  	_ =	shalt  }
0x6c: {  	_ =	shalt  }
0x6d: {  	_ =	shalt  }
0x6e: {  	_ =	shalt  }
0x6f: {  	_ =	shalt  }
0x70: {  	_ =	shalt  }
0x71: {  	_ =	shalt  }
0x72: {  	_ =	shalt  }
0x73: {  	_ =	shalt  }
0x74: {  	_ =	shalt  }
0x75: {  	_ =	shalt  }
0x76: {  	_ =	shalt  }
0x77: {  	_ =	shalt  }
0x78: {  	_ =	shalt  }
0x79: {  	_ =	shalt  }
0x7a: {  	_ =	shalt  }
0x7b: {  	_ =	shalt  }
0x7c: {  	_ =	shalt  }
0x7d: {  	_ =	shalt  }
0x7e: {  	_ =	shalt  }
0x7f: {  	_ =	shalt  }
0x80: {  	_ =	shalt  }
0x81: {  	_ =	shalt  }
0x82: {  	_ =	shalt  }
0x83: {  	_ =	shalt  }
0x84: {  	_ =	shalt  }
0x85: {  	_ =	shalt  }
0x86: {  	_ =	shalt  }
0x87: {  	_ =	shalt  }
.Lfunc_end0:
.L_simem_size_0:
called_computation.1_lowered:
.L_overlay_start_0:
0x88: {  	s2 =	sld [smem:$0x3FD9]  }
0x89: {  	s3 =	sld [smem:$0x3FFE];
	_ =	sdelay $0x1  }
0x8a: {  	s1 =	srdreg.scid  }
0x8b: {  	s0 =	sand.u32 $0x1, s1  }
0x8c: {  	s16 =	sshll.u32 s0, $0xA;
	s2 =	sadd.s32 s3, s2  }
0x8d: {  	s2 =	sadd.s32 s2, s16  }
0x8e: {  	[smem:$0x3FC1] =	sst s2  }
0x8f: {  	_ = 	snop  }
0x90: {  	(tm) =	ssettm $0x1  }
0x91: {  	s17 =	sld [smem:$0x3FFB];
	_ =	sdelay $0x3  }
0x92: {  	_ =	strace s17  }
0x93: {  	s2 =	sld [smem:$0x3FFC];
	_ =	sdelay $0x3  }
0x94: {  	_ =	strace s2  }
0x95: {  	s2 =	sld [smem:$0x3FFD];
	_ =	sdelay $0x3  }
0x96: {  	_ =	strace s2  }
0x97: {  	_ =	strace $0x8FFFFFFF  }
0x98: {  	s18 =	sld [smem:$0x3FDB];
	_ =	sdelay $0x1  }
0x99: {  	s19 =	simm.s32 $_scs_section_size  }
0x9a: {  	s4 =	simm.s32 $_size__tile_overlayer_lowered;
	s5 =	simm.s32 $_tile_overlayer_lowered  }
0x9b: {  	s22 =	simm.s32 $0x1BFF;
	s21 =	sshll.u32 s5, $0x1;
	s2 =	sadd.s32 s19, s18  }
0x9c: {  	s6 =	simm.s32 $0x0;
	s20 =	sshll.u32 s4, $0x1;
	s4 =	sadd.s32 s21, s2  }
0x9d: {  	[timem:s6], [sflag:s22] =	dma.local [hbm:s4], s20  }
0x9e: {  	_ =	swait.ge [sflag:s22], s20  }
0x9f: {  	s3 =	ssub.s32 $0x0, s20;
	[sflag:s22] =	ssyncset.done $0x0  }
0xa0: {  	[sflag:s22] =	ssyncadd.s32 s3;
	_ =	sdelay $0x1  }
0xa1: {  	s23 =	simm.s32 $0x1B8B  }
0xa2: {  	_ =	swait.ge [sflag:s23], $0x1  }
0xa3: {  	[sflag:s23] =	ssyncset.done $0x0  }
0xa4: {  	s25 =	simm.s32 $0x1B8E;
	s24 =	sld [smem:$0x3FFE];
	[sflag:s23] =	ssyncadd.s32 $0xFFFFFFFF  }
0xa5: {  	s26 =	simm.s32 $execute0_lowered;
	[smem:$0x3FD2] =	sst s25  }
0xa6: {  	s4 =	sshll.u32 s26, $0x1;
	_ =	strace $0x80000049;
	[dreg:$0x1] =	wrdreg $0xFFFFFFFF  }
0xa7: {  	s28 =	simm.s32 $_size_execute0_lowered;
	s2 =	sadd.s32 s2, s4;
	[dreg:$0x0] =	wrdreg $0x0  }
0xa8: {  	s4 =	sshll.u32 s28, $0x1;
	[dreg:$0x2] =	wrdreg s2  }
0xa9: {  	[dreg:$0x3] =	wrdreg s4  }
0xaa: {  	[dreg:$0x4] =	wrdreg $0xC0  }
0xab: {  	_ =	task [dreg:s6], $0x5FFFF  }
0xac: {  	[dreg:$0x1] =	wrdreg $0xFFFFFFFF  }
0xad: {  	[dreg:$0x0] =	wrdreg $0x60  }
0xae: {  	[dreg:$0x2] =	wrdreg s24  }
0xaf: {  	[dreg:$0x3] =	wrdreg $0x8A800  }
0xb0: {  	[dreg:$0x4] =	wrdreg $0x9  }
0xb1: {  	_ =	task.clear_ibuf [dreg:s6], $0x5FFFF;
	_ =	strace $0x90000049  }
0xb2: {  	s29 =	simm.s32 $0x9;
	_ =	strace $0x8000004B  }
0xb3: {  	_ =	swait.ge [sflag:s29], $0x1  }
0xb4: {  	[sflag:s29] =	ssyncadd.s32 $0xFFFFFFFF  }
0xb5: {  	_ =	strace $0x9000004B  }
0xb6: {  	_ =	sfence  }
0xb7: {  	s30 =	sld [smem:$0x0];
	_ =	sdelay $0x2  }
0xb8: {  	s31 =	sshll.u32 s1, $0xD;
	s1 =	sshrl.u32 s1, $0x2  }
0xb9: {  	s3 =	sand.u32 $0x4000, s31;
	s1 =	sadd.s32 s1, s30  }
0xba: {  	s0 =	sor.u32 s3, s0;
	s1 =	sshll.u32 s1, $0x11  }
0xbb: {  	s0 =	sor.u32 s1, s0  }
0xbc: {  	s0 =	sadd.s32 $0x8F2B, s0  }
0xbd: {  	[sflag:s0] =	ssyncadd.remote.s32 $0x1  }
0xbe: {  	_ =	sfence.sel $0xFFFF  }
0xbf: {  	[dreg:$0x0] =	wrdreg $0xFFFFFFFF;
	(pc) =	sbr.abs _section_cstart, $3  }
0xc0: {  	[dreg:$0x1] =	wrdreg $0xFFFFFFFF  }
0xc1: {  	_ =	task.clear_ibuf [dreg:s6], $0x2FFFF;
	_ =	strace $0x9FFFFFFF  }
0xc2: {  	(tm) =	ssettm $0x7FFFFFFF  }
0xc3: {  	_ =	shalt  }
tec
execute0_lowered:
.L_overlay_start_1:
0x0: {  	(tag) =	ssettag $0x1  }
0x1: {  	s5 =	rddreg [dreg:$0x0]  }
0x2: {  	s2 =	rddreg [dreg:$0x1]  }
0x3: {  	s0 =	rddreg [dreg:$0x2]  }
0x4: {  	s3 =	simm.s32 $0x0;
	s4 =	srdreg.scid;
	s1 =	stileid.u32  }
0x5: {  	s13 =	simm.s32 $0x5000;
	s14 =	simm.s32 $0x8800;
	s15 =	simm.s32 $0x80  }
0x6: {  	s16 =	simm.s32 $0x6000;
	s19 =	simm.s32 $0x20;
	s20 =	simm.s32 $0x10  }
0x7: {  	s21 =	simm.s32 $0x0;
	[smem:$0x7FF] =	sst s3;
	s6 =	sand.u32 $0x1, s4  }
0x8: {  	s26 =	sshll.u32 s1, $0x1;
	s8 =	smul.u32 $0x500, s1;
	s4 =	sadd.s32 $0x29200, s5  }
0x9: {  	s28 =	smul.u32 $0xA00, s1;
	s17 =	sshll.u32 s1, $0x6;
	_ =	strace $0x8000004A  }
0xa: {  	s7 =	sor.u32 s6, s26;
	s9 =	sshll.u32 s6, $0x7;
	s6 =	ssub.s32 $0x2, s6  }
0xb: {  	s17 =	sor.u32 $0x1C01, s17;
	s7 =	smul.u32 $0x500, s7;
	s8 =	sor.u32 s9, s8  }
0xc: {  	s30 =	sshrl.u32 s6, $0x1;
	s31 =	sshrl.u32 s28, $0x2;
	s29 =	sshrl.u32 s8, $0x3  }
0xd: {  	s12 =	ssub.s32 s6, s30;
	s10 =	sadd.s32 s7, s5;
	s11 =	sadd.s32 s29, s5  }
0xe: {  	s7 =	sadd.s32 s31, s2;
	s5 =	sadd.s32 $0x1F200, s10;
	s6 =	sadd.s32 $0xA000, s10  }
0xf: {  	s8 =	sadd.s32 $0x29400, s10;
	s9 =	sadd.s32 $0x1E000, s11;
	s10 =	smax.u32 s12, $0x1  }
0x10: {  	v0 =	vimm.f32 $0.0e+00;
	s11 =	simm.s32 $0x1;
	s12 =	simm.s32 $0x2800;
	s18 =	sshrl.u32 s7, $0x3  }
.LBB2_1:
0x11: {  	[tilespmem:s3], [sflag:$0x1] =	stream.linear.gather [hbm4b:s5+s3], $0x2800, $0x38;
	[tilespmem:$0x8D00] =	vst v63  }
0x12: {  	_ =	swait.ge [sflag:s11], $0x2800  }
0x13: {  	[sflag:s11] =	ssyncset.done $0x0  }
0x14: {  	[sflag:s11] =	ssyncadd.s32 $0xFFFFD800  }
0x15: {  	[tilespmem:s12], [sflag:$0x1] =	stream.linear.gather [hbm4b:s6+s3], $0x2800, $0x38;
	[tilespmem:$0x8D00] =	vst v63  }
0x16: {  	_ =	swait.ge [sflag:s11], $0x2800  }
0x17: {  	[sflag:s11] =	ssyncset.done $0x0  }
0x18: {  	[sflag:s11] =	ssyncadd.s32 $0xFFFFD800  }
0x19: {  	[tilespmem:s13], [sflag:$0x1] =	stream.linear.gather [hbm4b:s4+s3], $0x1000, $0x38;
	[tilespmem:$0x8D00] =	vst v63  }
0x1a: {  	_ =	swait.ge [sflag:s11], $0x1000  }
0x1b: {  	[sflag:s11] =	ssyncset.done $0x0  }
0x1c: {  	[sflag:s11] =	ssyncadd.s32 $0xFFFFF000  }
0x1d: {  	[tilespmem:$0x8800] =	vst v0  }
0x1e: {  	[tilespmem:$0x8810] =	vst v0  }
0x1f: {  	[tilespmem:$0x8820] =	vst v0  }
0x20: {  	[tilespmem:$0x8830] =	vst v0  }
0x21: {  	[tilespmem:$0x8840] =	vst v0  }
0x22: {  	[tilespmem:$0x8850] =	vst v0  }
0x23: {  	[tilespmem:$0x8860] =	vst v0  }
0x24: {  	[tilespmem:$0x8870] =	vst v0  }
0x25: {  	[tilespmem:$0x8880] =	vst v0  }
0x26: {  	[tilespmem:$0x8890] =	vst v0  }
0x27: {  	[tilespmem:$0x88A0] =	vst v0  }
0x28: {  	[tilespmem:$0x88B0] =	vst v0  }
0x29: {  	[tilespmem:$0x88C0] =	vst v0  }
0x2a: {  	[tilespmem:$0x88D0] =	vst v0  }
0x2b: {  	[tilespmem:$0x88E0] =	vst v0  }
0x2c: {  	[tilespmem:$0x88F0] =	vst v0  }
0x2d: {  	[tilespmem:$0x8900] =	vst v0  }
0x2e: {  	[tilespmem:$0x8910] =	vst v0  }
0x2f: {  	[tilespmem:$0x8920] =	vst v0  }
0x30: {  	[tilespmem:$0x8930] =	vst v0  }
0x31: {  	[tilespmem:$0x8940] =	vst v0  }
0x32: {  	[tilespmem:$0x8950] =	vst v0  }
0x33: {  	[tilespmem:$0x8960] =	vst v0  }
0x34: {  	[tilespmem:$0x8970] =	vst v0  }
0x35: {  	[tilespmem:$0x8980] =	vst v0  }
0x36: {  	[tilespmem:$0x8990] =	vst v0  }
0x37: {  	[tilespmem:$0x89A0] =	vst v0  }
0x38: {  	[tilespmem:$0x89B0] =	vst v0  }
0x39: {  	[tilespmem:$0x89C0] =	vst v0  }
0x3a: {  	[tilespmem:$0x89D0] =	vst v0  }
0x3b: {  	[tilespmem:$0x89E0] =	vst v0  }
0x3c: {  	[tilespmem:$0x89F0] =	vst v0  }
0x3d: {  	[tilespmem:$0x8A00] =	vst v0  }
0x3e: {  	[tilespmem:$0x8A10] =	vst v0  }
0x3f: {  	[tilespmem:$0x8A20] =	vst v0  }
0x40: {  	[tilespmem:$0x8A30] =	vst v0  }
0x41: {  	[tilespmem:$0x8A40] =	vst v0  }
0x42: {  	[tilespmem:$0x8A50] =	vst v0  }
0x43: {  	[tilespmem:$0x8A60] =	vst v0  }
0x44: {  	[tilespmem:$0x8A70] =	vst v0  }
0x45: {  	[spmem:s7] =	stream.linear.scatter [tilespmem:s14], [sflag:$0x1], $0x280, $0x38;
	[tilespmem:$0x8D00] =	vst v63  }
0x46: {  	_ =	swait.ge [sflag:s11], $0x280  }
0x47: {  	[sflag:s11] =	ssyncset.done $0x0  }
0x48: {  	[sflag:s11] =	ssyncadd.s32 $0xFFFFFD80  }
0x49: {  	[bflag:$0x0] =	sbarrier.arrive $0xFFFF  }
0x4a: {  	v1 =	vld [tilespmem:$0x5000]  }
0x4b: {  	v2 =	vld [tilespmem:$0x5080]  }
0x4c: {  	v3 =	vld [tilespmem:$0x5100]  }
0x4d: {  	v4 =	vld [tilespmem:$0x5180]  }
0x4e: {  	v5 =	vld [tilespmem:$0x5200]  }
0x4f: {  	v6 =	vld [tilespmem:$0x5280];
	v1 =	vmax.f32 v1, $-3.000000010e+38  }
0x50: {  	v1 =	vmax.f32 v1, v2;
	v2 =	vld [tilespmem:$0x5300]  }
0x51: {  	v1 =	vmax.f32 v1, v3;
	v3 =	vld [tilespmem:$0x5380]  }
0x52: {  	v1 =	vmax.f32 v1, v4;
	v4 =	vld [tilespmem:$0x5400]  }
0x53: {  	v1 =	vmax.f32 v1, v5;
	v5 =	vld [tilespmem:$0x5480]  }
0x54: {  	v1 =	vmax.f32 v1, v6;
	v6 =	vld [tilespmem:$0x5500]  }
0x55: {  	v1 =	vmax.f32 v1, v2;
	v2 =	vld [tilespmem:$0x5580]  }
0x56: {  	v1 =	vmax.f32 v1, v3;
	v3 =	vld [tilespmem:$0x5600]  }
0x57: {  	v1 =	vmax.f32 v1, v4;
	v4 =	vld [tilespmem:$0x5680]  }
0x58: {  	v1 =	vmax.f32 v1, v5;
	v5 =	vld [tilespmem:$0x5700]  }
0x59: {  	v1 =	vmax.f32 v1, v6;
	v6 =	vld [tilespmem:$0x5780]  }
0x5a: {  	v1 =	vmax.f32 v1, v2;
	v2 =	vld [tilespmem:$0x5800]  }
0x5b: {  	v1 =	vmax.f32 v1, v3;
	v3 =	vld [tilespmem:$0x5880]  }
0x5c: {  	v1 =	vmax.f32 v1, v4;
	v4 =	vld [tilespmem:$0x5900]  }
0x5d: {  	v1 =	vmax.f32 v1, v5;
	v5 =	vld [tilespmem:$0x5980]  }
0x5e: {  	v1 =	vmax.f32 v1, v6;
	v6 =	vld [tilespmem:$0x5A00]  }
0x5f: {  	v1 =	vmax.f32 v1, v2;
	v2 =	vld [tilespmem:$0x5A80]  }
0x60: {  	v1 =	vmax.f32 v1, v3;
	v3 =	vld [tilespmem:$0x5B00]  }
0x61: {  	v1 =	vmax.f32 v1, v4;
	v4 =	vld [tilespmem:$0x5B80]  }
0x62: {  	v1 =	vmax.f32 v1, v5;
	v5 =	vld [tilespmem:$0x5C00]  }
0x63: {  	v1 =	vmax.f32 v1, v6;
	v6 =	vld [tilespmem:$0x5C80]  }
0x64: {  	v1 =	vmax.f32 v1, v2;
	v2 =	vld [tilespmem:$0x5D00]  }
0x65: {  	v1 =	vmax.f32 v1, v3;
	v3 =	vld [tilespmem:$0x5D80]  }
0x66: {  	v1 =	vmax.f32 v1, v4;
	v4 =	vld [tilespmem:$0x5E00]  }
0x67: {  	v1 =	vmax.f32 v1, v5;
	v5 =	vld [tilespmem:$0x5E80]  }
0x68: {  	v1 =	vmax.f32 v1, v6;
	v6 =	vld [tilespmem:$0x5F00]  }
0x69: {  	v1 =	vmax.f32 v1, v2;
	v2 =	vld [tilespmem:$0x5F80]  }
0x6a: {  	v1 =	vmax.f32 v1, v3  }
0x6b: {  	v1 =	vmax.f32 v1, v4  }
0x6c: {  	v1 =	vmax.f32 v1, v5  }
0x6d: {  	v1 =	vmax.f32 v1, v6  }
0x6e: {  	v1 =	vmax.f32 v1, v2  }
0x6f: {  	(xrf0) =	vmax.scan.msk.f32 $0xffff, v1;
	_ =	sdelay $0x2  }
0x70: {  	s23 =	simm.s32 $0x0  }
0x71: {  	v2 =	vld [tilespmem:s23+$0x70]  }
0x72: {  	v3 =	vld [tilespmem:s23+$0x0]  }
0x73: {  	v4 =	vld [tilespmem:s23+$0x10];
	v1, _, _ =	vpop (xrf0)  }
0x74: {  	v5 =	vld [tilespmem:s23+$0x20];
	v1 =	vbroadcast v1, $0xF  }
0x75: {  	v6 =	vld [tilespmem:s23+$0x30]  }
0x76: {  	v7 =	vld [tilespmem:s23+$0x40];
	v2 =	vsub.f32 v2, v1  }
0x77: {  	v8 =	vld [tilespmem:s23+$0x50];
	v3 =	vsub.f32 v3, v1  }
0x78: {  	v9 =	vld [tilespmem:s23+$0x60];
	v4 =	vsub.f32 v4, v1;
	v2 =	vmul.f32 $1.442695020e+00, v2  }
0x79: {  	s22 =	simm.s32 $0x80;
	v5 =	vsub.f32 v5, v1;
	v3 =	vmul.f32 $1.442695020e+00, v3  }
0x7a: {  	v10 =	vld [tilespmem:s22+$0x70];
	v6 =	vsub.f32 v6, v1;
	v4 =	vmul.f32 $1.442695020e+00, v4;
	(erf) = vpow2.f32 v2  }
0x7b: {  	v7 =	vsub.f32 v7, v1;
	v5 =	vmul.f32 $1.442695020e+00, v5;
	v2 =	vld [tilespmem:s22+$0x0];
	(erf) = vpow2.f32 v3  }
0x7c: {  	v11 =	vld [tilespmem:s22+$0x10];
	v3 =	vmul.f32 $1.442695020e+00, v6;
	v6 =	vsub.f32 v8, v1;
	(erf) = vpow2.f32 v4  }
0x7d: {  	v12 =	vld [tilespmem:s22+$0x20];
	v4 =	vmul.f32 $1.442695020e+00, v7;
	v7 =	vsub.f32 v9, v1;
	(erf) = vpow2.f32 v5  }
0x7e: {  	v5 =	vld [tilespmem:s22+$0x30];
	v6 =	vmul.f32 $1.442695020e+00, v6;
	(erf) = vpow2.f32 v3  }
0x7f: {  	v8 =	vsub.f32 v10, v1;
	v3 =	vld [tilespmem:s22+$0x40];
	v9 =	vmul.f32 $1.442695020e+00, v7;
	(erf) = vpow2.f32 v4  }
0x80: {  	v10 =	vsub.f32 v2, v1;
	v4 =	vld [tilespmem:s22+$0x50];
	(erf) = vpow2.f32 v6  }
0x81: {  	v7 =	vsub.f32 v11, v1;
	v2 =	vld [tilespmem:s22+$0x60];
	v6 =	vmul.f32 $1.442695020e+00, v8;
	(erf) = vpow2.f32 v9  }
0x82: {  	s24 =	simm.s32 $0x100;
	s25 =	simm.s32 $0x600;
	v8 =	vmul.f32 $1.442695020e+00, v10;
	v9 =	vsub.f32 v12, v1  }
.LBB2_2:
0x83: {  	p0 =	sne.s32 s25, $0x9E00;
	v10 =	vld [tilespmem:s24+$0x70];
	v7 =	vmul.f32 $1.442695020e+00, v7;
	v13 =	vsub.f32 v5, v1;
	(erf) = vpow2.f32 v6;
	v6 =	vpop (erf);
	s26 =	smov.u32 s22;
	s22 =	smov.u32 s24  }
0x84: {  	v11 =	vld [tilespmem:s22+$0x0];
	v9 =	vmul.f32 $1.442695020e+00, v9;
	v14 =	vsub.f32 v3, v1;
	(erf) = vpow2.f32 v8;
	[tilespmem:s23+$0x6070] =	vst v6;
	v6 =	vpop (erf)  }
0x85: {  	v8 =	vld [tilespmem:s22+$0x10];
	v12 =	vmul.f32 $1.442695020e+00, v13;
	v15 =	vsub.f32 v4, v1;
	(erf) = vpow2.f32 v7;
	[tilespmem:s23+$0x6000] =	vst v6;
	v5 =	vpop (erf)  }
0x86: {  	v13 =	vld [tilespmem:s22+$0x20];
	v6 =	vmul.f32 $1.442695020e+00, v14;
	v14 =	vsub.f32 v2, v1;
	(erf) = vpow2.f32 v9;
	[tilespmem:s23+$0x6010] =	vst v5;
	v3 =	vpop (erf)  }
.Ltmp0:
0x87: {  	v5 =	vld [tilespmem:s22+$0x30];
	v7 =	vmul.f32 $1.442695020e+00, v15;
	(erf) = vpow2.f32 v12;
	[tilespmem:s23+$0x6020] =	vst v3;
	v4 =	vpop (erf);
	(pc) =	sbr.rel @p0 .LBB2_2-.Ltmp0, $4  }
0x88: {  	v3 =	vld [tilespmem:s22+$0x40];
	v9 =	vsub.f32 v10, v1;
	v14 =	vmul.f32 $1.442695020e+00, v14;
	(erf) = vpow2.f32 v6;
	[tilespmem:s23+$0x6030] =	vst v4;
	v2 =	vpop (erf)  }
0x89: {  	v11 =	vsub.f32 v11, v1;
	v4 =	vld [tilespmem:s22+$0x50];
	(erf) = vpow2.f32 v7;
	[tilespmem:s23+$0x6040] =	vst v2;
	v12 =	vpop (erf)  }
0x8a: {  	v7 =	vsub.f32 v8, v1;
	v2 =	vld [tilespmem:s22+$0x60];
	v6 =	vmul.f32 $1.442695020e+00, v9;
	(erf) = vpow2.f32 v14;
	[tilespmem:s23+$0x6050] =	vst v12;
	v10 =	vpop (erf)  }
0x8b: {  	s24 =	sshra.s32 s25, $0x2;
	s25 =	sadd.s32 $0x200, s25;
	v8 =	vmul.f32 $1.442695020e+00, v11;
	v9 =	vsub.f32 v13, v1;
	[tilespmem:s23+$0x6060] =	vst v10;
	s23 =	smov.u32 s26  }
0x8c: {  	v10 =	vld [tilespmem:s24+$0x70];
	v11 =	vpop (erf)  }
0x8d: {  	v12 =	vld [tilespmem:s24+$0x0];
	v7 =	vmul.f32 $1.442695020e+00, v7;
	v5 =	vsub.f32 v5, v1;
	(erf) = vpow2.f32 v6;
	[tilespmem:s23+$0x6070] =	vst v11;
	v48 =	vpop (erf)  }
0x8e: {  	(erf) = vpow2.f32 v8;
	v51 =	vmul.f32 $1.442695020e+00, v9;
	v3 =	vsub.f32 v3, v1;
	v13 =	vld [tilespmem:s24+$0x10];
	[tilespmem:s23+$0x6000] =	vst v48;
	v49 =	vpop (erf)  }
0x8f: {  	v5 =	vmul.f32 $1.442695020e+00, v5;
	v4 =	vsub.f32 v4, v1;
	(erf) = vpow2.f32 v7;
	v14 =	vld [tilespmem:s24+$0x20];
	[tilespmem:s23+$0x6010] =	vst v49;
	v50 =	vpop (erf)  }
0x90: {  	(erf) = vpow2.f32 v51;
	v3 =	vmul.f32 $1.442695020e+00, v3;
	v2 =	vsub.f32 v2, v1;
	v11 =	vld [tilespmem:s24+$0x30];
	[tilespmem:s23+$0x6020] =	vst v50;
	v52 =	vpop (erf)  }
0x91: {  	v4 =	vmul.f32 $1.442695020e+00, v4;
	(erf) = vpow2.f32 v5;
	v53 =	vld [tilespmem:s24+$0x40];
	[tilespmem:s23+$0x6030] =	vst v52;
	v54 =	vsub.f32 v10, v1;
	v55 =	vpop (erf)  }
0x92: {  	(erf) = vpow2.f32 v3;
	v2 =	vmul.f32 $1.442695020e+00, v2;
	v3 =	vsub.f32 v12, v1;
	v56 =	vld [tilespmem:s24+$0x50];
	[tilespmem:s23+$0x6040] =	vst v55  }
0x93: {  	(erf) = vpow2.f32 v4;
	v57 =	vsub.f32 v13, v1;
	v6 =	vld [tilespmem:s24+$0x60];
	v5 =	vmul.f32 $1.442695020e+00, v54  }
0x94: {  	v58 =	vpop (erf);
	(erf) = vpow2.f32 v2;
	v2 =	vmul.f32 $1.442695020e+00, v3;
	v3 =	vsub.f32 v14, v1  }
0x95: {  	v4 =	vmul.f32 $1.442695020e+00, v57;
	v60 =	vsub.f32 v11, v1  }
0x96: {  	[tilespmem:s23+$0x6050] =	vst v58;
	v59 =	vpop (erf);
	(erf) = vpow2.f32 v5;
	v3 =	vmul.f32 $1.442695020e+00, v3;
	v7 =	vsub.f32 v53, v1  }
0x97: {  	[tilespmem:s23+$0x6060] =	vst v59;
	v61 =	vpop (erf);
	(erf) = vpow2.f32 v2;
	v62 =	vmul.f32 $1.442695020e+00, v60;
	v8 =	vsub.f32 v56, v1  }
0x98: {  	[tilespmem:s22+$0x6070] =	vst v61;
	v2 =	vpop (erf);
	(erf) = vpow2.f32 v4;
	v63 =	vmul.f32 $1.442695020e+00, v7;
	v1 =	vsub.f32 v6, v1  }
0x99: {  	[tilespmem:s22+$0x6000] =	vst v2;
	v2 =	vpop (erf);
	(erf) = vpow2.f32 v3;
	v3 =	vmul.f32 $1.442695020e+00, v8  }
0x9a: {  	[tilespmem:s22+$0x6010] =	vst v2;
	v2 =	vpop (erf);
	(erf) = vpow2.f32 v62;
	v1 =	vmul.f32 $1.442695020e+00, v1  }
0x9b: {  	[tilespmem:s22+$0x6020] =	vst v2;
	v2 =	vpop (erf);
	(erf) = vpow2.f32 v63  }
0x9c: {  	[tilespmem:s22+$0x6030] =	vst v2;
	v2 =	vpop (erf);
	(erf) = vpow2.f32 v3  }
0x9d: {  	[tilespmem:s22+$0x6040] =	vst v2;
	v2 =	vpop (erf);
	(erf) = vpow2.f32 v1  }
0x9e: {  	[tilespmem:s22+$0x6050] =	vst v2;
	v1 =	vpop (erf)  }
0x9f: {  	[tilespmem:s22+$0x6060] =	vst v1;
	v1 =	vpop (erf)  }
0xa0: {  	[tilespmem:s24+$0x6070] =	vst v1;
	v1 =	vpop (erf)  }
0xa1: {  	[tilespmem:s24+$0x6000] =	vst v1;
	v1 =	vpop (erf)  }
0xa2: {  	[tilespmem:s24+$0x6010] =	vst v1;
	v1 =	vpop (erf)  }
0xa3: {  	[tilespmem:s24+$0x6020] =	vst v1;
	v1 =	vpop (erf)  }
0xa4: {  	[tilespmem:s24+$0x6030] =	vst v1;
	v1 =	vpop (erf)  }
0xa5: {  	[tilespmem:s24+$0x6040] =	vst v1;
	v1 =	vpop (erf)  }
0xa6: {  	[tilespmem:s24+$0x6050] =	vst v1;
	v1 =	vpop (erf)  }
0xa7: {  	s30 =	simm.s32 $0x6000;
	s31 =	simm.s32 $0x2800;
	[tilespmem:s24+$0x6060] =	vst v1  }
0xa8: {  	[spmem:s2] =	stream.indirect.scatter.add.f32 [tilespmem:s30], [sflag:$0x1], $0x1, s31, s15, $0xb8;
	[tilespmem:$0x8D00] =	vst v63  }
0xa9: {  	s22 =	simm.s32 $0x200;
	_ =	swait.ge [sflag:s11], $0x80  }
.LBB2_4:
0xaa: {  	s23 =	sshra.s32 s22, $0x2  }
0xab: {  	[sflag:s11] =	ssyncset.done $0x0;
	p0 =	sne.s32 s22, $0x9E00;
	s24 =	sadd.s32 $0x6000, s23  }
.Ltmp1:
0xac: {  	s23 =	sadd.s32 $0x2800, s23;
	[sflag:s11] =	ssyncadd.s32 $0xFFFFFF80;
	(pc) =	sbr.rel @p0 .LBB2_4-.Ltmp1, $3  }
0xad: {  	[spmem:s2] =	stream.indirect.scatter.add.f32 [tilespmem:s24], [sflag:$0x1], $0x1, s23, s15, $0xb8;
	[tilespmem:$0x8D00] =	vst v63  }
0xae: {  	s22 =	sadd.s32 $0x200, s22;
	_ =	sdelay $0x1  }
0xaf: {  	_ =	swait.ge [sflag:s11], $0x80  }
0xb0: {  	[sflag:s11] =	ssyncset.done $0x0  }
0xb1: {  	[sflag:s11] =	ssyncadd.s32 $0xFFFFFF80  }
0xb2: {  	[bflag:$0x0] =	sbarrier.arrive $0xFFFF  }
0xb3: {  	[hbm4b:s8+s3] =	stream.linear.scatter [tilespmem:s16], [sflag:$0x1], $0x2800, $0x38;
	[tilespmem:$0x8D00] =	vst v63  }
0xb4: {  	s21 =	sadd.s32 $0x1, s21;
	_ =	swait.ge [sflag:s11], $0x2800  }
0xb5: {  	p0 =	sne.s32 s21, s10;
	[sflag:s11] =	ssyncset.done $0x0  }
.Ltmp2:
0xb6: {  	[sflag:s11] =	ssyncadd.s32 $0xFFFFD800;
	(pc) =	sbr.rel @p0 .LBB2_1-.Ltmp2, $4  }
0xb7: {  	[hbm:s9@s19], [sflag:s17] =	dma.strided [spmem:s18@s20], $0x50, s11, $0x10   }
0xb8: {  	_ =	swait.ge [sflag:s11], $0x50  }
0xb9: {  	[sflag:s11] =	ssyncset.done $0x0  }
0xba: {  	[sflag:s11] =	ssyncadd.s32 $0xFFFFFFB0  }
0xbb: {  	_ =	sfence.sel $0x180000  }
0xbc: {  	[bflag:$0x0] =	sbarrier.arrive $0xFFFF  }
0xbd: {  	p0 =	sne.s32 s1, $0x0;
	_ =	strace $0x9000004A  }
0xbe: {  	s0 =	sadd.s32 @!p0 $0x100000, s0;
	[bflag:$0x2] =	sbarrier.arrive $0xFFFF  }
0xbf: {  	[sflag:s0] =	ssyncadd.tile.s32 @!p0 $0x1;
	_ =	shalt  }
.Lfunc_end2:
_tile_overlayer_lowered:
.L_overlay_start_2:
0xc0: {  	(tag) =	ssettag $0x2  }
0xc1: {  	s0 =	rddreg [dreg:$0x0];
	s2 =	stileid.u32  }
0xc2: {  	s1 =	rddreg [dreg:$0x1];
	p0 =	sne.s32 s2, $0x0  }
0xc3: {  	s3 =	rddreg [dreg:$0x2];
	[bflag:$0x3] =	sbarrier.arrive $0xFFFF;
	s2 =	simm.s32 @!p0 $0x1C01  }
0xc4: {  	[timem:s3], [sflag:s2] =	dma.local @!p0 [hbm:s0], s1  }
0xc5: {  	s0 =	simm.s32 @!p0 $0x1  }
0xc6: {  	_ =	swait.ge @!p0 [sflag:s0], s1  }
0xc7: {  	s1 =	ssub.s32 @!p0 $0x0, s1;
	[sflag:s0] =	ssyncset.done @!p0 $0x0  }
0xc8: {  	[sflag:s0] =	ssyncadd.s32 @!p0 s1  }
0xc9: {  	[bflag:$0x3] =	sbarrier.arrive $0xFFFF  }
0xca: {  	_ =	shalt  }

// kernel: kernel.13.cloned.1.call-start
scs
__scs_entry_jumppad:
0x0: {  	(pc) =	sbr.rel $0x88, $3  }
0x1: {  	(tag) =	ssettag $0x0;
	lr =	simm.s32 $0x1  }
0x2: {  	[smem:$0x3F9A] =	sst lr;
	_ =	strace $0xD0000000  }
0x3: {  	_ = 	snop  }
0x4: {  	_ = 	snop  }
0x5: {  	_ = 	snop  }
0x6: {  	_ = 	snop  }
0x7: {  	_ = 	snop  }
__scs_overlays_trampoline_lowered:
0x8: {  	[smem:$0x3FA9] =	sst s0  }
0x9: {  	[smem:$0x3FAA] =	sst s1  }
0xa: {  	[smem:$0x3FAB] =	sst s2  }
0xb: {  	[smem:$0x3FAC] =	sst s3  }
0xc: {  	[smem:$0x3FAD] =	sst s4  }
0xd: {  	[smem:$0x3FAE] =	sst s5  }
0xe: {  	[smem:$0x3FAF] =	sst s6  }
0xf: {  	[smem:$0x3FB0] =	sst s7  }
0x10: {  	[smem:$0x3FB1] =	sst s8  }
0x11: {  	[smem:$0x3FB2] =	sst s9;
	s0 =	simm.s32 @!p0 $0x0  }
0x12: {  	s1 =	sld [smem:$0x3F98];
	s0 =	simm.s32 @p0 $0x1  }
0x13: {  	[smem:$0x3FB3] =	sst s0;
	s0 =	simm.s32 @!p1 $0x0  }
0x14: {  	s2 =	sld [smem:$0x3F97];
	s0 =	simm.s32 @p1 $0x1  }
0x15: {  	[smem:$0x3FB4] =	sst s0;
	s0 =	simm.s32 @!p2 $0x0  }
0x16: {  	s3 =	sld [smem:$0x3FDB];
	s0 =	simm.s32 @p2 $0x1  }
0x17: {  	s4 =	simm.s32 $0x1BF5;
	[smem:$0x3FB6] =	sst s0  }
0x18: {  	s0 =	sld [smem:$0x3F99];
	_ =	swait.ge [sflag:s4], $0x0  }
0x19: {  	s7 =	sld [smem:$0x3F9A]  }
0x1a: {  	s8 =	sadd.s32 $0xFFFFE003, lr  }
0x1b: {  	s9 =	sadd.s32 $0xFFFFFEF7, lr;
	s5 =	simm.s32 $0xFFFFFFFF;
	p2 =	slt.u32 s8, $0xFFFFF086  }
0x1c: {  	p1 =	slt.u32 s9, $0xF7A;
	s5 =	simm.s32 @!p2 $0x0  }
0x1d: {  	s5 =	simm.s32 @p1 $0x1;
	p0 =	seq.s32 s7, s2  }
0x1e: {  	s7 =	smul.u32 @!p0 $0xF7A, s2;
	p2 =	seq.s32 @!p0 s5, $0x0  }
0x1f: {  	s9 =	smul.u32 $0xF7A, s1;
	s8 =	simm.s32 @!p0 $0x1BF5;
	p2 =	por !p2, p0  }
0x20: {  	[sflag:s8] =	ssyncset.s32 @!p0 $0xFFFFF086;
	s6 =	sadd.s32 @!p0 s3, s7;
	s7 =	simm.s32 @!p0 $0x108  }
0x21: {  	s3 =	sadd.s32 s3, s9;
	s6 =	sadd.s32 @!p0 $0x88, s6;
	s7 =	simm.s32 @p2 $0x1082  }
0x22: {  	[simem:s7], [sflag:s8] =	dma.local @!p0 [hbm:s6], $0xF7A  }
0x23: {  	s9 =	sor.u32 $0xD0000000, s2;
	s6 =	simm.s32 $0x108;
	_ =	swait.ge @!p0 [sflag:s8], $0x0  }
0x24: {  	s3 =	sadd.s32 $0x88, s3;
	s6 =	simm.s32 @!p1 $0x1082;
	[sflag:s4] =	ssyncset.s32 $0xFFFFF086  }
0x25: {  	[simem:s6], [sflag:s4] =	dma.local [hbm:s3], $0xF7A  }
0x26: {  	[smem:$0x3F9A] =	sst s1;
	(tag) =	ssettag s2;
	_ =	strace s9  }
0x27: {  	s1 =	sld [smem:$0x3FAA]  }
0x28: {  	s2 =	sld [smem:$0x3FAB]  }
0x29: {  	s4 =	sld [smem:$0x3FAD]  }
0x2a: {  	p0 =	seq.s32 s5, $0x0;
	s5 =	sld [smem:$0x3FAE]  }
0x2b: {  	s6 =	sld [smem:$0x3FAF]  }
0x2c: {  	s7 =	sld [smem:$0x3FB0]  }
0x2d: {  	s3 =	simm.s32 $0x108;
	s8 =	sld [smem:$0x3FB1]  }
0x2e: {  	s3 =	simm.s32 @!p0 $0x1082;
	s9 =	sld [smem:$0x3FB2]  }
0x2f: {  	lr =	sadd.s32 s0, s3;
	s0 =	sld [smem:$0x3FA9]  }
0x30: {  	s3 =	sld [smem:$0x3FAC]  }
0x31: {  	[smem:$0x3FB5] =	sst s10  }
0x32: {  	s10 =	sld [smem:$0x3FB3];
	_ =	sdelay $0x3  }
0x33: {  	p0 =	seq.s32 s10, $0x1;
	s10 =	sld [smem:$0x3FB5];
	_ =	sdelay $0x3  }
0x34: {  	[smem:$0x3FB5] =	sst s10  }
0x35: {  	s10 =	sld [smem:$0x3FB4];
	_ =	sdelay $0x3  }
0x36: {  	p1 =	seq.s32 s10, $0x1;
	s10 =	sld [smem:$0x3FB5];
	_ =	sdelay $0x3  }
0x37: {  	[smem:$0x3FB5] =	sst s10  }
0x38: {  	s10 =	sld [smem:$0x3FB6]  }
0x39: {  	_ = 	snop;
	(pc) =	sbr.ind lr, $3  }
0x3a: {  	_ = 	snop  }
0x3b: {  	_ = 	snop  }
0x3c: {  	p2 =	seq.s32 s10, $0x1;
	s10 =	sld [smem:$0x3FB5]  }
0x3d: {  	_ =	shalt  }
0x3e: {  	_ =	shalt  }
0x3f: {  	_ =	shalt  }
0x40: {  	_ =	shalt  }
0x41: {  	_ =	shalt  }
0x42: {  	_ =	shalt  }
0x43: {  	_ =	shalt  }
0x44: {  	_ =	shalt  }
0x45: {  	_ =	shalt  }
0x46: {  	_ =	shalt  }
0x47: {  	_ =	shalt  }
0x48: {  	_ =	shalt  }
0x49: {  	_ =	shalt  }
0x4a: {  	_ =	shalt  }
0x4b: {  	_ =	shalt  }
0x4c: {  	_ =	shalt  }
0x4d: {  	_ =	shalt  }
0x4e: {  	_ =	shalt  }
0x4f: {  	_ =	shalt  }
0x50: {  	_ =	shalt  }
0x51: {  	_ =	shalt  }
0x52: {  	_ =	shalt  }
0x53: {  	_ =	shalt  }
0x54: {  	_ =	shalt  }
0x55: {  	_ =	shalt  }
0x56: {  	_ =	shalt  }
0x57: {  	_ =	shalt  }
0x58: {  	_ =	shalt  }
0x59: {  	_ =	shalt  }
0x5a: {  	_ =	shalt  }
0x5b: {  	_ =	shalt  }
0x5c: {  	_ =	shalt  }
0x5d: {  	_ =	shalt  }
0x5e: {  	_ =	shalt  }
0x5f: {  	_ =	shalt  }
0x60: {  	_ =	shalt  }
0x61: {  	_ =	shalt  }
0x62: {  	_ =	shalt  }
0x63: {  	_ =	shalt  }
0x64: {  	_ =	shalt  }
0x65: {  	_ =	shalt  }
0x66: {  	_ =	shalt  }
0x67: {  	_ =	shalt  }
0x68: {  	_ =	shalt  }
0x69: {  	_ =	shalt  }
0x6a: {  	_ =	shalt  }
0x6b: {  	_ =	shalt  }
0x6c: {  	_ =	shalt  }
0x6d: {  	_ =	shalt  }
0x6e: {  	_ =	shalt  }
0x6f: {  	_ =	shalt  }
0x70: {  	_ =	shalt  }
0x71: {  	_ =	shalt  }
0x72: {  	_ =	shalt  }
0x73: {  	_ =	shalt  }
0x74: {  	_ =	shalt  }
0x75: {  	_ =	shalt  }
0x76: {  	_ =	shalt  }
0x77: {  	_ =	shalt  }
0x78: {  	_ =	shalt  }
0x79: {  	_ =	shalt  }
0x7a: {  	_ =	shalt  }
0x7b: {  	_ =	shalt  }
0x7c: {  	_ =	shalt  }
0x7d: {  	_ =	shalt  }
0x7e: {  	_ =	shalt  }
0x7f: {  	_ =	shalt  }
0x80: {  	_ =	shalt  }
0x81: {  	_ =	shalt  }
0x82: {  	_ =	shalt  }
0x83: {  	_ =	shalt  }
0x84: {  	_ =	shalt  }
0x85: {  	_ =	shalt  }
0x86: {  	_ =	shalt  }
0x87: {  	_ =	shalt  }
.Lfunc_end0:
.L_simem_size_0:
called_computation.2_lowered:
.L_overlay_start_0:
0x88: {  	s2 =	sld [smem:$0x3FD9]  }
0x89: {  	s3 =	sld [smem:$0x3FFE];
	_ =	sdelay $0x1  }
0x8a: {  	s1 =	srdreg.scid  }
0x8b: {  	s0 =	sand.u32 $0x1, s1  }
0x8c: {  	s17 =	sshll.u32 s0, $0xA;
	s2 =	sadd.s32 s3, s2  }
0x8d: {  	s2 =	sadd.s32 s2, s17  }
0x8e: {  	[smem:$0x3FC1] =	sst s2  }
0x8f: {  	_ = 	snop  }
0x90: {  	s2 =	sld [smem:$0x3FC9]  }
0x91: {  	s18 =	sld [smem:$0x3FD0];
	(tm) =	ssettm $0x1  }
0x92: {  	s4 =	sld [smem:$0x3FFB];
	_ =	sdelay $0x3  }
0x93: {  	_ =	strace s4  }
0x94: {  	s4 =	sld [smem:$0x3FFC];
	_ =	sdelay $0x3  }
0x95: {  	_ =	strace s4  }
0x96: {  	s4 =	sld [smem:$0x3FFD];
	_ =	sdelay $0x3  }
0x97: {  	_ =	strace s4  }
0x98: {  	_ =	strace $0x8FFFFFFF  }
0x99: {  	s19 =	sld [smem:$0x3FDB];
	_ =	sdelay $0x1  }
0x9a: {  	s5 =	simm.s32 $_scs_section_size  }
0x9b: {  	s6 =	simm.s32 $_size__tile_overlayer_lowered;
	s7 =	simm.s32 $_tile_overlayer_lowered  }
0x9c: {  	s22 =	simm.s32 $0x1BFF;
	s21 =	sshll.u32 s7, $0x1;
	s4 =	sadd.s32 s5, s19  }
0x9d: {  	s8 =	simm.s32 $0x0;
	s20 =	sshll.u32 s6, $0x1;
	s6 =	sadd.s32 s21, s4  }
0x9e: {  	[timem:s8], [sflag:s22] =	dma.local [hbm:s6], s20  }
0x9f: {  	_ =	swait.ge [sflag:s22], s20  }
0xa0: {  	s5 =	ssub.s32 $0x0, s20;
	[sflag:s22] =	ssyncset.done $0x0  }
0xa1: {  	[sflag:s22] =	ssyncadd.s32 s5;
	_ =	sdelay $0x1  }
0xa2: {  	s23 =	simm.s32 $0x1B8B  }
0xa3: {  	_ =	swait.ge [sflag:s23], $0x1  }
0xa4: {  	[sflag:s23] =	ssyncset.done $0x0  }
0xa5: {  	s25 =	simm.s32 $0x1B8E;
	s24 =	sld [smem:$0x3FFE];
	[sflag:s23] =	ssyncadd.s32 $0xFFFFFFFF  }
0xa6: {  	s26 =	simm.s32 $execute0_lowered;
	[smem:$0x3FD2] =	sst s25  }
0xa7: {  	s6 =	sshll.u32 s26, $0x1;
	_ =	strace $0x8000004C;
	[dreg:$0x1] =	wrdreg $0xFFFFFFFF  }
0xa8: {  	s28 =	simm.s32 $_size_execute0_lowered;
	s4 =	sadd.s32 s4, s6;
	[dreg:$0x0] =	wrdreg $0x0  }
0xa9: {  	s6 =	sshll.u32 s28, $0x1;
	[dreg:$0x2] =	wrdreg s4  }
0xaa: {  	[dreg:$0x3] =	wrdreg s6  }
0xab: {  	[dreg:$0x4] =	wrdreg $0xC0  }
0xac: {  	_ =	task [dreg:s8], $0x5FFFF  }
0xad: {  	[dreg:$0x1] =	wrdreg $0xFFFFFFFF  }
0xae: {  	[dreg:$0x0] =	wrdreg $0x60  }
0xaf: {  	[dreg:$0x2] =	wrdreg s24  }
0xb0: {  	[dreg:$0x3] =	wrdreg s18  }
0xb1: {  	[dreg:$0x4] =	wrdreg s2  }
0xb2: {  	[dreg:$0x5] =	wrdreg $0xBC000  }
0xb3: {  	[dreg:$0x6] =	wrdreg $0x9  }
0xb4: {  	_ =	task.clear_ibuf [dreg:s8], $0x7FFFF;
	_ =	strace $0x9000004C  }
0xb5: {  	s29 =	simm.s32 $0x9;
	_ =	strace $0x8000004E  }
0xb6: {  	_ =	swait.ge [sflag:s29], $0x1  }
0xb7: {  	[sflag:s29] =	ssyncadd.s32 $0xFFFFFFFF  }
0xb8: {  	_ =	strace $0x9000004E  }
0xb9: {  	_ =	sfence  }
0xba: {  	s30 =	sld [smem:$0x0];
	_ =	sdelay $0x2  }
0xbb: {  	s31 =	sshll.u32 s1, $0xD;
	s1 =	sshrl.u32 s1, $0x2  }
0xbc: {  	s3 =	sand.u32 $0x4000, s31;
	s1 =	sadd.s32 s1, s30  }
0xbd: {  	s0 =	sor.u32 s3, s0;
	s1 =	sshll.u32 s1, $0x11  }
0xbe: {  	s0 =	sor.u32 s1, s0  }
0xbf: {  	s0 =	sadd.s32 $0x8F2B, s0  }
0xc0: {  	[sflag:s0] =	ssyncadd.remote.s32 $0x1  }
0xc1: {  	_ =	sfence.sel $0xFFFF  }
0xc2: {  	[dreg:$0x0] =	wrdreg $0xFFFFFFFF;
	(pc) =	sbr.abs _section_cstart, $3  }
0xc3: {  	[dreg:$0x1] =	wrdreg $0xFFFFFFFF  }
0xc4: {  	_ =	task.clear_ibuf [dreg:s8], $0x2FFFF;
	_ =	strace $0x9FFFFFFF  }
0xc5: {  	(tm) =	ssettm $0x7FFFFFFF  }
tec
execute0_lowered:
.L_overlay_start_1:
0x0: {  	(tag) =	ssettag $0x1  }
0x1: {  	s1 =	rddreg [dreg:$0x0]  }
0x2: {  	s2 =	rddreg [dreg:$0x1]  }
0x3: {  	s3 =	rddreg [dreg:$0x2]  }
0x4: {  	s4 =	rddreg [dreg:$0x3]  }
0x5: {  	s0 =	srdreg.scid;
	s6 =	simm.s32 $0x0;
	s12 =	stileid.u32  }
0x6: {  	s30 =	simm.s32 $0x80;
	s31 =	simm.s32 $0x100;
	s0 =	sand.u32 $0x1, s0  }
0x7: {  	[smem:$0x7FF] =	sst s6;
	s10 =	smul.u32 $0x13C00, s12;
	s11 =	sadd.s32 $0x1E000, s1  }
0x8: {  	s26 =	sadd.s32 $0x1E010, s1;
	_ =	strace $0x8000004D;
	[dreg:$0x5] =	wrdreg s11  }
0x9: {  	s7 =	sadd.s32 $0x14000, s1;
	s14 =	sadd.s32 $0x1E110, s1;
	[dreg:$0x6] =	wrdreg s26  }
0xa: {  	s8 =	sadd.s32 $0xA000, s1;
	s15 =	sadd.s32 $0x1E210, s1;
	[dreg:$0x7] =	wrdreg s14  }
0xb: {  	s9 =	sadd.s32 $0x29400, s1;
	s16 =	sadd.s32 $0x1E310, s1;
	[dreg:$0x8] =	wrdreg s15  }
0xc: {  	s25 =	sshll.u32 s12, $0x1;
	s17 =	sadd.s32 $0x1E410, s1;
	[dreg:$0x9] =	wrdreg s16  }
0xd: {  	s13 =	smul.u32 $0x4F000, s12;
	s18 =	sadd.s32 $0x1E510, s1;
	[dreg:$0xa] =	wrdreg s17  }
0xe: {  	s19 =	sadd.s32 $0x1E610, s1;
	s20 =	sadd.s32 $0x1E710, s1;
	[dreg:$0xb] =	wrdreg s18  }
0xf: {  	s21 =	sadd.s32 $0x1E810, s1;
	s22 =	sadd.s32 $0x1E910, s1;
	[dreg:$0xc] =	wrdreg s19  }
0x10: {  	s12 =	simm.s32 $0x800;
	s5 =	smul.u32 $0x13C000, s0;
	[dreg:$0xd] =	wrdreg s20  }
0x11: {  	s23 =	ssub.s32 $0x2, s0;
	s0 =	sor.u32 s0, s25;
	[dreg:$0xe] =	wrdreg s21  }
0x12: {  	[dreg:$0xf] =	wrdreg s22;
	s14 =	simm.s32 $0x7C00;
	s15 =	simm.s32 $0x1  }
0x13: {  	s16 =	simm.s32 $0x2;
	s24 =	sshrl.u32 s23, $0x1;
	s11 =	sshrl.u32 s13, $0x2  }
0x14: {  	s13 =	simm.s32 $0xC00;
	s5 =	sadd.s32 s10, s5;
	s10 =	ssub.s32 s23, s24  }
0x15: {  	v0 =	vimm.f32 $0.0e+00;
	v1 =	vimm.s32 $0x0;
	s19 =	sadd.s32 s11, s4;
	s11 =	simm.s32 $0x400;
	s5 =	sshrl.u32 s5, $0x3  }
0x16: {  	v2 =	vimm.s32 $0x1;
	v3 =	vimm.s32 $0x2;
	v4 =	vimm.s32 $0x3;
	s23 =	sadd.s32 $0x4000, s19;
	s25 =	smax.u32 s10, $0x1;
	s26 =	sadd.s32 $0x8000, s19  }
0x17: {  	v5 =	vimm.s32 $0x4;
	v6 =	vimm.s32 $0x5;
	v7 =	vimm.s32 $0x6;
	s28 =	sadd.s32 $0xC000, s19;
	s29 =	sadd.s32 $0x10000, s19;
	[dreg:$0x10] =	wrdreg s23  }
0x18: {  	v8 =	vimm.s32 $0x7;
	v9 =	vimm.s32 $0x8;
	v10 =	vimm.s32 $0x9;
	s10 =	simm.s32 $0x3C00;
	s5 =	sadd.s32 s5, s1;
	[dreg:$0x12] =	wrdreg s25  }
0x19: {  	v11 =	vimm.s32 $0xA;
	v12 =	vimm.s32 $0xB;
	v13 =	vimm.s32 $0xC;
	s23 =	smul.u32 $0x2800, s0;
	[dreg:$0x13] =	wrdreg s26;
	s24 =	sadd.s32 $0x33400, s5  }
0x1a: {  	v14 =	vimm.s32 $0xD;
	v15 =	vimm.s32 $0xE;
	v16 =	vimm.s32 $0xF;
	s0 =	simm.s32 $0x1000;
	s5 =	simm.s32 $0x3;
	[dreg:$0x11] =	wrdreg s24  }
.LBB2_1:
0x1b: {  	s17 =	rddreg [dreg:$0x5]  }
0x1c: {  	[tilespmem:s0], [sflag:$0x3] =	stream.strided.gather [hbm4b:s17+s30], $0x2800, s31, s30, $0x38;
	[tilespmem:$0x1F800] =	vst v63  }
0x1d: {  	_ =	swait.ge [sflag:s5], $0x2800  }
0x1e: {  	[sflag:s5] =	ssyncset.done $0x0  }
0x1f: {  	s18 =	simm.s32 $0x3800;
	s26 =	rddreg [dreg:$0x6];
	[sflag:s5] =	ssyncadd.s32 $0xFFFFD800  }
0x20: {  	[tilespmem:s18], [sflag:$0x3] =	stream.strided.gather [hbm4b:s26+s30], $0x400, s31, s30, $0x38;
	[tilespmem:$0x1F800] =	vst v63  }
0x21: {  	_ =	swait.ge [sflag:s5], $0x400  }
0x22: {  	[sflag:s5] =	ssyncset.done $0x0  }
0x23: {  	s17 =	simm.s32 $0x0;
	[sflag:s5] =	ssyncadd.s32 $0xFFFFFC00  }
0x24: {  	s18 =	simm.s32 $0x40;
	v17 =	vld [tilespmem:s17+$0x3800]  }
.LBB2_2:
0x25: {  	p0 =	sne.s32 s18, $0xFC0;
	v18 =	vld [tilespmem:s17+$0x1000];
	_ =	sdelay $0x2  }
.Ltmp0:
0x26: {  	(pc) =	sbr.rel @p0 .LBB2_2-.Ltmp0, $4  }
0x27: {  	_ = 	snop  }
0x28: {  	v18 =	vadd.f32 v17, v18  }
0x29: {  	s20 =	sshra.s32 s18, $0x2  }
0x2a: {  	s18 =	sadd.s32 $0x40, s18;
	v17 =	vld [tilespmem:s20+$0x3800];
	[tilespmem:s17+$0x1000] =	vst v18;
	s17 =	smov.u32 s20  }
0x2b: {  	v18 =	vld [tilespmem:s17+$0x1000];
	_ =	sdelay $0x4  }
0x2c: {  	v17 =	vadd.f32 v17, v18;
	_ =	sdelay $0x1  }
0x2d: {  	s18 =	rddreg [dreg:$0x7];
	[tilespmem:s17+$0x1000] =	vst v17;
	s17 =	simm.s32 $0x3800  }
0x2e: {  	[tilespmem:s17], [sflag:$0x3] =	stream.strided.gather [hbm4b:s18+s30], $0x400, s31, s30, $0x38;
	[tilespmem:$0x1F800] =	vst v63  }
0x2f: {  	_ =	swait.ge [sflag:s5], $0x400  }
0x30: {  	[sflag:s5] =	ssyncset.done $0x0  }
0x31: {  	s26 =	simm.s32 $0x0;
	[sflag:s5] =	ssyncadd.s32 $0xFFFFFC00  }
0x32: {  	s20 =	simm.s32 $0x10;
	s18 =	sand.u32 $0x3F0, s26;
	v17 =	vld [tilespmem:s17+$0x0]  }
.LBB2_4:
0x33: {  	p0 =	sne.s32 s20, $0x3F0;
	v18 =	vld [tilespmem:s18+$0x1400];
	_ =	sdelay $0x3  }
.Ltmp1:
0x34: {  	(pc) =	sbr.rel @p0 .LBB2_4-.Ltmp1, $3  }
0x35: {  	v17 =	vadd.f32 v17, v18;
	_ =	sdelay $0x1  }
0x36: {  	s17 =	sadd.s32 $0x10, s17;
	[tilespmem:s18+$0x1400] =	vst v17  }
0x37: {  	s18 =	sand.u32 $0x3F0, s20;
	s20 =	sadd.s32 $0x10, s20;
	v17 =	vld [tilespmem:s17+$0x0]  }
0x38: {  	v18 =	vld [tilespmem:s18+$0x1400];
	_ =	sdelay $0x4  }
0x39: {  	v17 =	vadd.f32 v17, v18;
	_ =	sdelay $0x1  }
0x3a: {  	s17 =	simm.s32 $0x3800;
	s25 =	rddreg [dreg:$0x8];
	[tilespmem:s18+$0x1400] =	vst v17  }
0x3b: {  	[tilespmem:s17], [sflag:$0x3] =	stream.strided.gather [hbm4b:s25+s30], $0x400, s31, s30, $0x38;
	[tilespmem:$0x1F800] =	vst v63  }
0x3c: {  	_ =	swait.ge [sflag:s5], $0x400  }
0x3d: {  	[sflag:s5] =	ssyncset.done $0x0  }
0x3e: {  	s26 =	simm.s32 $0x0;
	[sflag:s5] =	ssyncadd.s32 $0xFFFFFC00  }
0x3f: {  	s20 =	simm.s32 $0x10;
	s18 =	sand.u32 $0x3F0, s26;
	v17 =	vld [tilespmem:s17+$0x0]  }
.LBB2_6:
0x40: {  	p0 =	sne.s32 s20, $0x3F0;
	v18 =	vld [tilespmem:s18+$0x1800];
	_ =	sdelay $0x3  }
.Ltmp2:
0x41: {  	(pc) =	sbr.rel @p0 .LBB2_6-.Ltmp2, $3  }
0x42: {  	v17 =	vadd.f32 v17, v18;
	_ =	sdelay $0x1  }
0x43: {  	s17 =	sadd.s32 $0x10, s17;
	[tilespmem:s18+$0x1800] =	vst v17  }
0x44: {  	s18 =	sand.u32 $0x3F0, s20;
	s20 =	sadd.s32 $0x10, s20;
	v17 =	vld [tilespmem:s17+$0x0]  }
0x45: {  	v18 =	vld [tilespmem:s18+$0x1800];
	_ =	sdelay $0x4  }
0x46: {  	v17 =	vadd.f32 v17, v18;
	_ =	sdelay $0x1  }
0x47: {  	s17 =	simm.s32 $0x3800;
	s25 =	rddreg [dreg:$0x9];
	[tilespmem:s18+$0x1800] =	vst v17  }
0x48: {  	[tilespmem:s17], [sflag:$0x3] =	stream.strided.gather [hbm4b:s25+s30], $0x400, s31, s30, $0x38;
	[tilespmem:$0x1F800] =	vst v63  }
0x49: {  	_ =	swait.ge [sflag:s5], $0x400  }
0x4a: {  	[sflag:s5] =	ssyncset.done $0x0  }
0x4b: {  	s26 =	simm.s32 $0x0;
	[sflag:s5] =	ssyncadd.s32 $0xFFFFFC00  }
0x4c: {  	s20 =	simm.s32 $0x10;
	s18 =	sand.u32 $0x3F0, s26;
	v17 =	vld [tilespmem:s17+$0x0]  }
.LBB2_8:
0x4d: {  	p0 =	sne.s32 s20, $0x3F0;
	v18 =	vld [tilespmem:s18+$0x1C00];
	_ =	sdelay $0x3  }
.Ltmp3:
0x4e: {  	(pc) =	sbr.rel @p0 .LBB2_8-.Ltmp3, $3  }
0x4f: {  	v17 =	vadd.f32 v17, v18;
	_ =	sdelay $0x1  }
0x50: {  	s17 =	sadd.s32 $0x10, s17;
	[tilespmem:s18+$0x1C00] =	vst v17  }
0x51: {  	s18 =	sand.u32 $0x3F0, s20;
	s20 =	sadd.s32 $0x10, s20;
	v17 =	vld [tilespmem:s17+$0x0]  }
0x52: {  	v18 =	vld [tilespmem:s18+$0x1C00];
	_ =	sdelay $0x4  }
0x53: {  	v17 =	vadd.f32 v17, v18;
	_ =	sdelay $0x1  }
0x54: {  	s17 =	simm.s32 $0x3800;
	s25 =	rddreg [dreg:$0xa];
	[tilespmem:s18+$0x1C00] =	vst v17  }
0x55: {  	[tilespmem:s17], [sflag:$0x3] =	stream.strided.gather [hbm4b:s25+s30], $0x400, s31, s30, $0x38;
	[tilespmem:$0x1F800] =	vst v63  }
0x56: {  	_ =	swait.ge [sflag:s5], $0x400  }
0x57: {  	[sflag:s5] =	ssyncset.done $0x0  }
0x58: {  	s26 =	simm.s32 $0x0;
	[sflag:s5] =	ssyncadd.s32 $0xFFFFFC00  }
0x59: {  	s20 =	simm.s32 $0x10;
	s18 =	sand.u32 $0x3F0, s26;
	v17 =	vld [tilespmem:s17+$0x0]  }
.LBB2_10:
0x5a: {  	p0 =	sne.s32 s20, $0x3F0;
	v18 =	vld [tilespmem:s18+$0x2000];
	_ =	sdelay $0x3  }
.Ltmp4:
0x5b: {  	(pc) =	sbr.rel @p0 .LBB2_10-.Ltmp4, $3  }
0x5c: {  	v17 =	vadd.f32 v17, v18;
	_ =	sdelay $0x1  }
0x5d: {  	s17 =	sadd.s32 $0x10, s17;
	[tilespmem:s18+$0x2000] =	vst v17  }
0x5e: {  	s18 =	sand.u32 $0x3F0, s20;
	s20 =	sadd.s32 $0x10, s20;
	v17 =	vld [tilespmem:s17+$0x0]  }
0x5f: {  	v18 =	vld [tilespmem:s18+$0x2000];
	_ =	sdelay $0x4  }
0x60: {  	v17 =	vadd.f32 v17, v18;
	_ =	sdelay $0x1  }
0x61: {  	s17 =	simm.s32 $0x3800;
	s25 =	rddreg [dreg:$0xb];
	[tilespmem:s18+$0x2000] =	vst v17  }
0x62: {  	[tilespmem:s17], [sflag:$0x3] =	stream.strided.gather [hbm4b:s25+s30], $0x400, s31, s30, $0x38;
	[tilespmem:$0x1F800] =	vst v63  }
0x63: {  	_ =	swait.ge [sflag:s5], $0x400  }
0x64: {  	[sflag:s5] =	ssyncset.done $0x0  }
0x65: {  	s26 =	simm.s32 $0x0;
	[sflag:s5] =	ssyncadd.s32 $0xFFFFFC00  }
0x66: {  	s20 =	simm.s32 $0x10;
	s18 =	sand.u32 $0x3F0, s26;
	v17 =	vld [tilespmem:s17+$0x0]  }
.LBB2_12:
0x67: {  	p0 =	sne.s32 s20, $0x3F0;
	v18 =	vld [tilespmem:s18+$0x2400];
	_ =	sdelay $0x3  }
.Ltmp5:
0x68: {  	(pc) =	sbr.rel @p0 .LBB2_12-.Ltmp5, $3  }
0x69: {  	v17 =	vadd.f32 v17, v18;
	_ =	sdelay $0x1  }
0x6a: {  	s17 =	sadd.s32 $0x10, s17;
	[tilespmem:s18+$0x2400] =	vst v17  }
0x6b: {  	s18 =	sand.u32 $0x3F0, s20;
	s20 =	sadd.s32 $0x10, s20;
	v17 =	vld [tilespmem:s17+$0x0]  }
0x6c: {  	v18 =	vld [tilespmem:s18+$0x2400];
	_ =	sdelay $0x4  }
0x6d: {  	v17 =	vadd.f32 v17, v18;
	_ =	sdelay $0x1  }
0x6e: {  	s17 =	simm.s32 $0x3800;
	s25 =	rddreg [dreg:$0xc];
	[tilespmem:s18+$0x2400] =	vst v17  }
0x6f: {  	[tilespmem:s17], [sflag:$0x3] =	stream.strided.gather [hbm4b:s25+s30], $0x400, s31, s30, $0x38;
	[tilespmem:$0x1F800] =	vst v63  }
0x70: {  	_ =	swait.ge [sflag:s5], $0x400  }
0x71: {  	[sflag:s5] =	ssyncset.done $0x0  }
0x72: {  	s26 =	simm.s32 $0x0;
	[sflag:s5] =	ssyncadd.s32 $0xFFFFFC00  }
0x73: {  	s20 =	simm.s32 $0x10;
	s18 =	sand.u32 $0x3F0, s26;
	v17 =	vld [tilespmem:s17+$0x0]  }
.LBB2_14:
0x74: {  	p0 =	sne.s32 s20, $0x3F0;
	v18 =	vld [tilespmem:s18+$0x2800];
	_ =	sdelay $0x3  }
.Ltmp6:
0x75: {  	(pc) =	sbr.rel @p0 .LBB2_14-.Ltmp6, $3  }
0x76: {  	v17 =	vadd.f32 v17, v18;
	_ =	sdelay $0x1  }
0x77: {  	s17 =	sadd.s32 $0x10, s17;
	[tilespmem:s18+$0x2800] =	vst v17  }
0x78: {  	s18 =	sand.u32 $0x3F0, s20;
	s20 =	sadd.s32 $0x10, s20;
	v17 =	vld [tilespmem:s17+$0x0]  }
0x79: {  	v18 =	vld [tilespmem:s18+$0x2800];
	_ =	sdelay $0x4  }
0x7a: {  	v17 =	vadd.f32 v17, v18;
	_ =	sdelay $0x1  }
0x7b: {  	s17 =	simm.s32 $0x3800;
	s25 =	rddreg [dreg:$0xd];
	[tilespmem:s18+$0x2800] =	vst v17  }
0x7c: {  	[tilespmem:s17], [sflag:$0x3] =	stream.strided.gather [hbm4b:s25+s30], $0x400, s31, s30, $0x38;
	[tilespmem:$0x1F800] =	vst v63  }
0x7d: {  	_ =	swait.ge [sflag:s5], $0x400  }
0x7e: {  	[sflag:s5] =	ssyncset.done $0x0  }
0x7f: {  	s26 =	simm.s32 $0x0;
	[sflag:s5] =	ssyncadd.s32 $0xFFFFFC00  }
0x80: {  	s20 =	simm.s32 $0x10;
	s18 =	sand.u32 $0x3F0, s26;
	v17 =	vld [tilespmem:s17+$0x0]  }
.LBB2_16:
0x81: {  	p0 =	sne.s32 s20, $0x3F0;
	v18 =	vld [tilespmem:s18+$0x2C00];
	_ =	sdelay $0x3  }
.Ltmp7:
0x82: {  	(pc) =	sbr.rel @p0 .LBB2_16-.Ltmp7, $3  }
0x83: {  	v17 =	vadd.f32 v17, v18;
	_ =	sdelay $0x1  }
0x84: {  	s17 =	sadd.s32 $0x10, s17;
	[tilespmem:s18+$0x2C00] =	vst v17  }
0x85: {  	s18 =	sand.u32 $0x3F0, s20;
	s20 =	sadd.s32 $0x10, s20;
	v17 =	vld [tilespmem:s17+$0x0]  }
0x86: {  	v18 =	vld [tilespmem:s18+$0x2C00];
	_ =	sdelay $0x4  }
0x87: {  	v17 =	vadd.f32 v17, v18;
	_ =	sdelay $0x1  }
0x88: {  	s17 =	simm.s32 $0x3800;
	s25 =	rddreg [dreg:$0xe];
	[tilespmem:s18+$0x2C00] =	vst v17  }
0x89: {  	[tilespmem:s17], [sflag:$0x3] =	stream.strided.gather [hbm4b:s25+s30], $0x400, s31, s30, $0x38;
	[tilespmem:$0x1F800] =	vst v63  }
0x8a: {  	_ =	swait.ge [sflag:s5], $0x400  }
0x8b: {  	[sflag:s5] =	ssyncset.done $0x0  }
0x8c: {  	s26 =	simm.s32 $0x0;
	[sflag:s5] =	ssyncadd.s32 $0xFFFFFC00  }
0x8d: {  	s20 =	simm.s32 $0x10;
	s18 =	sand.u32 $0x3F0, s26;
	v17 =	vld [tilespmem:s17+$0x0]  }
.LBB2_18:
0x8e: {  	p0 =	sne.s32 s20, $0x3F0;
	v18 =	vld [tilespmem:s18+$0x3000];
	_ =	sdelay $0x3  }
.Ltmp8:
0x8f: {  	(pc) =	sbr.rel @p0 .LBB2_18-.Ltmp8, $3  }
0x90: {  	v17 =	vadd.f32 v17, v18;
	_ =	sdelay $0x1  }
0x91: {  	s17 =	sadd.s32 $0x10, s17;
	[tilespmem:s18+$0x3000] =	vst v17  }
0x92: {  	s18 =	sand.u32 $0x3F0, s20;
	s20 =	sadd.s32 $0x10, s20;
	v17 =	vld [tilespmem:s17+$0x0]  }
0x93: {  	v18 =	vld [tilespmem:s18+$0x3000];
	_ =	sdelay $0x4  }
0x94: {  	v17 =	vadd.f32 v17, v18;
	_ =	sdelay $0x1  }
0x95: {  	s17 =	simm.s32 $0x3800;
	s25 =	rddreg [dreg:$0xf];
	[tilespmem:s18+$0x3000] =	vst v17  }
0x96: {  	[tilespmem:s17], [sflag:$0x3] =	stream.strided.gather [hbm4b:s25+s30], $0x400, s31, s30, $0x38;
	[tilespmem:$0x1F800] =	vst v63  }
0x97: {  	_ =	swait.ge [sflag:s5], $0x400  }
0x98: {  	[sflag:s5] =	ssyncset.done $0x0  }
0x99: {  	s26 =	simm.s32 $0x0;
	[sflag:s5] =	ssyncadd.s32 $0xFFFFFC00  }
0x9a: {  	s20 =	simm.s32 $0x10;
	s18 =	sand.u32 $0x3F0, s26;
	v17 =	vld [tilespmem:s17+$0x0]  }
.LBB2_20:
0x9b: {  	p0 =	sne.s32 s20, $0x3F0;
	v18 =	vld [tilespmem:s18+$0x3400];
	_ =	sdelay $0x3  }
.Ltmp9:
0x9c: {  	(pc) =	sbr.rel @p0 .LBB2_20-.Ltmp9, $3  }
0x9d: {  	v17 =	vadd.f32 v17, v18;
	_ =	sdelay $0x1  }
0x9e: {  	s17 =	sadd.s32 $0x10, s17;
	[tilespmem:s18+$0x3400] =	vst v17  }
0x9f: {  	s18 =	sand.u32 $0x3F0, s20;
	s20 =	sadd.s32 $0x10, s20;
	v17 =	vld [tilespmem:s17+$0x0]  }
0xa0: {  	v18 =	vld [tilespmem:s18+$0x3400];
	_ =	sdelay $0x4  }
0xa1: {  	v17 =	vadd.f32 v17, v18;
	_ =	sdelay $0x1  }
0xa2: {  	s17 =	simm.s32 $0x0;
	[tilespmem:s18+$0x3400] =	vst v17;
	s18 =	simm.s32 $0x200  }
.LBB2_22:
0xa3: {  	p0 =	sne.s32 s18, $0xFE00;
	[tilespmem:s17+$0x3C70] =	vst v0  }
0xa4: {  	[tilespmem:s17+$0x3C00] =	vst v0  }
0xa5: {  	[tilespmem:s17+$0x3C10] =	vst v0  }
.Ltmp10:
0xa6: {  	[tilespmem:s17+$0x3C20] =	vst v0;
	(pc) =	sbr.rel @p0 .LBB2_22-.Ltmp10, $4  }
0xa7: {  	[tilespmem:s17+$0x3C30] =	vst v0  }
0xa8: {  	[tilespmem:s17+$0x3C40] =	vst v0  }
0xa9: {  	[tilespmem:s17+$0x3C50] =	vst v0  }
0xaa: {  	[tilespmem:s17+$0x3C60] =	vst v0;
	s17 =	sshra.s32 s18, $0x2;
	s18 =	sadd.s32 $0x200, s18  }
0xab: {  	[tilespmem:s17+$0x3C70] =	vst v0  }
0xac: {  	[tilespmem:s17+$0x3C00] =	vst v0  }
0xad: {  	[tilespmem:s17+$0x3C10] =	vst v0  }
0xae: {  	[tilespmem:s17+$0x3C20] =	vst v0  }
0xaf: {  	[tilespmem:s17+$0x3C30] =	vst v0  }
0xb0: {  	[tilespmem:s17+$0x3C40] =	vst v0  }
0xb1: {  	[tilespmem:s17+$0x3C50] =	vst v0  }
0xb2: {  	[tilespmem:s17+$0x3C60] =	vst v0  }
0xb3: {  	[spmem:s19] =	stream.linear.scatter [tilespmem:s10], [sflag:$0x3], $0x4000, $0x38;
	[tilespmem:$0x1F800] =	vst v63  }
0xb4: {  	_ =	swait.ge [sflag:s5], $0x4000  }
0xb5: {  	[sflag:s5] =	ssyncset.done $0x0  }
0xb6: {  	s25 =	rddreg [dreg:$0x10];
	[sflag:s5] =	ssyncadd.s32 $0xFFFFC000  }
0xb7: {  	[spmem:s25] =	stream.linear.scatter [tilespmem:s10], [sflag:$0x3], $0x4000, $0x38;
	[tilespmem:$0x1F800] =	vst v63  }
0xb8: {  	_ =	swait.ge [sflag:s5], $0x4000  }
0xb9: {  	[sflag:s5] =	ssyncset.done $0x0  }
0xba: {  	s26 =	rddreg [dreg:$0x13];
	[sflag:s5] =	ssyncadd.s32 $0xFFFFC000  }
0xbb: {  	[spmem:s26] =	stream.linear.scatter [tilespmem:s10], [sflag:$0x3], $0x4000, $0x38;
	[tilespmem:$0x1F800] =	vst v63  }
0xbc: {  	_ =	swait.ge [sflag:s5], $0x4000  }
0xbd: {  	[sflag:s5] =	ssyncset.done $0x0  }
0xbe: {  	[sflag:s5] =	ssyncadd.s32 $0xFFFFC000  }
0xbf: {  	[spmem:s28] =	stream.linear.scatter [tilespmem:s10], [sflag:$0x3], $0x4000, $0x38;
	[tilespmem:$0x1F800] =	vst v63  }
0xc0: {  	_ =	swait.ge [sflag:s5], $0x4000  }
0xc1: {  	[sflag:s5] =	ssyncset.done $0x0  }
0xc2: {  	[sflag:s5] =	ssyncadd.s32 $0xFFFFC000  }
0xc3: {  	[spmem:s29] =	stream.linear.scatter [tilespmem:s10], [sflag:$0x3], $0x3C00, $0x38;
	[tilespmem:$0x1F800] =	vst v63  }
0xc4: {  	_ =	swait.ge [sflag:s5], $0x3C00  }
0xc5: {  	[sflag:s5] =	ssyncset.done $0x0  }
0xc6: {  	[sflag:s5] =	ssyncadd.s32 $0xFFFFC400  }
0xc7: {  	s17 =	simm.s32 $0x0;
	s18 =	simm.s32 $0x0;
	[bflag:$0x0] =	sbarrier.arrive $0xFFFF  }
.LBB2_24:
0xc8: {  	s20 =	sshll.u32 s18, $0xA  }
0xc9: {  	s20 =	sadd.s32 s23, s20  }
0xca: {  	s20 =	sshrl.u32 s20, $0x3  }
0xcb: {  	s21 =	sadd.s32 s7, s20  }
0xcc: {  	[tilespmem:s17], [sflag:$0x3] =	stream.linear.gather [hbm4b:s21+s17], $0x400, $0x38;
	[tilespmem:$0x1F800] =	vst v63  }
0xcd: {  	_ =	swait.ge [sflag:s5], $0x400  }
0xce: {  	[sflag:s5] =	ssyncset.done $0x0  }
0xcf: {  	s25 =	sadd.s32 s8, s20;
	[sflag:s5] =	ssyncadd.s32 $0xFFFFFC00  }
0xd0: {  	[tilespmem:s11], [sflag:$0x3] =	stream.linear.gather [hbm4b:s25+s17], $0x400, $0x38;
	[tilespmem:$0x1F800] =	vst v63  }
0xd1: {  	_ =	swait.ge [sflag:s5], $0x400  }
0xd2: {  	[sflag:s5] =	ssyncset.done $0x0  }
0xd3: {  	s26 =	sadd.s32 s1, s20;
	[sflag:s5] =	ssyncadd.s32 $0xFFFFFC00  }
0xd4: {  	[tilespmem:s12], [sflag:$0x3] =	stream.linear.gather [hbm4b:s26+s17], $0x400, $0x38;
	[tilespmem:$0x1F800] =	vst v63  }
0xd5: {  	_ =	swait.ge [sflag:s5], $0x400  }
0xd6: {  	[sflag:s5] =	ssyncset.done $0x0  }
0xd7: {  	s20 =	sadd.s32 s9, s20;
	[sflag:s5] =	ssyncadd.s32 $0xFFFFFC00  }
0xd8: {  	[tilespmem:s13], [sflag:$0x3] =	stream.linear.gather [hbm4b:s20+s17], $0x400, $0x38;
	[tilespmem:$0x1F800] =	vst v63  }
0xd9: {  	_ =	swait.ge [sflag:s5], $0x400  }
0xda: {  	[sflag:s5] =	ssyncset.done $0x0  }
0xdb: {  	s20 =	simm.s32 $0x0;
	[sflag:s5] =	ssyncadd.s32 $0xFFFFFC00  }
.LBB2_25:
0xdc: {  	s21 =	sshll.u32 s20, $0x7  }
0xdd: {  	[tilespmem:s10], [sflag:$0x1] =	stream.indirect.gather [hbm4b:s2+s30], $0x80, s21, s30, $0xb8;
	[tilespmem:$0x1F800] =	vst v63  }
0xde: {  	s22 =	sadd.s32 $0x800, s21  }
0xdf: {  	[tilespmem:s14], [sflag:$0x2] =	stream.indirect.gather [hbm4b:s3+s30], $0x80, s22, s30, $0xb8;
	[tilespmem:$0x1F800] =	vst v63  }
0xe0: {  	_ =	swait.ge [sflag:s15], $0x4000  }
0xe1: {  	[sflag:s15] =	ssyncset.done $0x0  }
0xe2: {  	[sflag:s15] =	ssyncadd.s32 $0xFFFFC000  }
0xe3: {  	_ =	swait.ge [sflag:s16], $0x4000  }
0xe4: {  	v17 =	vmov s21;
	[sflag:s16] =	ssyncset.done $0x0  }
0xe5: {  	s22 =	simm.s32 $0x0;
	[sflag:s16] =	ssyncadd.s32 $0xFFFFC000  }
0xe6: {  	v18 =	vld [tilespmem:s22+$0x83E0]  }
0xe7: {  	v20 =	vld [tilespmem:s22+$0x83D0]  }
0xe8: {  	s24 =	simm.s32 $0x0;
	v23 =	vld [tilespmem:s22+$0x8320]  }
0xe9: {  	v22 =	vld.idx.msk [tilespmem:v17+s24+$0x400 ss:$0x1], $0xffff  }
0xea: {  	v32 =	vld.idx.msk [tilespmem:v17+s24+$0xC00 ss:$0x1], $0xffff  }
0xeb: {  	v19 =	vld [tilespmem:s22+$0x7C10]  }
0xec: {  	v26 =	vld [tilespmem:s22+$0x7C20]  }
0xed: {  	v31 =	vld [tilespmem:s22+$0x81B0]  }
0xee: {  	v28 =	vld [tilespmem:s22+$0x7C30]  }
0xef: {  	v24 =	vld [tilespmem:s22+$0x7C00]  }
0xf0: {  	v21 =	vld [tilespmem:s22+$0x7C40]  }
0xf1: {  	v25 =	vld [tilespmem:s22+$0x7C50]  }
0xf2: {  	v29 =	vld [tilespmem:s22+$0x3C60]  }
0xf3: {  	v30 =	vld [tilespmem:s22+$0x7C60]  }
0xf4: {  	v27 =	vld [tilespmem:s22+$0x7C70]  }
0xf5: {  	v33 =	vld [tilespmem:s22+$0x3C80]  }
0xf6: {  	v34 =	vld [tilespmem:s22+$0x7C80]  }
0xf7: {  	v35 =	vld [tilespmem:s22+$0x3C90]  }
0xf8: {  	v36 =	vld [tilespmem:s22+$0x7C90]  }
0xf9: {  	v37 =	vld [tilespmem:s22+$0x3CA0]  }
0xfa: {  	v38 =	vld [tilespmem:s22+$0x7CA0]  }
0xfb: {  	v39 =	vld [tilespmem:s22+$0x3CB0]  }
0xfc: {  	v40 =	vld [tilespmem:s22+$0x7CB0]  }
0xfd: {  	v41 =	vld [tilespmem:s22+$0x3CC0]  }
0xfe: {  	v42 =	vld [tilespmem:s22+$0x7CC0]  }
0xff: {  	v43 =	vld [tilespmem:s22+$0x3CD0]  }
0x100: {  	v44 =	vld [tilespmem:s22+$0x7CD0]  }
0x101: {  	v45 =	vld [tilespmem:s22+$0x3CE0]  }
0x102: {  	v46 =	vld [tilespmem:s22+$0x3CF0]  }
0x103: {  	v47 =	vld [tilespmem:s22+$0x7CF0]  }
0x104: {  	v48 =	vld [tilespmem:s22+$0x7CE0]  }
0x105: {  	v22 =	vld.idx.msk [tilespmem:v22+s0+$0x0], $0xffff  }
0x106: {  	v49 =	vld [tilespmem:s22+$0x3D00]  }
0x107: {  	v50 =	vld [tilespmem:s22+$0x7D00]  }
0x108: {  	v51 =	vld [tilespmem:s22+$0x3D10]  }
0x109: {  	v52 =	vld [tilespmem:s22+$0x7D10]  }
0x10a: {  	v60 =	vld [tilespmem:s22+$0x7D50];
	v22 =	vadd.f32 $1.000000020e-16, v22  }
0x10b: {  	v62 =	vld [tilespmem:s22+$0x3D50]  }
0x10c: {  	v63 =	vld [tilespmem:s22+$0x3D40];
	(erf) = vrcp.f32 v22  }
0x10d: {  	v55 =	vld [tilespmem:s22+$0x7D60]  }
0x10e: {  	v35 =	vadd.f32 v36, v35;
	v36 =	vld [tilespmem:s22+$0x3D20]  }
0x10f: {  	v56 =	vadd.f32 v47, v46;
	v46 =	vld [tilespmem:s22+$0x7D20]  }
0x110: {  	v39 =	vadd.f32 v40, v39;
	v40 =	vld [tilespmem:s22+$0x7D30]  }
0x111: {  	v34 =	vadd.f32 v34, v33;
	v33 =	vld [tilespmem:s22+$0x3C70]  }
0x112: {  	v37 =	vadd.f32 v38, v37;
	v38 =	vld [tilespmem:s22+$0x7D40]  }
0x113: {  	v47 =	vld [tilespmem:s22+$0x3D80]  }
0x114: {  	v59 =	vadd.f32 v48, v45;
	v48 =	vld [tilespmem:s22+$0x7D80]  }
0x115: {  	v58 =	vadd.f32 v42, v41;
	v41 =	vadd.f32 v60, v62;
	v62 =	vld [tilespmem:s22+$0x3D90];
	v22 =	vpop (erf)  }
0x116: {  	v60 =	vadd.f32 v52, v51;
	v51 =	vld [tilespmem:s22+$0x3DA0];
	v22 =	vmul.f32 v22, v32  }
0x117: {  	v52 =	vadd.f32 v50, v49;
	v50 =	vld [tilespmem:s22+$0x3DF0]  }
0x118: {  	v45 =	vld [tilespmem:s22+$0x7E30];
	v53 =	vperm.xlane v22, v2  }
0x119: {  	v49 =	vadd.f32 v48, v47;
	v48 =	vld [tilespmem:s22+$0x3E40]  }
0x11a: {  	v61 =	vadd.f32 v44, v43;
	v32 =	vmul.f32 v56, v53;
	v56 =	vld [tilespmem:s22+$0x3D60]  }
0x11b: {  	v57 =	vmul.f32 v39, v53;
	v39 =	vmul.f32 v58, v53;
	v58 =	vld [tilespmem:s22+$0x7D70]  }
0x11c: {  	v35 =	vmul.f32 v35, v53;
	v54 =	vmul.f32 v61, v53;
	v61 =	vld [tilespmem:s22+$0x7D90]  }
0x11d: {  	[tilespmem:s22+$0x3CF0] =	vst v32;
	v32 =	vld [tilespmem:s22+$0x3C50]  }
0x11e: {  	[tilespmem:s22+$0x3C90] =	vst v35;
	v35 =	vld [tilespmem:s22+$0x3D30]  }
0x11f: {  	v34 =	vmul.f32 v34, v53;
	[tilespmem:s22+$0x3CB0] =	vst v57;
	v57 =	vld [tilespmem:s22+$0x3D70]  }
0x120: {  	v37 =	vmul.f32 v37, v53;
	[tilespmem:s22+$0x3CC0] =	vst v39;
	v39 =	vld [tilespmem:s22+$0x7DA0]  }
0x121: {  	[tilespmem:s22+$0x3C80] =	vst v34;
	v34 =	vmul.f32 v59, v53;
	v59 =	vperm.xlane v22, v3;
	v53 =	vld [tilespmem:s22+$0x7DB0]  }
0x122: {  	[tilespmem:s22+$0x3CD0] =	vst v54;
	v54 =	vld [tilespmem:s22+$0x3DB0]  }
0x123: {  	v43 =	vmul.f32 v60, v59;
	v60 =	vld [tilespmem:s22+$0x7DD0]  }
0x124: {  	[tilespmem:s22+$0x3CA0] =	vst v37;
	v37 =	vadd.f32 v38, v63;
	v38 =	vadd.f32 v61, v62;
	v61 =	vld [tilespmem:s22+$0x3DE0]  }
0x125: {  	v36 =	vadd.f32 v46, v36;
	v62 =	vld [tilespmem:s22+$0x7DE0]  }
0x126: {  	v41 =	vmul.f32 v41, v59;
	v42 =	vadd.f32 v55, v56;
	v55 =	vmul.f32 v52, v59;
	v52 =	vld [tilespmem:s22+$0x7E00]  }
0x127: {  	[tilespmem:s22+$0x3CE0] =	vst v34;
	v34 =	vadd.f32 v58, v57;
	v57 =	vld [tilespmem:s22+$0x7DC0]  }
0x128: {  	v56 =	vmul.f32 v36, v59;
	[tilespmem:s22+$0x3D50] =	vst v41;
	v58 =	vld [tilespmem:s22+$0x3DC0]  }
0x129: {  	[tilespmem:s22+$0x3D10] =	vst v43;
	v41 =	vadd.f32 v53, v54;
	v54 =	vld [tilespmem:s22+$0x3E00]  }
0x12a: {  	v37 =	vmul.f32 v37, v59;
	v43 =	vperm.xlane v22, v4;
	[tilespmem:s22+$0x3D20] =	vst v56;
	v56 =	vld [tilespmem:s22+$0x7E10]  }
0x12b: {  	v63 =	vmul.f32 v42, v59;
	v35 =	vadd.f32 v40, v35;
	v42 =	vld [tilespmem:s22+$0x4280]  }
0x12c: {  	[tilespmem:s22+$0x3D40] =	vst v37;
	v37 =	vadd.f32 v39, v51;
	v51 =	vmul.f32 v49, v43;
	v49 =	vld [tilespmem:s22+$0x7E40]  }
0x12d: {  	v34 =	vmul.f32 v34, v59;
	v35 =	vmul.f32 v35, v59;
	v59 =	vld [tilespmem:s22+$0x3DD0]  }
0x12e: {  	[tilespmem:s22+$0x3D60] =	vst v63;
	v63 =	vld [tilespmem:s22+$0x7DF0]  }
0x12f: {  	[tilespmem:s22+$0x3D00] =	vst v55;
	v38 =	vmul.f32 v38, v43;
	v55 =	vadd.f32 v62, v61;
	v61 =	vld [tilespmem:s22+$0x7E20]  }
0x130: {  	v41 =	vmul.f32 v41, v43;
	[tilespmem:s22+$0x3D80] =	vst v51;
	v51 =	vld [tilespmem:s22+$0x3E50]  }
0x131: {  	[tilespmem:s22+$0x3D90] =	vst v38;
	v38 =	vld [tilespmem:s22+$0x4270]  }
0x132: {  	[tilespmem:s22+$0x3DB0] =	vst v41;
	v41 =	vld [tilespmem:s22+$0x41F0]  }
0x133: {  	v36 =	vadd.f32 v57, v58;
	v57 =	vld [tilespmem:s22+$0x3E10]  }
0x134: {  	v58 =	vmul.f32 v55, v43;
	v55 =	vld [tilespmem:s22+$0x7E60]  }
0x135: {  	[tilespmem:s22+$0x3D70] =	vst v34;
	v34 =	vadd.f32 v60, v59;
	v60 =	vld [tilespmem:s22+$0x3E20]  }
0x136: {  	v36 =	vmul.f32 v36, v43;
	v59 =	vadd.f32 v63, v50;
	v63 =	vld [tilespmem:s22+$0x3E30]  }
0x137: {  	[tilespmem:s22+$0x3DE0] =	vst v58;
	v58 =	vld [tilespmem:s22+$0x3E70]  }
0x138: {  	[tilespmem:s22+$0x3DC0] =	vst v36;
	v36 =	vadd.f32 v52, v54;
	v52 =	vld [tilespmem:s22+$0x7E50]  }
0x139: {  	v54 =	vld [tilespmem:s22+$0x3E60]  }
0x13a: {  	v62 =	vmul.f32 v59, v43;
	v59 =	vld [tilespmem:s22+$0x7E70]  }
0x13b: {  	v53 =	vmul.f32 v37, v43;
	v47 =	vadd.f32 v56, v57;
	v57 =	vadd.f32 v49, v48;
	v48 =	vld [tilespmem:s22+$0x7E90]  }
0x13c: {  	v37 =	vperm.xlane v22, v5;
	[tilespmem:s22+$0x3DF0] =	vst v62;
	v62 =	vld [tilespmem:s22+$0x3E80]  }
0x13d: {  	[tilespmem:s22+$0x3DA0] =	vst v53;
	v34 =	vmul.f32 v34, v43;
	v53 =	vadd.f32 v45, v63;
	v63 =	vld [tilespmem:s22+$0x7E80]  }
0x13e: {  	v50 =	vmul.f32 v47, v37;
	v47 =	vld [tilespmem:s22+$0x3E90]  }
0x13f: {  	[tilespmem:s22+$0x3DD0] =	vst v34;
	v46 =	vmul.f32 v36, v37;
	v34 =	vadd.f32 v61, v60;
	v61 =	vadd.f32 v52, v51;
	v51 =	vld [tilespmem:s22+$0x3EA0]  }
0x140: {  	v52 =	vld [tilespmem:s22+$0x7EA0]  }
0x141: {  	[tilespmem:s22+$0x3E00] =	vst v46;
	v46 =	vadd.f32 v55, v54;
	v54 =	vld [tilespmem:s22+$0x3EB0]  }
0x142: {  	v55 =	vld [tilespmem:s22+$0x7EB0]  }
0x143: {  	[tilespmem:s22+$0x3E10] =	vst v50;
	v50 =	vadd.f32 v59, v58;
	v58 =	vld [tilespmem:s22+$0x3EC0]  }
0x144: {  	v59 =	vld [tilespmem:s22+$0x7EC0]  }
0x145: {  	v49 =	vmul.f32 v46, v37;
	v46 =	vld [tilespmem:s22+$0x3EE0]  }
0x146: {  	v56 =	vmul.f32 v53, v37;
	v53 =	vmul.f32 v50, v37;
	v50 =	vld [tilespmem:s22+$0x3EF0]  }
0x147: {  	v36 =	vadd.f32 v63, v62;
	v62 =	vld [tilespmem:s22+$0x3ED0]  }
0x148: {  	v63 =	vld [tilespmem:s22+$0x7ED0]  }
0x149: {  	v60 =	vmul.f32 v57, v37;
	v45 =	vmul.f32 v61, v37;
	v57 =	vadd.f32 v48, v47;
	v47 =	vld [tilespmem:s22+$0x7EE0]  }
0x14a: {  	v61 =	vadd.f32 v52, v51;
	v51 =	vld [tilespmem:s22+$0x7EF0]  }
0x14b: {  	[tilespmem:s22+$0x3E50] =	vst v45;
	v45 =	vadd.f32 v55, v54;
	v54 =	vld [tilespmem:s22+$0x3F00]  }
0x14c: {  	v55 =	vld [tilespmem:s22+$0x7F00]  }
0x14d: {  	[tilespmem:s22+$0x3E60] =	vst v49;
	v49 =	vadd.f32 v59, v58;
	v58 =	vld [tilespmem:s22+$0x3F10]  }
0x14e: {  	[tilespmem:s22+$0x3D30] =	vst v35;
	v35 =	vperm.xlane v22, v6;
	v59 =	vld [tilespmem:s22+$0x7F10]  }
0x14f: {  	[tilespmem:s22+$0x3E70] =	vst v53;
	v53 =	vadd.f32 v63, v62;
	v62 =	vld [tilespmem:s22+$0x3F20]  }
0x150: {  	[tilespmem:s22+$0x3E40] =	vst v60;
	v48 =	vmul.f32 v45, v35;
	v63 =	vld [tilespmem:s22+$0x7F20]  }
0x151: {  	[tilespmem:s22+$0x3E30] =	vst v56;
	v60 =	vmul.f32 v57, v35;
	v52 =	vmul.f32 v49, v35;
	v57 =	vadd.f32 v47, v46;
	v47 =	vld [tilespmem:s22+$0x3F30]  }
0x152: {  	[tilespmem:s22+$0x3EB0] =	vst v48;
	v48 =	vld [tilespmem:s22+$0x7F30]  }
0x153: {  	v56 =	vmul.f32 v36, v35;
	[tilespmem:s22+$0x3EC0] =	vst v52;
	v52 =	vld [tilespmem:s22+$0x7F40]  }
0x154: {  	v44 =	vmul.f32 v61, v35;
	v61 =	vadd.f32 v51, v50;
	v51 =	vld [tilespmem:s22+$0x3F40]  }
0x155: {  	[tilespmem:s22+$0x3E80] =	vst v56;
	v56 =	vmul.f32 v53, v35;
	v46 =	vadd.f32 v55, v54;
	v55 =	vld [tilespmem:s22+$0x3F50]  }
0x156: {  	[tilespmem:s22+$0x3E90] =	vst v60;
	v60 =	vmul.f32 v57, v35;
	v50 =	vadd.f32 v59, v58;
	v59 =	vld [tilespmem:s22+$0x3F60]  }
0x157: {  	[tilespmem:s22+$0x3ED0] =	vst v56;
	v56 =	vld [tilespmem:s22+$0x7F50]  }
0x158: {  	[tilespmem:s22+$0x3EE0] =	vst v60;
	v45 =	vmul.f32 v61, v35;
	v60 =	vld [tilespmem:s22+$0x7F60]  }
0x159: {  	v35 =	vperm.xlane v22, v7;
	v54 =	vadd.f32 v63, v62;
	v63 =	vld [tilespmem:s22+$0x3F70]  }
0x15a: {  	[tilespmem:s22+$0x3EF0] =	vst v45;
	v45 =	vld [tilespmem:s22+$0x7F70]  }
0x15b: {  	v49 =	vmul.f32 v46, v35;
	v58 =	vadd.f32 v48, v47;
	v48 =	vld [tilespmem:s22+$0x3F80]  }
0x15c: {  	v53 =	vmul.f32 v50, v35;
	v62 =	vadd.f32 v52, v51;
	v52 =	vld [tilespmem:s22+$0x3F90]  }
0x15d: {  	[tilespmem:s22+$0x3F00] =	vst v49;
	v49 =	vld [tilespmem:s22+$0x7F80]  }
0x15e: {  	v57 =	vmul.f32 v54, v35;
	[tilespmem:s22+$0x3F10] =	vst v53;
	v53 =	vld [tilespmem:s22+$0x7F90]  }
0x15f: {  	v47 =	vadd.f32 v56, v55;
	v56 =	vld [tilespmem:s22+$0x3FA0]  }
0x160: {  	v61 =	vmul.f32 v58, v35;
	[tilespmem:s22+$0x3F20] =	vst v57;
	v57 =	vld [tilespmem:s22+$0x7FA0]  }
0x161: {  	v51 =	vadd.f32 v60, v59;
	v60 =	vld [tilespmem:s22+$0x3FB0]  }
0x162: {  	v46 =	vmul.f32 v62, v35;
	[tilespmem:s22+$0x3F30] =	vst v61;
	v61 =	vld [tilespmem:s22+$0x7FB0]  }
0x163: {  	v55 =	vadd.f32 v45, v63;
	v45 =	vld [tilespmem:s22+$0x3FC0]  }
0x164: {  	[tilespmem:s22+$0x3F40] =	vst v46;
	v50 =	vmul.f32 v47, v35;
	v46 =	vld [tilespmem:s22+$0x7FC0]  }
0x165: {  	v59 =	vadd.f32 v49, v48;
	v49 =	vld [tilespmem:s22+$0x3FD0]  }
0x166: {  	v54 =	vmul.f32 v51, v35;
	[tilespmem:s22+$0x3F50] =	vst v50;
	v50 =	vld [tilespmem:s22+$0x7FD0]  }
0x167: {  	v63 =	vadd.f32 v53, v52;
	v53 =	vld [tilespmem:s22+$0x3FE0]  }
0x168: {  	[tilespmem:s22+$0x3F60] =	vst v54;
	v58 =	vmul.f32 v55, v35;
	v54 =	vld [tilespmem:s22+$0x7FE0]  }
0x169: {  	v48 =	vadd.f32 v57, v56;
	v57 =	vld [tilespmem:s22+$0x3FF0]  }
0x16a: {  	v35 =	vperm.xlane v22, v8;
	[tilespmem:s22+$0x3F70] =	vst v58;
	v58 =	vld [tilespmem:s22+$0x7FF0]  }
0x16b: {  	v52 =	vadd.f32 v61, v60;
	v61 =	vld [tilespmem:s22+$0x4000]  }
0x16c: {  	v62 =	vmul.f32 v59, v35;
	v56 =	vadd.f32 v46, v45;
	v45 =	vld [tilespmem:s22+$0x4010]  }
0x16d: {  	v46 =	vld [tilespmem:s22+$0x8010]  }
0x16e: {  	[tilespmem:s22+$0x3F80] =	vst v62;
	v62 =	vld [tilespmem:s22+$0x8000]  }
0x16f: {  	v60 =	vadd.f32 v50, v49;
	v49 =	vld [tilespmem:s22+$0x4020]  }
0x170: {  	v50 =	vld [tilespmem:s22+$0x8020]  }
0x171: {  	[tilespmem:s22+$0x3EA0] =	vst v44;
	v44 =	vadd.f32 v54, v53;
	v53 =	vld [tilespmem:s22+$0x4030]  }
0x172: {  	v54 =	vld [tilespmem:s22+$0x8030]  }
0x173: {  	v51 =	vmul.f32 v48, v35;
	v48 =	vadd.f32 v58, v57;
	v57 =	vld [tilespmem:s22+$0x4040]  }
0x174: {  	v58 =	vld [tilespmem:s22+$0x8040]  }
0x175: {  	v59 =	vmul.f32 v56, v35;
	v56 =	vadd.f32 v46, v45;
	v45 =	vld [tilespmem:s22+$0x4060]  }
0x176: {  	v46 =	vld [tilespmem:s22+$0x8060]  }
0x177: {  	v55 =	vmul.f32 v52, v35;
	v52 =	vadd.f32 v62, v61;
	v61 =	vld [tilespmem:s22+$0x4050]  }
0x178: {  	v62 =	vld [tilespmem:s22+$0x8050]  }
0x179: {  	v47 =	vmul.f32 v63, v35;
	v63 =	vmul.f32 v60, v35;
	v60 =	vadd.f32 v50, v49;
	v49 =	vld [tilespmem:s22+$0x4070]  }
0x17a: {  	v50 =	vld [tilespmem:s22+$0x8070]  }
0x17b: {  	[tilespmem:s22+$0x3F90] =	vst v47;
	v47 =	vmul.f32 v44, v35;
	v44 =	vadd.f32 v54, v53;
	v53 =	vld [tilespmem:s22+$0x4080]  }
0x17c: {  	[tilespmem:s22+$0x3FA0] =	vst v51;
	v54 =	vld [tilespmem:s22+$0x8080]  }
0x17d: {  	[tilespmem:s22+$0x3FB0] =	vst v55;
	v51 =	vmul.f32 v48, v35;
	v35 =	vperm.xlane v22, v9;
	v48 =	vadd.f32 v58, v57;
	v57 =	vld [tilespmem:s22+$0x4090]  }
0x17e: {  	[tilespmem:s22+$0x3FC0] =	vst v59;
	v58 =	vld [tilespmem:s22+$0x8090]  }
0x17f: {  	[tilespmem:s22+$0x3FD0] =	vst v63;
	v59 =	vmul.f32 v56, v35;
	v56 =	vadd.f32 v46, v45;
	v46 =	vld [tilespmem:s22+$0x40B0]  }
0x180: {  	[tilespmem:s22+$0x3FE0] =	vst v47;
	v55 =	vmul.f32 v52, v35;
	v47 =	vmul.f32 v44, v35;
	v52 =	vadd.f32 v62, v61;
	v61 =	vld [tilespmem:s22+$0x40A0]  }
0x181: {  	[tilespmem:s22+$0x3FF0] =	vst v51;
	v62 =	vld [tilespmem:s22+$0x80A0]  }
0x182: {  	[tilespmem:s22+$0x4030] =	vst v47;
	v47 =	vld [tilespmem:s22+$0x80B0]  }
0x183: {  	v63 =	vmul.f32 v60, v35;
	[tilespmem:s22+$0x4000] =	vst v55;
	v51 =	vmul.f32 v48, v35;
	v60 =	vadd.f32 v50, v49;
	v50 =	vld [tilespmem:s22+$0x40C0]  }
0x184: {  	[tilespmem:s22+$0x4010] =	vst v59;
	v45 =	vadd.f32 v54, v53;
	v54 =	vld [tilespmem:s22+$0x40D0]  }
0x185: {  	v59 =	vmul.f32 v56, v35;
	[tilespmem:s22+$0x4040] =	vst v51;
	v51 =	vld [tilespmem:s22+$0x80C0]  }
0x186: {  	[tilespmem:s22+$0x4020] =	vst v63;
	v55 =	vmul.f32 v52, v35;
	v49 =	vadd.f32 v58, v57;
	v58 =	vld [tilespmem:s22+$0x40E0]  }
0x187: {  	[tilespmem:s22+$0x4060] =	vst v59;
	v59 =	vld [tilespmem:s22+$0x80E0]  }
0x188: {  	v63 =	vmul.f32 v60, v35;
	[tilespmem:s22+$0x4050] =	vst v55;
	v55 =	vld [tilespmem:s22+$0x80D0]  }
0x189: {  	v53 =	vadd.f32 v62, v61;
	v62 =	vld [tilespmem:s22+$0x40F0]  }
0x18a: {  	[tilespmem:s22+$0x4070] =	vst v63;
	v63 =	vld [tilespmem:s22+$0x80F0]  }
0x18b: {  	v57 =	vadd.f32 v47, v46;
	v46 =	vld [tilespmem:s22+$0x4100]  }
0x18c: {  	v47 =	vld [tilespmem:s22+$0x8100]  }
0x18d: {  	v35 =	vperm.xlane v22, v10;
	v61 =	vadd.f32 v51, v50;
	v50 =	vld [tilespmem:s22+$0x4110]  }
0x18e: {  	v51 =	vld [tilespmem:s22+$0x8110]  }
0x18f: {  	v52 =	vmul.f32 v49, v35;
	v49 =	vadd.f32 v59, v58;
	v58 =	vld [tilespmem:s22+$0x4130]  }
0x190: {  	v59 =	vld [tilespmem:s22+$0x8130]  }
0x191: {  	v48 =	vmul.f32 v45, v35;
	v45 =	vadd.f32 v55, v54;
	v54 =	vld [tilespmem:s22+$0x4120]  }
0x192: {  	v55 =	vld [tilespmem:s22+$0x8120]  }
0x193: {  	v56 =	vmul.f32 v53, v35;
	v53 =	vadd.f32 v63, v62;
	v62 =	vld [tilespmem:s22+$0x4140]  }
0x194: {  	v63 =	vld [tilespmem:s22+$0x8140]  }
0x195: {  	v60 =	vmul.f32 v57, v35;
	v57 =	vadd.f32 v47, v46;
	v46 =	vld [tilespmem:s22+$0x4150]  }
0x196: {  	v47 =	vld [tilespmem:s22+$0x8150]  }
0x197: {  	v44 =	vmul.f32 v61, v35;
	v61 =	vadd.f32 v51, v50;
	v50 =	vld [tilespmem:s22+$0x4160]  }
0x198: {  	v51 =	vld [tilespmem:s22+$0x8160]  }
0x199: {  	[tilespmem:s22+$0x4090] =	vst v52;
	v52 =	vmul.f32 v49, v35;
	v49 =	vadd.f32 v59, v58;
	v58 =	vld [tilespmem:s22+$0x4180]  }
0x19a: {  	v34 =	vmul.f32 v34, v37;
	[tilespmem:s22+$0x4080] =	vst v48;
	v48 =	vmul.f32 v45, v35;
	v59 =	vld [tilespmem:s22+$0x8180]  }
0x19b: {  	[tilespmem:s22+$0x40A0] =	vst v56;
	v56 =	vmul.f32 v53, v35;
	v35 =	vperm.xlane v22, v11;
	v45 =	vadd.f32 v55, v54;
	v54 =	vld [tilespmem:s22+$0x4170]  }
0x19c: {  	[tilespmem:s22+$0x3E20] =	vst v34;
	v55 =	vld [tilespmem:s22+$0x8170]  }
0x19d: {  	[tilespmem:s22+$0x40C0] =	vst v44;
	v44 =	vmul.f32 v61, v35;
	v61 =	vld [tilespmem:s22+$0x4190]  }
0x19e: {  	v53 =	vadd.f32 v63, v62;
	v62 =	vld [tilespmem:s22+$0x8190]  }
0x19f: {  	[tilespmem:s22+$0x40B0] =	vst v60;
	v60 =	vmul.f32 v57, v35;
	v57 =	vadd.f32 v47, v46;
	v46 =	vld [tilespmem:s22+$0x81A0]  }
0x1a0: {  	v47 =	vld [tilespmem:s22+$0x41B0]  }
0x1a1: {  	[tilespmem:s22+$0x40D0] =	vst v48;
	v48 =	vmul.f32 v45, v35;
	v45 =	vld [tilespmem:s22+$0x41A0]  }
0x1a2: {  	v39 =	vadd.f32 v51, v50;
	v50 =	vld [tilespmem:s22+$0x81C0]  }
0x1a3: {  	v51 =	vld [tilespmem:s22+$0x41C0]  }
0x1a4: {  	[tilespmem:s22+$0x4120] =	vst v48;
	v48 =	vld [tilespmem:s22+$0x3C30]  }
0x1a5: {  	[tilespmem:s22+$0x40F0] =	vst v56;
	v56 =	vmul.f32 v53, v35;
	v37 =	vadd.f32 v59, v58;
	v59 =	vld [tilespmem:s22+$0x81E0]  }
0x1a6: {  	[tilespmem:s22+$0x4100] =	vst v60;
	v60 =	vmul.f32 v57, v35;
	v63 =	vadd.f32 v55, v54;
	v55 =	vld [tilespmem:s22+$0x81D0]  }
0x1a7: {  	[tilespmem:s22+$0x4140] =	vst v56;
	v56 =	vld [tilespmem:s22+$0x41D0]  }
0x1a8: {  	[tilespmem:s22+$0x4150] =	vst v60;
	v60 =	vld [tilespmem:s22+$0x41E0]  }
0x1a9: {  	v36 =	vadd.f32 v62, v61;
	v61 =	vld [tilespmem:s22+$0x3C20]  }
0x1aa: {  	v34 =	vmul.f32 v63, v35;
	v63 =	vld [tilespmem:s22+$0x81F0]  }
0x1ab: {  	v39 =	vmul.f32 v39, v35;
	v53 =	vadd.f32 v46, v45;
	v45 =	vld [tilespmem:s22+$0x8200]  }
0x1ac: {  	[tilespmem:s22+$0x40E0] =	vst v52;
	v46 =	vld [tilespmem:s22+$0x4200]  }
0x1ad: {  	v52 =	vmul.f32 v49, v35;
	[tilespmem:s22+$0x4160] =	vst v39;
	v39 =	vld [tilespmem:s22+$0x8270]  }
0x1ae: {  	v54 =	vadd.f32 v31, v47;
	v35 =	vperm.xlane v22, v12;
	v62 =	vadd.f32 v50, v51;
	v51 =	vld [tilespmem:s22+$0x8220]  }
0x1af: {  	v28 =	vadd.f32 v28, v48;
	v48 =	vld [tilespmem:s22+$0x8210]  }
0x1b0: {  	v58 =	vmul.f32 v54, v35;
	v54 =	vld [tilespmem:s22+$0x4230]  }
0x1b1: {  	[tilespmem:s22+$0x4130] =	vst v52;
	v52 =	vmul.f32 v36, v35;
	v36 =	vld [tilespmem:s22+$0x8260]  }
0x1b2: {  	[tilespmem:s22+$0x4110] =	vst v44;
	v49 =	vmul.f32 v37, v35;
	v44 =	vadd.f32 v55, v56;
	v55 =	vld [tilespmem:s22+$0x8230]  }
0x1b3: {  	v47 =	vadd.f32 v59, v60;
	v60 =	vld [tilespmem:s22+$0x4250]  }
0x1b4: {  	v57 =	vmul.f32 v53, v35;
	[tilespmem:s22+$0x4180] =	vst v49;
	v49 =	vld [tilespmem:s22+$0x4210]  }
0x1b5: {  	[tilespmem:s22+$0x4190] =	vst v52;
	v52 =	vld [tilespmem:s22+$0x4220]  }
0x1b6: {  	[tilespmem:s22+$0x41A0] =	vst v57;
	v57 =	vld [tilespmem:s22+$0x4240]  }
0x1b7: {  	v29 =	vadd.f32 v30, v29;
	v31 =	vperm.xlane v22, v1;
	[tilespmem:s22+$0x41B0] =	vst v58;
	v58 =	vld [tilespmem:s22+$0x8240]  }
0x1b8: {  	v27 =	vadd.f32 v27, v33;
	v43 =	vmul.f32 v62, v35;
	v26 =	vadd.f32 v26, v61;
	v61 =	vld [tilespmem:s22+$0x8250]  }
0x1b9: {  	v25 =	vadd.f32 v25, v32;
	v29 =	vmul.f32 v29, v31;
	v50 =	vadd.f32 v63, v41;
	v63 =	vld [tilespmem:s22+$0x4260]  }
0x1ba: {  	v27 =	vmul.f32 v27, v31;
	[tilespmem:s22+$0x41C0] =	vst v43;
	v43 =	vld [tilespmem:s22+$0x8280]  }
0x1bb: {  	v25 =	vmul.f32 v25, v31;
	[tilespmem:s22+$0x3C60] =	vst v29;
	v33 =	vadd.f32 v45, v46;
	v46 =	vld [tilespmem:s22+$0x4290];
	v26 =	vmul.f32 v26, v31  }
0x1bc: {  	v53 =	vperm.xlane v22, v13;
	[tilespmem:s22+$0x3C70] =	vst v27;
	v27 =	vmul.f32 v47, v35;
	v47 =	vld [tilespmem:s22+$0x8290]  }
0x1bd: {  	v28 =	vmul.f32 v28, v31;
	[tilespmem:s22+$0x3C20] =	vst v26;
	v26 =	vmul.f32 v50, v35;
	v50 =	vld [tilespmem:s22+$0x42A0]  }
0x1be: {  	[tilespmem:s22+$0x3C50] =	vst v25;
	v56 =	vmul.f32 v33, v53;
	v25 =	vadd.f32 v55, v54;
	v55 =	vld [tilespmem:s22+$0x42B0]  }
0x1bf: {  	[tilespmem:s22+$0x3C30] =	vst v28;
	v28 =	vadd.f32 v51, v52;
	v51 =	vld [tilespmem:s22+$0x82A0]  }
0x1c0: {  	v29 =	vmul.f32 v44, v35;
	[tilespmem:s22+$0x4200] =	vst v56;
	v56 =	vld [tilespmem:s22+$0x82B0]  }
0x1c1: {  	v41 =	vadd.f32 v61, v60;
	v60 =	vld [tilespmem:s22+$0x82C0]  }
0x1c2: {  	[tilespmem:s22+$0x41D0] =	vst v29;
	v29 =	vadd.f32 v48, v49;
	v49 =	vadd.f32 v39, v38;
	v39 =	vld [tilespmem:s22+$0x42E0]  }
0x1c3: {  	v45 =	vadd.f32 v36, v63;
	v63 =	vld [tilespmem:s22+$0x42D0]  }
0x1c4: {  	v36 =	vld [tilespmem:s22+$0x82D0]  }
0x1c5: {  	v54 =	vadd.f32 v43, v42;
	v43 =	vld [tilespmem:s22+$0x42F0]  }
0x1c6: {  	v37 =	vadd.f32 v58, v57;
	v58 =	vadd.f32 v47, v46;
	v46 =	vld [tilespmem:s22+$0x4300]  }
0x1c7: {  	v47 =	vld [tilespmem:s22+$0x8300];
	v59 =	vmul.f32 v29, v53  }
0x1c8: {  	v40 =	vmul.f32 v37, v53;
	v52 =	vmul.f32 v49, v53;
	v49 =	vld [tilespmem:s22+$0x4310]  }
0x1c9: {  	v44 =	vmul.f32 v41, v53;
	[tilespmem:s22+$0x4210] =	vst v59;
	v59 =	vld [tilespmem:s22+$0x42C0]  }
0x1ca: {  	[tilespmem:s22+$0x4240] =	vst v40;
	v40 =	vld [tilespmem:s22+$0x82E0]  }
0x1cb: {  	v62 =	vmul.f32 v28, v53;
	[tilespmem:s22+$0x4250] =	vst v44;
	v44 =	vld [tilespmem:s22+$0x82F0]  }
0x1cc: {  	[tilespmem:s22+$0x4270] =	vst v52;
	v52 =	vld [tilespmem:s22+$0x3C00]  }
0x1cd: {  	[tilespmem:s22+$0x4220] =	vst v62;
	v62 =	vadd.f32 v51, v50;
	v50 =	vld [tilespmem:s22+$0x8310]  }
0x1ce: {  	v51 =	vld [tilespmem:s22+$0x4320]  }
0x1cf: {  	v38 =	vadd.f32 v56, v55;
	v55 =	vld [tilespmem:s22+$0x8330]  }
0x1d0: {  	v56 =	vld [tilespmem:s22+$0x4330]  }
0x1d1: {  	[tilespmem:s22+$0x4170] =	vst v34;
	v25 =	vmul.f32 v25, v53;
	v30 =	vadd.f32 v36, v63;
	v63 =	vld [tilespmem:s22+$0x4350]  }
0x1d2: {  	[tilespmem:s22+$0x41E0] =	vst v27;
	v48 =	vmul.f32 v45, v53;
	v53 =	vperm.xlane v22, v14;
	v36 =	vld [tilespmem:s22+$0x4360]  }
0x1d3: {  	[tilespmem:s22+$0x41F0] =	vst v26;
	v27 =	vadd.f32 v47, v46;
	v47 =	vld [tilespmem:s22+$0x4390]  }
0x1d4: {  	[tilespmem:s22+$0x4230] =	vst v25;
	v57 =	vmul.f32 v54, v53;
	v37 =	vmul.f32 v62, v53;
	v62 =	vld [tilespmem:s22+$0x8350]  }
0x1d5: {  	[tilespmem:s22+$0x4260] =	vst v48;
	v42 =	vadd.f32 v60, v59;
	v59 =	vld [tilespmem:s22+$0x8340]  }
0x1d6: {  	v61 =	vmul.f32 v58, v53;
	[tilespmem:s22+$0x4280] =	vst v57;
	v60 =	vld [tilespmem:s22+$0x4340]  }
0x1d7: {  	v54 =	vperm.xlane v22, v15;
	v41 =	vmul.f32 v38, v53;
	[tilespmem:s22+$0x42A0] =	vst v37;
	v37 =	vld [tilespmem:s22+$0x8360]  }
0x1d8: {  	[tilespmem:s22+$0x4290] =	vst v61;
	v30 =	vmul.f32 v30, v53;
	v48 =	vadd.f32 v40, v39;
	v40 =	vld [tilespmem:s22+$0x4370]  }
0x1d9: {  	v57 =	vmul.f32 v27, v54;
	[tilespmem:s22+$0x42B0] =	vst v41;
	v41 =	vld [tilespmem:s22+$0x8370]  }
0x1da: {  	v28 =	vadd.f32 v44, v43;
	v44 =	vld [tilespmem:s22+$0x4380];
	[tilespmem:s22+$0x42D0] =	vst v30;
	v45 =	vmul.f32 v42, v53  }
0x1db: {  	v24 =	vadd.f32 v24, v52;
	v58 =	vadd.f32 v50, v49;
	[tilespmem:s22+$0x4300] =	vst v57;
	v50 =	vld [tilespmem:s22+$0x43A0];
	v25 =	vmul.f32 v48, v53  }
0x1dc: {  	v23 =	vadd.f32 v23, v51;
	v51 =	vld [tilespmem:s22+$0x83A0];
	v53 =	vmul.f32 v28, v53;
	[tilespmem:s22+$0x42C0] =	vst v45  }
0x1dd: {  	v35 =	vadd.f32 v55, v56;
	v55 =	vld [tilespmem:s22+$0x43C0];
	v24 =	vmul.f32 v24, v31;
	[tilespmem:s22+$0x42E0] =	vst v25  }
0x1de: {  	v56 =	vld [tilespmem:s22+$0x83C0];
	v61 =	vmul.f32 v58, v54;
	[tilespmem:s22+$0x42F0] =	vst v53  }
0x1df: {  	v57 =	vld [tilespmem:s22+$0x43D0];
	v23 =	vmul.f32 v23, v54;
	v43 =	vadd.f32 v62, v63;
	[tilespmem:s22+$0x3C00] =	vst v24  }
0x1e0: {  	v48 =	vld [tilespmem:s22+$0x8390];
	v38 =	vmul.f32 v35, v54;
	[tilespmem:s22+$0x4310] =	vst v61;
	v39 =	vadd.f32 v59, v60  }
0x1e1: {  	v58 =	vld [tilespmem:s22+$0x3C40];
	[tilespmem:s22+$0x4320] =	vst v23;
	v46 =	vmul.f32 v43, v54;
	v23 =	vadd.f32 v37, v36  }
0x1e2: {  	v45 =	vld [tilespmem:s22+$0x8380];
	[tilespmem:s22+$0x4330] =	vst v38;
	v49 =	vadd.f32 v41, v40;
	v42 =	vmul.f32 v39, v54  }
0x1e3: {  	v22 =	vperm.xlane v22, v16;
	v53 =	vld [tilespmem:s22+$0x43B0];
	v29 =	vadd.f32 v51, v50;
	[tilespmem:s22+$0x4350] =	vst v46;
	v23 =	vmul.f32 v23, v54  }
0x1e4: {  	v60 =	vld [tilespmem:s22+$0x43E0];
	v20 =	vadd.f32 v20, v57;
	v52 =	vmul.f32 v49, v54;
	[tilespmem:s22+$0x4340] =	vst v42  }
0x1e5: {  	v61 =	vld [tilespmem:s22+$0x3C10];
	v25 =	vadd.f32 v48, v47;
	v59 =	vmul.f32 v29, v22;
	[tilespmem:s22+$0x4360] =	vst v23  }
0x1e6: {  	v54 =	vld [tilespmem:s22+$0x83B0];
	v21 =	vadd.f32 v21, v58;
	v20 =	vmul.f32 v20, v22;
	[tilespmem:s22+$0x4370] =	vst v52  }
0x1e7: {  	v62 =	vld [tilespmem:s22+$0x43F0];
	v27 =	vadd.f32 v45, v44;
	v25 =	vmul.f32 v25, v22;
	[tilespmem:s22+$0x43A0] =	vst v59  }
0x1e8: {  	v63 =	vld [tilespmem:s22+$0x83F0];
	v23 =	vadd.f32 v56, v55;
	v21 =	vmul.f32 v21, v31;
	[tilespmem:s22+$0x43D0] =	vst v20  }
0x1e9: {  	v18 =	vadd.f32 v18, v60;
	v27 =	vmul.f32 v27, v22;
	[tilespmem:s22+$0x4390] =	vst v25  }
0x1ea: {  	v19 =	vadd.f32 v19, v61;
	v23 =	vmul.f32 v23, v22;
	[tilespmem:s22+$0x3C40] =	vst v21  }
0x1eb: {  	v24 =	vadd.f32 v54, v53;
	v18 =	vmul.f32 v18, v22;
	[tilespmem:s22+$0x4380] =	vst v27  }
0x1ec: {  	v19 =	vmul.f32 v19, v31;
	[tilespmem:s22+$0x43C0] =	vst v23  }
0x1ed: {  	v20 =	vadd.f32 v63, v62;
	v24 =	vmul.f32 v24, v22;
	[tilespmem:s22+$0x43E0] =	vst v18  }
0x1ee: {  	[tilespmem:s22+$0x3C10] =	vst v19  }
0x1ef: {  	s24 =	simm.s32 $0x1;
	v18 =	vmul.f32 v20, v22;
	[tilespmem:s22+$0x43B0] =	vst v24  }
.LBB2_26:
0x1f0: {  	s25 =	smov.u32 s24  }
0x1f1: {  	s26 =	sshll.u32 s24, $0x4;
	[tilespmem:s22+$0x43F0] =	vst v18;
	s22 =	sshll.u32 s24, $0xB;
	s25 =	sadd.s32 $0x1, s24  }
0x1f2: {  	p0 =	sne.s32 s24, $0x7;
	v18 =	vld [tilespmem:s22+$0x83E0]  }
0x1f3: {  	v20 =	vld [tilespmem:s22+$0x83D0]  }
0x1f4: {  	v22 =	vld [tilespmem:s22+$0x8320]  }
0x1f5: {  	v24 =	vld.idx.msk [tilespmem:v17+s26+$0xC00 ss:$0x1], $0xffff  }
0x1f6: {  	v25 =	vld.idx.msk [tilespmem:v17+s26+$0x400 ss:$0x1], $0xffff  }
0x1f7: {  	v19 =	vld [tilespmem:s22+$0x7C10]  }
0x1f8: {  	v28 =	vld [tilespmem:s22+$0x3C20]  }
0x1f9: {  	v29 =	vld [tilespmem:s22+$0x7C20]  }
0x1fa: {  	v27 =	vld [tilespmem:s22+$0x81B0]  }
0x1fb: {  	v26 =	vld [tilespmem:s22+$0x7C30]  }
0x1fc: {  	v23 =	vld [tilespmem:s22+$0x7C00]  }
0x1fd: {  	v21 =	vld [tilespmem:s22+$0x7C40]  }
0x1fe: {  	v30 =	vld.idx.msk [tilespmem:v25+s0+$0x0], $0xffff;
	v25 =	vadd.f32 v29, v28  }
0x1ff: {  	v28 =	vld [tilespmem:s22+$0x3C50]  }
0x200: {  	v29 =	vld [tilespmem:s22+$0x7C50]  }
0x201: {  	v31 =	vld [tilespmem:s22+$0x3C60]  }
0x202: {  	v32 =	vld [tilespmem:s22+$0x7C60]  }
0x203: {  	v33 =	vld [tilespmem:s22+$0x3C70]  }
0x204: {  	v30 =	vadd.f32 $1.000000020e-16, v30;
	v34 =	vld [tilespmem:s22+$0x7C70]  }
0x205: {  	v29 =	vadd.f32 v29, v28;
	v35 =	vld [tilespmem:s22+$0x3C80]  }
0x206: {  	v36 =	vld [tilespmem:s22+$0x7C80];
	(erf) = vrcp.f32 v30  }
0x207: {  	v30 =	vadd.f32 v32, v31;
	v31 =	vld [tilespmem:s22+$0x3C90]  }
0x208: {  	v32 =	vld [tilespmem:s22+$0x7C90]  }
0x209: {  	v28 =	vadd.f32 v34, v33;
	v33 =	vld [tilespmem:s22+$0x3CA0]  }
0x20a: {  	v34 =	vld [tilespmem:s22+$0x7CA0]  }
0x20b: {  	v35 =	vadd.f32 v36, v35;
	v36 =	vld [tilespmem:s22+$0x3CB0]  }
0x20c: {  	v37 =	vld [tilespmem:s22+$0x7CB0]  }
0x20d: {  	v31 =	vadd.f32 v32, v31;
	v32 =	vld [tilespmem:s22+$0x3CC0]  }
0x20e: {  	v38 =	vld [tilespmem:s22+$0x7CC0]  }
0x20f: {  	v33 =	vadd.f32 v34, v33;
	v34 =	vld [tilespmem:s22+$0x3CD0];
	v39 =	vpop (erf)  }
0x210: {  	v24 =	vmul.f32 v39, v24;
	v39 =	vld [tilespmem:s22+$0x7CD0]  }
0x211: {  	v36 =	vadd.f32 v37, v36;
	v37 =	vld [tilespmem:s22+$0x3CE0]  }
0x212: {  	v40 =	vld [tilespmem:s22+$0x7CE0]  }
0x213: {  	v32 =	vadd.f32 v38, v32;
	v38 =	vld [tilespmem:s22+$0x3CF0]  }
0x214: {  	v41 =	vld [tilespmem:s22+$0x7CF0]  }
0x215: {  	v34 =	vadd.f32 v39, v34;
	v39 =	vld [tilespmem:s22+$0x3D00]  }
0x216: {  	v42 =	vld [tilespmem:s22+$0x7D00]  }
0x217: {  	v37 =	vadd.f32 v40, v37;
	v40 =	vld [tilespmem:s22+$0x3D10]  }
0x218: {  	v43 =	vld [tilespmem:s22+$0x7D10]  }
0x219: {  	v44 =	vperm.xlane v24, v2;
	v38 =	vadd.f32 v41, v38;
	v41 =	vld [tilespmem:s22+$0x3D20]  }
0x21a: {  	v45 =	vld [tilespmem:s22+$0x7D20]  }
0x21b: {  	v32 =	vmul.f32 v32, v44;
	v38 =	vmul.f32 v38, v44;
	v39 =	vadd.f32 v42, v39;
	v42 =	vld [tilespmem:s22+$0x3D30]  }
0x21c: {  	v35 =	vmul.f32 v35, v44;
	v31 =	vmul.f32 v31, v44;
	v46 =	vld [tilespmem:s22+$0x7D30]  }
0x21d: {  	v36 =	vmul.f32 v36, v44;
	v37 =	vmul.f32 v37, v44;
	[tilespmem:s22+$0x3CF0] =	vst v38;
	v38 =	vadd.f32 v43, v40;
	v40 =	vld [tilespmem:s22+$0x3D40]  }
0x21e: {  	[tilespmem:s22+$0x3C90] =	vst v31;
	v31 =	vmul.f32 v34, v44;
	v34 =	vld [tilespmem:s22+$0x7D40]  }
0x21f: {  	v33 =	vmul.f32 v33, v44;
	[tilespmem:s22+$0x3CB0] =	vst v36;
	v36 =	vadd.f32 v45, v41;
	v41 =	vld [tilespmem:s22+$0x3D50]  }
0x220: {  	[tilespmem:s22+$0x3C80] =	vst v35;
	v35 =	vld [tilespmem:s22+$0x7D50]  }
0x221: {  	[tilespmem:s22+$0x3CA0] =	vst v33;
	v33 =	vadd.f32 v46, v42;
	v42 =	vld [tilespmem:s22+$0x3D60]  }
0x222: {  	[tilespmem:s22+$0x3CC0] =	vst v32;
	v32 =	vld [tilespmem:s22+$0x7D60]  }
0x223: {  	[tilespmem:s22+$0x3CE0] =	vst v37;
	v34 =	vadd.f32 v34, v40;
	v37 =	vld [tilespmem:s22+$0x3D70]  }
0x224: {  	[tilespmem:s22+$0x3CD0] =	vst v31;
	v31 =	vld [tilespmem:s22+$0x7D70]  }
0x225: {  	v40 =	vperm.xlane v24, v3;
	v35 =	vadd.f32 v35, v41;
	v41 =	vld [tilespmem:s22+$0x3D80]  }
0x226: {  	v43 =	vld [tilespmem:s22+$0x7D80]  }
0x227: {  	v38 =	vmul.f32 v38, v40;
	v35 =	vmul.f32 v35, v40;
	v32 =	vadd.f32 v32, v42;
	v42 =	vld [tilespmem:s22+$0x3D90]  }
0x228: {  	v33 =	vmul.f32 v33, v40;
	v34 =	vmul.f32 v34, v40;
	v44 =	vld [tilespmem:s22+$0x7D90]  }
0x229: {  	v39 =	vmul.f32 v39, v40;
	[tilespmem:s22+$0x3D50] =	vst v35;
	v32 =	vmul.f32 v32, v40;
	v31 =	vadd.f32 v31, v37;
	v35 =	vld [tilespmem:s22+$0x3DA0]  }
0x22a: {  	[tilespmem:s22+$0x3D10] =	vst v38;
	v37 =	vld [tilespmem:s22+$0x7DA0]  }
0x22b: {  	[tilespmem:s22+$0x3D60] =	vst v32;
	v31 =	vmul.f32 v31, v40;
	v32 =	vadd.f32 v43, v41;
	v38 =	vld [tilespmem:s22+$0x3DB0]  }
0x22c: {  	[tilespmem:s22+$0x3D40] =	vst v34;
	v34 =	vld [tilespmem:s22+$0x7DB0]  }
0x22d: {  	[tilespmem:s22+$0x3D70] =	vst v31;
	v31 =	vadd.f32 v44, v42;
	v41 =	vld [tilespmem:s22+$0x3DC0]  }
0x22e: {  	v36 =	vmul.f32 v36, v40;
	[tilespmem:s22+$0x3D30] =	vst v33;
	v33 =	vld [tilespmem:s22+$0x7DC0]  }
0x22f: {  	[tilespmem:s22+$0x3D00] =	vst v39;
	v35 =	vadd.f32 v37, v35;
	v37 =	vld [tilespmem:s22+$0x3DD0]  }
0x230: {  	[tilespmem:s22+$0x3D20] =	vst v36;
	v36 =	vld [tilespmem:s22+$0x7DD0]  }
0x231: {  	v39 =	vperm.xlane v24, v4;
	v34 =	vadd.f32 v34, v38;
	v38 =	vld [tilespmem:s22+$0x3DE0]  }
0x232: {  	v40 =	vld [tilespmem:s22+$0x7DE0]  }
0x233: {  	v35 =	vmul.f32 v35, v39;
	v34 =	vmul.f32 v34, v39;
	v33 =	vadd.f32 v33, v41;
	v41 =	vld [tilespmem:s22+$0x3DF0]  }
0x234: {  	v32 =	vmul.f32 v32, v39;
	v31 =	vmul.f32 v31, v39;
	v42 =	vld [tilespmem:s22+$0x7DF0]  }
0x235: {  	[tilespmem:s22+$0x3DB0] =	vst v34;
	v33 =	vmul.f32 v33, v39;
	v34 =	vadd.f32 v36, v37;
	v36 =	vld [tilespmem:s22+$0x3E00]  }
0x236: {  	[tilespmem:s22+$0x3D90] =	vst v31;
	v31 =	vld [tilespmem:s22+$0x7E00]  }
0x237: {  	[tilespmem:s22+$0x3DC0] =	vst v33;
	v33 =	vmul.f32 v34, v39;
	v34 =	vadd.f32 v40, v38;
	v37 =	vld [tilespmem:s22+$0x3E10]  }
0x238: {  	[tilespmem:s22+$0x3D80] =	vst v32;
	v32 =	vld [tilespmem:s22+$0x7E10]  }
0x239: {  	[tilespmem:s22+$0x3DA0] =	vst v35;
	v34 =	vmul.f32 v34, v39;
	v35 =	vadd.f32 v42, v41;
	v38 =	vld [tilespmem:s22+$0x3E20]  }
0x23a: {  	[tilespmem:s22+$0x3DD0] =	vst v33;
	v33 =	vld [tilespmem:s22+$0x7E20]  }
0x23b: {  	[tilespmem:s22+$0x3DE0] =	vst v34;
	v34 =	vmul.f32 v35, v39;
	v35 =	vperm.xlane v24, v5;
	v31 =	vadd.f32 v31, v36;
	v36 =	vld [tilespmem:s22+$0x3E30]  }
0x23c: {  	v39 =	vld [tilespmem:s22+$0x7E30]  }
0x23d: {  	[tilespmem:s22+$0x3DF0] =	vst v34;
	v31 =	vmul.f32 v31, v35;
	v32 =	vadd.f32 v32, v37;
	v34 =	vld [tilespmem:s22+$0x3E40]  }
0x23e: {  	v37 =	vld [tilespmem:s22+$0x7E40]  }
0x23f: {  	[tilespmem:s22+$0x3E00] =	vst v31;
	v31 =	vmul.f32 v32, v35;
	v32 =	vadd.f32 v33, v38;
	v33 =	vld [tilespmem:s22+$0x3E50]  }
0x240: {  	v38 =	vld [tilespmem:s22+$0x7E50]  }
0x241: {  	[tilespmem:s22+$0x3E10] =	vst v31;
	v31 =	vmul.f32 v32, v35;
	v32 =	vadd.f32 v39, v36;
	v36 =	vld [tilespmem:s22+$0x3E60]  }
0x242: {  	v39 =	vld [tilespmem:s22+$0x7E60]  }
0x243: {  	[tilespmem:s22+$0x3E20] =	vst v31;
	v31 =	vmul.f32 v32, v35;
	v32 =	vadd.f32 v37, v34;
	v34 =	vld [tilespmem:s22+$0x3E70]  }
0x244: {  	v37 =	vld [tilespmem:s22+$0x7E70]  }
0x245: {  	[tilespmem:s22+$0x3E30] =	vst v31;
	v31 =	vmul.f32 v32, v35;
	v32 =	vadd.f32 v38, v33;
	v33 =	vld [tilespmem:s22+$0x3E80]  }
0x246: {  	v38 =	vld [tilespmem:s22+$0x7E80]  }
0x247: {  	[tilespmem:s22+$0x3E40] =	vst v31;
	v31 =	vmul.f32 v32, v35;
	v32 =	vadd.f32 v39, v36;
	v36 =	vld [tilespmem:s22+$0x3E90]  }
0x248: {  	v39 =	vld [tilespmem:s22+$0x7E90]  }
0x249: {  	[tilespmem:s22+$0x3E50] =	vst v31;
	v31 =	vmul.f32 v32, v35;
	v32 =	vadd.f32 v37, v34;
	v34 =	vld [tilespmem:s22+$0x3EA0]  }
0x24a: {  	v37 =	vld [tilespmem:s22+$0x7EA0]  }
0x24b: {  	[tilespmem:s22+$0x3E60] =	vst v31;
	v31 =	vmul.f32 v32, v35;
	v32 =	vperm.xlane v24, v6;
	v33 =	vadd.f32 v38, v33;
	v35 =	vld [tilespmem:s22+$0x3EB0]  }
0x24c: {  	v38 =	vld [tilespmem:s22+$0x7EB0]  }
0x24d: {  	[tilespmem:s22+$0x3E70] =	vst v31;
	v31 =	vmul.f32 v33, v32;
	v33 =	vadd.f32 v39, v36;
	v36 =	vld [tilespmem:s22+$0x3EC0]  }
0x24e: {  	v39 =	vld [tilespmem:s22+$0x7EC0]  }
0x24f: {  	[tilespmem:s22+$0x3E80] =	vst v31;
	v31 =	vmul.f32 v33, v32;
	v33 =	vadd.f32 v37, v34;
	v34 =	vld [tilespmem:s22+$0x3ED0]  }
0x250: {  	v37 =	vld [tilespmem:s22+$0x7ED0]  }
0x251: {  	[tilespmem:s22+$0x3E90] =	vst v31;
	v31 =	vmul.f32 v33, v32;
	v33 =	vadd.f32 v38, v35;
	v35 =	vld [tilespmem:s22+$0x3EE0]  }
0x252: {  	v38 =	vld [tilespmem:s22+$0x7EE0]  }
0x253: {  	[tilespmem:s22+$0x3EA0] =	vst v31;
	v31 =	vmul.f32 v33, v32;
	v33 =	vadd.f32 v39, v36;
	v36 =	vld [tilespmem:s22+$0x3EF0]  }
0x254: {  	v39 =	vld [tilespmem:s22+$0x7EF0]  }
0x255: {  	[tilespmem:s22+$0x3EB0] =	vst v31;
	v31 =	vmul.f32 v33, v32;
	v33 =	vadd.f32 v37, v34;
	v34 =	vld [tilespmem:s22+$0x3F00]  }
0x256: {  	v37 =	vld [tilespmem:s22+$0x7F00]  }
0x257: {  	[tilespmem:s22+$0x3EC0] =	vst v31;
	v31 =	vmul.f32 v33, v32;
	v33 =	vadd.f32 v38, v35;
	v35 =	vld [tilespmem:s22+$0x3F10]  }
0x258: {  	v38 =	vld [tilespmem:s22+$0x7F10]  }
0x259: {  	[tilespmem:s22+$0x3ED0] =	vst v31;
	v31 =	vmul.f32 v33, v32;
	v33 =	vadd.f32 v39, v36;
	v36 =	vld [tilespmem:s22+$0x3F20]  }
0x25a: {  	v39 =	vld [tilespmem:s22+$0x7F20]  }
0x25b: {  	[tilespmem:s22+$0x3EE0] =	vst v31;
	v31 =	vmul.f32 v33, v32;
	v32 =	vperm.xlane v24, v7;
	v33 =	vadd.f32 v37, v34;
	v34 =	vld [tilespmem:s22+$0x3F30]  }
0x25c: {  	v37 =	vld [tilespmem:s22+$0x7F30]  }
0x25d: {  	[tilespmem:s22+$0x3EF0] =	vst v31;
	v31 =	vmul.f32 v33, v32;
	v33 =	vadd.f32 v38, v35;
	v35 =	vld [tilespmem:s22+$0x3F40]  }
0x25e: {  	v38 =	vld [tilespmem:s22+$0x7F40]  }
0x25f: {  	[tilespmem:s22+$0x3F00] =	vst v31;
	v31 =	vmul.f32 v33, v32;
	v33 =	vadd.f32 v39, v36;
	v36 =	vld [tilespmem:s22+$0x3F50]  }
0x260: {  	v39 =	vld [tilespmem:s22+$0x7F50]  }
0x261: {  	[tilespmem:s22+$0x3F10] =	vst v31;
	v31 =	vmul.f32 v33, v32;
	v33 =	vadd.f32 v37, v34;
	v34 =	vld [tilespmem:s22+$0x3F60]  }
0x262: {  	v37 =	vld [tilespmem:s22+$0x7F60]  }
0x263: {  	[tilespmem:s22+$0x3F20] =	vst v31;
	v31 =	vmul.f32 v33, v32;
	v33 =	vadd.f32 v38, v35;
	v35 =	vld [tilespmem:s22+$0x3F70]  }
0x264: {  	v38 =	vld [tilespmem:s22+$0x7F70]  }
0x265: {  	[tilespmem:s22+$0x3F30] =	vst v31;
	v31 =	vmul.f32 v33, v32;
	v33 =	vadd.f32 v39, v36;
	v36 =	vld [tilespmem:s22+$0x3F80]  }
0x266: {  	v39 =	vld [tilespmem:s22+$0x7F80]  }
0x267: {  	[tilespmem:s22+$0x3F40] =	vst v31;
	v31 =	vmul.f32 v33, v32;
	v33 =	vadd.f32 v37, v34;
	v34 =	vld [tilespmem:s22+$0x3F90]  }
0x268: {  	v37 =	vld [tilespmem:s22+$0x7F90]  }
0x269: {  	[tilespmem:s22+$0x3F50] =	vst v31;
	v31 =	vmul.f32 v33, v32;
	v33 =	vadd.f32 v38, v35;
	v35 =	vld [tilespmem:s22+$0x3FA0]  }
0x26a: {  	v38 =	vld [tilespmem:s22+$0x7FA0]  }
0x26b: {  	[tilespmem:s22+$0x3F60] =	vst v31;
	v31 =	vmul.f32 v33, v32;
	v32 =	vperm.xlane v24, v8;
	v33 =	vadd.f32 v39, v36;
	v36 =	vld [tilespmem:s22+$0x3FB0]  }
0x26c: {  	v39 =	vld [tilespmem:s22+$0x7FB0]  }
0x26d: {  	[tilespmem:s22+$0x3F70] =	vst v31;
	v31 =	vmul.f32 v33, v32;
	v33 =	vadd.f32 v37, v34;
	v34 =	vld [tilespmem:s22+$0x3FC0]  }
0x26e: {  	v37 =	vld [tilespmem:s22+$0x7FC0]  }
0x26f: {  	[tilespmem:s22+$0x3F80] =	vst v31;
	v31 =	vmul.f32 v33, v32;
	v33 =	vadd.f32 v38, v35;
	v35 =	vld [tilespmem:s22+$0x3FD0]  }
0x270: {  	v38 =	vld [tilespmem:s22+$0x7FD0]  }
0x271: {  	[tilespmem:s22+$0x3F90] =	vst v31;
	v31 =	vmul.f32 v33, v32;
	v33 =	vadd.f32 v39, v36;
	v36 =	vld [tilespmem:s22+$0x3FE0]  }
0x272: {  	v39 =	vld [tilespmem:s22+$0x7FE0]  }
0x273: {  	[tilespmem:s22+$0x3FA0] =	vst v31;
	v31 =	vmul.f32 v33, v32;
	v33 =	vadd.f32 v37, v34;
	v34 =	vld [tilespmem:s22+$0x3FF0]  }
0x274: {  	v37 =	vld [tilespmem:s22+$0x7FF0]  }
0x275: {  	[tilespmem:s22+$0x3FB0] =	vst v31;
	v31 =	vmul.f32 v33, v32;
	v33 =	vadd.f32 v38, v35;
	v35 =	vld [tilespmem:s22+$0x4000]  }
0x276: {  	v38 =	vld [tilespmem:s22+$0x8000]  }
0x277: {  	[tilespmem:s22+$0x3FC0] =	vst v31;
	v31 =	vmul.f32 v33, v32;
	v33 =	vadd.f32 v39, v36;
	v36 =	vld [tilespmem:s22+$0x4010]  }
0x278: {  	v39 =	vld [tilespmem:s22+$0x8010]  }
0x279: {  	[tilespmem:s22+$0x3FD0] =	vst v31;
	v31 =	vmul.f32 v33, v32;
	v33 =	vadd.f32 v37, v34;
	v34 =	vld [tilespmem:s22+$0x4020]  }
0x27a: {  	v37 =	vld [tilespmem:s22+$0x8020]  }
0x27b: {  	[tilespmem:s22+$0x3FE0] =	vst v31;
	v31 =	vmul.f32 v33, v32;
	v32 =	vperm.xlane v24, v9;
	v33 =	vadd.f32 v38, v35;
	v35 =	vld [tilespmem:s22+$0x4030]  }
0x27c: {  	v38 =	vld [tilespmem:s22+$0x8030]  }
0x27d: {  	[tilespmem:s22+$0x3FF0] =	vst v31;
	v31 =	vmul.f32 v33, v32;
	v33 =	vadd.f32 v39, v36;
	v36 =	vld [tilespmem:s22+$0x4040]  }
0x27e: {  	v39 =	vld [tilespmem:s22+$0x8040]  }
0x27f: {  	[tilespmem:s22+$0x4000] =	vst v31;
	v31 =	vmul.f32 v33, v32;
	v33 =	vadd.f32 v37, v34;
	v34 =	vld [tilespmem:s22+$0x4050]  }
0x280: {  	v37 =	vld [tilespmem:s22+$0x8050]  }
0x281: {  	[tilespmem:s22+$0x4010] =	vst v31;
	v31 =	vmul.f32 v33, v32;
	v33 =	vadd.f32 v38, v35;
	v35 =	vld [tilespmem:s22+$0x4060]  }
0x282: {  	v38 =	vld [tilespmem:s22+$0x8060]  }
0x283: {  	[tilespmem:s22+$0x4020] =	vst v31;
	v31 =	vmul.f32 v33, v32;
	v33 =	vadd.f32 v39, v36;
	v36 =	vld [tilespmem:s22+$0x4070]  }
0x284: {  	v39 =	vld [tilespmem:s22+$0x8070]  }
0x285: {  	[tilespmem:s22+$0x4030] =	vst v31;
	v31 =	vmul.f32 v33, v32;
	v33 =	vadd.f32 v37, v34;
	v34 =	vld [tilespmem:s22+$0x4080]  }
0x286: {  	v37 =	vld [tilespmem:s22+$0x8080]  }
0x287: {  	[tilespmem:s22+$0x4040] =	vst v31;
	v31 =	vmul.f32 v33, v32;
	v33 =	vadd.f32 v38, v35;
	v35 =	vld [tilespmem:s22+$0x4090]  }
0x288: {  	v38 =	vld [tilespmem:s22+$0x8090]  }
0x289: {  	[tilespmem:s22+$0x4050] =	vst v31;
	v31 =	vmul.f32 v33, v32;
	v33 =	vadd.f32 v39, v36;
	v36 =	vld [tilespmem:s22+$0x40A0]  }
0x28a: {  	v39 =	vld [tilespmem:s22+$0x80A0]  }
0x28b: {  	[tilespmem:s22+$0x4060] =	vst v31;
	v31 =	vmul.f32 v33, v32;
	v32 =	vperm.xlane v24, v10;
	v33 =	vadd.f32 v37, v34;
	v34 =	vld [tilespmem:s22+$0x40B0]  }
0x28c: {  	v37 =	vld [tilespmem:s22+$0x80B0]  }
0x28d: {  	[tilespmem:s22+$0x4070] =	vst v31;
	v31 =	vmul.f32 v33, v32;
	v33 =	vadd.f32 v38, v35;
	v35 =	vld [tilespmem:s22+$0x40C0]  }
0x28e: {  	v38 =	vld [tilespmem:s22+$0x80C0]  }
0x28f: {  	[tilespmem:s22+$0x4080] =	vst v31;
	v31 =	vmul.f32 v33, v32;
	v33 =	vadd.f32 v39, v36;
	v36 =	vld [tilespmem:s22+$0x40D0]  }
0x290: {  	v39 =	vld [tilespmem:s22+$0x80D0]  }
0x291: {  	[tilespmem:s22+$0x4090] =	vst v31;
	v31 =	vmul.f32 v33, v32;
	v33 =	vadd.f32 v37, v34;
	v34 =	vld [tilespmem:s22+$0x40E0]  }
0x292: {  	v37 =	vld [tilespmem:s22+$0x80E0]  }
0x293: {  	[tilespmem:s22+$0x40A0] =	vst v31;
	v31 =	vmul.f32 v33, v32;
	v33 =	vadd.f32 v38, v35;
	v35 =	vld [tilespmem:s22+$0x40F0]  }
0x294: {  	v38 =	vld [tilespmem:s22+$0x80F0]  }
0x295: {  	[tilespmem:s22+$0x40B0] =	vst v31;
	v31 =	vmul.f32 v33, v32;
	v33 =	vadd.f32 v39, v36;
	v36 =	vld [tilespmem:s22+$0x4100]  }
0x296: {  	v39 =	vld [tilespmem:s22+$0x8100]  }
0x297: {  	[tilespmem:s22+$0x40C0] =	vst v31;
	v31 =	vmul.f32 v33, v32;
	v33 =	vadd.f32 v37, v34;
	v34 =	vld [tilespmem:s22+$0x4110]  }
0x298: {  	v37 =	vld [tilespmem:s22+$0x8110]  }
0x299: {  	[tilespmem:s22+$0x40D0] =	vst v31;
	v31 =	vmul.f32 v33, v32;
	v33 =	vadd.f32 v38, v35;
	v35 =	vld [tilespmem:s22+$0x4120]  }
0x29a: {  	v38 =	vld [tilespmem:s22+$0x8120]  }
0x29b: {  	[tilespmem:s22+$0x40E0] =	vst v31;
	v31 =	vmul.f32 v33, v32;
	v32 =	vperm.xlane v24, v11;
	v33 =	vadd.f32 v39, v36;
	v36 =	vld [tilespmem:s22+$0x4130]  }
0x29c: {  	v39 =	vld [tilespmem:s22+$0x8130]  }
0x29d: {  	[tilespmem:s22+$0x40F0] =	vst v31;
	v31 =	vmul.f32 v33, v32;
	v33 =	vadd.f32 v37, v34;
	v34 =	vld [tilespmem:s22+$0x4140]  }
0x29e: {  	v37 =	vld [tilespmem:s22+$0x8140]  }
0x29f: {  	[tilespmem:s22+$0x4100] =	vst v31;
	v31 =	vmul.f32 v33, v32;
	v33 =	vadd.f32 v38, v35;
	v35 =	vld [tilespmem:s22+$0x4150]  }
0x2a0: {  	v38 =	vld [tilespmem:s22+$0x8150]  }
0x2a1: {  	[tilespmem:s22+$0x4110] =	vst v31;
	v31 =	vmul.f32 v33, v32;
	v33 =	vadd.f32 v39, v36;
	v36 =	vld [tilespmem:s22+$0x4160]  }
0x2a2: {  	v39 =	vld [tilespmem:s22+$0x8160]  }
0x2a3: {  	[tilespmem:s22+$0x4120] =	vst v31;
	v31 =	vmul.f32 v33, v32;
	v33 =	vadd.f32 v37, v34;
	v34 =	vld [tilespmem:s22+$0x4170]  }
0x2a4: {  	v37 =	vld [tilespmem:s22+$0x8170]  }
0x2a5: {  	[tilespmem:s22+$0x4130] =	vst v31;
	v31 =	vmul.f32 v33, v32;
	v33 =	vadd.f32 v38, v35;
	v35 =	vld [tilespmem:s22+$0x4180]  }
0x2a6: {  	v38 =	vld [tilespmem:s22+$0x8180]  }
0x2a7: {  	[tilespmem:s22+$0x4140] =	vst v31;
	v31 =	vmul.f32 v33, v32;
	v33 =	vadd.f32 v39, v36;
	v36 =	vld [tilespmem:s22+$0x4190]  }
0x2a8: {  	v39 =	vld [tilespmem:s22+$0x8190]  }
0x2a9: {  	[tilespmem:s22+$0x4150] =	vst v31;
	v31 =	vmul.f32 v33, v32;
	v33 =	vadd.f32 v37, v34;
	v34 =	vld [tilespmem:s22+$0x41A0]  }
0x2aa: {  	v37 =	vld [tilespmem:s22+$0x81A0]  }
0x2ab: {  	[tilespmem:s22+$0x4160] =	vst v31;
	v31 =	vmul.f32 v33, v32;
	v32 =	vperm.xlane v24, v12;
	v33 =	vadd.f32 v38, v35;
	v35 =	vld [tilespmem:s22+$0x41B0]  }
0x2ac: {  	v38 =	vld [tilespmem:s22+$0x3C30]  }
0x2ad: {  	[tilespmem:s22+$0x4170] =	vst v31;
	v31 =	vmul.f32 v33, v32;
	v33 =	vadd.f32 v39, v36;
	v36 =	vld [tilespmem:s22+$0x41C0]  }
0x2ae: {  	v39 =	vld [tilespmem:s22+$0x81C0]  }
0x2af: {  	[tilespmem:s22+$0x4180] =	vst v31;
	v31 =	vmul.f32 v33, v32;
	v33 =	vadd.f32 v37, v34;
	v34 =	vld [tilespmem:s22+$0x41D0]  }
0x2b0: {  	v35 =	vadd.f32 v27, v35;
	v37 =	vld [tilespmem:s22+$0x81D0]  }
0x2b1: {  	v27 =	vperm.xlane v24, v1;
	v26 =	vadd.f32 v26, v38;
	[tilespmem:s22+$0x4190] =	vst v31;
	v31 =	vmul.f32 v33, v32;
	v33 =	vld [tilespmem:s22+$0x41E0]  }
0x2b2: {  	v35 =	vmul.f32 v35, v32;
	v38 =	vld [tilespmem:s22+$0x81E0]  }
0x2b3: {  	v29 =	vmul.f32 v29, v27;
	v26 =	vmul.f32 v26, v27;
	[tilespmem:s22+$0x41A0] =	vst v31;
	v31 =	vadd.f32 v39, v36;
	v36 =	vld [tilespmem:s22+$0x41F0]  }
0x2b4: {  	v30 =	vmul.f32 v30, v27;
	[tilespmem:s22+$0x41B0] =	vst v35;
	v35 =	vld [tilespmem:s22+$0x81F0]  }
0x2b5: {  	[tilespmem:s22+$0x3C30] =	vst v26;
	v26 =	vmul.f32 v31, v32;
	v31 =	vadd.f32 v37, v34;
	v34 =	vld [tilespmem:s22+$0x4200]  }
0x2b6: {  	v28 =	vmul.f32 v28, v27;
	[tilespmem:s22+$0x3C60] =	vst v30;
	v30 =	vld [tilespmem:s22+$0x8200]  }
0x2b7: {  	[tilespmem:s22+$0x41C0] =	vst v26;
	v26 =	vmul.f32 v31, v32;
	v31 =	vadd.f32 v38, v33;
	v33 =	vld [tilespmem:s22+$0x4210]  }
0x2b8: {  	v25 =	vmul.f32 v25, v27;
	[tilespmem:s22+$0x3C70] =	vst v28;
	v28 =	vld [tilespmem:s22+$0x8210]  }
0x2b9: {  	[tilespmem:s22+$0x41D0] =	vst v26;
	v26 =	vmul.f32 v31, v32;
	v31 =	vadd.f32 v35, v36;
	v35 =	vld [tilespmem:s22+$0x4220]  }
0x2ba: {  	[tilespmem:s22+$0x3C20] =	vst v25;
	v25 =	vld [tilespmem:s22+$0x8220]  }
0x2bb: {  	[tilespmem:s22+$0x41E0] =	vst v26;
	v26 =	vmul.f32 v31, v32;
	v31 =	vperm.xlane v24, v13;
	v30 =	vadd.f32 v30, v34;
	v32 =	vld [tilespmem:s22+$0x4230]  }
0x2bc: {  	[tilespmem:s22+$0x3C50] =	vst v29;
	v29 =	vld [tilespmem:s22+$0x8230]  }
0x2bd: {  	[tilespmem:s22+$0x41F0] =	vst v26;
	v26 =	vmul.f32 v30, v31;
	v28 =	vadd.f32 v28, v33;
	v30 =	vld [tilespmem:s22+$0x4240]  }
0x2be: {  	v33 =	vld [tilespmem:s22+$0x8240]  }
0x2bf: {  	[tilespmem:s22+$0x4200] =	vst v26;
	v26 =	vmul.f32 v28, v31;
	v25 =	vadd.f32 v25, v35;
	v28 =	vld [tilespmem:s22+$0x4250]  }
0x2c0: {  	v34 =	vld [tilespmem:s22+$0x8250]  }
0x2c1: {  	[tilespmem:s22+$0x4210] =	vst v26;
	v25 =	vmul.f32 v25, v31;
	v26 =	vadd.f32 v29, v32;
	v29 =	vld [tilespmem:s22+$0x4260]  }
0x2c2: {  	v32 =	vld [tilespmem:s22+$0x8260]  }
0x2c3: {  	[tilespmem:s22+$0x4220] =	vst v25;
	v25 =	vmul.f32 v26, v31;
	v26 =	vadd.f32 v33, v30;
	v30 =	vld [tilespmem:s22+$0x4270]  }
0x2c4: {  	v33 =	vld [tilespmem:s22+$0x8270]  }
0x2c5: {  	[tilespmem:s22+$0x4230] =	vst v25;
	v25 =	vmul.f32 v26, v31;
	v26 =	vadd.f32 v34, v28;
	v28 =	vld [tilespmem:s22+$0x4280]  }
0x2c6: {  	v34 =	vld [tilespmem:s22+$0x8280]  }
0x2c7: {  	[tilespmem:s22+$0x4240] =	vst v25;
	v25 =	vmul.f32 v26, v31;
	v26 =	vadd.f32 v32, v29;
	v29 =	vld [tilespmem:s22+$0x4290]  }
0x2c8: {  	v32 =	vld [tilespmem:s22+$0x8290]  }
0x2c9: {  	[tilespmem:s22+$0x4250] =	vst v25;
	v25 =	vmul.f32 v26, v31;
	v26 =	vadd.f32 v33, v30;
	v30 =	vld [tilespmem:s22+$0x42A0]  }
0x2ca: {  	v33 =	vld [tilespmem:s22+$0x82A0]  }
0x2cb: {  	[tilespmem:s22+$0x4260] =	vst v25;
	v25 =	vmul.f32 v26, v31;
	v26 =	vperm.xlane v24, v14;
	v28 =	vadd.f32 v34, v28;
	v31 =	vld [tilespmem:s22+$0x42B0]  }
0x2cc: {  	v34 =	vld [tilespmem:s22+$0x82B0]  }
0x2cd: {  	[tilespmem:s22+$0x4270] =	vst v25;
	v25 =	vmul.f32 v28, v26;
	v28 =	vadd.f32 v32, v29;
	v29 =	vld [tilespmem:s22+$0x42C0]  }
0x2ce: {  	v32 =	vld [tilespmem:s22+$0x82C0]  }
0x2cf: {  	[tilespmem:s22+$0x4280] =	vst v25;
	v25 =	vmul.f32 v28, v26;
	v28 =	vadd.f32 v33, v30;
	v30 =	vld [tilespmem:s22+$0x42D0]  }
0x2d0: {  	v33 =	vld [tilespmem:s22+$0x82D0]  }
0x2d1: {  	[tilespmem:s22+$0x4290] =	vst v25;
	v25 =	vmul.f32 v28, v26;
	v28 =	vadd.f32 v34, v31;
	v31 =	vld [tilespmem:s22+$0x42E0]  }
0x2d2: {  	v34 =	vld [tilespmem:s22+$0x82E0]  }
0x2d3: {  	[tilespmem:s22+$0x42A0] =	vst v25;
	v25 =	vmul.f32 v28, v26;
	v28 =	vadd.f32 v32, v29;
	v29 =	vld [tilespmem:s22+$0x42F0]  }
0x2d4: {  	v32 =	vld [tilespmem:s22+$0x82F0]  }
0x2d5: {  	[tilespmem:s22+$0x42B0] =	vst v25;
	v25 =	vmul.f32 v28, v26;
	v28 =	vadd.f32 v33, v30;
	v30 =	vld [tilespmem:s22+$0x4300]  }
0x2d6: {  	v33 =	vld [tilespmem:s22+$0x8300]  }
0x2d7: {  	[tilespmem:s22+$0x42C0] =	vst v25;
	v25 =	vmul.f32 v28, v26;
	v28 =	vadd.f32 v34, v31;
	v31 =	vld [tilespmem:s22+$0x4310]  }
0x2d8: {  	v34 =	vld [tilespmem:s22+$0x8310]  }
0x2d9: {  	[tilespmem:s22+$0x42D0] =	vst v25;
	v25 =	vmul.f32 v28, v26;
	v28 =	vadd.f32 v32, v29;
	v29 =	vld [tilespmem:s22+$0x4320]  }
0x2da: {  	v32 =	vld [tilespmem:s22+$0x3C00]  }
0x2db: {  	[tilespmem:s22+$0x42E0] =	vst v25;
	v25 =	vmul.f32 v28, v26;
	v26 =	vperm.xlane v24, v15;
	v28 =	vadd.f32 v33, v30;
	v30 =	vld [tilespmem:s22+$0x4330]  }
0x2dc: {  	v33 =	vld [tilespmem:s22+$0x8330]  }
0x2dd: {  	[tilespmem:s22+$0x42F0] =	vst v25;
	v25 =	vmul.f32 v28, v26;
	v28 =	vadd.f32 v34, v31;
	v31 =	vld [tilespmem:s22+$0x4340]  }
0x2de: {  	v22 =	vadd.f32 v22, v29;
	v29 =	vld [tilespmem:s22+$0x8340]  }
0x2df: {  	v23 =	vadd.f32 v23, v32;
	[tilespmem:s22+$0x4300] =	vst v25;
	v25 =	vmul.f32 v28, v26;
	v28 =	vld [tilespmem:s22+$0x4350]  }
0x2e0: {  	v22 =	vmul.f32 v22, v26;
	v32 =	vld [tilespmem:s22+$0x8350]  }
0x2e1: {  	v23 =	vmul.f32 v23, v27;
	[tilespmem:s22+$0x4310] =	vst v25;
	v25 =	vadd.f32 v33, v30;
	v30 =	vld [tilespmem:s22+$0x4360]  }
0x2e2: {  	[tilespmem:s22+$0x4320] =	vst v22;
	v22 =	vld [tilespmem:s22+$0x8360]  }
0x2e3: {  	[tilespmem:s22+$0x3C00] =	vst v23;
	v23 =	vmul.f32 v25, v26;
	v25 =	vadd.f32 v29, v31;
	v29 =	vld [tilespmem:s22+$0x4370]  }
0x2e4: {  	v31 =	vld [tilespmem:s22+$0x8370]  }
0x2e5: {  	[tilespmem:s22+$0x4330] =	vst v23;
	v23 =	vmul.f32 v25, v26;
	v25 =	vadd.f32 v32, v28;
	v28 =	vld [tilespmem:s22+$0x4380]  }
0x2e6: {  	v32 =	vld [tilespmem:s22+$0x8380]  }
0x2e7: {  	[tilespmem:s22+$0x4340] =	vst v23;
	v23 =	vmul.f32 v25, v26;
	v22 =	vadd.f32 v22, v30;
	v25 =	vld [tilespmem:s22+$0x4390]  }
0x2e8: {  	v30 =	vld [tilespmem:s22+$0x8390]  }
0x2e9: {  	[tilespmem:s22+$0x4350] =	vst v23;
	v22 =	vmul.f32 v22, v26;
	v23 =	vadd.f32 v31, v29;
	v29 =	vld [tilespmem:s22+$0x43A0]  }
0x2ea: {  	v31 =	vld [tilespmem:s22+$0x83A0]  }
0x2eb: {  	[tilespmem:s22+$0x4360] =	vst v22;
	v22 =	vmul.f32 v23, v26;
	v23 =	vperm.xlane v24, v16;
	v24 =	vadd.f32 v32, v28;
	v26 =	vld [tilespmem:s22+$0x43B0]  }
0x2ec: {  	v28 =	vld [tilespmem:s22+$0x83B0]  }
0x2ed: {  	[tilespmem:s22+$0x4370] =	vst v22;
	v22 =	vmul.f32 v24, v23;
	v24 =	vadd.f32 v30, v25;
	v25 =	vld [tilespmem:s22+$0x43C0]  }
0x2ee: {  	v30 =	vld [tilespmem:s22+$0x83C0]  }
0x2ef: {  	[tilespmem:s22+$0x4380] =	vst v22;
	v22 =	vmul.f32 v24, v23;
	v24 =	vadd.f32 v31, v29;
	v29 =	vld [tilespmem:s22+$0x43D0]  }
0x2f0: {  	v31 =	vld [tilespmem:s22+$0x3C40]  }
0x2f1: {  	[tilespmem:s22+$0x4390] =	vst v22;
	v22 =	vmul.f32 v24, v23;
	v24 =	vadd.f32 v28, v26;
	v26 =	vld [tilespmem:s22+$0x43E0]  }
0x2f2: {  	v28 =	vld [tilespmem:s22+$0x3C10]  }
0x2f3: {  	[tilespmem:s22+$0x43A0] =	vst v22;
	v22 =	vmul.f32 v24, v23;
	v24 =	vadd.f32 v30, v25;
	v25 =	vld [tilespmem:s22+$0x43F0]  }
0x2f4: {  	v20 =	vadd.f32 v20, v29;
	v29 =	vld [tilespmem:s22+$0x83F0]  }
0x2f5: {  	v21 =	vadd.f32 v21, v31;
	[tilespmem:s22+$0x43B0] =	vst v22;
	v22 =	vmul.f32 v24, v23  }
0x2f6: {  	v20 =	vmul.f32 v20, v23;
	v18 =	vadd.f32 v18, v26  }
.Ltmp11:
0x2f7: {  	v19 =	vadd.f32 v19, v28;
	v21 =	vmul.f32 v21, v27;
	[tilespmem:s22+$0x43C0] =	vst v22;
	(pc) =	sbr.rel @p0 .LBB2_26-.Ltmp11, $4  }
0x2f8: {  	[tilespmem:s22+$0x43D0] =	vst v20;
	v18 =	vmul.f32 v18, v23  }
0x2f9: {  	v19 =	vmul.f32 v19, v27;
	[tilespmem:s22+$0x3C40] =	vst v21;
	v20 =	vadd.f32 v29, v25  }
0x2fa: {  	[tilespmem:s22+$0x43E0] =	vst v18  }
0x2fb: {  	s24 =	smov.u32 s25;
	[tilespmem:s22+$0x3C10] =	vst v19;
	v18 =	vmul.f32 v20, v23  }
0x2fc: {  	s20 =	sadd.s32 $0x1, s20  }
0x2fd: {  	p0 =	sne.s32 s20, $0x8  }
.Ltmp12:
0x2fe: {  	s21 =	sadd.s32 $0x400, s21;
	[tilespmem:s22+$0x43F0] =	vst v18;
	(pc) =	sbr.rel @p0 .LBB2_25-.Ltmp12, $4  }
0x2ff: {  	[spmem:s4] =	stream.indirect.scatter.add.f32 [tilespmem:s10], [sflag:$0x3], $0x80, s21, s30, $0xb8;
	[tilespmem:$0x1F800] =	vst v63  }
0x300: {  	_ =	swait.ge [sflag:s5], $0x4000  }
0x301: {  	[sflag:s5] =	ssyncset.done $0x0  }
0x302: {  	[sflag:s5] =	ssyncadd.s32 $0xFFFFC000  }
0x303: {  	s18 =	sadd.s32 $0x1, s18  }
0x304: {  	p0 =	sne.s32 s18, $0xA  }
.Ltmp13:
0x305: {  	_ = 	snop;
	(pc) =	sbr.rel @p0 .LBB2_24-.Ltmp13, $1  }
0x306: {  	_ =	sdelay $0x3  }
0x307: {  	s17 =	stileid.u32  }
0x308: {  	[bflag:$0x0] =	sbarrier.arrive $0xFFFF;
	s17 =	sshll.u32 s17, $0x6  }
0x309: {  	s18 =	sshrl.u32 s19, $0x3;
	s20 =	rddreg [dreg:$0x11];
	s17 =	sor.u32 $0x1C03, s17  }
0x30a: {  	[hbm:s20], [sflag:s17] =	dma.local [spmem:s18], $0x2780  }
0x30b: {  	_ =	swait.ge [sflag:s5], $0x2780  }
0x30c: {  	s6 =	sadd.s32 $0x1, s6;
	s26 =	rddreg [dreg:$0x12]  }
0x30d: {  	p0 =	sne.s32 s6, s26  }
.Ltmp14:
0x30e: {  	_ = 	snop;
	(pc) =	sbr.rel @p0 .LBB2_1-.Ltmp14, $3  }
0x30f: {  	_ =	sdelay $0x1  }
0x310: {  	[sflag:s5] =	ssyncset.done $0x0  }
0x311: {  	[sflag:s5] =	ssyncadd.s32 $0xFFFFD880  }
0x312: {  	_ =	sfence.sel $0x180000  }
0x313: {  	[bflag:$0x0] =	sbarrier.arrive $0xFFFF  }
0x314: {  	_ =	strace $0x9000004D  }
0x315: {  	s0 =	stileid.u32;
	[bflag:$0x2] =	sbarrier.arrive $0xFFFF  }
0x316: {  	p0 =	sne.s32 s0, $0x0;
	s0 =	rddreg [dreg:$0x4]  }
0x317: {  	s0 =	sadd.s32 @!p0 $0x100000, s0  }
0x318: {  	[sflag:s0] =	ssyncadd.tile.s32 @!p0 $0x1;
	_ =	shalt  }
.Lfunc_end2:
_tile_overlayer_lowered:
.L_overlay_start_2:
0x319: {  	(tag) =	ssettag $0x2  }
0x31a: {  	s0 =	rddreg [dreg:$0x0];
	s2 =	stileid.u32  }
0x31b: {  	s1 =	rddreg [dreg:$0x1];
	p0 =	sne.s32 s2, $0x0  }
0x31c: {  	s3 =	rddreg [dreg:$0x2];
	[bflag:$0x3] =	sbarrier.arrive $0xFFFF;
	s2 =	simm.s32 @!p0 $0x1C03  }
0x31d: {  	[timem:s3], [sflag:s2] =	dma.local @!p0 [hbm:s0], s1  }
0x31e: {  	s0 =	simm.s32 @!p0 $0x3  }
0x31f: {  	_ =	swait.ge @!p0 [sflag:s0], s1  }
0x320: {  	s1 =	ssub.s32 @!p0 $0x0, s1;
	[sflag:s0] =	ssyncset.done @!p0 $0x0  }
0x321: {  	[sflag:s0] =	ssyncadd.s32 @!p0 s1  }
0x322: {  	[bflag:$0x3] =	sbarrier.arrive $0xFFFF  }
0x323: {  	_ =	shalt  }

// kernel: kernel.7.cloned.1.call-start
scs
__scs_entry_jumppad:
0x0: {  	(pc) =	sbr.rel $0x88, $3  }
0x1: {  	(tag) =	ssettag $0x0;
	lr =	simm.s32 $0x1  }
0x2: {  	[smem:$0x3F9A] =	sst lr;
	_ =	strace $0xD0000000  }
0x3: {  	_ = 	snop  }
0x4: {  	_ = 	snop  }
0x5: {  	_ = 	snop  }
0x6: {  	_ = 	snop  }
0x7: {  	_ = 	snop  }
__scs_overlays_trampoline_lowered:
0x8: {  	[smem:$0x3FA9] =	sst s0  }
0x9: {  	[smem:$0x3FAA] =	sst s1  }
0xa: {  	[smem:$0x3FAB] =	sst s2  }
0xb: {  	[smem:$0x3FAC] =	sst s3  }
0xc: {  	[smem:$0x3FAD] =	sst s4  }
0xd: {  	[smem:$0x3FAE] =	sst s5  }
0xe: {  	[smem:$0x3FAF] =	sst s6  }
0xf: {  	[smem:$0x3FB0] =	sst s7  }
0x10: {  	[smem:$0x3FB1] =	sst s8  }
0x11: {  	[smem:$0x3FB2] =	sst s9;
	s0 =	simm.s32 @!p0 $0x0  }
0x12: {  	s1 =	sld [smem:$0x3F98];
	s0 =	simm.s32 @p0 $0x1  }
0x13: {  	[smem:$0x3FB3] =	sst s0;
	s0 =	simm.s32 @!p1 $0x0  }
0x14: {  	s2 =	sld [smem:$0x3F97];
	s0 =	simm.s32 @p1 $0x1  }
0x15: {  	[smem:$0x3FB4] =	sst s0;
	s0 =	simm.s32 @!p2 $0x0  }
0x16: {  	s3 =	sld [smem:$0x3FDB];
	s0 =	simm.s32 @p2 $0x1  }
0x17: {  	s4 =	simm.s32 $0x1BF5;
	[smem:$0x3FB6] =	sst s0  }
0x18: {  	s0 =	sld [smem:$0x3F99];
	_ =	swait.ge [sflag:s4], $0x0  }
0x19: {  	s7 =	sld [smem:$0x3F9A]  }
0x1a: {  	s8 =	sadd.s32 $0xFFFFE003, lr  }
0x1b: {  	s9 =	sadd.s32 $0xFFFFFEF7, lr;
	s5 =	simm.s32 $0xFFFFFFFF;
	p2 =	slt.u32 s8, $0xFFFFF086  }
0x1c: {  	p1 =	slt.u32 s9, $0xF7A;
	s5 =	simm.s32 @!p2 $0x0  }
0x1d: {  	s5 =	simm.s32 @p1 $0x1;
	p0 =	seq.s32 s7, s2  }
0x1e: {  	s7 =	smul.u32 @!p0 $0xF7A, s2;
	p2 =	seq.s32 @!p0 s5, $0x0  }
0x1f: {  	s9 =	smul.u32 $0xF7A, s1;
	s8 =	simm.s32 @!p0 $0x1BF5;
	p2 =	por !p2, p0  }
0x20: {  	[sflag:s8] =	ssyncset.s32 @!p0 $0xFFFFF086;
	s6 =	sadd.s32 @!p0 s3, s7;
	s7 =	simm.s32 @!p0 $0x108  }
0x21: {  	s3 =	sadd.s32 s3, s9;
	s6 =	sadd.s32 @!p0 $0x88, s6;
	s7 =	simm.s32 @p2 $0x1082  }
0x22: {  	[simem:s7], [sflag:s8] =	dma.local @!p0 [hbm:s6], $0xF7A  }
0x23: {  	s9 =	sor.u32 $0xD0000000, s2;
	s6 =	simm.s32 $0x108;
	_ =	swait.ge @!p0 [sflag:s8], $0x0  }
0x24: {  	s3 =	sadd.s32 $0x88, s3;
	s6 =	simm.s32 @!p1 $0x1082;
	[sflag:s4] =	ssyncset.s32 $0xFFFFF086  }
0x25: {  	[simem:s6], [sflag:s4] =	dma.local [hbm:s3], $0xF7A  }
0x26: {  	[smem:$0x3F9A] =	sst s1;
	(tag) =	ssettag s2;
	_ =	strace s9  }
0x27: {  	s1 =	sld [smem:$0x3FAA]  }
0x28: {  	s2 =	sld [smem:$0x3FAB]  }
0x29: {  	s4 =	sld [smem:$0x3FAD]  }
0x2a: {  	p0 =	seq.s32 s5, $0x0;
	s5 =	sld [smem:$0x3FAE]  }
0x2b: {  	s6 =	sld [smem:$0x3FAF]  }
0x2c: {  	s7 =	sld [smem:$0x3FB0]  }
0x2d: {  	s3 =	simm.s32 $0x108;
	s8 =	sld [smem:$0x3FB1]  }
0x2e: {  	s3 =	simm.s32 @!p0 $0x1082;
	s9 =	sld [smem:$0x3FB2]  }
0x2f: {  	lr =	sadd.s32 s0, s3;
	s0 =	sld [smem:$0x3FA9]  }
0x30: {  	s3 =	sld [smem:$0x3FAC]  }
0x31: {  	[smem:$0x3FB5] =	sst s10  }
0x32: {  	s10 =	sld [smem:$0x3FB3];
	_ =	sdelay $0x3  }
0x33: {  	p0 =	seq.s32 s10, $0x1;
	s10 =	sld [smem:$0x3FB5];
	_ =	sdelay $0x3  }
0x34: {  	[smem:$0x3FB5] =	sst s10  }
0x35: {  	s10 =	sld [smem:$0x3FB4];
	_ =	sdelay $0x3  }
0x36: {  	p1 =	seq.s32 s10, $0x1;
	s10 =	sld [smem:$0x3FB5];
	_ =	sdelay $0x3  }
0x37: {  	[smem:$0x3FB5] =	sst s10  }
0x38: {  	s10 =	sld [smem:$0x3FB6]  }
0x39: {  	_ = 	snop;
	(pc) =	sbr.ind lr, $3  }
0x3a: {  	_ = 	snop  }
0x3b: {  	_ = 	snop  }
0x3c: {  	p2 =	seq.s32 s10, $0x1;
	s10 =	sld [smem:$0x3FB5]  }
0x3d: {  	_ =	shalt  }
0x3e: {  	_ =	shalt  }
0x3f: {  	_ =	shalt  }
0x40: {  	_ =	shalt  }
0x41: {  	_ =	shalt  }
0x42: {  	_ =	shalt  }
0x43: {  	_ =	shalt  }
0x44: {  	_ =	shalt  }
0x45: {  	_ =	shalt  }
0x46: {  	_ =	shalt  }
0x47: {  	_ =	shalt  }
0x48: {  	_ =	shalt  }
0x49: {  	_ =	shalt  }
0x4a: {  	_ =	shalt  }
0x4b: {  	_ =	shalt  }
0x4c: {  	_ =	shalt  }
0x4d: {  	_ =	shalt  }
0x4e: {  	_ =	shalt  }
0x4f: {  	_ =	shalt  }
0x50: {  	_ =	shalt  }
0x51: {  	_ =	shalt  }
0x52: {  	_ =	shalt  }
0x53: {  	_ =	shalt  }
0x54: {  	_ =	shalt  }
0x55: {  	_ =	shalt  }
0x56: {  	_ =	shalt  }
0x57: {  	_ =	shalt  }
0x58: {  	_ =	shalt  }
0x59: {  	_ =	shalt  }
0x5a: {  	_ =	shalt  }
0x5b: {  	_ =	shalt  }
0x5c: {  	_ =	shalt  }
0x5d: {  	_ =	shalt  }
0x5e: {  	_ =	shalt  }
0x5f: {  	_ =	shalt  }
0x60: {  	_ =	shalt  }
0x61: {  	_ =	shalt  }
0x62: {  	_ =	shalt  }
0x63: {  	_ =	shalt  }
0x64: {  	_ =	shalt  }
0x65: {  	_ =	shalt  }
0x66: {  	_ =	shalt  }
0x67: {  	_ =	shalt  }
0x68: {  	_ =	shalt  }
0x69: {  	_ =	shalt  }
0x6a: {  	_ =	shalt  }
0x6b: {  	_ =	shalt  }
0x6c: {  	_ =	shalt  }
0x6d: {  	_ =	shalt  }
0x6e: {  	_ =	shalt  }
0x6f: {  	_ =	shalt  }
0x70: {  	_ =	shalt  }
0x71: {  	_ =	shalt  }
0x72: {  	_ =	shalt  }
0x73: {  	_ =	shalt  }
0x74: {  	_ =	shalt  }
0x75: {  	_ =	shalt  }
0x76: {  	_ =	shalt  }
0x77: {  	_ =	shalt  }
0x78: {  	_ =	shalt  }
0x79: {  	_ =	shalt  }
0x7a: {  	_ =	shalt  }
0x7b: {  	_ =	shalt  }
0x7c: {  	_ =	shalt  }
0x7d: {  	_ =	shalt  }
0x7e: {  	_ =	shalt  }
0x7f: {  	_ =	shalt  }
0x80: {  	_ =	shalt  }
0x81: {  	_ =	shalt  }
0x82: {  	_ =	shalt  }
0x83: {  	_ =	shalt  }
0x84: {  	_ =	shalt  }
0x85: {  	_ =	shalt  }
0x86: {  	_ =	shalt  }
0x87: {  	_ =	shalt  }
.Lfunc_end0:
.L_simem_size_0:
called_computation_lowered:
.L_overlay_start_0:
0x88: {  	s2 =	sld [smem:$0x3FD9]  }
0x89: {  	s3 =	sld [smem:$0x3FFE];
	_ =	sdelay $0x1  }
0x8a: {  	s1 =	srdreg.scid  }
0x8b: {  	s0 =	sand.u32 $0x1, s1  }
0x8c: {  	s16 =	sshll.u32 s0, $0xA;
	s2 =	sadd.s32 s3, s2  }
0x8d: {  	s2 =	sadd.s32 s2, s16  }
0x8e: {  	[smem:$0x3FC1] =	sst s2  }
0x8f: {  	_ = 	snop  }
0x90: {  	(tm) =	ssettm $0x1  }
0x91: {  	s17 =	sld [smem:$0x3FFB];
	_ =	sdelay $0x3  }
0x92: {  	_ =	strace s17  }
0x93: {  	s2 =	sld [smem:$0x3FFC];
	_ =	sdelay $0x3  }
0x94: {  	_ =	strace s2  }
0x95: {  	s2 =	sld [smem:$0x3FFD];
	_ =	sdelay $0x3  }
0x96: {  	_ =	strace s2  }
0x97: {  	_ =	strace $0x8FFFFFFF  }
0x98: {  	s18 =	sld [smem:$0x3FDB];
	_ =	sdelay $0x1  }
0x99: {  	s19 =	simm.s32 $_scs_section_size  }
0x9a: {  	s4 =	simm.s32 $_size__tile_overlayer_lowered;
	s5 =	simm.s32 $_tile_overlayer_lowered  }
0x9b: {  	s22 =	simm.s32 $0x1BFF;
	s21 =	sshll.u32 s5, $0x1;
	s2 =	sadd.s32 s19, s18  }
0x9c: {  	s6 =	simm.s32 $0x0;
	s20 =	sshll.u32 s4, $0x1;
	s4 =	sadd.s32 s21, s2  }
0x9d: {  	[timem:s6], [sflag:s22] =	dma.local [hbm:s4], s20  }
0x9e: {  	_ =	swait.ge [sflag:s22], s20  }
0x9f: {  	s3 =	ssub.s32 $0x0, s20;
	[sflag:s22] =	ssyncset.done $0x0  }
0xa0: {  	[sflag:s22] =	ssyncadd.s32 s3;
	_ =	sdelay $0x1  }
0xa1: {  	s23 =	simm.s32 $0x1B8B  }
0xa2: {  	_ =	swait.ge [sflag:s23], $0x1  }
0xa3: {  	[sflag:s23] =	ssyncset.done $0x0  }
0xa4: {  	s25 =	simm.s32 $0x1B8E;
	s24 =	sld [smem:$0x3FFE];
	[sflag:s23] =	ssyncadd.s32 $0xFFFFFFFF  }
0xa5: {  	s26 =	simm.s32 $execute0_lowered;
	[smem:$0x3FD2] =	sst s25  }
0xa6: {  	s4 =	sshll.u32 s26, $0x1;
	_ =	strace $0x80000046;
	[dreg:$0x1] =	wrdreg $0xFFFFFFFF  }
0xa7: {  	s28 =	simm.s32 $_size_execute0_lowered;
	s2 =	sadd.s32 s2, s4;
	[dreg:$0x0] =	wrdreg $0x0  }
0xa8: {  	s4 =	sshll.u32 s28, $0x1;
	[dreg:$0x2] =	wrdreg s2  }
0xa9: {  	[dreg:$0x3] =	wrdreg s4  }
0xaa: {  	[dreg:$0x4] =	wrdreg $0xC0  }
0xab: {  	_ =	task [dreg:s6], $0x5FFFF  }
0xac: {  	[dreg:$0x1] =	wrdreg $0xFFFFFFFF  }
0xad: {  	[dreg:$0x0] =	wrdreg $0x60  }
0xae: {  	[dreg:$0x2] =	wrdreg s24  }
0xaf: {  	[dreg:$0x3] =	wrdreg $0x9  }
0xb0: {  	_ =	task.clear_ibuf [dreg:s6], $0x4FFFF;
	_ =	strace $0x90000046  }
0xb1: {  	s29 =	simm.s32 $0x9;
	_ =	strace $0x80000048  }
0xb2: {  	_ =	swait.ge [sflag:s29], $0x1  }
0xb3: {  	[sflag:s29] =	ssyncadd.s32 $0xFFFFFFFF  }
0xb4: {  	_ =	strace $0x90000048  }
0xb5: {  	_ =	sfence  }
0xb6: {  	s30 =	sld [smem:$0x0];
	_ =	sdelay $0x2  }
0xb7: {  	s31 =	sshll.u32 s1, $0xD;
	s1 =	sshrl.u32 s1, $0x2  }
0xb8: {  	s3 =	sand.u32 $0x4000, s31;
	s1 =	sadd.s32 s1, s30  }
0xb9: {  	s0 =	sor.u32 s3, s0;
	s1 =	sshll.u32 s1, $0x11  }
0xba: {  	s0 =	sor.u32 s1, s0  }
0xbb: {  	s0 =	sadd.s32 $0x8F2B, s0  }
0xbc: {  	[sflag:s0] =	ssyncadd.remote.s32 $0x1  }
0xbd: {  	_ =	sfence.sel $0xFFFF  }
0xbe: {  	[dreg:$0x0] =	wrdreg $0xFFFFFFFF;
	(pc) =	sbr.abs _section_cstart, $3  }
0xbf: {  	[dreg:$0x1] =	wrdreg $0xFFFFFFFF  }
0xc0: {  	_ =	task.clear_ibuf [dreg:s6], $0x2FFFF;
	_ =	strace $0x9FFFFFFF  }
0xc1: {  	(tm) =	ssettm $0x7FFFFFFF  }
tec
execute0_lowered:
.L_overlay_start_1:
0x0: {  	(tag) =	ssettag $0x1  }
0x1: {  	s6 =	rddreg [dreg:$0x0]  }
0x2: {  	s0 =	rddreg [dreg:$0x1];
	s2 =	simm.s32 $0x0;
	s3 =	srdreg.scid  }
0x3: {  	s1 =	stileid.u32;
	s12 =	simm.s32 $0x1;
	s13 =	simm.s32 $0x2800  }
0x4: {  	s14 =	simm.s32 $0x5000;
	s15 =	simm.s32 $0x7800;
	s16 =	simm.s32 $0xA000  }
0x5: {  	s17 =	simm.s32 $0xC800;
	s18 =	simm.s32 $0xF000;
	s19 =	simm.s32 $0x11800  }
0x6: {  	s20 =	simm.s32 $0x0;
	[smem:$0x7FF] =	sst s2;
	s7 =	sand.u32 $0x1, s3  }
0x7: {  	s30 =	sshll.u32 s1, $0x1;
	s3 =	sadd.s32 $0x1EC00, s6;
	s4 =	sadd.s32 $0x1E600, s6  }
0x8: {  	s5 =	sadd.s32 $0x1E000, s6;
	s8 =	sor.u32 s7, s30;
	s7 =	ssub.s32 $0x2, s7  }
0x9: {  	s9 =	smul.u32 $0x500, s8;
	s8 =	sshll.u32 s8, $0x4;
	s31 =	sshrl.u32 s7, $0x1  }
0xa: {  	_ =	strace $0x80000047;
	s10 =	sadd.s32 s8, s6;
	s11 =	ssub.s32 s7, s31  }
0xb: {  	s6 =	sadd.s32 s6, s9;
	s10 =	sadd.s32 $0x29200, s10;
	s11 =	smax.u32 s11, $0x1  }
0xc: {  	s7 =	sadd.s32 $0x14000, s6;
	s8 =	sadd.s32 $0xA000, s6;
	s9 =	sadd.s32 $0x1F200, s6  }
.LBB2_1:
0xd: {  	[tilespmem:s2], [sflag:$0x1] =	stream.linear.gather [hbm4b:s7+s2], $0x2800, $0x38;
	[tilespmem:$0x11880] =	vst v63  }
0xe: {  	_ =	swait.ge [sflag:s12], $0x2800  }
0xf: {  	[sflag:s12] =	ssyncset.done $0x0  }
0x10: {  	[sflag:s12] =	ssyncadd.s32 $0xFFFFD800  }
0x11: {  	[tilespmem:s13], [sflag:$0x1] =	stream.linear.gather [hbm4b:s8+s2], $0x2800, $0x38;
	[tilespmem:$0x11880] =	vst v63  }
0x12: {  	_ =	swait.ge [sflag:s12], $0x2800  }
0x13: {  	[sflag:s12] =	ssyncset.done $0x0  }
0x14: {  	[sflag:s12] =	ssyncadd.s32 $0xFFFFD800  }
0x15: {  	[tilespmem:s14], [sflag:$0x1] =	stream.linear.gather [hbm4b:s6+s2], $0x2800, $0x38;
	[tilespmem:$0x11880] =	vst v63  }
0x16: {  	_ =	swait.ge [sflag:s12], $0x2800  }
0x17: {  	[sflag:s12] =	ssyncset.done $0x0  }
0x18: {  	[sflag:s12] =	ssyncadd.s32 $0xFFFFD800  }
0x19: {  	[tilespmem:s15], [sflag:$0x1] =	stream.linear.gather [hbm4b:s3+s2], $0x2800, $0x38;
	[tilespmem:$0x11880] =	vst v63  }
0x1a: {  	_ =	swait.ge [sflag:s12], $0x2800  }
0x1b: {  	[sflag:s12] =	ssyncset.done $0x0  }
0x1c: {  	[sflag:s12] =	ssyncadd.s32 $0xFFFFD800  }
0x1d: {  	[tilespmem:s16], [sflag:$0x1] =	stream.linear.gather [hbm4b:s4+s2], $0x2800, $0x38;
	[tilespmem:$0x11880] =	vst v63  }
0x1e: {  	_ =	swait.ge [sflag:s12], $0x2800  }
0x1f: {  	[sflag:s12] =	ssyncset.done $0x0  }
0x20: {  	[sflag:s12] =	ssyncadd.s32 $0xFFFFD800  }
0x21: {  	[tilespmem:s17], [sflag:$0x1] =	stream.linear.gather [hbm4b:s5+s2], $0x2800, $0x38;
	[tilespmem:$0x11880] =	vst v63  }
0x22: {  	_ =	swait.ge [sflag:s12], $0x2800  }
0x23: {  	[sflag:s12] =	ssyncset.done $0x0  }
0x24: {  	s21 =	simm.s32 $0x0;
	[sflag:s12] =	ssyncadd.s32 $0xFFFFD800  }
0x25: {  	v0 =	vld [tilespmem:s21+$0x2800]  }
0x26: {  	v1 =	vld [tilespmem:s21+$0x0];
	_ =	sdelay $0x1  }
0x27: {  	v2 =	vld [tilespmem:s21+$0x5000];
	_ =	sdelay $0x4  }
0x28: {  	v0 =	vld.idx.msk [tilespmem:v0+s16+$0x0], $0xffff  }
0x29: {  	v1 =	vld.idx.msk [tilespmem:v1+s15+$0x0], $0xffff;
	_ =	sdelay $0x1  }
0x2a: {  	v2 =	vld.idx.msk [tilespmem:v2+s17+$0x0], $0xffff;
	_ =	sdelay $0x2  }
0x2b: {  	v0 =	vadd.f32 v0, v1;
	v1 =	vld [tilespmem:s21+$0x10]  }
0x2c: {  	v3 =	vld [tilespmem:s21+$0x2810]  }
0x2d: {  	v0 =	vadd.f32 v2, v0  }
0x2e: {  	v2 =	vld [tilespmem:s21+$0x5010]  }
0x2f: {  	v4 =	vmul.f32 $2.000000030e-01, v0  }
0x30: {  	vm0 =	vge.f32 v0, $0.0e+00  }
0x31: {  	v0 =	vsel vm0, v0, v4  }
0x32: {  	[tilespmem:s21+$0xF000] =	vst v0  }
0x33: {  	v1 =	vld.idx.msk [tilespmem:v1+s15+$0x0], $0xffff  }
0x34: {  	v3 =	vld.idx.msk [tilespmem:v3+s16+$0x0], $0xffff;
	_ =	sdelay $0x1  }
0x35: {  	v2 =	vld.idx.msk [tilespmem:v2+s17+$0x0], $0xffff;
	_ =	sdelay $0x2  }
0x36: {  	v1 =	vadd.f32 v3, v1;
	v3 =	vld [tilespmem:s21+$0x20]  }
0x37: {  	v4 =	vld [tilespmem:s21+$0x2820]  }
0x38: {  	v1 =	vadd.f32 v2, v1  }
0x39: {  	v2 =	vld [tilespmem:s21+$0x5020]  }
0x3a: {  	v5 =	vmul.f32 $2.000000030e-01, v1  }
0x3b: {  	vm10 =	vge.f32 v1, $0.0e+00  }
0x3c: {  	v1 =	vsel vm10, v1, v5  }
0x3d: {  	[tilespmem:s21+$0xF010] =	vst v1  }
0x3e: {  	v3 =	vld.idx.msk [tilespmem:v3+s15+$0x0], $0xffff  }
0x3f: {  	v4 =	vld.idx.msk [tilespmem:v4+s16+$0x0], $0xffff;
	_ =	sdelay $0x1  }
0x40: {  	v2 =	vld.idx.msk [tilespmem:v2+s17+$0x0], $0xffff;
	_ =	sdelay $0x2  }
0x41: {  	v3 =	vadd.f32 v4, v3;
	v4 =	vld [tilespmem:s21+$0x30]  }
0x42: {  	v5 =	vld [tilespmem:s21+$0x2830]  }
0x43: {  	v2 =	vadd.f32 v2, v3  }
0x44: {  	v6 =	vld [tilespmem:s21+$0x5030]  }
0x45: {  	v3 =	vmul.f32 $2.000000030e-01, v2  }
0x46: {  	vm11 =	vge.f32 v2, $0.0e+00  }
0x47: {  	v3 =	vsel vm11, v2, v3  }
0x48: {  	[tilespmem:s21+$0xF020] =	vst v3  }
0x49: {  	v2 =	vld.idx.msk [tilespmem:v4+s15+$0x0], $0xffff  }
0x4a: {  	v4 =	vld.idx.msk [tilespmem:v5+s16+$0x0], $0xffff;
	_ =	sdelay $0x1  }
0x4b: {  	v5 =	vld.idx.msk [tilespmem:v6+s17+$0x0], $0xffff;
	_ =	sdelay $0x2  }
0x4c: {  	v6 =	vld [tilespmem:s21+$0x40];
	v2 =	vadd.f32 v4, v2  }
0x4d: {  	v7 =	vld [tilespmem:s21+$0x2840]  }
0x4e: {  	v2 =	vadd.f32 v5, v2  }
0x4f: {  	v5 =	vld [tilespmem:s21+$0x5040]  }
0x50: {  	v4 =	vmul.f32 $2.000000030e-01, v2  }
0x51: {  	vm12 =	vge.f32 v2, $0.0e+00  }
0x52: {  	v4 =	vsel vm12, v2, v4  }
0x53: {  	[tilespmem:s21+$0xF030] =	vst v4  }
0x54: {  	v2 =	vld.idx.msk [tilespmem:v6+s15+$0x0], $0xffff  }
0x55: {  	v6 =	vld.idx.msk [tilespmem:v7+s16+$0x0], $0xffff;
	_ =	sdelay $0x1  }
0x56: {  	v5 =	vld.idx.msk [tilespmem:v5+s17+$0x0], $0xffff;
	_ =	sdelay $0x2  }
0x57: {  	v2 =	vadd.f32 v6, v2;
	v6 =	vld [tilespmem:s21+$0x50]  }
0x58: {  	v7 =	vld [tilespmem:s21+$0x2850]  }
0x59: {  	v2 =	vadd.f32 v5, v2  }
0x5a: {  	v8 =	vld [tilespmem:s21+$0x5050]  }
0x5b: {  	v5 =	vmul.f32 $2.000000030e-01, v2  }
0x5c: {  	vm13 =	vge.f32 v2, $0.0e+00  }
0x5d: {  	v5 =	vsel vm13, v2, v5  }
0x5e: {  	[tilespmem:s21+$0xF040] =	vst v5  }
0x5f: {  	v2 =	vld.idx.msk [tilespmem:v6+s15+$0x0], $0xffff  }
0x60: {  	v6 =	vld.idx.msk [tilespmem:v7+s16+$0x0], $0xffff;
	_ =	sdelay $0x1  }
0x61: {  	v7 =	vld.idx.msk [tilespmem:v8+s17+$0x0], $0xffff;
	_ =	sdelay $0x2  }
0x62: {  	v8 =	vld [tilespmem:s21+$0x60];
	v2 =	vadd.f32 v6, v2  }
0x63: {  	v9 =	vld [tilespmem:s21+$0x2860]  }
0x64: {  	v2 =	vadd.f32 v7, v2  }
0x65: {  	v7 =	vld [tilespmem:s21+$0x5060]  }
0x66: {  	v6 =	vmul.f32 $2.000000030e-01, v2  }
0x67: {  	vm14 =	vge.f32 v2, $0.0e+00  }
0x68: {  	v6 =	vsel vm14, v2, v6  }
0x69: {  	[tilespmem:s21+$0xF050] =	vst v6  }
0x6a: {  	v2 =	vld.idx.msk [tilespmem:v8+s15+$0x0], $0xffff  }
0x6b: {  	v8 =	vld.idx.msk [tilespmem:v9+s16+$0x0], $0xffff;
	_ =	sdelay $0x1  }
0x6c: {  	v7 =	vld.idx.msk [tilespmem:v7+s17+$0x0], $0xffff;
	_ =	sdelay $0x2  }
0x6d: {  	v2 =	vadd.f32 v8, v2;
	v8 =	vld [tilespmem:s21+$0x70]  }
0x6e: {  	v9 =	vld [tilespmem:s21+$0x2870]  }
0x6f: {  	v11 =	vld [tilespmem:s21+$0x5070];
	v2 =	vadd.f32 v7, v2;
	_ =	sdelay $0x1  }
0x70: {  	v7 =	vmul.f32 $2.000000030e-01, v2  }
0x71: {  	vm15 =	vge.f32 v2, $0.0e+00  }
0x72: {  	v7 =	vsel vm15, v2, v7  }
0x73: {  	[tilespmem:s21+$0xF060] =	vst v7  }
0x74: {  	v8 =	vld.idx.msk [tilespmem:v8+s15+$0x0], $0xffff  }
0x75: {  	v10 =	vld.idx.msk [tilespmem:v9+s16+$0x0], $0xffff  }
0x76: {  	s22 =	simm.s32 $0x200;
	s23 =	simm.s32 $0x400;
	v2 =	vimm.f32 $-3.000000010e+38;
	v9 =	vld.idx.msk [tilespmem:v11+s17+$0x0], $0xffff  }
.LBB2_2:
0x77: {  	p0 =	sne.s32 s23, $0x9E00  }
0x78: {  	s24 =	sshra.s32 s22, $0x2;
	s22 =	smov.u32 s23;
	s23 =	sadd.s32 $0x200, s23  }
0x79: {  	v0 =	vmax.f32 v2, v0;
	v11 =	vld [tilespmem:s24+$0x0]  }
0x7a: {  	v0 =	vmax.f32 v0, v1;
	v12 =	vld [tilespmem:s24+$0x2800];
	v1 =	vadd.f32 v10, v8  }
0x7b: {  	v0 =	vmax.f32 v0, v3;
	v8 =	vld [tilespmem:s24+$0x5000]  }
0x7c: {  	v0 =	vmax.f32 v0, v4;
	v1 =	vadd.f32 v9, v1  }
0x7d: {  	v0 =	vmax.f32 v0, v5  }
0x7e: {  	v0 =	vmax.f32 v0, v6;
	vm0 =	vge.f32 v1, $0.0e+00;
	v2 =	vmul.f32 $2.000000030e-01, v1  }
0x7f: {  	v0 =	vmax.f32 v0, v7  }
0x80: {  	v1 =	vsel vm0, v1, v2  }
0x81: {  	[tilespmem:s21+$0xF070] =	vst v1;
	v2 =	vmax.f32 v0, v1;
	s21 =	smov.u32 s24  }
0x82: {  	v0 =	vld.idx.msk [tilespmem:v12+s16+$0x0], $0xffff  }
0x83: {  	v1 =	vld.idx.msk [tilespmem:v11+s15+$0x0], $0xffff  }
0x84: {  	v3 =	vld.idx.msk [tilespmem:v8+s17+$0x0], $0xffff;
	_ =	sdelay $0x4  }
0x85: {  	v0 =	vadd.f32 v0, v1;
	v1 =	vld [tilespmem:s21+$0x10]  }
0x86: {  	v4 =	vld [tilespmem:s21+$0x2810]  }
0x87: {  	v0 =	vadd.f32 v3, v0  }
0x88: {  	v3 =	vld [tilespmem:s21+$0x5010]  }
0x89: {  	v5 =	vmul.f32 $2.000000030e-01, v0  }
0x8a: {  	vm0 =	vge.f32 v0, $0.0e+00  }
0x8b: {  	v0 =	vsel vm0, v0, v5  }
0x8c: {  	[tilespmem:s21+$0xF000] =	vst v0  }
0x8d: {  	v1 =	vld.idx.msk [tilespmem:v1+s15+$0x0], $0xffff  }
0x8e: {  	v4 =	vld.idx.msk [tilespmem:v4+s16+$0x0], $0xffff;
	_ =	sdelay $0x1  }
0x8f: {  	v3 =	vld.idx.msk [tilespmem:v3+s17+$0x0], $0xffff;
	_ =	sdelay $0x3  }
0x90: {  	v1 =	vadd.f32 v4, v1;
	v4 =	vld [tilespmem:s21+$0x20]  }
0x91: {  	v5 =	vld [tilespmem:s21+$0x2820]  }
0x92: {  	v1 =	vadd.f32 v3, v1  }
0x93: {  	v3 =	vld [tilespmem:s21+$0x5020]  }
0x94: {  	v6 =	vmul.f32 $2.000000030e-01, v1  }
0x95: {  	vm0 =	vge.f32 v1, $0.0e+00  }
0x96: {  	v1 =	vsel vm0, v1, v6  }
0x97: {  	[tilespmem:s21+$0xF010] =	vst v1  }
0x98: {  	v4 =	vld.idx.msk [tilespmem:v4+s15+$0x0], $0xffff  }
0x99: {  	v5 =	vld.idx.msk [tilespmem:v5+s16+$0x0], $0xffff;
	_ =	sdelay $0x1  }
0x9a: {  	v3 =	vld.idx.msk [tilespmem:v3+s17+$0x0], $0xffff;
	_ =	sdelay $0x3  }
0x9b: {  	v4 =	vadd.f32 v5, v4;
	v5 =	vld [tilespmem:s21+$0x30]  }
0x9c: {  	v6 =	vld [tilespmem:s21+$0x2830]  }
0x9d: {  	v3 =	vadd.f32 v3, v4  }
0x9e: {  	v4 =	vld [tilespmem:s21+$0x5030]  }
0x9f: {  	v7 =	vmul.f32 $2.000000030e-01, v3  }
0xa0: {  	vm0 =	vge.f32 v3, $0.0e+00  }
0xa1: {  	v3 =	vsel vm0, v3, v7  }
0xa2: {  	[tilespmem:s21+$0xF020] =	vst v3  }
0xa3: {  	v5 =	vld.idx.msk [tilespmem:v5+s15+$0x0], $0xffff  }
0xa4: {  	v6 =	vld.idx.msk [tilespmem:v6+s16+$0x0], $0xffff;
	_ =	sdelay $0x1  }
0xa5: {  	v4 =	vld.idx.msk [tilespmem:v4+s17+$0x0], $0xffff;
	_ =	sdelay $0x3  }
0xa6: {  	v5 =	vadd.f32 v6, v5;
	v6 =	vld [tilespmem:s21+$0x40]  }
0xa7: {  	v7 =	vld [tilespmem:s21+$0x2840]  }
0xa8: {  	v4 =	vadd.f32 v4, v5  }
0xa9: {  	v5 =	vld [tilespmem:s21+$0x5040]  }
0xaa: {  	v8 =	vmul.f32 $2.000000030e-01, v4  }
0xab: {  	vm0 =	vge.f32 v4, $0.0e+00  }
0xac: {  	v4 =	vsel vm0, v4, v8  }
0xad: {  	[tilespmem:s21+$0xF030] =	vst v4  }
0xae: {  	v6 =	vld.idx.msk [tilespmem:v6+s15+$0x0], $0xffff  }
0xaf: {  	v7 =	vld.idx.msk [tilespmem:v7+s16+$0x0], $0xffff;
	_ =	sdelay $0x1  }
0xb0: {  	v5 =	vld.idx.msk [tilespmem:v5+s17+$0x0], $0xffff;
	_ =	sdelay $0x3  }
0xb1: {  	v6 =	vadd.f32 v7, v6;
	v7 =	vld [tilespmem:s21+$0x50]  }
0xb2: {  	v8 =	vld [tilespmem:s21+$0x2850]  }
0xb3: {  	v5 =	vadd.f32 v5, v6;
	v6 =	vld [tilespmem:s21+$0x5050];
	_ =	sdelay $0x1  }
0xb4: {  	v9 =	vmul.f32 $2.000000030e-01, v5  }
0xb5: {  	vm0 =	vge.f32 v5, $0.0e+00  }
0xb6: {  	v5 =	vsel vm0, v5, v9  }
0xb7: {  	[tilespmem:s21+$0xF040] =	vst v5  }
0xb8: {  	v7 =	vld.idx.msk [tilespmem:v7+s15+$0x0], $0xffff  }
0xb9: {  	v8 =	vld.idx.msk [tilespmem:v8+s16+$0x0], $0xffff  }
0xba: {  	v6 =	vld.idx.msk [tilespmem:v6+s17+$0x0], $0xffff;
	_ =	sdelay $0x4  }
0xbb: {  	v7 =	vadd.f32 v8, v7;
	v8 =	vld [tilespmem:s21+$0x60]  }
0xbc: {  	v9 =	vld [tilespmem:s21+$0x2860]  }
0xbd: {  	v6 =	vadd.f32 v6, v7;
	v7 =	vld [tilespmem:s21+$0x5060];
	_ =	sdelay $0x1  }
0xbe: {  	v10 =	vmul.f32 $2.000000030e-01, v6  }
0xbf: {  	vm0 =	vge.f32 v6, $0.0e+00  }
0xc0: {  	v6 =	vsel vm0, v6, v10  }
0xc1: {  	[tilespmem:s21+$0xF050] =	vst v6  }
0xc2: {  	v8 =	vld.idx.msk [tilespmem:v8+s15+$0x0], $0xffff  }
0xc3: {  	v9 =	vld.idx.msk [tilespmem:v9+s16+$0x0], $0xffff  }
0xc4: {  	v7 =	vld.idx.msk [tilespmem:v7+s17+$0x0], $0xffff;
	_ =	sdelay $0x4  }
0xc5: {  	v8 =	vadd.f32 v9, v8;
	v9 =	vld [tilespmem:s21+$0x70]  }
0xc6: {  	v10 =	vld [tilespmem:s21+$0x2870]  }
0xc7: {  	v7 =	vadd.f32 v7, v8;
	v11 =	vld [tilespmem:s21+$0x5070];
	_ =	sdelay $0x1  }
0xc8: {  	v8 =	vmul.f32 $2.000000030e-01, v7  }
0xc9: {  	vm0 =	vge.f32 v7, $0.0e+00  }
.Ltmp0:
0xca: {  	v7 =	vsel vm0, v7, v8;
	(pc) =	sbr.rel @p0 .LBB2_2-.Ltmp0, $4  }
0xcb: {  	[tilespmem:s21+$0xF060] =	vst v7  }
0xcc: {  	v8 =	vld.idx.msk [tilespmem:v9+s15+$0x0], $0xffff  }
0xcd: {  	v10 =	vld.idx.msk [tilespmem:v10+s16+$0x0], $0xffff  }
0xce: {  	v9 =	vld.idx.msk [tilespmem:v11+s17+$0x0], $0xffff  }
0xcf: {  	_ =	sdelay $0x1  }
0xd0: {  	s22 =	sshra.s32 s22, $0x2  }
0xd1: {  	v11 =	vld [tilespmem:s22+$0x2800];
	v8 =	vadd.f32 v10, v8  }
0xd2: {  	v36 =	vld [tilespmem:s22+$0x0]  }
0xd3: {  	v8 =	vadd.f32 v9, v8  }
0xd4: {  	v37 =	vld [tilespmem:s22+$0x5000]  }
0xd5: {  	v12 =	vmul.f32 $2.000000030e-01, v8  }
0xd6: {  	vm0 =	vge.f32 v8, $0.0e+00  }
0xd7: {  	v8 =	vsel vm0, v8, v12  }
0xd8: {  	[tilespmem:s21+$0xF070] =	vst v8  }
0xd9: {  	v11 =	vld.idx.msk [tilespmem:v11+s16+$0x0], $0xffff  }
0xda: {  	v10 =	vld.idx.msk [tilespmem:v36+s15+$0x0], $0xffff;
	_ =	sdelay $0x1  }
0xdb: {  	v9 =	vld.idx.msk [tilespmem:v37+s17+$0x0], $0xffff;
	_ =	sdelay $0x2  }
0xdc: {  	v38 =	vld [tilespmem:s22+$0x10];
	v10 =	vadd.f32 v11, v10  }
0xdd: {  	v39 =	vld [tilespmem:s22+$0x2810]  }
0xde: {  	v9 =	vadd.f32 v9, v10  }
0xdf: {  	v40 =	vld [tilespmem:s22+$0x5010]  }
0xe0: {  	v13 =	vmul.f32 $2.000000030e-01, v9  }
0xe1: {  	vm8 =	vge.f32 v9, $0.0e+00  }
0xe2: {  	v9 =	vsel vm8, v9, v13  }
0xe3: {  	[tilespmem:s22+$0xF000] =	vst v9  }
0xe4: {  	v11 =	vld.idx.msk [tilespmem:v38+s15+$0x0], $0xffff  }
0xe5: {  	v12 =	vld.idx.msk [tilespmem:v39+s16+$0x0], $0xffff;
	_ =	sdelay $0x1  }
0xe6: {  	v10 =	vld.idx.msk [tilespmem:v40+s17+$0x0], $0xffff;
	_ =	sdelay $0x2  }
0xe7: {  	v41 =	vld [tilespmem:s22+$0x20];
	v11 =	vadd.f32 v12, v11  }
0xe8: {  	v42 =	vld [tilespmem:s22+$0x2820]  }
0xe9: {  	v10 =	vadd.f32 v10, v11  }
0xea: {  	v43 =	vld [tilespmem:s22+$0x5020]  }
0xeb: {  	v14 =	vmul.f32 $2.000000030e-01, v10  }
0xec: {  	vm9 =	vge.f32 v10, $0.0e+00  }
0xed: {  	v10 =	vsel vm9, v10, v14  }
0xee: {  	[tilespmem:s22+$0xF010] =	vst v10  }
0xef: {  	v12 =	vld.idx.msk [tilespmem:v41+s15+$0x0], $0xffff  }
0xf0: {  	v13 =	vld.idx.msk [tilespmem:v42+s16+$0x0], $0xffff;
	_ =	sdelay $0x1  }
0xf1: {  	v11 =	vld.idx.msk [tilespmem:v43+s17+$0x0], $0xffff;
	_ =	sdelay $0x2  }
0xf2: {  	v44 =	vld [tilespmem:s22+$0x30];
	v12 =	vadd.f32 v13, v12  }
0xf3: {  	v45 =	vld [tilespmem:s22+$0x2830]  }
0xf4: {  	v11 =	vadd.f32 v11, v12  }
0xf5: {  	v46 =	vld [tilespmem:s22+$0x5030]  }
0xf6: {  	v15 =	vmul.f32 $2.000000030e-01, v11  }
0xf7: {  	vm10 =	vge.f32 v11, $0.0e+00  }
0xf8: {  	v11 =	vsel vm10, v11, v15  }
0xf9: {  	[tilespmem:s22+$0xF020] =	vst v11  }
0xfa: {  	v13 =	vld.idx.msk [tilespmem:v44+s15+$0x0], $0xffff  }
0xfb: {  	v14 =	vld.idx.msk [tilespmem:v45+s16+$0x0], $0xffff;
	_ =	sdelay $0x1  }
0xfc: {  	v12 =	vld.idx.msk [tilespmem:v46+s17+$0x0], $0xffff;
	_ =	sdelay $0x2  }
0xfd: {  	v47 =	vld [tilespmem:s22+$0x40];
	v13 =	vadd.f32 v14, v13  }
0xfe: {  	v48 =	vld [tilespmem:s22+$0x2840]  }
0xff: {  	v12 =	vadd.f32 v12, v13  }
0x100: {  	v49 =	vld [tilespmem:s22+$0x5040]  }
0x101: {  	v16 =	vmul.f32 $2.000000030e-01, v12  }
0x102: {  	vm11 =	vge.f32 v12, $0.0e+00  }
0x103: {  	v12 =	vsel vm11, v12, v16  }
0x104: {  	[tilespmem:s22+$0xF030] =	vst v12  }
0x105: {  	v14 =	vld.idx.msk [tilespmem:v47+s15+$0x0], $0xffff  }
0x106: {  	v15 =	vld.idx.msk [tilespmem:v48+s16+$0x0], $0xffff;
	_ =	sdelay $0x1  }
0x107: {  	v13 =	vld.idx.msk [tilespmem:v49+s17+$0x0], $0xffff;
	_ =	sdelay $0x2  }
0x108: {  	v50 =	vld [tilespmem:s22+$0x50];
	v14 =	vadd.f32 v15, v14  }
0x109: {  	v51 =	vld [tilespmem:s22+$0x2850]  }
0x10a: {  	v13 =	vadd.f32 v13, v14  }
0x10b: {  	v52 =	vld [tilespmem:s22+$0x5050]  }
0x10c: {  	v17 =	vmul.f32 $2.000000030e-01, v13  }
0x10d: {  	vm12 =	vge.f32 v13, $0.0e+00  }
0x10e: {  	v13 =	vsel vm12, v13, v17  }
0x10f: {  	[tilespmem:s22+$0xF040] =	vst v13  }
0x110: {  	v15 =	vld.idx.msk [tilespmem:v50+s15+$0x0], $0xffff  }
0x111: {  	v16 =	vld.idx.msk [tilespmem:v51+s16+$0x0], $0xffff;
	_ =	sdelay $0x1  }
0x112: {  	v14 =	vld.idx.msk [tilespmem:v52+s17+$0x0], $0xffff;
	_ =	sdelay $0x2  }
0x113: {  	v53 =	vld [tilespmem:s22+$0x60];
	v15 =	vadd.f32 v16, v15  }
0x114: {  	v54 =	vld [tilespmem:s22+$0x2860]  }
0x115: {  	v14 =	vadd.f32 v14, v15  }
0x116: {  	v55 =	vld [tilespmem:s22+$0x5060]  }
0x117: {  	v18 =	vmul.f32 $2.000000030e-01, v14  }
0x118: {  	vm13 =	vge.f32 v14, $0.0e+00  }
0x119: {  	v14 =	vsel vm13, v14, v18  }
0x11a: {  	[tilespmem:s22+$0xF050] =	vst v14  }
0x11b: {  	v16 =	vld.idx.msk [tilespmem:v53+s15+$0x0], $0xffff  }
0x11c: {  	v17 =	vld.idx.msk [tilespmem:v54+s16+$0x0], $0xffff;
	_ =	sdelay $0x1  }
0x11d: {  	v15 =	vld.idx.msk [tilespmem:v55+s17+$0x0], $0xffff;
	_ =	sdelay $0x2  }
0x11e: {  	v56 =	vld [tilespmem:s22+$0x70];
	v16 =	vadd.f32 v17, v16  }
0x11f: {  	v57 =	vld [tilespmem:s22+$0x2870]  }
0x120: {  	v15 =	vadd.f32 v15, v16  }
0x121: {  	v58 =	vld [tilespmem:s22+$0x5070]  }
0x122: {  	v19 =	vmul.f32 $2.000000030e-01, v15  }
0x123: {  	vm14 =	vge.f32 v15, $0.0e+00  }
0x124: {  	v0 =	vmax.f32 v2, v0;
	v59 =	vsel vm14, v15, v19  }
0x125: {  	v0 =	vmax.f32 v0, v1;
	[tilespmem:s22+$0xF060] =	vst v59  }
0x126: {  	v0 =	vmax.f32 v0, v3;
	v60 =	vld.idx.msk [tilespmem:v56+s15+$0x0], $0xffff  }
0x127: {  	v0 =	vmax.f32 v0, v4;
	v61 =	vld.idx.msk [tilespmem:v57+s16+$0x0], $0xffff  }
0x128: {  	v0 =	vmax.f32 v0, v5  }
0x129: {  	v0 =	vmax.f32 v0, v6;
	v62 =	vld.idx.msk [tilespmem:v58+s17+$0x0], $0xffff  }
0x12a: {  	v0 =	vmax.f32 v0, v7  }
0x12b: {  	v0 =	vmax.f32 v0, v8  }
0x12c: {  	v0 =	vmax.f32 v0, v9;
	v1 =	vadd.f32 v61, v60  }
0x12d: {  	v0 =	vmax.f32 v0, v10  }
0x12e: {  	v0 =	vmax.f32 v0, v11;
	v1 =	vadd.f32 v62, v1  }
0x12f: {  	v0 =	vmax.f32 v0, v12  }
0x130: {  	v0 =	vmax.f32 v0, v13;
	v63 =	vmul.f32 $2.000000030e-01, v1  }
0x131: {  	v0 =	vmax.f32 v0, v14;
	vm15 =	vge.f32 v1, $0.0e+00  }
0x132: {  	v0 =	vmax.f32 v0, v59;
	v1 =	vsel vm15, v1, v63  }
0x133: {  	[tilespmem:s22+$0xF070] =	vst v1;
	v0 =	vmax.f32 v0, v1  }
0x134: {  	[tilespmem:$0x11800] =	vst v0  }
0x135: {  	[hbm4b:s9+s2] =	stream.linear.scatter [tilespmem:s18], [sflag:$0x1], $0x2800, $0x38;
	[tilespmem:$0x11880] =	vst v63  }
0x136: {  	s20 =	sadd.s32 $0x1, s20;
	_ =	swait.ge [sflag:s12], $0x2800  }
0x137: {  	p0 =	sne.s32 s20, s11;
	[sflag:s12] =	ssyncset.done $0x0  }
.Ltmp1:
0x138: {  	[sflag:s12] =	ssyncadd.s32 $0xFFFFD800;
	(pc) =	sbr.rel @p0 .LBB2_1-.Ltmp1, $4  }
0x139: {  	[hbm4b:s10+s2] =	stream.linear.scatter [tilespmem:s19], [sflag:$0x1], $0x80, $0x38;
	[tilespmem:$0x11880] =	vst v63  }
0x13a: {  	_ =	swait.ge [sflag:s12], $0x80  }
0x13b: {  	[sflag:s12] =	ssyncset.done $0x0  }
0x13c: {  	[sflag:s12] =	ssyncadd.s32 $0xFFFFFF80  }
0x13d: {  	_ =	sfence.sel $0x180000  }
0x13e: {  	[bflag:$0x0] =	sbarrier.arrive $0xFFFF  }
0x13f: {  	p0 =	sne.s32 s1, $0x0;
	_ =	strace $0x90000047  }
0x140: {  	s0 =	sadd.s32 @!p0 $0x100000, s0;
	[bflag:$0x2] =	sbarrier.arrive $0xFFFF  }
0x141: {  	[sflag:s0] =	ssyncadd.tile.s32 @!p0 $0x1;
	_ =	shalt  }
.Lfunc_end2:
_tile_overlayer_lowered:
.L_overlay_start_2:
0x142: {  	(tag) =	ssettag $0x2  }
0x143: {  	s0 =	rddreg [dreg:$0x0];
	s2 =	stileid.u32  }
0x144: {  	s1 =	rddreg [dreg:$0x1];
	p0 =	sne.s32 s2, $0x0  }
0x145: {  	s3 =	rddreg [dreg:$0x2];
	[bflag:$0x3] =	sbarrier.arrive $0xFFFF;
	s2 =	simm.s32 @!p0 $0x1C01  }
0x146: {  	[timem:s3], [sflag:s2] =	dma.local @!p0 [hbm:s0], s1  }
0x147: {  	s0 =	simm.s32 @!p0 $0x1  }
0x148: {  	_ =	swait.ge @!p0 [sflag:s0], s1  }
0x149: {  	s1 =	ssub.s32 @!p0 $0x0, s1;
	[sflag:s0] =	ssyncset.done @!p0 $0x0  }
0x14a: {  	[sflag:s0] =	ssyncadd.s32 @!p0 s1  }
0x14b: {  	[bflag:$0x3] =	sbarrier.arrive $0xFFFF  }
0x14c: {  	_ =	shalt  }

</sc_bundles>
